<compile_context>
chip_gen: v7x
topology: tpu7x:2x2x1
jax: 0.10.2.dev20260603
libtpu: 0.0.44.dev20260713+nightly
codegen_flags: <defaults>
</compile_context>

<pallas_src>
import functools

import jax
import jax.numpy as jnp
from jax import lax
from jax.experimental import pallas as pl
from jax.experimental.pallas import tpu as pltpu
from jax.experimental.pallas import tpu_sc as plsc

NUM_ENTITIES = 1000000
NUM_RELATIONS = 1000
EMBED_DIM = 64
BATCH = 16384

_INFO = plsc.get_sparse_core_info()
_NC = _INFO.num_cores
_NS = _INFO.num_subcores
_L = _INFO.num_lanes
_NW = _NC * _NS
_BPW = BATCH // _NW
_CHUNK = 32
_NCHUNK = _BPW // _CHUNK


def _sqrt16(x):
    xc = jnp.maximum(x, jnp.float32(1e-35))
    i = plsc.bitcast(xc, jnp.int32)
    y = plsc.bitcast(jnp.int32(0x5F3759DF) - (i >> 1), jnp.float32)
    half = jnp.float32(0.5) * xc
    for _ in range(4):
        y = y * (jnp.float32(1.5) - half * y * y)
    return x * y


def _transe_body(head_hbm, rel_hbm, tail_hbm, ent2d, rel2, out_hbm,
                 hidx, ridx, tidx, sridx,
                 hslab0, tslab0, hslab1, tslab1, rrows0,
                 score_v, sem0):
    wid = lax.axis_index("s") * _NC + lax.axis_index("c")
    base = wid * _BPW

    pltpu.sync_copy(head_hbm.at[pl.ds(base, _BPW)], hidx)
    pltpu.sync_copy(rel_hbm.at[pl.ds(base, _BPW)], ridx)
    pltpu.sync_copy(tail_hbm.at[pl.ds(base, _BPW)], tidx)

    lane = lax.iota(jnp.int32, _L)
    zero = jnp.zeros((_L,), jnp.float32)

    for v in range(_BPW // _L):
        sl = pl.ds(v * _L, _L)
        sridx[sl] = ridx[sl] >> 1

    def chunk_body(c, _):
        hp = hidx[pl.ds(c * _CHUNK, _L)] >> 3
        tp = tidx[pl.ds(c * _CHUNK, _L)] >> 3
        hp2 = hidx[pl.ds(c * _CHUNK + _L, _L)] >> 3
        tp2 = tidx[pl.ds(c * _CHUNK + _L, _L)] >> 3
        pltpu.async_copy(
            rel2.at[sridx.at[pl.ds(c * _CHUNK, _CHUNK)]], rrows0, sem0)
        for s in range(_L):
            pltpu.async_copy(ent2d.at[hp[s]], hslab0.at[s], sem0)
            pltpu.async_copy(ent2d.at[tp[s]], tslab0.at[s], sem0)
            pltpu.async_copy(ent2d.at[hp2[s]], hslab1.at[s], sem0)
            pltpu.async_copy(ent2d.at[tp2[s]], tslab1.at[s], sem0)
        pltpu.make_async_copy(
            rel2.at[pl.ds(0, _CHUNK)], rrows0, sem0).wait()
        pltpu.make_async_copy(ent2d.at[pl.ds(0, _L)], hslab0, sem0).wait()
        pltpu.make_async_copy(ent2d.at[pl.ds(0, _L)], tslab0, sem0).wait()
        pltpu.make_async_copy(ent2d.at[pl.ds(0, _L)], hslab1, sem0).wait()
        pltpu.make_async_copy(ent2d.at[pl.ds(0, _L)], tslab1, sem0).wait()

        for g in range(2):
            gsl = pl.ds(c * _CHUNK + g * _L, _L)
            hslab = (hslab0, hslab1)[g]
            tslab = (tslab0, tslab1)[g]
            hv = hidx[gsl]
            tv = tidx[gsl]
            rv = ridx[gsl]
            hrow = hv & 7
            trow = tv & 7
            roff = (rv & 1) * EMBED_DIM
            out_vec = zero
            for l in range(_L):
                hr = hrow[l]
                tr = trow[l]
                ro = roff[l]
                acc = zero
                for q in range(EMBED_DIM // _L):
                    h = hslab[l, hr, pl.ds(q * _L, _L)]
                    t = tslab[l, tr, pl.ds(q * _L, _L)]
                    r = rrows0[g * _L + l, pl.ds(ro + q * _L, _L)]
                    d = h + r - t
                    acc = acc + d * d
                s = jnp.sum(acc)
                out_vec = jnp.where(lane == l, s, out_vec)
            score_v[gsl] = _sqrt16(out_vec)
        return 0

    lax.fori_loop(0, _NCHUNK, chunk_body, 0)

    pltpu.sync_copy(score_v, out_hbm.at[pl.ds(base, _BPW)])


@jax.jit
def kernel(head, relation, tail, entity_emb, relation_emb):
    ent3 = entity_emb.reshape(NUM_ENTITIES // 8, 8, EMBED_DIM)
    rel2 = relation_emb.reshape(NUM_RELATIONS // 2, 2 * EMBED_DIM)
    mesh = plsc.VectorSubcoreMesh(core_axis_name="c", subcore_axis_name="s")
    k = functools.partial(
        pl.kernel,
        mesh=mesh,
        out_type=jax.ShapeDtypeStruct((BATCH,), jnp.float32),
        scratch_types=[
            pltpu.VMEM((_BPW,), jnp.int32),
            pltpu.VMEM((_BPW,), jnp.int32),
            pltpu.VMEM((_BPW,), jnp.int32),
            pltpu.VMEM((_BPW,), jnp.int32),
            pltpu.VMEM((_L, 8, EMBED_DIM), jnp.float32),
            pltpu.VMEM((_L, 8, EMBED_DIM), jnp.float32),
            pltpu.VMEM((_L, 8, EMBED_DIM), jnp.float32),
            pltpu.VMEM((_L, 8, EMBED_DIM), jnp.float32),
            pltpu.VMEM((_CHUNK, 2 * EMBED_DIM), jnp.float32),
            pltpu.VMEM((_BPW,), jnp.float32),
            pltpu.SemaphoreType.DMA,
        ],
        compiler_params=pltpu.CompilerParams(
            needs_layout_passes=False, use_tc_tiling_on_sc=True),
    )(_transe_body)
    return k(head, relation, tail, ent3, rel2)

# --- scband reference (transcript-rebuilt; emitter-appended) ---
"""Pipeline reference for scband-trans-e-5609227288737 (READ-ONLY COPY).

The authoritative reference and input builder live on the scoring server;
editing this copy changes nothing except your own understanding.
"""

import jax, jax.numpy as jnp
import numpy as np

NUM_ENTITIES = 1000000
NUM_RELATIONS = 1000
EMBED_DIM = 64
BATCH = 16384


def setup_inputs(seed: int = 0) -> dict:
    key = jax.random.key(seed)
    k1, k2, k3, k4, k5 = jax.random.split(key, 5)
    head = jax.random.randint(k1, (BATCH,), 0, NUM_ENTITIES, dtype=jnp.int64 if jax.config.jax_enable_x64 else jnp.int32).astype(jnp.int32)
    relation = jax.random.randint(k2, (BATCH,), 0, NUM_RELATIONS).astype(jnp.int32)
    tail = jax.random.randint(k3, (BATCH,), 0, NUM_ENTITIES).astype(jnp.int32)
    # Xavier uniform init: bound = sqrt(6 / (fan_in + fan_out))
    bound_e = float(np.sqrt(6.0 / (NUM_ENTITIES + EMBED_DIM)))
    bound_r = float(np.sqrt(6.0 / (NUM_RELATIONS + EMBED_DIM)))
    entity_emb = jax.random.uniform(k4, (NUM_ENTITIES, EMBED_DIM), minval=-bound_e, maxval=bound_e, dtype=jnp.float32)
    relation_emb = jax.random.uniform(k5, (NUM_RELATIONS, EMBED_DIM), minval=-bound_r, maxval=bound_r, dtype=jnp.float32)
    return {"head": head, "relation": relation, "tail": tail, "entity_emb": entity_emb, "relation_emb": relation_emb}


def reference(head, relation, tail, entity_emb, relation_emb):
    head_emb = jnp.take(entity_emb, head, axis=0)
    rel_emb = jnp.take(relation_emb, relation, axis=0)
    tail_emb = jnp.take(entity_emb, tail, axis=0)
    diff = head_emb + rel_emb - tail_emb
    score = jnp.linalg.norm(diff, ord=2, axis=1)
    return score

if __name__ == "__main__":
    import jax
    _d = setup_inputs()
    print(jax.jit(kernel)(*tuple(_d.values())))

</pallas_src>

<mosaic_0001>
#map = affine_map<(d0, d1) -> (0)>
#map1 = affine_map<(d0, d1) -> (0, 0, 0)>
#map2 = affine_map<(d0, d1) -> (0, 0)>
module attributes {stable_mosaic.version = 14 : i64} {
  func.func @_transe_body(%arg0: i32, %arg1: i32, %arg2: memref<16384xi32, #tpu.memory_space<hbm>>, %arg3: memref<16384xi32, #tpu.memory_space<hbm>>, %arg4: memref<16384xi32, #tpu.memory_space<hbm>>, %arg5: memref<125000x8x64xf32, #tpu.memory_space<hbm>>, %arg6: memref<500x128xf32, #tpu.memory_space<hbm>>, %arg7: memref<16384xf32, #tpu.memory_space<hbm>>, %arg8: memref<512xi32, #tpu.memory_space<vmem>>, %arg9: memref<512xi32, #tpu.memory_space<vmem>>, %arg10: memref<512xi32, #tpu.memory_space<vmem>>, %arg11: memref<512xi32, #tpu.memory_space<vmem>>, %arg12: memref<16x8x64xf32, #tpu.memory_space<vmem>>, %arg13: memref<16x8x64xf32, #tpu.memory_space<vmem>>, %arg14: memref<16x8x64xf32, #tpu.memory_space<vmem>>, %arg15: memref<16x8x64xf32, #tpu.memory_space<vmem>>, %arg16: memref<32x128xf32, #tpu.memory_space<vmem>>, %arg17: memref<512xf32, #tpu.memory_space<vmem>>, %arg18: memref<!tpu.dma_semaphore, #tpu.memory_space<semaphore_mem>>) attributes {dimension_semantics = [#tpu.dimension_semantics<core_parallel>, #tpu.dimension_semantics<subcore_parallel>], iteration_bounds = array<i64: 2, 16>, scalar_prefetch = 0 : i64, scratch_operands = 11 : i64, tpu.core_type = #tpu.core_type<sc_vector_subcore>, window_params = [{transform_indices = #map}, {transform_indices = #map}, {transform_indices = #map}, {transform_indices = #map1}, {transform_indices = #map2}, {transform_indices = #map}]} {
    %mul3A = arith.constant 2 : i32
    %mul3A_0 = arith.muli %arg1, %mul3A : i32
    %add3A = arith.addi %mul3A_0, %arg0 : i32
    %mul3A_1 = arith.constant 512 : i32
    %mul3A_2 = arith.muli %add3A, %mul3A_1 : i32
    "tpu.region"() ({
      %run_scoped3A = tpu.sem_alloc : memref<!tpu.dma_semaphore, #tpu.memory_space<semaphore_mem>>
      %dma_start3A = tpu.memref_slice %arg2[%mul3A_2] : memref<16384xi32, #tpu.memory_space<hbm>> -> memref<512xi32, #tpu.memory_space<hbm>>
      %dma_start3A_231 = tpu.memref_slice %arg2[%mul3A_2] : memref<16384xi32, #tpu.memory_space<hbm>> -> memref<512xi32, #tpu.memory_space<hbm>>
      tpu.enqueue_dma source(%dma_start3A_231 : memref<512xi32, #tpu.memory_space<hbm>>) target(%arg8 : memref<512xi32, #tpu.memory_space<vmem>>) target_semaphore(%run_scoped3A : memref<!tpu.dma_semaphore, #tpu.memory_space<semaphore_mem>>)
      %dma_wait3A = tpu.memref_slice %arg2[%mul3A_2] : memref<16384xi32, #tpu.memory_space<hbm>> -> memref<512xi32, #tpu.memory_space<hbm>>
      %dma_wait3A_232 = tpu.memref_slice %arg2[%mul3A_2] : memref<16384xi32, #tpu.memory_space<hbm>> -> memref<512xi32, #tpu.memory_space<hbm>>
      tpu.wait_dma2 semaphore(%run_scoped3A : memref<!tpu.dma_semaphore, #tpu.memory_space<semaphore_mem>>) src(%dma_wait3A_232 : memref<512xi32, #tpu.memory_space<hbm>>) dst(%arg8 : memref<512xi32, #tpu.memory_space<vmem>>)
      tpu.yield
    }) : () -> ()
    "tpu.region"() ({
      %run_scoped3A = tpu.sem_alloc : memref<!tpu.dma_semaphore, #tpu.memory_space<semaphore_mem>>
      %dma_start3A = tpu.memref_slice %arg3[%mul3A_2] : memref<16384xi32, #tpu.memory_space<hbm>> -> memref<512xi32, #tpu.memory_space<hbm>>
      %dma_start3A_231 = tpu.memref_slice %arg3[%mul3A_2] : memref<16384xi32, #tpu.memory_space<hbm>> -> memref<512xi32, #tpu.memory_space<hbm>>
      tpu.enqueue_dma source(%dma_start3A_231 : memref<512xi32, #tpu.memory_space<hbm>>) target(%arg9 : memref<512xi32, #tpu.memory_space<vmem>>) target_semaphore(%run_scoped3A : memref<!tpu.dma_semaphore, #tpu.memory_space<semaphore_mem>>)
      %dma_wait3A = tpu.memref_slice %arg3[%mul3A_2] : memref<16384xi32, #tpu.memory_space<hbm>> -> memref<512xi32, #tpu.memory_space<hbm>>
      %dma_wait3A_232 = tpu.memref_slice %arg3[%mul3A_2] : memref<16384xi32, #tpu.memory_space<hbm>> -> memref<512xi32, #tpu.memory_space<hbm>>
      tpu.wait_dma2 semaphore(%run_scoped3A : memref<!tpu.dma_semaphore, #tpu.memory_space<semaphore_mem>>) src(%dma_wait3A_232 : memref<512xi32, #tpu.memory_space<hbm>>) dst(%arg9 : memref<512xi32, #tpu.memory_space<vmem>>)
      tpu.yield
    }) : () -> ()
    "tpu.region"() ({
      %run_scoped3A = tpu.sem_alloc : memref<!tpu.dma_semaphore, #tpu.memory_space<semaphore_mem>>
      %dma_start3A = tpu.memref_slice %arg4[%mul3A_2] : memref<16384xi32, #tpu.memory_space<hbm>> -> memref<512xi32, #tpu.memory_space<hbm>>
      %dma_start3A_231 = tpu.memref_slice %arg4[%mul3A_2] : memref<16384xi32, #tpu.memory_space<hbm>> -> memref<512xi32, #tpu.memory_space<hbm>>
      tpu.enqueue_dma source(%dma_start3A_231 : memref<512xi32, #tpu.memory_space<hbm>>) target(%arg10 : memref<512xi32, #tpu.memory_space<vmem>>) target_semaphore(%run_scoped3A : memref<!tpu.dma_semaphore, #tpu.memory_space<semaphore_mem>>)
      %dma_wait3A = tpu.memref_slice %arg4[%mul3A_2] : memref<16384xi32, #tpu.memory_space<hbm>> -> memref<512xi32, #tpu.memory_space<hbm>>
      %dma_wait3A_232 = tpu.memref_slice %arg4[%mul3A_2] : memref<16384xi32, #tpu.memory_space<hbm>> -> memref<512xi32, #tpu.memory_space<hbm>>
      tpu.wait_dma2 semaphore(%run_scoped3A : memref<!tpu.dma_semaphore, #tpu.memory_space<semaphore_mem>>) src(%dma_wait3A_232 : memref<512xi32, #tpu.memory_space<hbm>>) dst(%arg10 : memref<512xi32, #tpu.memory_space<vmem>>)
      tpu.yield
    }) : () -> ()
    %iota3A = tpu.iota {dimensions = array<i32: 0>} : vector<16xi32>
    %broadcast_in_dim3A = arith.constant 0.000000e+00 : f32
    %broadcast_in_dim3A_3 = vector.broadcast %broadcast_in_dim3A : f32 to vector<16xf32>
    %get3A = arith.constant 0 : index
    %get3A_4 = tpu.vector_load %arg9[%get3A] {strides = array<i32>} : memref<512xi32, #tpu.memory_space<vmem>>, vector<16xi32>,
    %shift_right_arithmetic3A = arith.constant 1 : i32
    %shift_right_arithmetic3A_5 = vector.broadcast %shift_right_arithmetic3A : i32 to vector<16xi32>
    %shift_right_arithmetic3A_6 = arith.shrsi %get3A_4, %shift_right_arithmetic3A_5 : vector<16xi32>
    %swap3A = arith.constant 0 : index
    %swap3A_7 = tpu.vector_load %arg11[%swap3A] {strides = array<i32>} : memref<512xi32, #tpu.memory_space<vmem>>, vector<16xi32>,
    tpu.vector_store %arg11[%swap3A], %shift_right_arithmetic3A_6 {strides = array<i32>} : memref<512xi32, #tpu.memory_space<vmem>>, vector<16xi32>,
    %get3A_8 = arith.constant 16 : index
    %get3A_9 = tpu.vector_load %arg9[%get3A_8] {strides = array<i32>} : memref<512xi32, #tpu.memory_space<vmem>>, vector<16xi32>,
    %shift_right_arithmetic3A_10 = arith.constant 1 : i32
    %shift_right_arithmetic3A_11 = vector.broadcast %shift_right_arithmetic3A_10 : i32 to vector<16xi32>
    %shift_right_arithmetic3A_12 = arith.shrsi %get3A_9, %shift_right_arithmetic3A_11 : vector<16xi32>
    %swap3A_13 = arith.constant 16 : index
    %swap3A_14 = tpu.vector_load %arg11[%swap3A_13] {strides = array<i32>} : memref<512xi32, #tpu.memory_space<vmem>>, vector<16xi32>,
    tpu.vector_store %arg11[%swap3A_13], %shift_right_arithmetic3A_12 {strides = array<i32>} : memref<512xi32, #tpu.memory_space<vmem>>, vector<16xi32>,
    %get3A_15 = arith.constant 32 : index
    %get3A_16 = tpu.vector_load %arg9[%get3A_15] {strides = array<i32>} : memref<512xi32, #tpu.memory_space<vmem>>, vector<16xi32>,
    %shift_right_arithmetic3A_17 = arith.constant 1 : i32
    %shift_right_arithmetic3A_18 = vector.broadcast %shift_right_arithmetic3A_17 : i32 to vector<16xi32>
    %shift_right_arithmetic3A_19 = arith.shrsi %get3A_16, %shift_right_arithmetic3A_18 : vector<16xi32>
    %swap3A_20 = arith.constant 32 : index
    %swap3A_21 = tpu.vector_load %arg11[%swap3A_20] {strides = array<i32>} : memref<512xi32, #tpu.memory_space<vmem>>, vector<16xi32>,
    tpu.vector_store %arg11[%swap3A_20], %shift_right_arithmetic3A_19 {strides = array<i32>} : memref<512xi32, #tpu.memory_space<vmem>>, vector<16xi32>,
    %get3A_22 = arith.constant 48 : index
    %get3A_23 = tpu.vector_load %arg9[%get3A_22] {strides = array<i32>} : memref<512xi32, #tpu.memory_space<vmem>>, vector<16xi32>,
    %shift_right_arithmetic3A_24 = arith.constant 1 : i32
    %shift_right_arithmetic3A_25 = vector.broadcast %shift_right_arithmetic3A_24 : i32 to vector<16xi32>
    %shift_right_arithmetic3A_26 = arith.shrsi %get3A_23, %shift_right_arithmetic3A_25 : vector<16xi32>
    %swap3A_27 = arith.constant 48 : index
    %swap3A_28 = tpu.vector_load %arg11[%swap3A_27] {strides = array<i32>} : memref<512xi32, #tpu.memory_space<vmem>>, vector<16xi32>,
    tpu.vector_store %arg11[%swap3A_27], %shift_right_arithmetic3A_26 {strides = array<i32>} : memref<512xi32, #tpu.memory_space<vmem>>, vector<16xi32>,
    %get3A_29 = arith.constant 64 : index
    %get3A_30 = tpu.vector_load %arg9[%get3A_29] {strides = array<i32>} : memref<512xi32, #tpu.memory_space<vmem>>, vector<16xi32>,
    %shift_right_arithmetic3A_31 = arith.constant 1 : i32
    %shift_right_arithmetic3A_32 = vector.broadcast %shift_right_arithmetic3A_31 : i32 to vector<16xi32>
    %shift_right_arithmetic3A_33 = arith.shrsi %get3A_30, %shift_right_arithmetic3A_32 : vector<16xi32>
    %swap3A_34 = arith.constant 64 : index
    %swap3A_35 = tpu.vector_load %arg11[%swap3A_34] {strides = array<i32>} : memref<512xi32, #tpu.memory_space<vmem>>, vector<16xi32>,
    tpu.vector_store %arg11[%swap3A_34], %shift_right_arithmetic3A_33 {strides = array<i32>} : memref<512xi32, #tpu.memory_space<vmem>>, vector<16xi32>,
    %get3A_36 = arith.constant 80 : index
    %get3A_37 = tpu.vector_load %arg9[%get3A_36] {strides = array<i32>} : memref<512xi32, #tpu.memory_space<vmem>>, vector<16xi32>,
    %shift_right_arithmetic3A_38 = arith.constant 1 : i32
    %shift_right_arithmetic3A_39 = vector.broadcast %shift_right_arithmetic3A_38 : i32 to vector<16xi32>
    %shift_right_arithmetic3A_40 = arith.shrsi %get3A_37, %shift_right_arithmetic3A_39 : vector<16xi32>
    %swap3A_41 = arith.constant 80 : index
    %swap3A_42 = tpu.vector_load %arg11[%swap3A_41] {strides = array<i32>} : memref<512xi32, #tpu.memory_space<vmem>>, vector<16xi32>,
    tpu.vector_store %arg11[%swap3A_41], %shift_right_arithmetic3A_40 {strides = array<i32>} : memref<512xi32, #tpu.memory_space<vmem>>, vector<16xi32>,
    %get3A_43 = arith.constant 96 : index
    %get3A_44 = tpu.vector_load %arg9[%get3A_43] {strides = array<i32>} : memref<512xi32, #tpu.memory_space<vmem>>, vector<16xi32>,
    %shift_right_arithmetic3A_45 = arith.constant 1 : i32
    %shift_right_arithmetic3A_46 = vector.broadcast %shift_right_arithmetic3A_45 : i32 to vector<16xi32>
    %shift_right_arithmetic3A_47 = arith.shrsi %get3A_44, %shift_right_arithmetic3A_46 : vector<16xi32>
    %swap3A_48 = arith.constant 96 : index
    %swap3A_49 = tpu.vector_load %arg11[%swap3A_48] {strides = array<i32>} : memref<512xi32, #tpu.memory_space<vmem>>, vector<16xi32>,
    tpu.vector_store %arg11[%swap3A_48], %shift_right_arithmetic3A_47 {strides = array<i32>} : memref<512xi32, #tpu.memory_space<vmem>>, vector<16xi32>,
    %get3A_50 = arith.constant 112 : index
    %get3A_51 = tpu.vector_load %arg9[%get3A_50] {strides = array<i32>} : memref<512xi32, #tpu.memory_space<vmem>>, vector<16xi32>,
    %shift_right_arithmetic3A_52 = arith.constant 1 : i32
    %shift_right_arithmetic3A_53 = vector.broadcast %shift_right_arithmetic3A_52 : i32 to vector<16xi32>
    %shift_right_arithmetic3A_54 = arith.shrsi %get3A_51, %shift_right_arithmetic3A_53 : vector<16xi32>
    %swap3A_55 = arith.constant 112 : index
    %swap3A_56 = tpu.vector_load %arg11[%swap3A_55] {strides = array<i32>} : memref<512xi32, #tpu.memory_space<vmem>>, vector<16xi32>,
    tpu.vector_store %arg11[%swap3A_55], %shift_right_arithmetic3A_54 {strides = array<i32>} : memref<512xi32, #tpu.memory_space<vmem>>, vector<16xi32>,
    %get3A_57 = arith.constant 128 : index
    %get3A_58 = tpu.vector_load %arg9[%get3A_57] {strides = array<i32>} : memref<512xi32, #tpu.memory_space<vmem>>, vector<16xi32>,
    %shift_right_arithmetic3A_59 = arith.constant 1 : i32
    %shift_right_arithmetic3A_60 = vector.broadcast %shift_right_arithmetic3A_59 : i32 to vector<16xi32>
    %shift_right_arithmetic3A_61 = arith.shrsi %get3A_58, %shift_right_arithmetic3A_60 : vector<16xi32>
    %swap3A_62 = arith.constant 128 : index
    %swap3A_63 = tpu.vector_load %arg11[%swap3A_62] {strides = array<i32>} : memref<512xi32, #tpu.memory_space<vmem>>, vector<16xi32>,
    tpu.vector_store %arg11[%swap3A_62], %shift_right_arithmetic3A_61 {strides = array<i32>} : memref<512xi32, #tpu.memory_space<vmem>>, vector<16xi32>,
    %get3A_64 = arith.constant 144 : index
    %get3A_65 = tpu.vector_load %arg9[%get3A_64] {strides = array<i32>} : memref<512xi32, #tpu.memory_space<vmem>>, vector<16xi32>,
    %shift_right_arithmetic3A_66 = arith.constant 1 : i32
    %shift_right_arithmetic3A_67 = vector.broadcast %shift_right_arithmetic3A_66 : i32 to vector<16xi32>
    %shift_right_arithmetic3A_68 = arith.shrsi %get3A_65, %shift_right_arithmetic3A_67 : vector<16xi32>
    %swap3A_69 = arith.constant 144 : index
    %swap3A_70 = tpu.vector_load %arg11[%swap3A_69] {strides = array<i32>} : memref<512xi32, #tpu.memory_space<vmem>>, vector<16xi32>,
    tpu.vector_store %arg11[%swap3A_69], %shift_right_arithmetic3A_68 {strides = array<i32>} : memref<512xi32, #tpu.memory_space<vmem>>, vector<16xi32>,
    %get3A_71 = arith.constant 160 : index
    %get3A_72 = tpu.vector_load %arg9[%get3A_71] {strides = array<i32>} : memref<512xi32, #tpu.memory_space<vmem>>, vector<16xi32>,
    %shift_right_arithmetic3A_73 = arith.constant 1 : i32
    %shift_right_arithmetic3A_74 = vector.broadcast %shift_right_arithmetic3A_73 : i32 to vector<16xi32>
    %shift_right_arithmetic3A_75 = arith.shrsi %get3A_72, %shift_right_arithmetic3A_74 : vector<16xi32>
    %swap3A_76 = arith.constant 160 : index
    %swap3A_77 = tpu.vector_load %arg11[%swap3A_76] {strides = array<i32>} : memref<512xi32, #tpu.memory_space<vmem>>, vector<16xi32>,
    tpu.vector_store %arg11[%swap3A_76], %shift_right_arithmetic3A_75 {strides = array<i32>} : memref<512xi32, #tpu.memory_space<vmem>>, vector<16xi32>,
    %get3A_78 = arith.constant 176 : index
    %get3A_79 = tpu.vector_load %arg9[%get3A_78] {strides = array<i32>} : memref<512xi32, #tpu.memory_space<vmem>>, vector<16xi32>,
    %shift_right_arithmetic3A_80 = arith.constant 1 : i32
    %shift_right_arithmetic3A_81 = vector.broadcast %shift_right_arithmetic3A_80 : i32 to vector<16xi32>
    %shift_right_arithmetic3A_82 = arith.shrsi %get3A_79, %shift_right_arithmetic3A_81 : vector<16xi32>
    %swap3A_83 = arith.constant 176 : index
    %swap3A_84 = tpu.vector_load %arg11[%swap3A_83] {strides = array<i32>} : memref<512xi32, #tpu.memory_space<vmem>>, vector<16xi32>,
    tpu.vector_store %arg11[%swap3A_83], %shift_right_arithmetic3A_82 {strides = array<i32>} : memref<512xi32, #tpu.memory_space<vmem>>, vector<16xi32>,
    %get3A_85 = arith.constant 192 : index
    %get3A_86 = tpu.vector_load %arg9[%get3A_85] {strides = array<i32>} : memref<512xi32, #tpu.memory_space<vmem>>, vector<16xi32>,
    %shift_right_arithmetic3A_87 = arith.constant 1 : i32
    %shift_right_arithmetic3A_88 = vector.broadcast %shift_right_arithmetic3A_87 : i32 to vector<16xi32>
    %shift_right_arithmetic3A_89 = arith.shrsi %get3A_86, %shift_right_arithmetic3A_88 : vector<16xi32>
    %swap3A_90 = arith.constant 192 : index
    %swap3A_91 = tpu.vector_load %arg11[%swap3A_90] {strides = array<i32>} : memref<512xi32, #tpu.memory_space<vmem>>, vector<16xi32>,
    tpu.vector_store %arg11[%swap3A_90], %shift_right_arithmetic3A_89 {strides = array<i32>} : memref<512xi32, #tpu.memory_space<vmem>>, vector<16xi32>,
    %get3A_92 = arith.constant 208 : index
    %get3A_93 = tpu.vector_load %arg9[%get3A_92] {strides = array<i32>} : memref<512xi32, #tpu.memory_space<vmem>>, vector<16xi32>,
    %shift_right_arithmetic3A_94 = arith.constant 1 : i32
    %shift_right_arithmetic3A_95 = vector.broadcast %shift_right_arithmetic3A_94 : i32 to vector<16xi32>
    %shift_right_arithmetic3A_96 = arith.shrsi %get3A_93, %shift_right_arithmetic3A_95 : vector<16xi32>
    %swap3A_97 = arith.constant 208 : index
    %swap3A_98 = tpu.vector_load %arg11[%swap3A_97] {strides = array<i32>} : memref<512xi32, #tpu.memory_space<vmem>>, vector<16xi32>,
    tpu.vector_store %arg11[%swap3A_97], %shift_right_arithmetic3A_96 {strides = array<i32>} : memref<512xi32, #tpu.memory_space<vmem>>, vector<16xi32>,
    %get3A_99 = arith.constant 224 : index
    %get3A_100 = tpu.vector_load %arg9[%get3A_99] {strides = array<i32>} : memref<512xi32, #tpu.memory_space<vmem>>, vector<16xi32>,
    %shift_right_arithmetic3A_101 = arith.constant 1 : i32
    %shift_right_arithmetic3A_102 = vector.broadcast %shift_right_arithmetic3A_101 : i32 to vector<16xi32>
    %shift_right_arithmetic3A_103 = arith.shrsi %get3A_100, %shift_right_arithmetic3A_102 : vector<16xi32>
    %swap3A_104 = arith.constant 224 : index
    %swap3A_105 = tpu.vector_load %arg11[%swap3A_104] {strides = array<i32>} : memref<512xi32, #tpu.memory_space<vmem>>, vector<16xi32>,
    tpu.vector_store %arg11[%swap3A_104], %shift_right_arithmetic3A_103 {strides = array<i32>} : memref<512xi32, #tpu.memory_space<vmem>>, vector<16xi32>,
    %get3A_106 = arith.constant 240 : index
    %get3A_107 = tpu.vector_load %arg9[%get3A_106] {strides = array<i32>} : memref<512xi32, #tpu.memory_space<vmem>>, vector<16xi32>,
    %shift_right_arithmetic3A_108 = arith.constant 1 : i32
    %shift_right_arithmetic3A_109 = vector.broadcast %shift_right_arithmetic3A_108 : i32 to vector<16xi32>
    %shift_right_arithmetic3A_110 = arith.shrsi %get3A_107, %shift_right_arithmetic3A_109 : vector<16xi32>
    %swap3A_111 = arith.constant 240 : index
    %swap3A_112 = tpu.vector_load %arg11[%swap3A_111] {strides = array<i32>} : memref<512xi32, #tpu.memory_space<vmem>>, vector<16xi32>,
    tpu.vector_store %arg11[%swap3A_111], %shift_right_arithmetic3A_110 {strides = array<i32>} : memref<512xi32, #tpu.memory_space<vmem>>, vector<16xi32>,
    %get3A_113 = arith.constant 256 : index
    %get3A_114 = tpu.vector_load %arg9[%get3A_113] {strides = array<i32>} : memref<512xi32, #tpu.memory_space<vmem>>, vector<16xi32>,
    %shift_right_arithmetic3A_115 = arith.constant 1 : i32
    %shift_right_arithmetic3A_116 = vector.broadcast %shift_right_arithmetic3A_115 : i32 to vector<16xi32>
    %shift_right_arithmetic3A_117 = arith.shrsi %get3A_114, %shift_right_arithmetic3A_116 : vector<16xi32>
    %swap3A_118 = arith.constant 256 : index
    %swap3A_119 = tpu.vector_load %arg11[%swap3A_118] {strides = array<i32>} : memref<512xi32, #tpu.memory_space<vmem>>, vector<16xi32>,
    tpu.vector_store %arg11[%swap3A_118], %shift_right_arithmetic3A_117 {strides = array<i32>} : memref<512xi32, #tpu.memory_space<vmem>>, vector<16xi32>,
    %get3A_120 = arith.constant 272 : index
    %get3A_121 = tpu.vector_load %arg9[%get3A_120] {strides = array<i32>} : memref<512xi32, #tpu.memory_space<vmem>>, vector<16xi32>,
    %shift_right_arithmetic3A_122 = arith.constant 1 : i32
    %shift_right_arithmetic3A_123 = vector.broadcast %shift_right_arithmetic3A_122 : i32 to vector<16xi32>
    %shift_right_arithmetic3A_124 = arith.shrsi %get3A_121, %shift_right_arithmetic3A_123 : vector<16xi32>
    %swap3A_125 = arith.constant 272 : index
    %swap3A_126 = tpu.vector_load %arg11[%swap3A_125] {strides = array<i32>} : memref<512xi32, #tpu.memory_space<vmem>>, vector<16xi32>,
    tpu.vector_store %arg11[%swap3A_125], %shift_right_arithmetic3A_124 {strides = array<i32>} : memref<512xi32, #tpu.memory_space<vmem>>, vector<16xi32>,
    %get3A_127 = arith.constant 288 : index
    %get3A_128 = tpu.vector_load %arg9[%get3A_127] {strides = array<i32>} : memref<512xi32, #tpu.memory_space<vmem>>, vector<16xi32>,
    %shift_right_arithmetic3A_129 = arith.constant 1 : i32
    %shift_right_arithmetic3A_130 = vector.broadcast %shift_right_arithmetic3A_129 : i32 to vector<16xi32>
    %shift_right_arithmetic3A_131 = arith.shrsi %get3A_128, %shift_right_arithmetic3A_130 : vector<16xi32>
    %swap3A_132 = arith.constant 288 : index
    %swap3A_133 = tpu.vector_load %arg11[%swap3A_132] {strides = array<i32>} : memref<512xi32, #tpu.memory_space<vmem>>, vector<16xi32>,
    tpu.vector_store %arg11[%swap3A_132], %shift_right_arithmetic3A_131 {strides = array<i32>} : memref<512xi32, #tpu.memory_space<vmem>>, vector<16xi32>,
    %get3A_134 = arith.constant 304 : index
    %get3A_135 = tpu.vector_load %arg9[%get3A_134] {strides = array<i32>} : memref<512xi32, #tpu.memory_space<vmem>>, vector<16xi32>,
    %shift_right_arithmetic3A_136 = arith.constant 1 : i32
    %shift_right_arithmetic3A_137 = vector.broadcast %shift_right_arithmetic3A_136 : i32 to vector<16xi32>
    %shift_right_arithmetic3A_138 = arith.shrsi %get3A_135, %shift_right_arithmetic3A_137 : vector<16xi32>
    %swap3A_139 = arith.constant 304 : index
    %swap3A_140 = tpu.vector_load %arg11[%swap3A_139] {strides = array<i32>} : memref<512xi32, #tpu.memory_space<vmem>>, vector<16xi32>,
    tpu.vector_store %arg11[%swap3A_139], %shift_right_arithmetic3A_138 {strides = array<i32>} : memref<512xi32, #tpu.memory_space<vmem>>, vector<16xi32>,
    %get3A_141 = arith.constant 320 : index
    %get3A_142 = tpu.vector_load %arg9[%get3A_141] {strides = array<i32>} : memref<512xi32, #tpu.memory_space<vmem>>, vector<16xi32>,
    %shift_right_arithmetic3A_143 = arith.constant 1 : i32
    %shift_right_arithmetic3A_144 = vector.broadcast %shift_right_arithmetic3A_143 : i32 to vector<16xi32>
    %shift_right_arithmetic3A_145 = arith.shrsi %get3A_142, %shift_right_arithmetic3A_144 : vector<16xi32>
    %swap3A_146 = arith.constant 320 : index
    %swap3A_147 = tpu.vector_load %arg11[%swap3A_146] {strides = array<i32>} : memref<512xi32, #tpu.memory_space<vmem>>, vector<16xi32>,
    tpu.vector_store %arg11[%swap3A_146], %shift_right_arithmetic3A_145 {strides = array<i32>} : memref<512xi32, #tpu.memory_space<vmem>>, vector<16xi32>,
    %get3A_148 = arith.constant 336 : index
    %get3A_149 = tpu.vector_load %arg9[%get3A_148] {strides = array<i32>} : memref<512xi32, #tpu.memory_space<vmem>>, vector<16xi32>,
    %shift_right_arithmetic3A_150 = arith.constant 1 : i32
    %shift_right_arithmetic3A_151 = vector.broadcast %shift_right_arithmetic3A_150 : i32 to vector<16xi32>
    %shift_right_arithmetic3A_152 = arith.shrsi %get3A_149, %shift_right_arithmetic3A_151 : vector<16xi32>
    %swap3A_153 = arith.constant 336 : index
    %swap3A_154 = tpu.vector_load %arg11[%swap3A_153] {strides = array<i32>} : memref<512xi32, #tpu.memory_space<vmem>>, vector<16xi32>,
    tpu.vector_store %arg11[%swap3A_153], %shift_right_arithmetic3A_152 {strides = array<i32>} : memref<512xi32, #tpu.memory_space<vmem>>, vector<16xi32>,
    %get3A_155 = arith.constant 352 : index
    %get3A_156 = tpu.vector_load %arg9[%get3A_155] {strides = array<i32>} : memref<512xi32, #tpu.memory_space<vmem>>, vector<16xi32>,
    %shift_right_arithmetic3A_157 = arith.constant 1 : i32
    %shift_right_arithmetic3A_158 = vector.broadcast %shift_right_arithmetic3A_157 : i32 to vector<16xi32>
    %shift_right_arithmetic3A_159 = arith.shrsi %get3A_156, %shift_right_arithmetic3A_158 : vector<16xi32>
    %swap3A_160 = arith.constant 352 : index
    %swap3A_161 = tpu.vector_load %arg11[%swap3A_160] {strides = array<i32>} : memref<512xi32, #tpu.memory_space<vmem>>, vector<16xi32>,
    tpu.vector_store %arg11[%swap3A_160], %shift_right_arithmetic3A_159 {strides = array<i32>} : memref<512xi32, #tpu.memory_space<vmem>>, vector<16xi32>,
    %get3A_162 = arith.constant 368 : index
    %get3A_163 = tpu.vector_load %arg9[%get3A_162] {strides = array<i32>} : memref<512xi32, #tpu.memory_space<vmem>>, vector<16xi32>,
    %shift_right_arithmetic3A_164 = arith.constant 1 : i32
    %shift_right_arithmetic3A_165 = vector.broadcast %shift_right_arithmetic3A_164 : i32 to vector<16xi32>
    %shift_right_arithmetic3A_166 = arith.shrsi %get3A_163, %shift_right_arithmetic3A_165 : vector<16xi32>
    %swap3A_167 = arith.constant 368 : index
    %swap3A_168 = tpu.vector_load %arg11[%swap3A_167] {strides = array<i32>} : memref<512xi32, #tpu.memory_space<vmem>>, vector<16xi32>,
    tpu.vector_store %arg11[%swap3A_167], %shift_right_arithmetic3A_166 {strides = array<i32>} : memref<512xi32, #tpu.memory_space<vmem>>, vector<16xi32>,
    %get3A_169 = arith.constant 384 : index
    %get3A_170 = tpu.vector_load %arg9[%get3A_169] {strides = array<i32>} : memref<512xi32, #tpu.memory_space<vmem>>, vector<16xi32>,
    %shift_right_arithmetic3A_171 = arith.constant 1 : i32
    %shift_right_arithmetic3A_172 = vector.broadcast %shift_right_arithmetic3A_171 : i32 to vector<16xi32>
    %shift_right_arithmetic3A_173 = arith.shrsi %get3A_170, %shift_right_arithmetic3A_172 : vector<16xi32>
    %swap3A_174 = arith.constant 384 : index
    %swap3A_175 = tpu.vector_load %arg11[%swap3A_174] {strides = array<i32>} : memref<512xi32, #tpu.memory_space<vmem>>, vector<16xi32>,
    tpu.vector_store %arg11[%swap3A_174], %shift_right_arithmetic3A_173 {strides = array<i32>} : memref<512xi32, #tpu.memory_space<vmem>>, vector<16xi32>,
    %get3A_176 = arith.constant 400 : index
    %get3A_177 = tpu.vector_load %arg9[%get3A_176] {strides = array<i32>} : memref<512xi32, #tpu.memory_space<vmem>>, vector<16xi32>,
    %shift_right_arithmetic3A_178 = arith.constant 1 : i32
    %shift_right_arithmetic3A_179 = vector.broadcast %shift_right_arithmetic3A_178 : i32 to vector<16xi32>
    %shift_right_arithmetic3A_180 = arith.shrsi %get3A_177, %shift_right_arithmetic3A_179 : vector<16xi32>
    %swap3A_181 = arith.constant 400 : index
    %swap3A_182 = tpu.vector_load %arg11[%swap3A_181] {strides = array<i32>} : memref<512xi32, #tpu.memory_space<vmem>>, vector<16xi32>,
    tpu.vector_store %arg11[%swap3A_181], %shift_right_arithmetic3A_180 {strides = array<i32>} : memref<512xi32, #tpu.memory_space<vmem>>, vector<16xi32>,
    %get3A_183 = arith.constant 416 : index
    %get3A_184 = tpu.vector_load %arg9[%get3A_183] {strides = array<i32>} : memref<512xi32, #tpu.memory_space<vmem>>, vector<16xi32>,
    %shift_right_arithmetic3A_185 = arith.constant 1 : i32
    %shift_right_arithmetic3A_186 = vector.broadcast %shift_right_arithmetic3A_185 : i32 to vector<16xi32>
    %shift_right_arithmetic3A_187 = arith.shrsi %get3A_184, %shift_right_arithmetic3A_186 : vector<16xi32>
    %swap3A_188 = arith.constant 416 : index
    %swap3A_189 = tpu.vector_load %arg11[%swap3A_188] {strides = array<i32>} : memref<512xi32, #tpu.memory_space<vmem>>, vector<16xi32>,
    tpu.vector_store %arg11[%swap3A_188], %shift_right_arithmetic3A_187 {strides = array<i32>} : memref<512xi32, #tpu.memory_space<vmem>>, vector<16xi32>,
    %get3A_190 = arith.constant 432 : index
    %get3A_191 = tpu.vector_load %arg9[%get3A_190] {strides = array<i32>} : memref<512xi32, #tpu.memory_space<vmem>>, vector<16xi32>,
    %shift_right_arithmetic3A_192 = arith.constant 1 : i32
    %shift_right_arithmetic3A_193 = vector.broadcast %shift_right_arithmetic3A_192 : i32 to vector<16xi32>
    %shift_right_arithmetic3A_194 = arith.shrsi %get3A_191, %shift_right_arithmetic3A_193 : vector<16xi32>
    %swap3A_195 = arith.constant 432 : index
    %swap3A_196 = tpu.vector_load %arg11[%swap3A_195] {strides = array<i32>} : memref<512xi32, #tpu.memory_space<vmem>>, vector<16xi32>,
    tpu.vector_store %arg11[%swap3A_195], %shift_right_arithmetic3A_194 {strides = array<i32>} : memref<512xi32, #tpu.memory_space<vmem>>, vector<16xi32>,
    %get3A_197 = arith.constant 448 : index
    %get3A_198 = tpu.vector_load %arg9[%get3A_197] {strides = array<i32>} : memref<512xi32, #tpu.memory_space<vmem>>, vector<16xi32>,
    %shift_right_arithmetic3A_199 = arith.constant 1 : i32
    %shift_right_arithmetic3A_200 = vector.broadcast %shift_right_arithmetic3A_199 : i32 to vector<16xi32>
    %shift_right_arithmetic3A_201 = arith.shrsi %get3A_198, %shift_right_arithmetic3A_200 : vector<16xi32>
    %swap3A_202 = arith.constant 448 : index
    %swap3A_203 = tpu.vector_load %arg11[%swap3A_202] {strides = array<i32>} : memref<512xi32, #tpu.memory_space<vmem>>, vector<16xi32>,
    tpu.vector_store %arg11[%swap3A_202], %shift_right_arithmetic3A_201 {strides = array<i32>} : memref<512xi32, #tpu.memory_space<vmem>>, vector<16xi32>,
    %get3A_204 = arith.constant 464 : index
    %get3A_205 = tpu.vector_load %arg9[%get3A_204] {strides = array<i32>} : memref<512xi32, #tpu.memory_space<vmem>>, vector<16xi32>,
    %shift_right_arithmetic3A_206 = arith.constant 1 : i32
    %shift_right_arithmetic3A_207 = vector.broadcast %shift_right_arithmetic3A_206 : i32 to vector<16xi32>
    %shift_right_arithmetic3A_208 = arith.shrsi %get3A_205, %shift_right_arithmetic3A_207 : vector<16xi32>
    %swap3A_209 = arith.constant 464 : index
    %swap3A_210 = tpu.vector_load %arg11[%swap3A_209] {strides = array<i32>} : memref<512xi32, #tpu.memory_space<vmem>>, vector<16xi32>,
    tpu.vector_store %arg11[%swap3A_209], %shift_right_arithmetic3A_208 {strides = array<i32>} : memref<512xi32, #tpu.memory_space<vmem>>, vector<16xi32>,
    %get3A_211 = arith.constant 480 : index
    %get3A_212 = tpu.vector_load %arg9[%get3A_211] {strides = array<i32>} : memref<512xi32, #tpu.memory_space<vmem>>, vector<16xi32>,
    %shift_right_arithmetic3A_213 = arith.constant 1 : i32
    %shift_right_arithmetic3A_214 = vector.broadcast %shift_right_arithmetic3A_213 : i32 to vector<16xi32>
    %shift_right_arithmetic3A_215 = arith.shrsi %get3A_212, %shift_right_arithmetic3A_214 : vector<16xi32>
    %swap3A_216 = arith.constant 480 : index
    %swap3A_217 = tpu.vector_load %arg11[%swap3A_216] {strides = array<i32>} : memref<512xi32, #tpu.memory_space<vmem>>, vector<16xi32>,
    tpu.vector_store %arg11[%swap3A_216], %shift_right_arithmetic3A_215 {strides = array<i32>} : memref<512xi32, #tpu.memory_space<vmem>>, vector<16xi32>,
    %get3A_218 = arith.constant 496 : index
    %get3A_219 = tpu.vector_load %arg9[%get3A_218] {strides = array<i32>} : memref<512xi32, #tpu.memory_space<vmem>>, vector<16xi32>,
    %shift_right_arithmetic3A_220 = arith.constant 1 : i32
    %shift_right_arithmetic3A_221 = vector.broadcast %shift_right_arithmetic3A_220 : i32 to vector<16xi32>
    %shift_right_arithmetic3A_222 = arith.shrsi %get3A_219, %shift_right_arithmetic3A_221 : vector<16xi32>
    %swap3A_223 = arith.constant 496 : index
    %swap3A_224 = tpu.vector_load %arg11[%swap3A_223] {strides = array<i32>} : memref<512xi32, #tpu.memory_space<vmem>>, vector<16xi32>,
    tpu.vector_store %arg11[%swap3A_223], %shift_right_arithmetic3A_222 {strides = array<i32>} : memref<512xi32, #tpu.memory_space<vmem>>, vector<16xi32>,
    %scan3A = arith.constant 0 : i32
    %scan3A_225 = arith.constant 0 : i32
    %scan3A_226 = arith.constant 16 : i32
    %scan3A_227 = arith.addi %scan3A_225, %scan3A_226 : i32
    %scan3A_228 = arith.constant 1 : i32
    %scan3A_229 = scf.for %scan3A_231 = %scan3A_225 to %scan3A_227 step %scan3A_228 iter_args(%scan3A_232 = %scan3A) -> (i32)  : i32 {
      %mul3A_233 = arith.constant 32 : i32
      %mul3A_234 = arith.muli %scan3A_231, %mul3A_233 : i32
      %get3A_235 = arith.index_cast %mul3A_234 : i32 to index
      %get3A_236 = tpu.vector_load %arg8[%get3A_235] {strides = array<i32>} : memref<512xi32, #tpu.memory_space<vmem>>, vector<16xi32>,
      %shift_right_arithmetic3A_237 = arith.constant 3 : i32
      %shift_right_arithmetic3A_238 = vector.broadcast %shift_right_arithmetic3A_237 : i32 to vector<16xi32>
      %shift_right_arithmetic3A_239 = arith.shrsi %get3A_236, %shift_right_arithmetic3A_238 : vector<16xi32>
      %mul3A_240 = arith.constant 32 : i32
      %mul3A_241 = arith.muli %scan3A_231, %mul3A_240 : i32
      %get3A_242 = arith.index_cast %mul3A_241 : i32 to index
      %get3A_243 = tpu.vector_load %arg10[%get3A_242] {strides = array<i32>} : memref<512xi32, #tpu.memory_space<vmem>>, vector<16xi32>,
      %shift_right_arithmetic3A_244 = arith.constant 3 : i32
      %shift_right_arithmetic3A_245 = vector.broadcast %shift_right_arithmetic3A_244 : i32 to vector<16xi32>
      %shift_right_arithmetic3A_246 = arith.shrsi %get3A_243, %shift_right_arithmetic3A_245 : vector<16xi32>
      %mul3A_247 = arith.constant 32 : i32
      %mul3A_248 = arith.muli %scan3A_231, %mul3A_247 : i32
      %add3A_249 = arith.constant 16 : i32
      %add3A_250 = arith.addi %mul3A_248, %add3A_249 : i32
      %get3A_251 = arith.index_cast %add3A_250 : i32 to index
      %get3A_252 = tpu.vector_load %arg8[%get3A_251] {strides = array<i32>} : memref<512xi32, #tpu.memory_space<vmem>>, vector<16xi32>,
      %shift_right_arithmetic3A_253 = arith.constant 3 : i32
      %shift_right_arithmetic3A_254 = vector.broadcast %shift_right_arithmetic3A_253 : i32 to vector<16xi32>
      %shift_right_arithmetic3A_255 = arith.shrsi %get3A_252, %shift_right_arithmetic3A_254 : vector<16xi32>
      %mul3A_256 = arith.constant 32 : i32
      %mul3A_257 = arith.muli %scan3A_231, %mul3A_256 : i32
      %add3A_258 = arith.constant 16 : i32
      %add3A_259 = arith.addi %mul3A_257, %add3A_258 : i32
      %get3A_260 = arith.index_cast %add3A_259 : i32 to index
      %get3A_261 = tpu.vector_load %arg10[%get3A_260] {strides = array<i32>} : memref<512xi32, #tpu.memory_space<vmem>>, vector<16xi32>,
      %shift_right_arithmetic3A_262 = arith.constant 3 : i32
      %shift_right_arithmetic3A_263 = vector.broadcast %shift_right_arithmetic3A_262 : i32 to vector<16xi32>
      %shift_right_arithmetic3A_264 = arith.shrsi %get3A_261, %shift_right_arithmetic3A_263 : vector<16xi32>
      %mul3A_265 = arith.constant 32 : i32
      %mul3A_266 = arith.muli %scan3A_231, %mul3A_265 : i32
      %dma_start3A = tpu.memref_slice %arg11[%mul3A_266] : memref<512xi32, #tpu.memory_space<vmem>> -> memref<32xi32, #tpu.memory_space<vmem>>
      %dma_start3A_267 = arith.constant 0 : i32
      %dma_start3A_268 = arith.constant 0 : i32
      %dma_start3A_269 = tpu.memref_slice %arg6[%dma_start3A_267, %dma_start3A_268] : memref<500x128xf32, #tpu.memory_space<hbm>> -> memref<500x128xf32, #tpu.memory_space<hbm>>
      tpu.enqueue_indirect_dma source(%dma_start3A_269 : memref<500x128xf32, #tpu.memory_space<hbm>>) target(%arg16 : memref<32x128xf32, #tpu.memory_space<vmem>>) offsets(%dma_start3A : memref<32xi32, #tpu.memory_space<vmem>>) semaphore(%arg18 : memref<!tpu.dma_semaphore, #tpu.memory_space<semaphore_mem>>)
      %slice3A = vector.extract_strided_slice %shift_right_arithmetic3A_239 {offsets = [0], sizes = [1], strides = [1]} : vector<16xi32> to vector<1xi32>
      %squeeze3A = vector.extract %slice3A[0] : i32 from vector<1xi32>
      %dma_start3A_270 = arith.constant 0 : i32
      %dma_start3A_271 = arith.constant 0 : i32
      %dma_start3A_272 = arith.constant 0 : i32
      %dma_start3A_273 = tpu.memref_slice %arg12[%dma_start3A_270, %dma_start3A_271, %dma_start3A_272] : memref<16x8x64xf32, #tpu.memory_space<vmem>> -> memref<1x8x64xf32, #tpu.memory_space<vmem>>
      %dma_start3A_274 = tpu.memref_squeeze %dma_start3A_273 : memref<1x8x64xf32, #tpu.memory_space<vmem>> -> memref<8x64xf32, #tpu.memory_space<vmem>>
      %dma_start3A_275 = arith.constant 0 : i32
      %dma_start3A_276 = arith.constant 0 : i32
      %dma_start3A_277 = tpu.memref_slice %arg5[%squeeze3A, %dma_start3A_275, %dma_start3A_276] : memref<125000x8x64xf32, #tpu.memory_space<hbm>> -> memref<1x8x64xf32, #tpu.memory_space<hbm>>
      %dma_start3A_278 = tpu.memref_squeeze %dma_start3A_277 : memref<1x8x64xf32, #tpu.memory_space<hbm>> -> memref<8x64xf32, #tpu.memory_space<hbm>>
      %dma_start3A_279 = arith.constant 0 : i32
      %dma_start3A_280 = arith.constant 0 : i32
      %dma_start3A_281 = tpu.memref_slice %arg12[%dma_start3A_270, %dma_start3A_279, %dma_start3A_280] : memref<16x8x64xf32, #tpu.memory_space<vmem>> -> memref<1x8x64xf32, #tpu.memory_space<vmem>>
      %dma_start3A_282 = tpu.memref_squeeze %dma_start3A_281 : memref<1x8x64xf32, #tpu.memory_space<vmem>> -> memref<8x64xf32, #tpu.memory_space<vmem>>
      %dma_start3A_283 = arith.constant 0 : i32
      %dma_start3A_284 = arith.constant 0 : i32
      %dma_start3A_285 = tpu.memref_slice %arg5[%squeeze3A, %dma_start3A_283, %dma_start3A_284] : memref<125000x8x64xf32, #tpu.memory_space<hbm>> -> memref<1x8x64xf32, #tpu.memory_space<hbm>>
      %dma_start3A_286 = tpu.memref_squeeze %dma_start3A_285 : memref<1x8x64xf32, #tpu.memory_space<hbm>> -> memref<8x64xf32, #tpu.memory_space<hbm>>
      tpu.enqueue_dma source(%dma_start3A_286 : memref<8x64xf32, #tpu.memory_space<hbm>>) target(%dma_start3A_282 : memref<8x64xf32, #tpu.memory_space<vmem>>) target_semaphore(%arg18 : memref<!tpu.dma_semaphore, #tpu.memory_space<semaphore_mem>>)
      %slice3A_287 = vector.extract_strided_slice %shift_right_arithmetic3A_246 {offsets = [0], sizes = [1], strides = [1]} : vector<16xi32> to vector<1xi32>
      %squeeze3A_288 = vector.extract %slice3A_287[0] : i32 from vector<1xi32>
      %dma_start3A_289 = arith.constant 0 : i32
      %dma_start3A_290 = arith.constant 0 : i32
      %dma_start3A_291 = arith.constant 0 : i32
      %dma_start3A_292 = tpu.memref_slice %arg13[%dma_start3A_289, %dma_start3A_290, %dma_start3A_291] : memref<16x8x64xf32, #tpu.memory_space<vmem>> -> memref<1x8x64xf32, #tpu.memory_space<vmem>>
      %dma_start3A_293 = tpu.memref_squeeze %dma_start3A_292 : memref<1x8x64xf32, #tpu.memory_space<vmem>> -> memref<8x64xf32, #tpu.memory_space<vmem>>
      %dma_start3A_294 = arith.constant 0 : i32
      %dma_start3A_295 = arith.constant 0 : i32
      %dma_start3A_296 = tpu.memref_slice %arg5[%squeeze3A_288, %dma_start3A_294, %dma_start3A_295] : memref<125000x8x64xf32, #tpu.memory_space<hbm>> -> memref<1x8x64xf32, #tpu.memory_space<hbm>>
      %dma_start3A_297 = tpu.memref_squeeze %dma_start3A_296 : memref<1x8x64xf32, #tpu.memory_space<hbm>> -> memref<8x64xf32, #tpu.memory_space<hbm>>
      %dma_start3A_298 = arith.constant 0 : i32
      %dma_start3A_299 = arith.constant 0 : i32
      %dma_start3A_300 = tpu.memref_slice %arg13[%dma_start3A_289, %dma_start3A_298, %dma_start3A_299] : memref<16x8x64xf32, #tpu.memory_space<vmem>> -> memref<1x8x64xf32, #tpu.memory_space<vmem>>
      %dma_start3A_301 = tpu.memref_squeeze %dma_start3A_300 : memref<1x8x64xf32, #tpu.memory_space<vmem>> -> memref<8x64xf32, #tpu.memory_space<vmem>>
      %dma_start3A_302 = arith.constant 0 : i32
      %dma_start3A_303 = arith.constant 0 : i32
      %dma_start3A_304 = tpu.memref_slice %arg5[%squeeze3A_288, %dma_start3A_302, %dma_start3A_303] : memref<125000x8x64xf32, #tpu.memory_space<hbm>> -> memref<1x8x64xf32, #tpu.memory_space<hbm>>
      %dma_start3A_305 = tpu.memref_squeeze %dma_start3A_304 : memref<1x8x64xf32, #tpu.memory_space<hbm>> -> memref<8x64xf32, #tpu.memory_space<hbm>>
      tpu.enqueue_dma source(%dma_start3A_305 : memref<8x64xf32, #tpu.memory_space<hbm>>) target(%dma_start3A_301 : memref<8x64xf32, #tpu.memory_space<vmem>>) target_semaphore(%arg18 : memref<!tpu.dma_semaphore, #tpu.memory_space<semaphore_mem>>)
      %slice3A_306 = vector.extract_strided_slice %shift_right_arithmetic3A_255 {offsets = [0], sizes = [1], strides = [1]} : vector<16xi32> to vector<1xi32>
      %squeeze3A_307 = vector.extract %slice3A_306[0] : i32 from vector<1xi32>
      %dma_start3A_308 = arith.constant 0 : i32
      %dma_start3A_309 = arith.constant 0 : i32
      %dma_start3A_310 = arith.constant 0 : i32
      %dma_start3A_311 = tpu.memref_slice %arg14[%dma_start3A_308, %dma_start3A_309, %dma_start3A_310] : memref<16x8x64xf32, #tpu.memory_space<vmem>> -> memref<1x8x64xf32, #tpu.memory_space<vmem>>
      %dma_start3A_312 = tpu.memref_squeeze %dma_start3A_311 : memref<1x8x64xf32, #tpu.memory_space<vmem>> -> memref<8x64xf32, #tpu.memory_space<vmem>>
      %dma_start3A_313 = arith.constant 0 : i32
      %dma_start3A_314 = arith.constant 0 : i32
      %dma_start3A_315 = tpu.memref_slice %arg5[%squeeze3A_307, %dma_start3A_313, %dma_start3A_314] : memref<125000x8x64xf32, #tpu.memory_space<hbm>> -> memref<1x8x64xf32, #tpu.memory_space<hbm>>
      %dma_start3A_316 = tpu.memref_squeeze %dma_start3A_315 : memref<1x8x64xf32, #tpu.memory_space<hbm>> -> memref<8x64xf32, #tpu.memory_space<hbm>>
      %dma_start3A_317 = arith.constant 0 : i32
      %dma_start3A_318 = arith.constant 0 : i32
      %dma_start3A_319 = tpu.memref_slice %arg14[%dma_start3A_308, %dma_start3A_317, %dma_start3A_318] : memref<16x8x64xf32, #tpu.memory_space<vmem>> -> memref<1x8x64xf32, #tpu.memory_space<vmem>>
      %dma_start3A_320 = tpu.memref_squeeze %dma_start3A_319 : memref<1x8x64xf32, #tpu.memory_space<vmem>> -> memref<8x64xf32, #tpu.memory_space<vmem>>
      %dma_start3A_321 = arith.constant 0 : i32
      %dma_start3A_322 = arith.constant 0 : i32
      %dma_start3A_323 = tpu.memref_slice %arg5[%squeeze3A_307, %dma_start3A_321, %dma_start3A_322] : memref<125000x8x64xf32, #tpu.memory_space<hbm>> -> memref<1x8x64xf32, #tpu.memory_space<hbm>>
      %dma_start3A_324 = tpu.memref_squeeze %dma_start3A_323 : memref<1x8x64xf32, #tpu.memory_space<hbm>> -> memref<8x64xf32, #tpu.memory_space<hbm>>
      tpu.enqueue_dma source(%dma_start3A_324 : memref<8x64xf32, #tpu.memory_space<hbm>>) target(%dma_start3A_320 : memref<8x64xf32, #tpu.memory_space<vmem>>) target_semaphore(%arg18 : memref<!tpu.dma_semaphore, #tpu.memory_space<semaphore_mem>>)
      %slice3A_325 = vector.extract_strided_slice %shift_right_arithmetic3A_264 {offsets = [0], sizes = [1], strides = [1]} : vector<16xi32> to vector<1xi32>
      %squeeze3A_326 = vector.extract %slice3A_325[0] : i32 from vector<1xi32>
      %dma_start3A_327 = arith.constant 0 : i32
      %dma_start3A_328 = arith.constant 0 : i32
      %dma_start3A_329 = arith.constant 0 : i32
      %dma_start3A_330 = tpu.memref_slice %arg15[%dma_start3A_327, %dma_start3A_328, %dma_start3A_329] : memref<16x8x64xf32, #tpu.memory_space<vmem>> -> memref<1x8x64xf32, #tpu.memory_space<vmem>>
      %dma_start3A_331 = tpu.memref_squeeze %dma_start3A_330 : memref<1x8x64xf32, #tpu.memory_space<vmem>> -> memref<8x64xf32, #tpu.memory_space<vmem>>
      %dma_start3A_332 = arith.constant 0 : i32
      %dma_start3A_333 = arith.constant 0 : i32
      %dma_start3A_334 = tpu.memref_slice %arg5[%squeeze3A_326, %dma_start3A_332, %dma_start3A_333] : memref<125000x8x64xf32, #tpu.memory_space<hbm>> -> memref<1x8x64xf32, #tpu.memory_space<hbm>>
      %dma_start3A_335 = tpu.memref_squeeze %dma_start3A_334 : memref<1x8x64xf32, #tpu.memory_space<hbm>> -> memref<8x64xf32, #tpu.memory_space<hbm>>
      %dma_start3A_336 = arith.constant 0 : i32
      %dma_start3A_337 = arith.constant 0 : i32
      %dma_start3A_338 = tpu.memref_slice %arg15[%dma_start3A_327, %dma_start3A_336, %dma_start3A_337] : memref<16x8x64xf32, #tpu.memory_space<vmem>> -> memref<1x8x64xf32, #tpu.memory_space<vmem>>
      %dma_start3A_339 = tpu.memref_squeeze %dma_start3A_338 : memref<1x8x64xf32, #tpu.memory_space<vmem>> -> memref<8x64xf32, #tpu.memory_space<vmem>>
      %dma_start3A_340 = arith.constant 0 : i32
      %dma_start3A_341 = arith.constant 0 : i32
      %dma_start3A_342 = tpu.memref_slice %arg5[%squeeze3A_326, %dma_start3A_340, %dma_start3A_341] : memref<125000x8x64xf32, #tpu.memory_space<hbm>> -> memref<1x8x64xf32, #tpu.memory_space<hbm>>
      %dma_start3A_343 = tpu.memref_squeeze %dma_start3A_342 : memref<1x8x64xf32, #tpu.memory_space<hbm>> -> memref<8x64xf32, #tpu.memory_space<hbm>>
      tpu.enqueue_dma source(%dma_start3A_343 : memref<8x64xf32, #tpu.memory_space<hbm>>) target(%dma_start3A_339 : memref<8x64xf32, #tpu.memory_space<vmem>>) target_semaphore(%arg18 : memref<!tpu.dma_semaphore, #tpu.memory_space<semaphore_mem>>)
      %slice3A_344 = vector.extract_strided_slice %shift_right_arithmetic3A_239 {offsets = [1], sizes = [1], strides = [1]} : vector<16xi32> to vector<1xi32>
      %squeeze3A_345 = vector.extract %slice3A_344[0] : i32 from vector<1xi32>
      %dma_start3A_346 = arith.constant 1 : i32
      %dma_start3A_347 = arith.constant 0 : i32
      %dma_start3A_348 = arith.constant 0 : i32
      %dma_start3A_349 = tpu.memref_slice %arg12[%dma_start3A_346, %dma_start3A_347, %dma_start3A_348] : memref<16x8x64xf32, #tpu.memory_space<vmem>> -> memref<1x8x64xf32, #tpu.memory_space<vmem>>
      %dma_start3A_350 = tpu.memref_squeeze %dma_start3A_349 : memref<1x8x64xf32, #tpu.memory_space<vmem>> -> memref<8x64xf32, #tpu.memory_space<vmem>>
      %dma_start3A_351 = arith.constant 0 : i32
      %dma_start3A_352 = arith.constant 0 : i32
      %dma_start3A_353 = tpu.memref_slice %arg5[%squeeze3A_345, %dma_start3A_351, %dma_start3A_352] : memref<125000x8x64xf32, #tpu.memory_space<hbm>> -> memref<1x8x64xf32, #tpu.memory_space<hbm>>
      %dma_start3A_354 = tpu.memref_squeeze %dma_start3A_353 : memref<1x8x64xf32, #tpu.memory_space<hbm>> -> memref<8x64xf32, #tpu.memory_space<hbm>>
      %dma_start3A_355 = arith.constant 0 : i32
      %dma_start3A_356 = arith.constant 0 : i32
      %dma_start3A_357 = tpu.memref_slice %arg12[%dma_start3A_346, %dma_start3A_355, %dma_start3A_356] : memref<16x8x64xf32, #tpu.memory_space<vmem>> -> memref<1x8x64xf32, #tpu.memory_space<vmem>>
      %dma_start3A_358 = tpu.memref_squeeze %dma_start3A_357 : memref<1x8x64xf32, #tpu.memory_space<vmem>> -> memref<8x64xf32, #tpu.memory_space<vmem>>
      %dma_start3A_359 = arith.constant 0 : i32
      %dma_start3A_360 = arith.constant 0 : i32
      %dma_start3A_361 = tpu.memref_slice %arg5[%squeeze3A_345, %dma_start3A_359, %dma_start3A_360] : memref<125000x8x64xf32, #tpu.memory_space<hbm>> -> memref<1x8x64xf32, #tpu.memory_space<hbm>>
      %dma_start3A_362 = tpu.memref_squeeze %dma_start3A_361 : memref<1x8x64xf32, #tpu.memory_space<hbm>> -> memref<8x64xf32, #tpu.memory_space<hbm>>
      tpu.enqueue_dma source(%dma_start3A_362 : memref<8x64xf32, #tpu.memory_space<hbm>>) target(%dma_start3A_358 : memref<8x64xf32, #tpu.memory_space<vmem>>) target_semaphore(%arg18 : memref<!tpu.dma_semaphore, #tpu.memory_space<semaphore_mem>>)
      %slice3A_363 = vector.extract_strided_slice %shift_right_arithmetic3A_246 {offsets = [1], sizes = [1], strides = [1]} : vector<16xi32> to vector<1xi32>
      %squeeze3A_364 = vector.extract %slice3A_363[0] : i32 from vector<1xi32>
      %dma_start3A_365 = arith.constant 1 : i32
      %dma_start3A_366 = arith.constant 0 : i32
      %dma_start3A_367 = arith.constant 0 : i32
      %dma_start3A_368 = tpu.memref_slice %arg13[%dma_start3A_365, %dma_start3A_366, %dma_start3A_367] : memref<16x8x64xf32, #tpu.memory_space<vmem>> -> memref<1x8x64xf32, #tpu.memory_space<vmem>>
      %dma_start3A_369 = tpu.memref_squeeze %dma_start3A_368 : memref<1x8x64xf32, #tpu.memory_space<vmem>> -> memref<8x64xf32, #tpu.memory_space<vmem>>
      %dma_start3A_370 = arith.constant 0 : i32
      %dma_start3A_371 = arith.constant 0 : i32
      %dma_start3A_372 = tpu.memref_slice %arg5[%squeeze3A_364, %dma_start3A_370, %dma_start3A_371] : memref<125000x8x64xf32, #tpu.memory_space<hbm>> -> memref<1x8x64xf32, #tpu.memory_space<hbm>>
      %dma_start3A_373 = tpu.memref_squeeze %dma_start3A_372 : memref<1x8x64xf32, #tpu.memory_space<hbm>> -> memref<8x64xf32, #tpu.memory_space<hbm>>
      %dma_start3A_374 = arith.constant 0 : i32
      %dma_start3A_375 = arith.constant 0 : i32
      %dma_start3A_376 = tpu.memref_slice %arg13[%dma_start3A_365, %dma_start3A_374, %dma_start3A_375] : memref<16x8x64xf32, #tpu.memory_space<vmem>> -> memref<1x8x64xf32, #tpu.memory_space<vmem>>
      %dma_start3A_377 = tpu.memref_squeeze %dma_start3A_376 : memref<1x8x64xf32, #tpu.memory_space<vmem>> -> memref<8x64xf32, #tpu.memory_space<vmem>>
      %dma_start3A_378 = arith.constant 0 : i32
      %dma_start3A_379 = arith.constant 0 : i32
      %dma_start3A_380 = tpu.memref_slice %arg5[%squeeze3A_364, %dma_start3A_378, %dma_start3A_379] : memref<125000x8x64xf32, #tpu.memory_space<hbm>> -> memref<1x8x64xf32, #tpu.memory_space<hbm>>
      %dma_start3A_381 = tpu.memref_squeeze %dma_start3A_380 : memref<1x8x64xf32, #tpu.memory_space<hbm>> -> memref<8x64xf32, #tpu.memory_space<hbm>>
      tpu.enqueue_dma source(%dma_start3A_381 : memref<8x64xf32, #tpu.memory_space<hbm>>) target(%dma_start3A_377 : memref<8x64xf32, #tpu.memory_space<vmem>>) target_semaphore(%arg18 : memref<!tpu.dma_semaphore, #tpu.memory_space<semaphore_mem>>)
      %slice3A_382 = vector.extract_strided_slice %shift_right_arithmetic3A_255 {offsets = [1], sizes = [1], strides = [1]} : vector<16xi32> to vector<1xi32>
      %squeeze3A_383 = vector.extract %slice3A_382[0] : i32 from vector<1xi32>
      %dma_start3A_384 = arith.constant 1 : i32
      %dma_start3A_385 = arith.constant 0 : i32
      %dma_start3A_386 = arith.constant 0 : i32
      %dma_start3A_387 = tpu.memref_slice %arg14[%dma_start3A_384, %dma_start3A_385, %dma_start3A_386] : memref<16x8x64xf32, #tpu.memory_space<vmem>> -> memref<1x8x64xf32, #tpu.memory_space<vmem>>
      %dma_start3A_388 = tpu.memref_squeeze %dma_start3A_387 : memref<1x8x64xf32, #tpu.memory_space<vmem>> -> memref<8x64xf32, #tpu.memory_space<vmem>>
      %dma_start3A_389 = arith.constant 0 : i32
      %dma_start3A_390 = arith.constant 0 : i32
      %dma_start3A_391 = tpu.memref_slice %arg5[%squeeze3A_383, %dma_start3A_389, %dma_start3A_390] : memref<125000x8x64xf32, #tpu.memory_space<hbm>> -> memref<1x8x64xf32, #tpu.memory_space<hbm>>
      %dma_start3A_392 = tpu.memref_squeeze %dma_start3A_391 : memref<1x8x64xf32, #tpu.memory_space<hbm>> -> memref<8x64xf32, #tpu.memory_space<hbm>>
      %dma_start3A_393 = arith.constant 0 : i32
      %dma_start3A_394 = arith.constant 0 : i32
      %dma_start3A_395 = tpu.memref_slice %arg14[%dma_start3A_384, %dma_start3A_393, %dma_start3A_394] : memref<16x8x64xf32, #tpu.memory_space<vmem>> -> memref<1x8x64xf32, #tpu.memory_space<vmem>>
      %dma_start3A_396 = tpu.memref_squeeze %dma_start3A_395 : memref<1x8x64xf32, #tpu.memory_space<vmem>> -> memref<8x64xf32, #tpu.memory_space<vmem>>
      %dma_start3A_397 = arith.constant 0 : i32
      %dma_start3A_398 = arith.constant 0 : i32
      %dma_start3A_399 = tpu.memref_slice %arg5[%squeeze3A_383, %dma_start3A_397, %dma_start3A_398] : memref<125000x8x64xf32, #tpu.memory_space<hbm>> -> memref<1x8x64xf32, #tpu.memory_space<hbm>>
      %dma_start3A_400 = tpu.memref_squeeze %dma_start3A_399 : memref<1x8x64xf32, #tpu.memory_space<hbm>> -> memref<8x64xf32, #tpu.memory_space<hbm>>
      tpu.enqueue_dma source(%dma_start3A_400 : memref<8x64xf32, #tpu.memory_space<hbm>>) target(%dma_start3A_396 : memref<8x64xf32, #tpu.memory_space<vmem>>) target_semaphore(%arg18 : memref<!tpu.dma_semaphore, #tpu.memory_space<semaphore_mem>>)
      %slice3A_401 = vector.extract_strided_slice %shift_right_arithmetic3A_264 {offsets = [1], sizes = [1], strides = [1]} : vector<16xi32> to vector<1xi32>
      %squeeze3A_402 = vector.extract %slice3A_401[0] : i32 from vector<1xi32>
      %dma_start3A_403 = arith.constant 1 : i32
      %dma_start3A_404 = arith.constant 0 : i32
      %dma_start3A_405 = arith.constant 0 : i32
      %dma_start3A_406 = tpu.memref_slice %arg15[%dma_start3A_403, %dma_start3A_404, %dma_start3A_405] : memref<16x8x64xf32, #tpu.memory_space<vmem>> -> memref<1x8x64xf32, #tpu.memory_space<vmem>>
      %dma_start3A_407 = tpu.memref_squeeze %dma_start3A_406 : memref<1x8x64xf32, #tpu.memory_space<vmem>> -> memref<8x64xf32, #tpu.memory_space<vmem>>
      %dma_start3A_408 = arith.constant 0 : i32
      %dma_start3A_409 = arith.constant 0 : i32
      %dma_start3A_410 = tpu.memref_slice %arg5[%squeeze3A_402, %dma_start3A_408, %dma_start3A_409] : memref<125000x8x64xf32, #tpu.memory_space<hbm>> -> memref<1x8x64xf32, #tpu.memory_space<hbm>>
      %dma_start3A_411 = tpu.memref_squeeze %dma_start3A_410 : memref<1x8x64xf32, #tpu.memory_space<hbm>> -> memref<8x64xf32, #tpu.memory_space<hbm>>
      %dma_start3A_412 = arith.constant 0 : i32
      %dma_start3A_413 = arith.constant 0 : i32
      %dma_start3A_414 = tpu.memref_slice %arg15[%dma_start3A_403, %dma_start3A_412, %dma_start3A_413] : memref<16x8x64xf32, #tpu.memory_space<vmem>> -> memref<1x8x64xf32, #tpu.memory_space<vmem>>
      %dma_start3A_415 = tpu.memref_squeeze %dma_start3A_414 : memref<1x8x64xf32, #tpu.memory_space<vmem>> -> memref<8x64xf32, #tpu.memory_space<vmem>>
      %dma_start3A_416 = arith.constant 0 : i32
      %dma_start3A_417 = arith.constant 0 : i32
      %dma_start3A_418 = tpu.memref_slice %arg5[%squeeze3A_402, %dma_start3A_416, %dma_start3A_417] : memref<125000x8x64xf32, #tpu.memory_space<hbm>> -> memref<1x8x64xf32, #tpu.memory_space<hbm>>
      %dma_start3A_419 = tpu.memref_squeeze %dma_start3A_418 : memref<1x8x64xf32, #tpu.memory_space<hbm>> -> memref<8x64xf32, #tpu.memory_space<hbm>>
      tpu.enqueue_dma source(%dma_start3A_419 : memref<8x64xf32, #tpu.memory_space<hbm>>) target(%dma_start3A_415 : memref<8x64xf32, #tpu.memory_space<vmem>>) target_semaphore(%arg18 : memref<!tpu.dma_semaphore, #tpu.memory_space<semaphore_mem>>)
      %slice3A_420 = vector.extract_strided_slice %shift_right_arithmetic3A_239 {offsets = [2], sizes = [1], strides = [1]} : vector<16xi32> to vector<1xi32>
      %squeeze3A_421 = vector.extract %slice3A_420[0] : i32 from vector<1xi32>
      %dma_start3A_422 = arith.constant 2 : i32
      %dma_start3A_423 = arith.constant 0 : i32
      %dma_start3A_424 = arith.constant 0 : i32
      %dma_start3A_425 = tpu.memref_slice %arg12[%dma_start3A_422, %dma_start3A_423, %dma_start3A_424] : memref<16x8x64xf32, #tpu.memory_space<vmem>> -> memref<1x8x64xf32, #tpu.memory_space<vmem>>
      %dma_start3A_426 = tpu.memref_squeeze %dma_start3A_425 : memref<1x8x64xf32, #tpu.memory_space<vmem>> -> memref<8x64xf32, #tpu.memory_space<vmem>>
      %dma_start3A_427 = arith.constant 0 : i32
      %dma_start3A_428 = arith.constant 0 : i32
      %dma_start3A_429 = tpu.memref_slice %arg5[%squeeze3A_421, %dma_start3A_427, %dma_start3A_428] : memref<125000x8x64xf32, #tpu.memory_space<hbm>> -> memref<1x8x64xf32, #tpu.memory_space<hbm>>
      %dma_start3A_430 = tpu.memref_squeeze %dma_start3A_429 : memref<1x8x64xf32, #tpu.memory_space<hbm>> -> memref<8x64xf32, #tpu.memory_space<hbm>>
      %dma_start3A_431 = arith.constant 0 : i32
      %dma_start3A_432 = arith.constant 0 : i32
      %dma_start3A_433 = tpu.memref_slice %arg12[%dma_start3A_422, %dma_start3A_431, %dma_start3A_432] : memref<16x8x64xf32, #tpu.memory_space<vmem>> -> memref<1x8x64xf32, #tpu.memory_space<vmem>>
      %dma_start3A_434 = tpu.memref_squeeze %dma_start3A_433 : memref<1x8x64xf32, #tpu.memory_space<vmem>> -> memref<8x64xf32, #tpu.memory_space<vmem>>
      %dma_start3A_435 = arith.constant 0 : i32
      %dma_start3A_436 = arith.constant 0 : i32
      %dma_start3A_437 = tpu.memref_slice %arg5[%squeeze3A_421, %dma_start3A_435, %dma_start3A_436] : memref<125000x8x64xf32, #tpu.memory_space<hbm>> -> memref<1x8x64xf32, #tpu.memory_space<hbm>>
      %dma_start3A_438 = tpu.memref_squeeze %dma_start3A_437 : memref<1x8x64xf32, #tpu.memory_space<hbm>> -> memref<8x64xf32, #tpu.memory_space<hbm>>
      tpu.enqueue_dma source(%dma_start3A_438 : memref<8x64xf32, #tpu.memory_space<hbm>>) target(%dma_start3A_434 : memref<8x64xf32, #tpu.memory_space<vmem>>) target_semaphore(%arg18 : memref<!tpu.dma_semaphore, #tpu.memory_space<semaphore_mem>>)
      %slice3A_439 = vector.extract_strided_slice %shift_right_arithmetic3A_246 {offsets = [2], sizes = [1], strides = [1]} : vector<16xi32> to vector<1xi32>
      %squeeze3A_440 = vector.extract %slice3A_439[0] : i32 from vector<1xi32>
      %dma_start3A_441 = arith.constant 2 : i32
      %dma_start3A_442 = arith.constant 0 : i32
      %dma_start3A_443 = arith.constant 0 : i32
      %dma_start3A_444 = tpu.memref_slice %arg13[%dma_start3A_441, %dma_start3A_442, %dma_start3A_443] : memref<16x8x64xf32, #tpu.memory_space<vmem>> -> memref<1x8x64xf32, #tpu.memory_space<vmem>>
      %dma_start3A_445 = tpu.memref_squeeze %dma_start3A_444 : memref<1x8x64xf32, #tpu.memory_space<vmem>> -> memref<8x64xf32, #tpu.memory_space<vmem>>
      %dma_start3A_446 = arith.constant 0 : i32
      %dma_start3A_447 = arith.constant 0 : i32
      %dma_start3A_448 = tpu.memref_slice %arg5[%squeeze3A_440, %dma_start3A_446, %dma_start3A_447] : memref<125000x8x64xf32, #tpu.memory_space<hbm>> -> memref<1x8x64xf32, #tpu.memory_space<hbm>>
      %dma_start3A_449 = tpu.memref_squeeze %dma_start3A_448 : memref<1x8x64xf32, #tpu.memory_space<hbm>> -> memref<8x64xf32, #tpu.memory_space<hbm>>
      %dma_start3A_450 = arith.constant 0 : i32
      %dma_start3A_451 = arith.constant 0 : i32
      %dma_start3A_452 = tpu.memref_slice %arg13[%dma_start3A_441, %dma_start3A_450, %dma_start3A_451] : memref<16x8x64xf32, #tpu.memory_space<vmem>> -> memref<1x8x64xf32, #tpu.memory_space<vmem>>
      %dma_start3A_453 = tpu.memref_squeeze %dma_start3A_452 : memref<1x8x64xf32, #tpu.memory_space<vmem>> -> memref<8x64xf32, #tpu.memory_space<vmem>>
      %dma_start3A_454 = arith.constant 0 : i32
      %dma_start3A_455 = arith.constant 0 : i32
      %dma_start3A_456 = tpu.memref_slice %arg5[%squeeze3A_440, %dma_start3A_454, %dma_start3A_455] : memref<125000x8x64xf32, #tpu.memory_space<hbm>> -> memref<1x8x64xf32, #tpu.memory_space<hbm>>
      %dma_start3A_457 = tpu.memref_squeeze %dma_start3A_456 : memref<1x8x64xf32, #tpu.memory_space<hbm>> -> memref<8x64xf32, #tpu.memory_space<hbm>>
      tpu.enqueue_dma source(%dma_start3A_457 : memref<8x64xf32, #tpu.memory_space<hbm>>) target(%dma_start3A_453 : memref<8x64xf32, #tpu.memory_space<vmem>>) target_semaphore(%arg18 : memref<!tpu.dma_semaphore, #tpu.memory_space<semaphore_mem>>)
      %slice3A_458 = vector.extract_strided_slice %shift_right_arithmetic3A_255 {offsets = [2], sizes = [1], strides = [1]} : vector<16xi32> to vector<1xi32>
      %squeeze3A_459 = vector.extract %slice3A_458[0] : i32 from vector<1xi32>
      %dma_start3A_460 = arith.constant 2 : i32
      %dma_start3A_461 = arith.constant 0 : i32
      %dma_start3A_462 = arith.constant 0 : i32
      %dma_start3A_463 = tpu.memref_slice %arg14[%dma_start3A_460, %dma_start3A_461, %dma_start3A_462] : memref<16x8x64xf32, #tpu.memory_space<vmem>> -> memref<1x8x64xf32, #tpu.memory_space<vmem>>
      %dma_start3A_464 = tpu.memref_squeeze %dma_start3A_463 : memref<1x8x64xf32, #tpu.memory_space<vmem>> -> memref<8x64xf32, #tpu.memory_space<vmem>>
      %dma_start3A_465 = arith.constant 0 : i32
      %dma_start3A_466 = arith.constant 0 : i32
      %dma_start3A_467 = tpu.memref_slice %arg5[%squeeze3A_459, %dma_start3A_465, %dma_start3A_466] : memref<125000x8x64xf32, #tpu.memory_space<hbm>> -> memref<1x8x64xf32, #tpu.memory_space<hbm>>
      %dma_start3A_468 = tpu.memref_squeeze %dma_start3A_467 : memref<1x8x64xf32, #tpu.memory_space<hbm>> -> memref<8x64xf32, #tpu.memory_space<hbm>>
      %dma_start3A_469 = arith.constant 0 : i32
      %dma_start3A_470 = arith.constant 0 : i32
      %dma_start3A_471 = tpu.memref_slice %arg14[%dma_start3A_460, %dma_start3A_469, %dma_start3A_470] : memref<16x8x64xf32, #tpu.memory_space<vmem>> -> memref<1x8x64xf32, #tpu.memory_space<vmem>>
      %dma_start3A_472 = tpu.memref_squeeze %dma_start3A_471 : memref<1x8x64xf32, #tpu.memory_space<vmem>> -> memref<8x64xf32, #tpu.memory_space<vmem>>
      %dma_start3A_473 = arith.constant 0 : i32
      %dma_start3A_474 = arith.constant 0 : i32
      %dma_start3A_475 = tpu.memref_slice %arg5[%squeeze3A_459, %dma_start3A_473, %dma_start3A_474] : memref<125000x8x64xf32, #tpu.memory_space<hbm>> -> memref<1x8x64xf32, #tpu.memory_space<hbm>>
      %dma_start3A_476 = tpu.memref_squeeze %dma_start3A_475 : memref<1x8x64xf32, #tpu.memory_space<hbm>> -> memref<8x64xf32, #tpu.memory_space<hbm>>
      tpu.enqueue_dma source(%dma_start3A_476 : memref<8x64xf32, #tpu.memory_space<hbm>>) target(%dma_start3A_472 : memref<8x64xf32, #tpu.memory_space<vmem>>) target_semaphore(%arg18 : memref<!tpu.dma_semaphore, #tpu.memory_space<semaphore_mem>>)
      %slice3A_477 = vector.extract_strided_slice %shift_right_arithmetic3A_264 {offsets = [2], sizes = [1], strides = [1]} : vector<16xi32> to vector<1xi32>
      %squeeze3A_478 = vector.extract %slice3A_477[0] : i32 from vector<1xi32>
      %dma_start3A_479 = arith.constant 2 : i32
      %dma_start3A_480 = arith.constant 0 : i32
      %dma_start3A_481 = arith.constant 0 : i32
      %dma_start3A_482 = tpu.memref_slice %arg15[%dma_start3A_479, %dma_start3A_480, %dma_start3A_481] : memref<16x8x64xf32, #tpu.memory_space<vmem>> -> memref<1x8x64xf32, #tpu.memory_space<vmem>>
      %dma_start3A_483 = tpu.memref_squeeze %dma_start3A_482 : memref<1x8x64xf32, #tpu.memory_space<vmem>> -> memref<8x64xf32, #tpu.memory_space<vmem>>
      %dma_start3A_484 = arith.constant 0 : i32
      %dma_start3A_485 = arith.constant 0 : i32
      %dma_start3A_486 = tpu.memref_slice %arg5[%squeeze3A_478, %dma_start3A_484, %dma_start3A_485] : memref<125000x8x64xf32, #tpu.memory_space<hbm>> -> memref<1x8x64xf32, #tpu.memory_space<hbm>>
      %dma_start3A_487 = tpu.memref_squeeze %dma_start3A_486 : memref<1x8x64xf32, #tpu.memory_space<hbm>> -> memref<8x64xf32, #tpu.memory_space<hbm>>
      %dma_start3A_488 = arith.constant 0 : i32
      %dma_start3A_489 = arith.constant 0 : i32
      %dma_start3A_490 = tpu.memref_slice %arg15[%dma_start3A_479, %dma_start3A_488, %dma_start3A_489] : memref<16x8x64xf32, #tpu.memory_space<vmem>> -> memref<1x8x64xf32, #tpu.memory_space<vmem>>
      %dma_start3A_491 = tpu.memref_squeeze %dma_start3A_490 : memref<1x8x64xf32, #tpu.memory_space<vmem>> -> memref<8x64xf32, #tpu.memory_space<vmem>>
      %dma_start3A_492 = arith.constant 0 : i32
      %dma_start3A_493 = arith.constant 0 : i32
      %dma_start3A_494 = tpu.memref_slice %arg5[%squeeze3A_478, %dma_start3A_492, %dma_start3A_493] : memref<125000x8x64xf32, #tpu.memory_space<hbm>> -> memref<1x8x64xf32, #tpu.memory_space<hbm>>
      %dma_start3A_495 = tpu.memref_squeeze %dma_start3A_494 : memref<1x8x64xf32, #tpu.memory_space<hbm>> -> memref<8x64xf32, #tpu.memory_space<hbm>>
      tpu.enqueue_dma source(%dma_start3A_495 : memref<8x64xf32, #tpu.memory_space<hbm>>) target(%dma_start3A_491 : memref<8x64xf32, #tpu.memory_space<vmem>>) target_semaphore(%arg18 : memref<!tpu.dma_semaphore, #tpu.memory_space<semaphore_mem>>)
      %slice3A_496 = vector.extract_strided_slice %shift_right_arithmetic3A_239 {offsets = [3], sizes = [1], strides = [1]} : vector<16xi32> to vector<1xi32>
      %squeeze3A_497 = vector.extract %slice3A_496[0] : i32 from vector<1xi32>
      %dma_start3A_498 = arith.constant 3 : i32
      %dma_start3A_499 = arith.constant 0 : i32
      %dma_start3A_500 = arith.constant 0 : i32
      %dma_start3A_501 = tpu.memref_slice %arg12[%dma_start3A_498, %dma_start3A_499, %dma_start3A_500] : memref<16x8x64xf32, #tpu.memory_space<vmem>> -> memref<1x8x64xf32, #tpu.memory_space<vmem>>
      %dma_start3A_502 = tpu.memref_squeeze %dma_start3A_501 : memref<1x8x64xf32, #tpu.memory_space<vmem>> -> memref<8x64xf32, #tpu.memory_space<vmem>>
      %dma_start3A_503 = arith.constant 0 : i32
      %dma_start3A_504 = arith.constant 0 : i32
      %dma_start3A_505 = tpu.memref_slice %arg5[%squeeze3A_497, %dma_start3A_503, %dma_start3A_504] : memref<125000x8x64xf32, #tpu.memory_space<hbm>> -> memref<1x8x64xf32, #tpu.memory_space<hbm>>
      %dma_start3A_506 = tpu.memref_squeeze %dma_start3A_505 : memref<1x8x64xf32, #tpu.memory_space<hbm>> -> memref<8x64xf32, #tpu.memory_space<hbm>>
      %dma_start3A_507 = arith.constant 0 : i32
      %dma_start3A_508 = arith.constant 0 : i32
      %dma_start3A_509 = tpu.memref_slice %arg12[%dma_start3A_498, %dma_start3A_507, %dma_start3A_508] : memref<16x8x64xf32, #tpu.memory_space<vmem>> -> memref<1x8x64xf32, #tpu.memory_space<vmem>>
      %dma_start3A_510 = tpu.memref_squeeze %dma_start3A_509 : memref<1x8x64xf32, #tpu.memory_space<vmem>> -> memref<8x64xf32, #tpu.memory_space<vmem>>
      %dma_start3A_511 = arith.constant 0 : i32
      %dma_start3A_512 = arith.constant 0 : i32
      %dma_start3A_513 = tpu.memref_slice %arg5[%squeeze3A_497, %dma_start3A_511, %dma_start3A_512] : memref<125000x8x64xf32, #tpu.memory_space<hbm>> -> memref<1x8x64xf32, #tpu.memory_space<hbm>>
      %dma_start3A_514 = tpu.memref_squeeze %dma_start3A_513 : memref<1x8x64xf32, #tpu.memory_space<hbm>> -> memref<8x64xf32, #tpu.memory_space<hbm>>
      tpu.enqueue_dma source(%dma_start3A_514 : memref<8x64xf32, #tpu.memory_space<hbm>>) target(%dma_start3A_510 : memref<8x64xf32, #tpu.memory_space<vmem>>) target_semaphore(%arg18 : memref<!tpu.dma_semaphore, #tpu.memory_space<semaphore_mem>>)
      %slice3A_515 = vector.extract_strided_slice %shift_right_arithmetic3A_246 {offsets = [3], sizes = [1], strides = [1]} : vector<16xi32> to vector<1xi32>
      %squeeze3A_516 = vector.extract %slice3A_515[0] : i32 from vector<1xi32>
      %dma_start3A_517 = arith.constant 3 : i32
      %dma_start3A_518 = arith.constant 0 : i32
      %dma_start3A_519 = arith.constant 0 : i32
      %dma_start3A_520 = tpu.memref_slice %arg13[%dma_start3A_517, %dma_start3A_518, %dma_start3A_519] : memref<16x8x64xf32, #tpu.memory_space<vmem>> -> memref<1x8x64xf32, #tpu.memory_space<vmem>>
      %dma_start3A_521 = tpu.memref_squeeze %dma_start3A_520 : memref<1x8x64xf32, #tpu.memory_space<vmem>> -> memref<8x64xf32, #tpu.memory_space<vmem>>
      %dma_start3A_522 = arith.constant 0 : i32
      %dma_start3A_523 = arith.constant 0 : i32
      %dma_start3A_524 = tpu.memref_slice %arg5[%squeeze3A_516, %dma_start3A_522, %dma_start3A_523] : memref<125000x8x64xf32, #tpu.memory_space<hbm>> -> memref<1x8x64xf32, #tpu.memory_space<hbm>>
      %dma_start3A_525 = tpu.memref_squeeze %dma_start3A_524 : memref<1x8x64xf32, #tpu.memory_space<hbm>> -> memref<8x64xf32, #tpu.memory_space<hbm>>
      %dma_start3A_526 = arith.constant 0 : i32
      %dma_start3A_527 = arith.constant 0 : i32
      %dma_start3A_528 = tpu.memref_slice %arg13[%dma_start3A_517, %dma_start3A_526, %dma_start3A_527] : memref<16x8x64xf32, #tpu.memory_space<vmem>> -> memref<1x8x64xf32, #tpu.memory_space<vmem>>
      %dma_start3A_529 = tpu.memref_squeeze %dma_start3A_528 : memref<1x8x64xf32, #tpu.memory_space<vmem>> -> memref<8x64xf32, #tpu.memory_space<vmem>>
      %dma_start3A_530 = arith.constant 0 : i32
      %dma_start3A_531 = arith.constant 0 : i32
      %dma_start3A_532 = tpu.memref_slice %arg5[%squeeze3A_516, %dma_start3A_530, %dma_start3A_531] : memref<125000x8x64xf32, #tpu.memory_space<hbm>> -> memref<1x8x64xf32, #tpu.memory_space<hbm>>
      %dma_start3A_533 = tpu.memref_squeeze %dma_start3A_532 : memref<1x8x64xf32, #tpu.memory_space<hbm>> -> memref<8x64xf32, #tpu.memory_space<hbm>>
      tpu.enqueue_dma source(%dma_start3A_533 : memref<8x64xf32, #tpu.memory_space<hbm>>) target(%dma_start3A_529 : memref<8x64xf32, #tpu.memory_space<vmem>>) target_semaphore(%arg18 : memref<!tpu.dma_semaphore, #tpu.memory_space<semaphore_mem>>)
      %slice3A_534 = vector.extract_strided_slice %shift_right_arithmetic3A_255 {offsets = [3], sizes = [1], strides = [1]} : vector<16xi32> to vector<1xi32>
      %squeeze3A_535 = vector.extract %slice3A_534[0] : i32 from vector<1xi32>
      %dma_start3A_536 = arith.constant 3 : i32
      %dma_start3A_537 = arith.constant 0 : i32
      %dma_start3A_538 = arith.constant 0 : i32
      %dma_start3A_539 = tpu.memref_slice %arg14[%dma_start3A_536, %dma_start3A_537, %dma_start3A_538] : memref<16x8x64xf32, #tpu.memory_space<vmem>> -> memref<1x8x64xf32, #tpu.memory_space<vmem>>
      %dma_start3A_540 = tpu.memref_squeeze %dma_start3A_539 : memref<1x8x64xf32, #tpu.memory_space<vmem>> -> memref<8x64xf32, #tpu.memory_space<vmem>>
      %dma_start3A_541 = arith.constant 0 : i32
      %dma_start3A_542 = arith.constant 0 : i32
      %dma_start3A_543 = tpu.memref_slice %arg5[%squeeze3A_535, %dma_start3A_541, %dma_start3A_542] : memref<125000x8x64xf32, #tpu.memory_space<hbm>> -> memref<1x8x64xf32, #tpu.memory_space<hbm>>
      %dma_start3A_544 = tpu.memref_squeeze %dma_start3A_543 : memref<1x8x64xf32, #tpu.memory_space<hbm>> -> memref<8x64xf32, #tpu.memory_space<hbm>>
      %dma_start3A_545 = arith.constant 0 : i32
      %dma_start3A_546 = arith.constant 0 : i32
      %dma_start3A_547 = tpu.memref_slice %arg14[%dma_start3A_536, %dma_start3A_545, %dma_start3A_546] : memref<16x8x64xf32, #tpu.memory_space<vmem>> -> memref<1x8x64xf32, #tpu.memory_space<vmem>>
      %dma_start3A_548 = tpu.memref_squeeze %dma_start3A_547 : memref<1x8x64xf32, #tpu.memory_space<vmem>> -> memref<8x64xf32, #tpu.memory_space<vmem>>
      %dma_start3A_549 = arith.constant 0 : i32
      %dma_start3A_550 = arith.constant 0 : i32
      %dma_start3A_551 = tpu.memref_slice %arg5[%squeeze3A_535, %dma_start3A_549, %dma_start3A_550] : memref<125000x8x64xf32, #tpu.memory_space<hbm>> -> memref<1x8x64xf32, #tpu.memory_space<hbm>>
      %dma_start3A_552 = tpu.memref_squeeze %dma_start3A_551 : memref<1x8x64xf32, #tpu.memory_space<hbm>> -> memref<8x64xf32, #tpu.memory_space<hbm>>
      tpu.enqueue_dma source(%dma_start3A_552 : memref<8x64xf32, #tpu.memory_space<hbm>>) target(%dma_start3A_548 : memref<8x64xf32, #tpu.memory_space<vmem>>) target_semaphore(%arg18 : memref<!tpu.dma_semaphore, #tpu.memory_space<semaphore_mem>>)
      %slice3A_553 = vector.extract_strided_slice %shift_right_arithmetic3A_264 {offsets = [3], sizes = [1], strides = [1]} : vector<16xi32> to vector<1xi32>
      %squeeze3A_554 = vector.extract %slice3A_553[0] : i32 from vector<1xi32>
      %dma_start3A_555 = arith.constant 3 : i32
      %dma_start3A_556 = arith.constant 0 : i32
      %dma_start3A_557 = arith.constant 0 : i32
      %dma_start3A_558 = tpu.memref_slice %arg15[%dma_start3A_555, %dma_start3A_556, %dma_start3A_557] : memref<16x8x64xf32, #tpu.memory_space<vmem>> -> memref<1x8x64xf32, #tpu.memory_space<vmem>>
      %dma_start3A_559 = tpu.memref_squeeze %dma_start3A_558 : memref<1x8x64xf32, #tpu.memory_space<vmem>> -> memref<8x64xf32, #tpu.memory_space<vmem>>
      %dma_start3A_560 = arith.constant 0 : i32
      %dma_start3A_561 = arith.constant 0 : i32
      %dma_start3A_562 = tpu.memref_slice %arg5[%squeeze3A_554, %dma_start3A_560, %dma_start3A_561] : memref<125000x8x64xf32, #tpu.memory_space<hbm>> -> memref<1x8x64xf32, #tpu.memory_space<hbm>>
      %dma_start3A_563 = tpu.memref_squeeze %dma_start3A_562 : memref<1x8x64xf32, #tpu.memory_space<hbm>> -> memref<8x64xf32, #tpu.memory_space<hbm>>
      %dma_start3A_564 = arith.constant 0 : i32
      %dma_start3A_565 = arith.constant 0 : i32
      %dma_start3A_566 = tpu.memref_slice %arg15[%dma_start3A_555, %dma_start3A_564, %dma_start3A_565] : memref<16x8x64xf32, #tpu.memory_space<vmem>> -> memref<1x8x64xf32, #tpu.memory_space<vmem>>
      %dma_start3A_567 = tpu.memref_squeeze %dma_start3A_566 : memref<1x8x64xf32, #tpu.memory_space<vmem>> -> memref<8x64xf32, #tpu.memory_space<vmem>>
      %dma_start3A_568 = arith.constant 0 : i32
      %dma_start3A_569 = arith.constant 0 : i32
      %dma_start3A_570 = tpu.memref_slice %arg5[%squeeze3A_554, %dma_start3A_568, %dma_start3A_569] : memref<125000x8x64xf32, #tpu.memory_space<hbm>> -> memref<1x8x64xf32, #tpu.memory_space<hbm>>
      %dma_start3A_571 = tpu.memref_squeeze %dma_start3A_570 : memref<1x8x64xf32, #tpu.memory_space<hbm>> -> memref<8x64xf32, #tpu.memory_space<hbm>>
      tpu.enqueue_dma source(%dma_start3A_571 : memref<8x64xf32, #tpu.memory_space<hbm>>) target(%dma_start3A_567 : memref<8x64xf32, #tpu.memory_space<vmem>>) target_semaphore(%arg18 : memref<!tpu.dma_semaphore, #tpu.memory_space<semaphore_mem>>)
      %slice3A_572 = vector.extract_strided_slice %shift_right_arithmetic3A_239 {offsets = [4], sizes = [1], strides = [1]} : vector<16xi32> to vector<1xi32>
      %squeeze3A_573 = vector.extract %slice3A_572[0] : i32 from vector<1xi32>
      %dma_start3A_574 = arith.constant 4 : i32
      %dma_start3A_575 = arith.constant 0 : i32
      %dma_start3A_576 = arith.constant 0 : i32
      %dma_start3A_577 = tpu.memref_slice %arg12[%dma_start3A_574, %dma_start3A_575, %dma_start3A_576] : memref<16x8x64xf32, #tpu.memory_space<vmem>> -> memref<1x8x64xf32, #tpu.memory_space<vmem>>
      %dma_start3A_578 = tpu.memref_squeeze %dma_start3A_577 : memref<1x8x64xf32, #tpu.memory_space<vmem>> -> memref<8x64xf32, #tpu.memory_space<vmem>>
      %dma_start3A_579 = arith.constant 0 : i32
      %dma_start3A_580 = arith.constant 0 : i32
      %dma_start3A_581 = tpu.memref_slice %arg5[%squeeze3A_573, %dma_start3A_579, %dma_start3A_580] : memref<125000x8x64xf32, #tpu.memory_space<hbm>> -> memref<1x8x64xf32, #tpu.memory_space<hbm>>
      %dma_start3A_582 = tpu.memref_squeeze %dma_start3A_581 : memref<1x8x64xf32, #tpu.memory_space<hbm>> -> memref<8x64xf32, #tpu.memory_space<hbm>>
      %dma_start3A_583 = arith.constant 0 : i32
      %dma_start3A_584 = arith.constant 0 : i32
      %dma_start3A_585 = tpu.memref_slice %arg12[%dma_start3A_574, %dma_start3A_583, %dma_start3A_584] : memref<16x8x64xf32, #tpu.memory_space<vmem>> -> memref<1x8x64xf32, #tpu.memory_space<vmem>>
      %dma_start3A_586 = tpu.memref_squeeze %dma_start3A_585 : memref<1x8x64xf32, #tpu.memory_space<vmem>> -> memref<8x64xf32, #tpu.memory_space<vmem>>
      %dma_start3A_587 = arith.constant 0 : i32
      %dma_start3A_588 = arith.constant 0 : i32
      %dma_start3A_589 = tpu.memref_slice %arg5[%squeeze3A_573, %dma_start3A_587, %dma_start3A_588] : memref<125000x8x64xf32, #tpu.memory_space<hbm>> -> memref<1x8x64xf32, #tpu.memory_space<hbm>>
      %dma_start3A_590 = tpu.memref_squeeze %dma_start3A_589 : memref<1x8x64xf32, #tpu.memory_space<hbm>> -> memref<8x64xf32, #tpu.memory_space<hbm>>
      tpu.enqueue_dma source(%dma_start3A_590 : memref<8x64xf32, #tpu.memory_space<hbm>>) target(%dma_start3A_586 : memref<8x64xf32, #tpu.memory_space<vmem>>) target_semaphore(%arg18 : memref<!tpu.dma_semaphore, #tpu.memory_space<semaphore_mem>>)
      %slice3A_591 = vector.extract_strided_slice %shift_right_arithmetic3A_246 {offsets = [4], sizes = [1], strides = [1]} : vector<16xi32> to vector<1xi32>
      %squeeze3A_592 = vector.extract %slice3A_591[0] : i32 from vector<1xi32>
      %dma_start3A_593 = arith.constant 4 : i32
      %dma_start3A_594 = arith.constant 0 : i32
      %dma_start3A_595 = arith.constant 0 : i32
      %dma_start3A_596 = tpu.memref_slice %arg13[%dma_start3A_593, %dma_start3A_594, %dma_start3A_595] : memref<16x8x64xf32, #tpu.memory_space<vmem>> -> memref<1x8x64xf32, #tpu.memory_space<vmem>>
      %dma_start3A_597 = tpu.memref_squeeze %dma_start3A_596 : memref<1x8x64xf32, #tpu.memory_space<vmem>> -> memref<8x64xf32, #tpu.memory_space<vmem>>
      %dma_start3A_598 = arith.constant 0 : i32
      %dma_start3A_599 = arith.constant 0 : i32
      %dma_start3A_600 = tpu.memref_slice %arg5[%squeeze3A_592, %dma_start3A_598, %dma_start3A_599] : memref<125000x8x64xf32, #tpu.memory_space<hbm>> -> memref<1x8x64xf32, #tpu.memory_space<hbm>>
      %dma_start3A_601 = tpu.memref_squeeze %dma_start3A_600 : memref<1x8x64xf32, #tpu.memory_space<hbm>> -> memref<8x64xf32, #tpu.memory_space<hbm>>
      %dma_start3A_602 = arith.constant 0 : i32
      %dma_start3A_603 = arith.constant 0 : i32
      %dma_start3A_604 = tpu.memref_slice %arg13[%dma_start3A_593, %dma_start3A_602, %dma_start3A_603] : memref<16x8x64xf32, #tpu.memory_space<vmem>> -> memref<1x8x64xf32, #tpu.memory_space<vmem>>
      %dma_start3A_605 = tpu.memref_squeeze %dma_start3A_604 : memref<1x8x64xf32, #tpu.memory_space<vmem>> -> memref<8x64xf32, #tpu.memory_space<vmem>>
      %dma_start3A_606 = arith.constant 0 : i32
      %dma_start3A_607 = arith.constant 0 : i32
      %dma_start3A_608 = tpu.memref_slice %arg5[%squeeze3A_592, %dma_start3A_606, %dma_start3A_607] : memref<125000x8x64xf32, #tpu.memory_space<hbm>> -> memref<1x8x64xf32, #tpu.memory_space<hbm>>
      %dma_start3A_609 = tpu.memref_squeeze %dma_start3A_608 : memref<1x8x64xf32, #tpu.memory_space<hbm>> -> memref<8x64xf32, #tpu.memory_space<hbm>>
      tpu.enqueue_dma source(%dma_start3A_609 : memref<8x64xf32, #tpu.memory_space<hbm>>) target(%dma_start3A_605 : memref<8x64xf32, #tpu.memory_space<vmem>>) target_semaphore(%arg18 : memref<!tpu.dma_semaphore, #tpu.memory_space<semaphore_mem>>)
      %slice3A_610 = vector.extract_strided_slice %shift_right_arithmetic3A_255 {offsets = [4], sizes = [1], strides = [1]} : vector<16xi32> to vector<1xi32>
      %squeeze3A_611 = vector.extract %slice3A_610[0] : i32 from vector<1xi32>
      %dma_start3A_612 = arith.constant 4 : i32
      %dma_start3A_613 = arith.constant 0 : i32
      %dma_start3A_614 = arith.constant 0 : i32
      %dma_start3A_615 = tpu.memref_slice %arg14[%dma_start3A_612, %dma_start3A_613, %dma_start3A_614] : memref<16x8x64xf32, #tpu.memory_space<vmem>> -> memref<1x8x64xf32, #tpu.memory_space<vmem>>
      %dma_start3A_616 = tpu.memref_squeeze %dma_start3A_615 : memref<1x8x64xf32, #tpu.memory_space<vmem>> -> memref<8x64xf32, #tpu.memory_space<vmem>>
      %dma_start3A_617 = arith.constant 0 : i32
      %dma_start3A_618 = arith.constant 0 : i32
      %dma_start3A_619 = tpu.memref_slice %arg5[%squeeze3A_611, %dma_start3A_617, %dma_start3A_618] : memref<125000x8x64xf32, #tpu.memory_space<hbm>> -> memref<1x8x64xf32, #tpu.memory_space<hbm>>
      %dma_start3A_620 = tpu.memref_squeeze %dma_start3A_619 : memref<1x8x64xf32, #tpu.memory_space<hbm>> -> memref<8x64xf32, #tpu.memory_space<hbm>>
      %dma_start3A_621 = arith.constant 0 : i32
      %dma_start3A_622 = arith.constant 0 : i32
      %dma_start3A_623 = tpu.memref_slice %arg14[%dma_start3A_612, %dma_start3A_621, %dma_start3A_622] : memref<16x8x64xf32, #tpu.memory_space<vmem>> -> memref<1x8x64xf32, #tpu.memory_space<vmem>>
      %dma_start3A_624 = tpu.memref_squeeze %dma_start3A_623 : memref<1x8x64xf32, #tpu.memory_space<vmem>> -> memref<8x64xf32, #tpu.memory_space<vmem>>
      %dma_start3A_625 = arith.constant 0 : i32
      %dma_start3A_626 = arith.constant 0 : i32
      %dma_start3A_627 = tpu.memref_slice %arg5[%squeeze3A_611, %dma_start3A_625, %dma_start3A_626] : memref<125000x8x64xf32, #tpu.memory_space<hbm>> -> memref<1x8x64xf32, #tpu.memory_space<hbm>>
      %dma_start3A_628 = tpu.memref_squeeze %dma_start3A_627 : memref<1x8x64xf32, #tpu.memory_space<hbm>> -> memref<8x64xf32, #tpu.memory_space<hbm>>
      tpu.enqueue_dma source(%dma_start3A_628 : memref<8x64xf32, #tpu.memory_space<hbm>>) target(%dma_start3A_624 : memref<8x64xf32, #tpu.memory_space<vmem>>) target_semaphore(%arg18 : memref<!tpu.dma_semaphore, #tpu.memory_space<semaphore_mem>>)
      %slice3A_629 = vector.extract_strided_slice %shift_right_arithmetic3A_264 {offsets = [4], sizes = [1], strides = [1]} : vector<16xi32> to vector<1xi32>
      %squeeze3A_630 = vector.extract %slice3A_629[0] : i32 from vector<1xi32>
      %dma_start3A_631 = arith.constant 4 : i32
      %dma_start3A_632 = arith.constant 0 : i32
      %dma_start3A_633 = arith.constant 0 : i32
      %dma_start3A_634 = tpu.memref_slice %arg15[%dma_start3A_631, %dma_start3A_632, %dma_start3A_633] : memref<16x8x64xf32, #tpu.memory_space<vmem>> -> memref<1x8x64xf32, #tpu.memory_space<vmem>>
      %dma_start3A_635 = tpu.memref_squeeze %dma_start3A_634 : memref<1x8x64xf32, #tpu.memory_space<vmem>> -> memref<8x64xf32, #tpu.memory_space<vmem>>
      %dma_start3A_636 = arith.constant 0 : i32
      %dma_start3A_637 = arith.constant 0 : i32
      %dma_start3A_638 = tpu.memref_slice %arg5[%squeeze3A_630, %dma_start3A_636, %dma_start3A_637] : memref<125000x8x64xf32, #tpu.memory_space<hbm>> -> memref<1x8x64xf32, #tpu.memory_space<hbm>>
      %dma_start3A_639 = tpu.memref_squeeze %dma_start3A_638 : memref<1x8x64xf32, #tpu.memory_space<hbm>> -> memref<8x64xf32, #tpu.memory_space<hbm>>
      %dma_start3A_640 = arith.constant 0 : i32
      %dma_start3A_641 = arith.constant 0 : i32
      %dma_start3A_642 = tpu.memref_slice %arg15[%dma_start3A_631, %dma_start3A_640, %dma_start3A_641] : memref<16x8x64xf32, #tpu.memory_space<vmem>> -> memref<1x8x64xf32, #tpu.memory_space<vmem>>
      %dma_start3A_643 = tpu.memref_squeeze %dma_start3A_642 : memref<1x8x64xf32, #tpu.memory_space<vmem>> -> memref<8x64xf32, #tpu.memory_space<vmem>>
      %dma_start3A_644 = arith.constant 0 : i32
      %dma_start3A_645 = arith.constant 0 : i32
      %dma_start3A_646 = tpu.memref_slice %arg5[%squeeze3A_630, %dma_start3A_644, %dma_start3A_645] : memref<125000x8x64xf32, #tpu.memory_space<hbm>> -> memref<1x8x64xf32, #tpu.memory_space<hbm>>
      %dma_start3A_647 = tpu.memref_squeeze %dma_start3A_646 : memref<1x8x64xf32, #tpu.memory_space<hbm>> -> memref<8x64xf32, #tpu.memory_space<hbm>>
      tpu.enqueue_dma source(%dma_start3A_647 : memref<8x64xf32, #tpu.memory_space<hbm>>) target(%dma_start3A_643 : memref<8x64xf32, #tpu.memory_space<vmem>>) target_semaphore(%arg18 : memref<!tpu.dma_semaphore, #tpu.memory_space<semaphore_mem>>)
      %slice3A_648 = vector.extract_strided_slice %shift_right_arithmetic3A_239 {offsets = [5], sizes = [1], strides = [1]} : vector<16xi32> to vector<1xi32>
      %squeeze3A_649 = vector.extract %slice3A_648[0] : i32 from vector<1xi32>
      %dma_start3A_650 = arith.constant 5 : i32
      %dma_start3A_651 = arith.constant 0 : i32
      %dma_start3A_652 = arith.constant 0 : i32
      %dma_start3A_653 = tpu.memref_slice %arg12[%dma_start3A_650, %dma_start3A_651, %dma_start3A_652] : memref<16x8x64xf32, #tpu.memory_space<vmem>> -> memref<1x8x64xf32, #tpu.memory_space<vmem>>
      %dma_start3A_654 = tpu.memref_squeeze %dma_start3A_653 : memref<1x8x64xf32, #tpu.memory_space<vmem>> -> memref<8x64xf32, #tpu.memory_space<vmem>>
      %dma_start3A_655 = arith.constant 0 : i32
      %dma_start3A_656 = arith.constant 0 : i32
      %dma_start3A_657 = tpu.memref_slice %arg5[%squeeze3A_649, %dma_start3A_655, %dma_start3A_656] : memref<125000x8x64xf32, #tpu.memory_space<hbm>> -> memref<1x8x64xf32, #tpu.memory_space<hbm>>
      %dma_start3A_658 = tpu.memref_squeeze %dma_start3A_657 : memref<1x8x64xf32, #tpu.memory_space<hbm>> -> memref<8x64xf32, #tpu.memory_space<hbm>>
      %dma_start3A_659 = arith.constant 0 : i32
      %dma_start3A_660 = arith.constant 0 : i32
      %dma_start3A_661 = tpu.memref_slice %arg12[%dma_start3A_650, %dma_start3A_659, %dma_start3A_660] : memref<16x8x64xf32, #tpu.memory_space<vmem>> -> memref<1x8x64xf32, #tpu.memory_space<vmem>>
      %dma_start3A_662 = tpu.memref_squeeze %dma_start3A_661 : memref<1x8x64xf32, #tpu.memory_space<vmem>> -> memref<8x64xf32, #tpu.memory_space<vmem>>
      %dma_start3A_663 = arith.constant 0 : i32
      %dma_start3A_664 = arith.constant 0 : i32
      %dma_start3A_665 = tpu.memref_slice %arg5[%squeeze3A_649, %dma_start3A_663, %dma_start3A_664] : memref<125000x8x64xf32, #tpu.memory_space<hbm>> -> memref<1x8x64xf32, #tpu.memory_space<hbm>>
      %dma_start3A_666 = tpu.memref_squeeze %dma_start3A_665 : memref<1x8x64xf32, #tpu.memory_space<hbm>> -> memref<8x64xf32, #tpu.memory_space<hbm>>
      tpu.enqueue_dma source(%dma_start3A_666 : memref<8x64xf32, #tpu.memory_space<hbm>>) target(%dma_start3A_662 : memref<8x64xf32, #tpu.memory_space<vmem>>) target_semaphore(%arg18 : memref<!tpu.dma_semaphore, #tpu.memory_space<semaphore_mem>>)
      %slice3A_667 = vector.extract_strided_slice %shift_right_arithmetic3A_246 {offsets = [5], sizes = [1], strides = [1]} : vector<16xi32> to vector<1xi32>
      %squeeze3A_668 = vector.extract %slice3A_667[0] : i32 from vector<1xi32>
      %dma_start3A_669 = arith.constant 5 : i32
      %dma_start3A_670 = arith.constant 0 : i32
      %dma_start3A_671 = arith.constant 0 : i32
      %dma_start3A_672 = tpu.memref_slice %arg13[%dma_start3A_669, %dma_start3A_670, %dma_start3A_671] : memref<16x8x64xf32, #tpu.memory_space<vmem>> -> memref<1x8x64xf32, #tpu.memory_space<vmem>>
      %dma_start3A_673 = tpu.memref_squeeze %dma_start3A_672 : memref<1x8x64xf32, #tpu.memory_space<vmem>> -> memref<8x64xf32, #tpu.memory_space<vmem>>
      %dma_start3A_674 = arith.constant 0 : i32
      %dma_start3A_675 = arith.constant 0 : i32
      %dma_start3A_676 = tpu.memref_slice %arg5[%squeeze3A_668, %dma_start3A_674, %dma_start3A_675] : memref<125000x8x64xf32, #tpu.memory_space<hbm>> -> memref<1x8x64xf32, #tpu.memory_space<hbm>>
      %dma_start3A_677 = tpu.memref_squeeze %dma_start3A_676 : memref<1x8x64xf32, #tpu.memory_space<hbm>> -> memref<8x64xf32, #tpu.memory_space<hbm>>
      %dma_start3A_678 = arith.constant 0 : i32
      %dma_start3A_679 = arith.constant 0 : i32
      %dma_start3A_680 = tpu.memref_slice %arg13[%dma_start3A_669, %dma_start3A_678, %dma_start3A_679] : memref<16x8x64xf32, #tpu.memory_space<vmem>> -> memref<1x8x64xf32, #tpu.memory_space<vmem>>
      %dma_start3A_681 = tpu.memref_squeeze %dma_start3A_680 : memref<1x8x64xf32, #tpu.memory_space<vmem>> -> memref<8x64xf32, #tpu.memory_space<vmem>>
      %dma_start3A_682 = arith.constant 0 : i32
      %dma_start3A_683 = arith.constant 0 : i32
      %dma_start3A_684 = tpu.memref_slice %arg5[%squeeze3A_668, %dma_start3A_682, %dma_start3A_683] : memref<125000x8x64xf32, #tpu.memory_space<hbm>> -> memref<1x8x64xf32, #tpu.memory_space<hbm>>
      %dma_start3A_685 = tpu.memref_squeeze %dma_start3A_684 : memref<1x8x64xf32, #tpu.memory_space<hbm>> -> memref<8x64xf32, #tpu.memory_space<hbm>>
      tpu.enqueue_dma source(%dma_start3A_685 : memref<8x64xf32, #tpu.memory_space<hbm>>) target(%dma_start3A_681 : memref<8x64xf32, #tpu.memory_space<vmem>>) target_semaphore(%arg18 : memref<!tpu.dma_semaphore, #tpu.memory_space<semaphore_mem>>)
      %slice3A_686 = vector.extract_strided_slice %shift_right_arithmetic3A_255 {offsets = [5], sizes = [1], strides = [1]} : vector<16xi32> to vector<1xi32>
      %squeeze3A_687 = vector.extract %slice3A_686[0] : i32 from vector<1xi32>
      %dma_start3A_688 = arith.constant 5 : i32
      %dma_start3A_689 = arith.constant 0 : i32
      %dma_start3A_690 = arith.constant 0 : i32
      %dma_start3A_691 = tpu.memref_slice %arg14[%dma_start3A_688, %dma_start3A_689, %dma_start3A_690] : memref<16x8x64xf32, #tpu.memory_space<vmem>> -> memref<1x8x64xf32, #tpu.memory_space<vmem>>
      %dma_start3A_692 = tpu.memref_squeeze %dma_start3A_691 : memref<1x8x64xf32, #tpu.memory_space<vmem>> -> memref<8x64xf32, #tpu.memory_space<vmem>>
      %dma_start3A_693 = arith.constant 0 : i32
      %dma_start3A_694 = arith.constant 0 : i32
      %dma_start3A_695 = tpu.memref_slice %arg5[%squeeze3A_687, %dma_start3A_693, %dma_start3A_694] : memref<125000x8x64xf32, #tpu.memory_space<hbm>> -> memref<1x8x64xf32, #tpu.memory_space<hbm>>
      %dma_start3A_696 = tpu.memref_squeeze %dma_start3A_695 : memref<1x8x64xf32, #tpu.memory_space<hbm>> -> memref<8x64xf32, #tpu.memory_space<hbm>>
      %dma_start3A_697 = arith.constant 0 : i32
      %dma_start3A_698 = arith.constant 0 : i32
      %dma_start3A_699 = tpu.memref_slice %arg14[%dma_start3A_688, %dma_start3A_697, %dma_start3A_698] : memref<16x8x64xf32, #tpu.memory_space<vmem>> -> memref<1x8x64xf32, #tpu.memory_space<vmem>>
      %dma_start3A_700 = tpu.memref_squeeze %dma_start3A_699 : memref<1x8x64xf32, #tpu.memory_space<vmem>> -> memref<8x64xf32, #tpu.memory_space<vmem>>
      %dma_start3A_701 = arith.constant 0 : i32
      %dma_start3A_702 = arith.constant 0 : i32
      %dma_start3A_703 = tpu.memref_slice %arg5[%squeeze3A_687, %dma_start3A_701, %dma_start3A_702] : memref<125000x8x64xf32, #tpu.memory_space<hbm>> -> memref<1x8x64xf32, #tpu.memory_space<hbm>>
      %dma_start3A_704 = tpu.memref_squeeze %dma_start3A_703 : memref<1x8x64xf32, #tpu.memory_space<hbm>> -> memref<8x64xf32, #tpu.memory_space<hbm>>
      tpu.enqueue_dma source(%dma_start3A_704 : memref<8x64xf32, #tpu.memory_space<hbm>>) target(%dma_start3A_700 : memref<8x64xf32, #tpu.memory_space<vmem>>) target_semaphore(%arg18 : memref<!tpu.dma_semaphore, #tpu.memory_space<semaphore_mem>>)
      %slice3A_705 = vector.extract_strided_slice %shift_right_arithmetic3A_264 {offsets = [5], sizes = [1], strides = [1]} : vector<16xi32> to vector<1xi32>
      %squeeze3A_706 = vector.extract %slice3A_705[0] : i32 from vector<1xi32>
      %dma_start3A_707 = arith.constant 5 : i32
      %dma_start3A_708 = arith.constant 0 : i32
      %dma_start3A_709 = arith.constant 0 : i32
      %dma_start3A_710 = tpu.memref_slice %arg15[%dma_start3A_707, %dma_start3A_708, %dma_start3A_709] : memref<16x8x64xf32, #tpu.memory_space<vmem>> -> memref<1x8x64xf32, #tpu.memory_space<vmem>>
      %dma_start3A_711 = tpu.memref_squeeze %dma_start3A_710 : memref<1x8x64xf32, #tpu.memory_space<vmem>> -> memref<8x64xf32, #tpu.memory_space<vmem>>
      %dma_start3A_712 = arith.constant 0 : i32
      %dma_start3A_713 = arith.constant 0 : i32
      %dma_start3A_714 = tpu.memref_slice %arg5[%squeeze3A_706, %dma_start3A_712, %dma_start3A_713] : memref<125000x8x64xf32, #tpu.memory_space<hbm>> -> memref<1x8x64xf32, #tpu.memory_space<hbm>>
      %dma_start3A_715 = tpu.memref_squeeze %dma_start3A_714 : memref<1x8x64xf32, #tpu.memory_space<hbm>> -> memref<8x64xf32, #tpu.memory_space<hbm>>
      %dma_start3A_716 = arith.constant 0 : i32
      %dma_start3A_717 = arith.constant 0 : i32
      %dma_start3A_718 = tpu.memref_slice %arg15[%dma_start3A_707, %dma_start3A_716, %dma_start3A_717] : memref<16x8x64xf32, #tpu.memory_space<vmem>> -> memref<1x8x64xf32, #tpu.memory_space<vmem>>
      %dma_start3A_719 = tpu.memref_squeeze %dma_start3A_718 : memref<1x8x64xf32, #tpu.memory_space<vmem>> -> memref<8x64xf32, #tpu.memory_space<vmem>>
      %dma_start3A_720 = arith.constant 0 : i32
      %dma_start3A_721 = arith.constant 0 : i32
      %dma_start3A_722 = tpu.memref_slice %arg5[%squeeze3A_706, %dma_start3A_720, %dma_start3A_721] : memref<125000x8x64xf32, #tpu.memory_space<hbm>> -> memref<1x8x64xf32, #tpu.memory_space<hbm>>
      %dma_start3A_723 = tpu.memref_squeeze %dma_start3A_722 : memref<1x8x64xf32, #tpu.memory_space<hbm>> -> memref<8x64xf32, #tpu.memory_space<hbm>>
      tpu.enqueue_dma source(%dma_start3A_723 : memref<8x64xf32, #tpu.memory_space<hbm>>) target(%dma_start3A_719 : memref<8x64xf32, #tpu.memory_space<vmem>>) target_semaphore(%arg18 : memref<!tpu.dma_semaphore, #tpu.memory_space<semaphore_mem>>)
      %slice3A_724 = vector.extract_strided_slice %shift_right_arithmetic3A_239 {offsets = [6], sizes = [1], strides = [1]} : vector<16xi32> to vector<1xi32>
      %squeeze3A_725 = vector.extract %slice3A_724[0] : i32 from vector<1xi32>
      %dma_start3A_726 = arith.constant 6 : i32
      %dma_start3A_727 = arith.constant 0 : i32
      %dma_start3A_728 = arith.constant 0 : i32
      %dma_start3A_729 = tpu.memref_slice %arg12[%dma_start3A_726, %dma_start3A_727, %dma_start3A_728] : memref<16x8x64xf32, #tpu.memory_space<vmem>> -> memref<1x8x64xf32, #tpu.memory_space<vmem>>
      %dma_start3A_730 = tpu.memref_squeeze %dma_start3A_729 : memref<1x8x64xf32, #tpu.memory_space<vmem>> -> memref<8x64xf32, #tpu.memory_space<vmem>>
      %dma_start3A_731 = arith.constant 0 : i32
      %dma_start3A_732 = arith.constant 0 : i32
      %dma_start3A_733 = tpu.memref_slice %arg5[%squeeze3A_725, %dma_start3A_731, %dma_start3A_732] : memref<125000x8x64xf32, #tpu.memory_space<hbm>> -> memref<1x8x64xf32, #tpu.memory_space<hbm>>
      %dma_start3A_734 = tpu.memref_squeeze %dma_start3A_733 : memref<1x8x64xf32, #tpu.memory_space<hbm>> -> memref<8x64xf32, #tpu.memory_space<hbm>>
      %dma_start3A_735 = arith.constant 0 : i32
      %dma_start3A_736 = arith.constant 0 : i32
      %dma_start3A_737 = tpu.memref_slice %arg12[%dma_start3A_726, %dma_start3A_735, %dma_start3A_736] : memref<16x8x64xf32, #tpu.memory_space<vmem>> -> memref<1x8x64xf32, #tpu.memory_space<vmem>>
      %dma_start3A_738 = tpu.memref_squeeze %dma_start3A_737 : memref<1x8x64xf32, #tpu.memory_space<vmem>> -> memref<8x64xf32, #tpu.memory_space<vmem>>
      %dma_start3A_739 = arith.constant 0 : i32
      %dma_start3A_740 = arith.constant 0 : i32
      %dma_start3A_741 = tpu.memref_slice %arg5[%squeeze3A_725, %dma_start3A_739, %dma_start3A_740] : memref<125000x8x64xf32, #tpu.memory_space<hbm>> -> memref<1x8x64xf32, #tpu.memory_space<hbm>>
      %dma_start3A_742 = tpu.memref_squeeze %dma_start3A_741 : memref<1x8x64xf32, #tpu.memory_space<hbm>> -> memref<8x64xf32, #tpu.memory_space<hbm>>
      tpu.enqueue_dma source(%dma_start3A_742 : memref<8x64xf32, #tpu.memory_space<hbm>>) target(%dma_start3A_738 : memref<8x64xf32, #tpu.memory_space<vmem>>) target_semaphore(%arg18 : memref<!tpu.dma_semaphore, #tpu.memory_space<semaphore_mem>>)
      %slice3A_743 = vector.extract_strided_slice %shift_right_arithmetic3A_246 {offsets = [6], sizes = [1], strides = [1]} : vector<16xi32> to vector<1xi32>
      %squeeze3A_744 = vector.extract %slice3A_743[0] : i32 from vector<1xi32>
      %dma_start3A_745 = arith.constant 6 : i32
      %dma_start3A_746 = arith.constant 0 : i32
      %dma_start3A_747 = arith.constant 0 : i32
      %dma_start3A_748 = tpu.memref_slice %arg13[%dma_start3A_745, %dma_start3A_746, %dma_start3A_747] : memref<16x8x64xf32, #tpu.memory_space<vmem>> -> memref<1x8x64xf32, #tpu.memory_space<vmem>>
      %dma_start3A_749 = tpu.memref_squeeze %dma_start3A_748 : memref<1x8x64xf32, #tpu.memory_space<vmem>> -> memref<8x64xf32, #tpu.memory_space<vmem>>
      %dma_start3A_750 = arith.constant 0 : i32
      %dma_start3A_751 = arith.constant 0 : i32
      %dma_start3A_752 = tpu.memref_slice %arg5[%squeeze3A_744, %dma_start3A_750, %dma_start3A_751] : memref<125000x8x64xf32, #tpu.memory_space<hbm>> -> memref<1x8x64xf32, #tpu.memory_space<hbm>>
      %dma_start3A_753 = tpu.memref_squeeze %dma_start3A_752 : memref<1x8x64xf32, #tpu.memory_space<hbm>> -> memref<8x64xf32, #tpu.memory_space<hbm>>
      %dma_start3A_754 = arith.constant 0 : i32
      %dma_start3A_755 = arith.constant 0 : i32
      %dma_start3A_756 = tpu.memref_slice %arg13[%dma_start3A_745, %dma_start3A_754, %dma_start3A_755] : memref<16x8x64xf32, #tpu.memory_space<vmem>> -> memref<1x8x64xf32, #tpu.memory_space<vmem>>
      %dma_start3A_757 = tpu.memref_squeeze %dma_start3A_756 : memref<1x8x64xf32, #tpu.memory_space<vmem>> -> memref<8x64xf32, #tpu.memory_space<vmem>>
      %dma_start3A_758 = arith.constant 0 : i32
      %dma_start3A_759 = arith.constant 0 : i32
      %dma_start3A_760 = tpu.memref_slice %arg5[%squeeze3A_744, %dma_start3A_758, %dma_start3A_759] : memref<125000x8x64xf32, #tpu.memory_space<hbm>> -> memref<1x8x64xf32, #tpu.memory_space<hbm>>
      %dma_start3A_761 = tpu.memref_squeeze %dma_start3A_760 : memref<1x8x64xf32, #tpu.memory_space<hbm>> -> memref<8x64xf32, #tpu.memory_space<hbm>>
      tpu.enqueue_dma source(%dma_start3A_761 : memref<8x64xf32, #tpu.memory_space<hbm>>) target(%dma_start3A_757 : memref<8x64xf32, #tpu.memory_space<vmem>>) target_semaphore(%arg18 : memref<!tpu.dma_semaphore, #tpu.memory_space<semaphore_mem>>)
      %slice3A_762 = vector.extract_strided_slice %shift_right_arithmetic3A_255 {offsets = [6], sizes = [1], strides = [1]} : vector<16xi32> to vector<1xi32>
      %squeeze3A_763 = vector.extract %slice3A_762[0] : i32 from vector<1xi32>
      %dma_start3A_764 = arith.constant 6 : i32
      %dma_start3A_765 = arith.constant 0 : i32
      %dma_start3A_766 = arith.constant 0 : i32
      %dma_start3A_767 = tpu.memref_slice %arg14[%dma_start3A_764, %dma_start3A_765, %dma_start3A_766] : memref<16x8x64xf32, #tpu.memory_space<vmem>> -> memref<1x8x64xf32, #tpu.memory_space<vmem>>
      %dma_start3A_768 = tpu.memref_squeeze %dma_start3A_767 : memref<1x8x64xf32, #tpu.memory_space<vmem>> -> memref<8x64xf32, #tpu.memory_space<vmem>>
      %dma_start3A_769 = arith.constant 0 : i32
      %dma_start3A_770 = arith.constant 0 : i32
      %dma_start3A_771 = tpu.memref_slice %arg5[%squeeze3A_763, %dma_start3A_769, %dma_start3A_770] : memref<125000x8x64xf32, #tpu.memory_space<hbm>> -> memref<1x8x64xf32, #tpu.memory_space<hbm>>
      %dma_start3A_772 = tpu.memref_squeeze %dma_start3A_771 : memref<1x8x64xf32, #tpu.memory_space<hbm>> -> memref<8x64xf32, #tpu.memory_space<hbm>>
      %dma_start3A_773 = arith.constant 0 : i32
      %dma_start3A_774 = arith.constant 0 : i32
      %dma_start3A_775 = tpu.memref_slice %arg14[%dma_start3A_764, %dma_start3A_773, %dma_start3A_774] : memref<16x8x64xf32, #tpu.memory_space<vmem>> -> memref<1x8x64xf32, #tpu.memory_space<vmem>>
      %dma_start3A_776 = tpu.memref_squeeze %dma_start3A_775 : memref<1x8x64xf32, #tpu.memory_space<vmem>> -> memref<8x64xf32, #tpu.memory_space<vmem>>
      %dma_start3A_777 = arith.constant 0 : i32
      %dma_start3A_778 = arith.constant 0 : i32
      %dma_start3A_779 = tpu.memref_slice %arg5[%squeeze3A_763, %dma_start3A_777, %dma_start3A_778] : memref<125000x8x64xf32, #tpu.memory_space<hbm>> -> memref<1x8x64xf32, #tpu.memory_space<hbm>>
      %dma_start3A_780 = tpu.memref_squeeze %dma_start3A_779 : memref<1x8x64xf32, #tpu.memory_space<hbm>> -> memref<8x64xf32, #tpu.memory_space<hbm>>
      tpu.enqueue_dma source(%dma_start3A_780 : memref<8x64xf32, #tpu.memory_space<hbm>>) target(%dma_start3A_776 : memref<8x64xf32, #tpu.memory_space<vmem>>) target_semaphore(%arg18 : memref<!tpu.dma_semaphore, #tpu.memory_space<semaphore_mem>>)
      %slice3A_781 = vector.extract_strided_slice %shift_right_arithmetic3A_264 {offsets = [6], sizes = [1], strides = [1]} : vector<16xi32> to vector<1xi32>
      %squeeze3A_782 = vector.extract %slice3A_781[0] : i32 from vector<1xi32>
      %dma_start3A_783 = arith.constant 6 : i32
      %dma_start3A_784 = arith.constant 0 : i32
      %dma_start3A_785 = arith.constant 0 : i32
      %dma_start3A_786 = tpu.memref_slice %arg15[%dma_start3A_783, %dma_start3A_784, %dma_start3A_785] : memref<16x8x64xf32, #tpu.memory_space<vmem>> -> memref<1x8x64xf32, #tpu.memory_space<vmem>>
      %dma_start3A_787 = tpu.memref_squeeze %dma_start3A_786 : memref<1x8x64xf32, #tpu.memory_space<vmem>> -> memref<8x64xf32, #tpu.memory_space<vmem>>
      %dma_start3A_788 = arith.constant 0 : i32
      %dma_start3A_789 = arith.constant 0 : i32
      %dma_start3A_790 = tpu.memref_slice %arg5[%squeeze3A_782, %dma_start3A_788, %dma_start3A_789] : memref<125000x8x64xf32, #tpu.memory_space<hbm>> -> memref<1x8x64xf32, #tpu.memory_space<hbm>>
      %dma_start3A_791 = tpu.memref_squeeze %dma_start3A_790 : memref<1x8x64xf32, #tpu.memory_space<hbm>> -> memref<8x64xf32, #tpu.memory_space<hbm>>
      %dma_start3A_792 = arith.constant 0 : i32
      %dma_start3A_793 = arith.constant 0 : i32
      %dma_start3A_794 = tpu.memref_slice %arg15[%dma_start3A_783, %dma_start3A_792, %dma_start3A_793] : memref<16x8x64xf32, #tpu.memory_space<vmem>> -> memref<1x8x64xf32, #tpu.memory_space<vmem>>
      %dma_start3A_795 = tpu.memref_squeeze %dma_start3A_794 : memref<1x8x64xf32, #tpu.memory_space<vmem>> -> memref<8x64xf32, #tpu.memory_space<vmem>>
      %dma_start3A_796 = arith.constant 0 : i32
      %dma_start3A_797 = arith.constant 0 : i32
      %dma_start3A_798 = tpu.memref_slice %arg5[%squeeze3A_782, %dma_start3A_796, %dma_start3A_797] : memref<125000x8x64xf32, #tpu.memory_space<hbm>> -> memref<1x8x64xf32, #tpu.memory_space<hbm>>
      %dma_start3A_799 = tpu.memref_squeeze %dma_start3A_798 : memref<1x8x64xf32, #tpu.memory_space<hbm>> -> memref<8x64xf32, #tpu.memory_space<hbm>>
      tpu.enqueue_dma source(%dma_start3A_799 : memref<8x64xf32, #tpu.memory_space<hbm>>) target(%dma_start3A_795 : memref<8x64xf32, #tpu.memory_space<vmem>>) target_semaphore(%arg18 : memref<!tpu.dma_semaphore, #tpu.memory_space<semaphore_mem>>)
      %slice3A_800 = vector.extract_strided_slice %shift_right_arithmetic3A_239 {offsets = [7], sizes = [1], strides = [1]} : vector<16xi32> to vector<1xi32>
      %squeeze3A_801 = vector.extract %slice3A_800[0] : i32 from vector<1xi32>
      %dma_start3A_802 = arith.constant 7 : i32
      %dma_start3A_803 = arith.constant 0 : i32
      %dma_start3A_804 = arith.constant 0 : i32
      %dma_start3A_805 = tpu.memref_slice %arg12[%dma_start3A_802, %dma_start3A_803, %dma_start3A_804] : memref<16x8x64xf32, #tpu.memory_space<vmem>> -> memref<1x8x64xf32, #tpu.memory_space<vmem>>
      %dma_start3A_806 = tpu.memref_squeeze %dma_start3A_805 : memref<1x8x64xf32, #tpu.memory_space<vmem>> -> memref<8x64xf32, #tpu.memory_space<vmem>>
      %dma_start3A_807 = arith.constant 0 : i32
      %dma_start3A_808 = arith.constant 0 : i32
      %dma_start3A_809 = tpu.memref_slice %arg5[%squeeze3A_801, %dma_start3A_807, %dma_start3A_808] : memref<125000x8x64xf32, #tpu.memory_space<hbm>> -> memref<1x8x64xf32, #tpu.memory_space<hbm>>
      %dma_start3A_810 = tpu.memref_squeeze %dma_start3A_809 : memref<1x8x64xf32, #tpu.memory_space<hbm>> -> memref<8x64xf32, #tpu.memory_space<hbm>>
      %dma_start3A_811 = arith.constant 0 : i32
      %dma_start3A_812 = arith.constant 0 : i32
      %dma_start3A_813 = tpu.memref_slice %arg12[%dma_start3A_802, %dma_start3A_811, %dma_start3A_812] : memref<16x8x64xf32, #tpu.memory_space<vmem>> -> memref<1x8x64xf32, #tpu.memory_space<vmem>>
      %dma_start3A_814 = tpu.memref_squeeze %dma_start3A_813 : memref<1x8x64xf32, #tpu.memory_space<vmem>> -> memref<8x64xf32, #tpu.memory_space<vmem>>
      %dma_start3A_815 = arith.constant 0 : i32
      %dma_start3A_816 = arith.constant 0 : i32
      %dma_start3A_817 = tpu.memref_slice %arg5[%squeeze3A_801, %dma_start3A_815, %dma_start3A_816] : memref<125000x8x64xf32, #tpu.memory_space<hbm>> -> memref<1x8x64xf32, #tpu.memory_space<hbm>>
      %dma_start3A_818 = tpu.memref_squeeze %dma_start3A_817 : memref<1x8x64xf32, #tpu.memory_space<hbm>> -> memref<8x64xf32, #tpu.memory_space<hbm>>
      tpu.enqueue_dma source(%dma_start3A_818 : memref<8x64xf32, #tpu.memory_space<hbm>>) target(%dma_start3A_814 : memref<8x64xf32, #tpu.memory_space<vmem>>) target_semaphore(%arg18 : memref<!tpu.dma_semaphore, #tpu.memory_space<semaphore_mem>>)
      %slice3A_819 = vector.extract_strided_slice %shift_right_arithmetic3A_246 {offsets = [7], sizes = [1], strides = [1]} : vector<16xi32> to vector<1xi32>
      %squeeze3A_820 = vector.extract %slice3A_819[0] : i32 from vector<1xi32>
      %dma_start3A_821 = arith.constant 7 : i32
      %dma_start3A_822 = arith.constant 0 : i32
      %dma_start3A_823 = arith.constant 0 : i32
      %dma_start3A_824 = tpu.memref_slice %arg13[%dma_start3A_821, %dma_start3A_822, %dma_start3A_823] : memref<16x8x64xf32, #tpu.memory_space<vmem>> -> memref<1x8x64xf32, #tpu.memory_space<vmem>>
      %dma_start3A_825 = tpu.memref_squeeze %dma_start3A_824 : memref<1x8x64xf32, #tpu.memory_space<vmem>> -> memref<8x64xf32, #tpu.memory_space<vmem>>
      %dma_start3A_826 = arith.constant 0 : i32
      %dma_start3A_827 = arith.constant 0 : i32
      %dma_start3A_828 = tpu.memref_slice %arg5[%squeeze3A_820, %dma_start3A_826, %dma_start3A_827] : memref<125000x8x64xf32, #tpu.memory_space<hbm>> -> memref<1x8x64xf32, #tpu.memory_space<hbm>>
      %dma_start3A_829 = tpu.memref_squeeze %dma_start3A_828 : memref<1x8x64xf32, #tpu.memory_space<hbm>> -> memref<8x64xf32, #tpu.memory_space<hbm>>
      %dma_start3A_830 = arith.constant 0 : i32
      %dma_start3A_831 = arith.constant 0 : i32
      %dma_start3A_832 = tpu.memref_slice %arg13[%dma_start3A_821, %dma_start3A_830, %dma_start3A_831] : memref<16x8x64xf32, #tpu.memory_space<vmem>> -> memref<1x8x64xf32, #tpu.memory_space<vmem>>
      %dma_start3A_833 = tpu.memref_squeeze %dma_start3A_832 : memref<1x8x64xf32, #tpu.memory_space<vmem>> -> memref<8x64xf32, #tpu.memory_space<vmem>>
      %dma_start3A_834 = arith.constant 0 : i32
      %dma_start3A_835 = arith.constant 0 : i32
      %dma_start3A_836 = tpu.memref_slice %arg5[%squeeze3A_820, %dma_start3A_834, %dma_start3A_835] : memref<125000x8x64xf32, #tpu.memory_space<hbm>> -> memref<1x8x64xf32, #tpu.memory_space<hbm>>
      %dma_start3A_837 = tpu.memref_squeeze %dma_start3A_836 : memref<1x8x64xf32, #tpu.memory_space<hbm>> -> memref<8x64xf32, #tpu.memory_space<hbm>>
      tpu.enqueue_dma source(%dma_start3A_837 : memref<8x64xf32, #tpu.memory_space<hbm>>) target(%dma_start3A_833 : memref<8x64xf32, #tpu.memory_space<vmem>>) target_semaphore(%arg18 : memref<!tpu.dma_semaphore, #tpu.memory_space<semaphore_mem>>)
      %slice3A_838 = vector.extract_strided_slice %shift_right_arithmetic3A_255 {offsets = [7], sizes = [1], strides = [1]} : vector<16xi32> to vector<1xi32>
      %squeeze3A_839 = vector.extract %slice3A_838[0] : i32 from vector<1xi32>
      %dma_start3A_840 = arith.constant 7 : i32
      %dma_start3A_841 = arith.constant 0 : i32
      %dma_start3A_842 = arith.constant 0 : i32
      %dma_start3A_843 = tpu.memref_slice %arg14[%dma_start3A_840, %dma_start3A_841, %dma_start3A_842] : memref<16x8x64xf32, #tpu.memory_space<vmem>> -> memref<1x8x64xf32, #tpu.memory_space<vmem>>
      %dma_start3A_844 = tpu.memref_squeeze %dma_start3A_843 : memref<1x8x64xf32, #tpu.memory_space<vmem>> -> memref<8x64xf32, #tpu.memory_space<vmem>>
      %dma_start3A_845 = arith.constant 0 : i32
      %dma_start3A_846 = arith.constant 0 : i32
      %dma_start3A_847 = tpu.memref_slice %arg5[%squeeze3A_839, %dma_start3A_845, %dma_start3A_846] : memref<125000x8x64xf32, #tpu.memory_space<hbm>> -> memref<1x8x64xf32, #tpu.memory_space<hbm>>
      %dma_start3A_848 = tpu.memref_squeeze %dma_start3A_847 : memref<1x8x64xf32, #tpu.memory_space<hbm>> -> memref<8x64xf32, #tpu.memory_space<hbm>>
      %dma_start3A_849 = arith.constant 0 : i32
      %dma_start3A_850 = arith.constant 0 : i32
      %dma_start3A_851 = tpu.memref_slice %arg14[%dma_start3A_840, %dma_start3A_849, %dma_start3A_850] : memref<16x8x64xf32, #tpu.memory_space<vmem>> -> memref<1x8x64xf32, #tpu.memory_space<vmem>>
      %dma_start3A_852 = tpu.memref_squeeze %dma_start3A_851 : memref<1x8x64xf32, #tpu.memory_space<vmem>> -> memref<8x64xf32, #tpu.memory_space<vmem>>
      %dma_start3A_853 = arith.constant 0 : i32
      %dma_start3A_854 = arith.constant 0 : i32
      %dma_start3A_855 = tpu.memref_slice %arg5[%squeeze3A_839, %dma_start3A_853, %dma_start3A_854] : memref<125000x8x64xf32, #tpu.memory_space<hbm>> -> memref<1x8x64xf32, #tpu.memory_space<hbm>>
      %dma_start3A_856 = tpu.memref_squeeze %dma_start3A_855 : memref<1x8x64xf32, #tpu.memory_space<hbm>> -> memref<8x64xf32, #tpu.memory_space<hbm>>
      tpu.enqueue_dma source(%dma_start3A_856 : memref<8x64xf32, #tpu.memory_space<hbm>>) target(%dma_start3A_852 : memref<8x64xf32, #tpu.memory_space<vmem>>) target_semaphore(%arg18 : memref<!tpu.dma_semaphore, #tpu.memory_space<semaphore_mem>>)
      %slice3A_857 = vector.extract_strided_slice %shift_right_arithmetic3A_264 {offsets = [7], sizes = [1], strides = [1]} : vector<16xi32> to vector<1xi32>
      %squeeze3A_858 = vector.extract %slice3A_857[0] : i32 from vector<1xi32>
      %dma_start3A_859 = arith.constant 7 : i32
      %dma_start3A_860 = arith.constant 0 : i32
      %dma_start3A_861 = arith.constant 0 : i32
      %dma_start3A_862 = tpu.memref_slice %arg15[%dma_start3A_859, %dma_start3A_860, %dma_start3A_861] : memref<16x8x64xf32, #tpu.memory_space<vmem>> -> memref<1x8x64xf32, #tpu.memory_space<vmem>>
      %dma_start3A_863 = tpu.memref_squeeze %dma_start3A_862 : memref<1x8x64xf32, #tpu.memory_space<vmem>> -> memref<8x64xf32, #tpu.memory_space<vmem>>
      %dma_start3A_864 = arith.constant 0 : i32
      %dma_start3A_865 = arith.constant 0 : i32
      %dma_start3A_866 = tpu.memref_slice %arg5[%squeeze3A_858, %dma_start3A_864, %dma_start3A_865] : memref<125000x8x64xf32, #tpu.memory_space<hbm>> -> memref<1x8x64xf32, #tpu.memory_space<hbm>>
      %dma_start3A_867 = tpu.memref_squeeze %dma_start3A_866 : memref<1x8x64xf32, #tpu.memory_space<hbm>> -> memref<8x64xf32, #tpu.memory_space<hbm>>
      %dma_start3A_868 = arith.constant 0 : i32
      %dma_start3A_869 = arith.constant 0 : i32
      %dma_start3A_870 = tpu.memref_slice %arg15[%dma_start3A_859, %dma_start3A_868, %dma_start3A_869] : memref<16x8x64xf32, #tpu.memory_space<vmem>> -> memref<1x8x64xf32, #tpu.memory_space<vmem>>
      %dma_start3A_871 = tpu.memref_squeeze %dma_start3A_870 : memref<1x8x64xf32, #tpu.memory_space<vmem>> -> memref<8x64xf32, #tpu.memory_space<vmem>>
      %dma_start3A_872 = arith.constant 0 : i32
      %dma_start3A_873 = arith.constant 0 : i32
      %dma_start3A_874 = tpu.memref_slice %arg5[%squeeze3A_858, %dma_start3A_872, %dma_start3A_873] : memref<125000x8x64xf32, #tpu.memory_space<hbm>> -> memref<1x8x64xf32, #tpu.memory_space<hbm>>
      %dma_start3A_875 = tpu.memref_squeeze %dma_start3A_874 : memref<1x8x64xf32, #tpu.memory_space<hbm>> -> memref<8x64xf32, #tpu.memory_space<hbm>>
      tpu.enqueue_dma source(%dma_start3A_875 : memref<8x64xf32, #tpu.memory_space<hbm>>) target(%dma_start3A_871 : memref<8x64xf32, #tpu.memory_space<vmem>>) target_semaphore(%arg18 : memref<!tpu.dma_semaphore, #tpu.memory_space<semaphore_mem>>)
      %slice3A_876 = vector.extract_strided_slice %shift_right_arithmetic3A_239 {offsets = [8], sizes = [1], strides = [1]} : vector<16xi32> to vector<1xi32>
      %squeeze3A_877 = vector.extract %slice3A_876[0] : i32 from vector<1xi32>
      %dma_start3A_878 = arith.constant 8 : i32
      %dma_start3A_879 = arith.constant 0 : i32
      %dma_start3A_880 = arith.constant 0 : i32
      %dma_start3A_881 = tpu.memref_slice %arg12[%dma_start3A_878, %dma_start3A_879, %dma_start3A_880] : memref<16x8x64xf32, #tpu.memory_space<vmem>> -> memref<1x8x64xf32, #tpu.memory_space<vmem>>
      %dma_start3A_882 = tpu.memref_squeeze %dma_start3A_881 : memref<1x8x64xf32, #tpu.memory_space<vmem>> -> memref<8x64xf32, #tpu.memory_space<vmem>>
      %dma_start3A_883 = arith.constant 0 : i32
      %dma_start3A_884 = arith.constant 0 : i32
      %dma_start3A_885 = tpu.memref_slice %arg5[%squeeze3A_877, %dma_start3A_883, %dma_start3A_884] : memref<125000x8x64xf32, #tpu.memory_space<hbm>> -> memref<1x8x64xf32, #tpu.memory_space<hbm>>
      %dma_start3A_886 = tpu.memref_squeeze %dma_start3A_885 : memref<1x8x64xf32, #tpu.memory_space<hbm>> -> memref<8x64xf32, #tpu.memory_space<hbm>>
      %dma_start3A_887 = arith.constant 0 : i32
      %dma_start3A_888 = arith.constant 0 : i32
      %dma_start3A_889 = tpu.memref_slice %arg12[%dma_start3A_878, %dma_start3A_887, %dma_start3A_888] : memref<16x8x64xf32, #tpu.memory_space<vmem>> -> memref<1x8x64xf32, #tpu.memory_space<vmem>>
      %dma_start3A_890 = tpu.memref_squeeze %dma_start3A_889 : memref<1x8x64xf32, #tpu.memory_space<vmem>> -> memref<8x64xf32, #tpu.memory_space<vmem>>
      %dma_start3A_891 = arith.constant 0 : i32
      %dma_start3A_892 = arith.constant 0 : i32
      %dma_start3A_893 = tpu.memref_slice %arg5[%squeeze3A_877, %dma_start3A_891, %dma_start3A_892] : memref<125000x8x64xf32, #tpu.memory_space<hbm>> -> memref<1x8x64xf32, #tpu.memory_space<hbm>>
      %dma_start3A_894 = tpu.memref_squeeze %dma_start3A_893 : memref<1x8x64xf32, #tpu.memory_space<hbm>> -> memref<8x64xf32, #tpu.memory_space<hbm>>
      tpu.enqueue_dma source(%dma_start3A_894 : memref<8x64xf32, #tpu.memory_space<hbm>>) target(%dma_start3A_890 : memref<8x64xf32, #tpu.memory_space<vmem>>) target_semaphore(%arg18 : memref<!tpu.dma_semaphore, #tpu.memory_space<semaphore_mem>>)
      %slice3A_895 = vector.extract_strided_slice %shift_right_arithmetic3A_246 {offsets = [8], sizes = [1], strides = [1]} : vector<16xi32> to vector<1xi32>
      %squeeze3A_896 = vector.extract %slice3A_895[0] : i32 from vector<1xi32>
      %dma_start3A_897 = arith.constant 8 : i32
      %dma_start3A_898 = arith.constant 0 : i32
      %dma_start3A_899 = arith.constant 0 : i32
      %dma_start3A_900 = tpu.memref_slice %arg13[%dma_start3A_897, %dma_start3A_898, %dma_start3A_899] : memref<16x8x64xf32, #tpu.memory_space<vmem>> -> memref<1x8x64xf32, #tpu.memory_space<vmem>>
      %dma_start3A_901 = tpu.memref_squeeze %dma_start3A_900 : memref<1x8x64xf32, #tpu.memory_space<vmem>> -> memref<8x64xf32, #tpu.memory_space<vmem>>
      %dma_start3A_902 = arith.constant 0 : i32
      %dma_start3A_903 = arith.constant 0 : i32
      %dma_start3A_904 = tpu.memref_slice %arg5[%squeeze3A_896, %dma_start3A_902, %dma_start3A_903] : memref<125000x8x64xf32, #tpu.memory_space<hbm>> -> memref<1x8x64xf32, #tpu.memory_space<hbm>>
      %dma_start3A_905 = tpu.memref_squeeze %dma_start3A_904 : memref<1x8x64xf32, #tpu.memory_space<hbm>> -> memref<8x64xf32, #tpu.memory_space<hbm>>
      %dma_start3A_906 = arith.constant 0 : i32
      %dma_start3A_907 = arith.constant 0 : i32
      %dma_start3A_908 = tpu.memref_slice %arg13[%dma_start3A_897, %dma_start3A_906, %dma_start3A_907] : memref<16x8x64xf32, #tpu.memory_space<vmem>> -> memref<1x8x64xf32, #tpu.memory_space<vmem>>
      %dma_start3A_909 = tpu.memref_squeeze %dma_start3A_908 : memref<1x8x64xf32, #tpu.memory_space<vmem>> -> memref<8x64xf32, #tpu.memory_space<vmem>>
      %dma_start3A_910 = arith.constant 0 : i32
      %dma_start3A_911 = arith.constant 0 : i32
      %dma_start3A_912 = tpu.memref_slice %arg5[%squeeze3A_896, %dma_start3A_910, %dma_start3A_911] : memref<125000x8x64xf32, #tpu.memory_space<hbm>> -> memref<1x8x64xf32, #tpu.memory_space<hbm>>
      %dma_start3A_913 = tpu.memref_squeeze %dma_start3A_912 : memref<1x8x64xf32, #tpu.memory_space<hbm>> -> memref<8x64xf32, #tpu.memory_space<hbm>>
      tpu.enqueue_dma source(%dma_start3A_913 : memref<8x64xf32, #tpu.memory_space<hbm>>) target(%dma_start3A_909 : memref<8x64xf32, #tpu.memory_space<vmem>>) target_semaphore(%arg18 : memref<!tpu.dma_semaphore, #tpu.memory_space<semaphore_mem>>)
      %slice3A_914 = vector.extract_strided_slice %shift_right_arithmetic3A_255 {offsets = [8], sizes = [1], strides = [1]} : vector<16xi32> to vector<1xi32>
      %squeeze3A_915 = vector.extract %slice3A_914[0] : i32 from vector<1xi32>
      %dma_start3A_916 = arith.constant 8 : i32
      %dma_start3A_917 = arith.constant 0 : i32
      %dma_start3A_918 = arith.constant 0 : i32
      %dma_start3A_919 = tpu.memref_slice %arg14[%dma_start3A_916, %dma_start3A_917, %dma_start3A_918] : memref<16x8x64xf32, #tpu.memory_space<vmem>> -> memref<1x8x64xf32, #tpu.memory_space<vmem>>
      %dma_start3A_920 = tpu.memref_squeeze %dma_start3A_919 : memref<1x8x64xf32, #tpu.memory_space<vmem>> -> memref<8x64xf32, #tpu.memory_space<vmem>>
      %dma_start3A_921 = arith.constant 0 : i32
      %dma_start3A_922 = arith.constant 0 : i32
      %dma_start3A_923 = tpu.memref_slice %arg5[%squeeze3A_915, %dma_start3A_921, %dma_start3A_922] : memref<125000x8x64xf32, #tpu.memory_space<hbm>> -> memref<1x8x64xf32, #tpu.memory_space<hbm>>
      %dma_start3A_924 = tpu.memref_squeeze %dma_start3A_923 : memref<1x8x64xf32, #tpu.memory_space<hbm>> -> memref<8x64xf32, #tpu.memory_space<hbm>>
      %dma_start3A_925 = arith.constant 0 : i32
      %dma_start3A_926 = arith.constant 0 : i32
      %dma_start3A_927 = tpu.memref_slice %arg14[%dma_start3A_916, %dma_start3A_925, %dma_start3A_926] : memref<16x8x64xf32, #tpu.memory_space<vmem>> -> memref<1x8x64xf32, #tpu.memory_space<vmem>>
      %dma_start3A_928 = tpu.memref_squeeze %dma_start3A_927 : memref<1x8x64xf32, #tpu.memory_space<vmem>> -> memref<8x64xf32, #tpu.memory_space<vmem>>
      %dma_start3A_929 = arith.constant 0 : i32
      %dma_start3A_930 = arith.constant 0 : i32
      %dma_start3A_931 = tpu.memref_slice %arg5[%squeeze3A_915, %dma_start3A_929, %dma_start3A_930] : memref<125000x8x64xf32, #tpu.memory_space<hbm>> -> memref<1x8x64xf32, #tpu.memory_space<hbm>>
      %dma_start3A_932 = tpu.memref_squeeze %dma_start3A_931 : memref<1x8x64xf32, #tpu.memory_space<hbm>> -> memref<8x64xf32, #tpu.memory_space<hbm>>
      tpu.enqueue_dma source(%dma_start3A_932 : memref<8x64xf32, #tpu.memory_space<hbm>>) target(%dma_start3A_928 : memref<8x64xf32, #tpu.memory_space<vmem>>) target_semaphore(%arg18 : memref<!tpu.dma_semaphore, #tpu.memory_space<semaphore_mem>>)
      %slice3A_933 = vector.extract_strided_slice %shift_right_arithmetic3A_264 {offsets = [8], sizes = [1], strides = [1]} : vector<16xi32> to vector<1xi32>
      %squeeze3A_934 = vector.extract %slice3A_933[0] : i32 from vector<1xi32>
      %dma_start3A_935 = arith.constant 8 : i32
      %dma_start3A_936 = arith.constant 0 : i32
      %dma_start3A_937 = arith.constant 0 : i32
      %dma_start3A_938 = tpu.memref_slice %arg15[%dma_start3A_935, %dma_start3A_936, %dma_start3A_937] : memref<16x8x64xf32, #tpu.memory_space<vmem>> -> memref<1x8x64xf32, #tpu.memory_space<vmem>>
      %dma_start3A_939 = tpu.memref_squeeze %dma_start3A_938 : memref<1x8x64xf32, #tpu.memory_space<vmem>> -> memref<8x64xf32, #tpu.memory_space<vmem>>
      %dma_start3A_940 = arith.constant 0 : i32
      %dma_start3A_941 = arith.constant 0 : i32
      %dma_start3A_942 = tpu.memref_slice %arg5[%squeeze3A_934, %dma_start3A_940, %dma_start3A_941] : memref<125000x8x64xf32, #tpu.memory_space<hbm>> -> memref<1x8x64xf32, #tpu.memory_space<hbm>>
      %dma_start3A_943 = tpu.memref_squeeze %dma_start3A_942 : memref<1x8x64xf32, #tpu.memory_space<hbm>> -> memref<8x64xf32, #tpu.memory_space<hbm>>
      %dma_start3A_944 = arith.constant 0 : i32
      %dma_start3A_945 = arith.constant 0 : i32
      %dma_start3A_946 = tpu.memref_slice %arg15[%dma_start3A_935, %dma_start3A_944, %dma_start3A_945] : memref<16x8x64xf32, #tpu.memory_space<vmem>> -> memref<1x8x64xf32, #tpu.memory_space<vmem>>
      %dma_start3A_947 = tpu.memref_squeeze %dma_start3A_946 : memref<1x8x64xf32, #tpu.memory_space<vmem>> -> memref<8x64xf32, #tpu.memory_space<vmem>>
      %dma_start3A_948 = arith.constant 0 : i32
      %dma_start3A_949 = arith.constant 0 : i32
      %dma_start3A_950 = tpu.memref_slice %arg5[%squeeze3A_934, %dma_start3A_948, %dma_start3A_949] : memref<125000x8x64xf32, #tpu.memory_space<hbm>> -> memref<1x8x64xf32, #tpu.memory_space<hbm>>
      %dma_start3A_951 = tpu.memref_squeeze %dma_start3A_950 : memref<1x8x64xf32, #tpu.memory_space<hbm>> -> memref<8x64xf32, #tpu.memory_space<hbm>>
      tpu.enqueue_dma source(%dma_start3A_951 : memref<8x64xf32, #tpu.memory_space<hbm>>) target(%dma_start3A_947 : memref<8x64xf32, #tpu.memory_space<vmem>>) target_semaphore(%arg18 : memref<!tpu.dma_semaphore, #tpu.memory_space<semaphore_mem>>)
      %slice3A_952 = vector.extract_strided_slice %shift_right_arithmetic3A_239 {offsets = [9], sizes = [1], strides = [1]} : vector<16xi32> to vector<1xi32>
      %squeeze3A_953 = vector.extract %slice3A_952[0] : i32 from vector<1xi32>
      %dma_start3A_954 = arith.constant 9 : i32
      %dma_start3A_955 = arith.constant 0 : i32
      %dma_start3A_956 = arith.constant 0 : i32
      %dma_start3A_957 = tpu.memref_slice %arg12[%dma_start3A_954, %dma_start3A_955, %dma_start3A_956] : memref<16x8x64xf32, #tpu.memory_space<vmem>> -> memref<1x8x64xf32, #tpu.memory_space<vmem>>
      %dma_start3A_958 = tpu.memref_squeeze %dma_start3A_957 : memref<1x8x64xf32, #tpu.memory_space<vmem>> -> memref<8x64xf32, #tpu.memory_space<vmem>>
      %dma_start3A_959 = arith.constant 0 : i32
      %dma_start3A_960 = arith.constant 0 : i32
      %dma_start3A_961 = tpu.memref_slice %arg5[%squeeze3A_953, %dma_start3A_959, %dma_start3A_960] : memref<125000x8x64xf32, #tpu.memory_space<hbm>> -> memref<1x8x64xf32, #tpu.memory_space<hbm>>
      %dma_start3A_962 = tpu.memref_squeeze %dma_start3A_961 : memref<1x8x64xf32, #tpu.memory_space<hbm>> -> memref<8x64xf32, #tpu.memory_space<hbm>>
      %dma_start3A_963 = arith.constant 0 : i32
      %dma_start3A_964 = arith.constant 0 : i32
      %dma_start3A_965 = tpu.memref_slice %arg12[%dma_start3A_954, %dma_start3A_963, %dma_start3A_964] : memref<16x8x64xf32, #tpu.memory_space<vmem>> -> memref<1x8x64xf32, #tpu.memory_space<vmem>>
      %dma_start3A_966 = tpu.memref_squeeze %dma_start3A_965 : memref<1x8x64xf32, #tpu.memory_space<vmem>> -> memref<8x64xf32, #tpu.memory_space<vmem>>
      %dma_start3A_967 = arith.constant 0 : i32
      %dma_start3A_968 = arith.constant 0 : i32
      %dma_start3A_969 = tpu.memref_slice %arg5[%squeeze3A_953, %dma_start3A_967, %dma_start3A_968] : memref<125000x8x64xf32, #tpu.memory_space<hbm>> -> memref<1x8x64xf32, #tpu.memory_space<hbm>>
      %dma_start3A_970 = tpu.memref_squeeze %dma_start3A_969 : memref<1x8x64xf32, #tpu.memory_space<hbm>> -> memref<8x64xf32, #tpu.memory_space<hbm>>
      tpu.enqueue_dma source(%dma_start3A_970 : memref<8x64xf32, #tpu.memory_space<hbm>>) target(%dma_start3A_966 : memref<8x64xf32, #tpu.memory_space<vmem>>) target_semaphore(%arg18 : memref<!tpu.dma_semaphore, #tpu.memory_space<semaphore_mem>>)
      %slice3A_971 = vector.extract_strided_slice %shift_right_arithmetic3A_246 {offsets = [9], sizes = [1], strides = [1]} : vector<16xi32> to vector<1xi32>
      %squeeze3A_972 = vector.extract %slice3A_971[0] : i32 from vector<1xi32>
      %dma_start3A_973 = arith.constant 9 : i32
      %dma_start3A_974 = arith.constant 0 : i32
      %dma_start3A_975 = arith.constant 0 : i32
      %dma_start3A_976 = tpu.memref_slice %arg13[%dma_start3A_973, %dma_start3A_974, %dma_start3A_975] : memref<16x8x64xf32, #tpu.memory_space<vmem>> -> memref<1x8x64xf32, #tpu.memory_space<vmem>>
      %dma_start3A_977 = tpu.memref_squeeze %dma_start3A_976 : memref<1x8x64xf32, #tpu.memory_space<vmem>> -> memref<8x64xf32, #tpu.memory_space<vmem>>
      %dma_start3A_978 = arith.constant 0 : i32
      %dma_start3A_979 = arith.constant 0 : i32
      %dma_start3A_980 = tpu.memref_slice %arg5[%squeeze3A_972, %dma_start3A_978, %dma_start3A_979] : memref<125000x8x64xf32, #tpu.memory_space<hbm>> -> memref<1x8x64xf32, #tpu.memory_space<hbm>>
      %dma_start3A_981 = tpu.memref_squeeze %dma_start3A_980 : memref<1x8x64xf32, #tpu.memory_space<hbm>> -> memref<8x64xf32, #tpu.memory_space<hbm>>
      %dma_start3A_982 = arith.constant 0 : i32
      %dma_start3A_983 = arith.constant 0 : i32
      %dma_start3A_984 = tpu.memref_slice %arg13[%dma_start3A_973, %dma_start3A_982, %dma_start3A_983] : memref<16x8x64xf32, #tpu.memory_space<vmem>> -> memref<1x8x64xf32, #tpu.memory_space<vmem>>
      %dma_start3A_985 = tpu.memref_squeeze %dma_start3A_984 : memref<1x8x64xf32, #tpu.memory_space<vmem>> -> memref<8x64xf32, #tpu.memory_space<vmem>>
      %dma_start3A_986 = arith.constant 0 : i32
      %dma_start3A_987 = arith.constant 0 : i32
      %dma_start3A_988 = tpu.memref_slice %arg5[%squeeze3A_972, %dma_start3A_986, %dma_start3A_987] : memref<125000x8x64xf32, #tpu.memory_space<hbm>> -> memref<1x8x64xf32, #tpu.memory_space<hbm>>
      %dma_start3A_989 = tpu.memref_squeeze %dma_start3A_988 : memref<1x8x64xf32, #tpu.memory_space<hbm>> -> memref<8x64xf32, #tpu.memory_space<hbm>>
      tpu.enqueue_dma source(%dma_start3A_989 : memref<8x64xf32, #tpu.memory_space<hbm>>) target(%dma_start3A_985 : memref<8x64xf32, #tpu.memory_space<vmem>>) target_semaphore(%arg18 : memref<!tpu.dma_semaphore, #tpu.memory_space<semaphore_mem>>)
      %slice3A_990 = vector.extract_strided_slice %shift_right_arithmetic3A_255 {offsets = [9], sizes = [1], strides = [1]} : vector<16xi32> to vector<1xi32>
      %squeeze3A_991 = vector.extract %slice3A_990[0] : i32 from vector<1xi32>
      %dma_start3A_992 = arith.constant 9 : i32
      %dma_start3A_993 = arith.constant 0 : i32
      %dma_start3A_994 = arith.constant 0 : i32
      %dma_start3A_995 = tpu.memref_slice %arg14[%dma_start3A_992, %dma_start3A_993, %dma_start3A_994] : memref<16x8x64xf32, #tpu.memory_space<vmem>> -> memref<1x8x64xf32, #tpu.memory_space<vmem>>
      %dma_start3A_996 = tpu.memref_squeeze %dma_start3A_995 : memref<1x8x64xf32, #tpu.memory_space<vmem>> -> memref<8x64xf32, #tpu.memory_space<vmem>>
      %dma_start3A_997 = arith.constant 0 : i32
      %dma_start3A_998 = arith.constant 0 : i32
      %dma_start3A_999 = tpu.memref_slice %arg5[%squeeze3A_991, %dma_start3A_997, %dma_start3A_998] : memref<125000x8x64xf32, #tpu.memory_space<hbm>> -> memref<1x8x64xf32, #tpu.memory_space<hbm>>
      %dma_start3A_1000 = tpu.memref_squeeze %dma_start3A_999 : memref<1x8x64xf32, #tpu.memory_space<hbm>> -> memref<8x64xf32, #tpu.memory_space<hbm>>
      %dma_start3A_1001 = arith.constant 0 : i32
      %dma_start3A_1002 = arith.constant 0 : i32
      %dma_start3A_1003 = tpu.memref_slice %arg14[%dma_start3A_992, %dma_start3A_1001, %dma_start3A_1002] : memref<16x8x64xf32, #tpu.memory_space<vmem>> -> memref<1x8x64xf32, #tpu.memory_space<vmem>>
      %dma_start3A_1004 = tpu.memref_squeeze %dma_start3A_1003 : memref<1x8x64xf32, #tpu.memory_space<vmem>> -> memref<8x64xf32, #tpu.memory_space<vmem>>
      %dma_start3A_1005 = arith.constant 0 : i32
      %dma_start3A_1006 = arith.constant 0 : i32
      %dma_start3A_1007 = tpu.memref_slice %arg5[%squeeze3A_991, %dma_start3A_1005, %dma_start3A_1006] : memref<125000x8x64xf32, #tpu.memory_space<hbm>> -> memref<1x8x64xf32, #tpu.memory_space<hbm>>
      %dma_start3A_1008 = tpu.memref_squeeze %dma_start3A_1007 : memref<1x8x64xf32, #tpu.memory_space<hbm>> -> memref<8x64xf32, #tpu.memory_space<hbm>>
      tpu.enqueue_dma source(%dma_start3A_1008 : memref<8x64xf32, #tpu.memory_space<hbm>>) target(%dma_start3A_1004 : memref<8x64xf32, #tpu.memory_space<vmem>>) target_semaphore(%arg18 : memref<!tpu.dma_semaphore, #tpu.memory_space<semaphore_mem>>)
      %slice3A_1009 = vector.extract_strided_slice %shift_right_arithmetic3A_264 {offsets = [9], sizes = [1], strides = [1]} : vector<16xi32> to vector<1xi32>
      %squeeze3A_1010 = vector.extract %slice3A_1009[0] : i32 from vector<1xi32>
      %dma_start3A_1011 = arith.constant 9 : i32
      %dma_start3A_1012 = arith.constant 0 : i32
      %dma_start3A_1013 = arith.constant 0 : i32
      %dma_start3A_1014 = tpu.memref_slice %arg15[%dma_start3A_1011, %dma_start3A_1012, %dma_start3A_1013] : memref<16x8x64xf32, #tpu.memory_space<vmem>> -> memref<1x8x64xf32, #tpu.memory_space<vmem>>
      %dma_start3A_1015 = tpu.memref_squeeze %dma_start3A_1014 : memref<1x8x64xf32, #tpu.memory_space<vmem>> -> memref<8x64xf32, #tpu.memory_space<vmem>>
      %dma_start3A_1016 = arith.constant 0 : i32
      %dma_start3A_1017 = arith.constant 0 : i32
      %dma_start3A_1018 = tpu.memref_slice %arg5[%squeeze3A_1010, %dma_start3A_1016, %dma_start3A_1017] : memref<125000x8x64xf32, #tpu.memory_space<hbm>> -> memref<1x8x64xf32, #tpu.memory_space<hbm>>
      %dma_start3A_1019 = tpu.memref_squeeze %dma_start3A_1018 : memref<1x8x64xf32, #tpu.memory_space<hbm>> -> memref<8x64xf32, #tpu.memory_space<hbm>>
      %dma_start3A_1020 = arith.constant 0 : i32
      %dma_start3A_1021 = arith.constant 0 : i32
      %dma_start3A_1022 = tpu.memref_slice %arg15[%dma_start3A_1011, %dma_start3A_1020, %dma_start3A_1021] : memref<16x8x64xf32, #tpu.memory_space<vmem>> -> memref<1x8x64xf32, #tpu.memory_space<vmem>>
      %dma_start3A_1023 = tpu.memref_squeeze %dma_start3A_1022 : memref<1x8x64xf32, #tpu.memory_space<vmem>> -> memref<8x64xf32, #tpu.memory_space<vmem>>
      %dma_start3A_1024 = arith.constant 0 : i32
      %dma_start3A_1025 = arith.constant 0 : i32
      %dma_start3A_1026 = tpu.memref_slice %arg5[%squeeze3A_1010, %dma_start3A_1024, %dma_start3A_1025] : memref<125000x8x64xf32, #tpu.memory_space<hbm>> -> memref<1x8x64xf32, #tpu.memory_space<hbm>>
      %dma_start3A_1027 = tpu.memref_squeeze %dma_start3A_1026 : memref<1x8x64xf32, #tpu.memory_space<hbm>> -> memref<8x64xf32, #tpu.memory_space<hbm>>
      tpu.enqueue_dma source(%dma_start3A_1027 : memref<8x64xf32, #tpu.memory_space<hbm>>) target(%dma_start3A_1023 : memref<8x64xf32, #tpu.memory_space<vmem>>) target_semaphore(%arg18 : memref<!tpu.dma_semaphore, #tpu.memory_space<semaphore_mem>>)
      %slice3A_1028 = vector.extract_strided_slice %shift_right_arithmetic3A_239 {offsets = [10], sizes = [1], strides = [1]} : vector<16xi32> to vector<1xi32>
      %squeeze3A_1029 = vector.extract %slice3A_1028[0] : i32 from vector<1xi32>
      %dma_start3A_1030 = arith.constant 10 : i32
      %dma_start3A_1031 = arith.constant 0 : i32
      %dma_start3A_1032 = arith.constant 0 : i32
      %dma_start3A_1033 = tpu.memref_slice %arg12[%dma_start3A_1030, %dma_start3A_1031, %dma_start3A_1032] : memref<16x8x64xf32, #tpu.memory_space<vmem>> -> memref<1x8x64xf32, #tpu.memory_space<vmem>>
      %dma_start3A_1034 = tpu.memref_squeeze %dma_start3A_1033 : memref<1x8x64xf32, #tpu.memory_space<vmem>> -> memref<8x64xf32, #tpu.memory_space<vmem>>
      %dma_start3A_1035 = arith.constant 0 : i32
      %dma_start3A_1036 = arith.constant 0 : i32
      %dma_start3A_1037 = tpu.memref_slice %arg5[%squeeze3A_1029, %dma_start3A_1035, %dma_start3A_1036] : memref<125000x8x64xf32, #tpu.memory_space<hbm>> -> memref<1x8x64xf32, #tpu.memory_space<hbm>>
      %dma_start3A_1038 = tpu.memref_squeeze %dma_start3A_1037 : memref<1x8x64xf32, #tpu.memory_space<hbm>> -> memref<8x64xf32, #tpu.memory_space<hbm>>
      %dma_start3A_1039 = arith.constant 0 : i32
      %dma_start3A_1040 = arith.constant 0 : i32
      %dma_start3A_1041 = tpu.memref_slice %arg12[%dma_start3A_1030, %dma_start3A_1039, %dma_start3A_1040] : memref<16x8x64xf32, #tpu.memory_space<vmem>> -> memref<1x8x64xf32, #tpu.memory_space<vmem>>
      %dma_start3A_1042 = tpu.memref_squeeze %dma_start3A_1041 : memref<1x8x64xf32, #tpu.memory_space<vmem>> -> memref<8x64xf32, #tpu.memory_space<vmem>>
      %dma_start3A_1043 = arith.constant 0 : i32
      %dma_start3A_1044 = arith.constant 0 : i32
      %dma_start3A_1045 = tpu.memref_slice %arg5[%squeeze3A_1029, %dma_start3A_1043, %dma_start3A_1044] : memref<125000x8x64xf32, #tpu.memory_space<hbm>> -> memref<1x8x64xf32, #tpu.memory_space<hbm>>
      %dma_start3A_1046 = tpu.memref_squeeze %dma_start3A_1045 : memref<1x8x64xf32, #tpu.memory_space<hbm>> -> memref<8x64xf32, #tpu.memory_space<hbm>>
      tpu.enqueue_dma source(%dma_start3A_1046 : memref<8x64xf32, #tpu.memory_space<hbm>>) target(%dma_start3A_1042 : memref<8x64xf32, #tpu.memory_space<vmem>>) target_semaphore(%arg18 : memref<!tpu.dma_semaphore, #tpu.memory_space<semaphore_mem>>)
      %slice3A_1047 = vector.extract_strided_slice %shift_right_arithmetic3A_246 {offsets = [10], sizes = [1], strides = [1]} : vector<16xi32> to vector<1xi32>
      %squeeze3A_1048 = vector.extract %slice3A_1047[0] : i32 from vector<1xi32>
      %dma_start3A_1049 = arith.constant 10 : i32
      %dma_start3A_1050 = arith.constant 0 : i32
      %dma_start3A_1051 = arith.constant 0 : i32
      %dma_start3A_1052 = tpu.memref_slice %arg13[%dma_start3A_1049, %dma_start3A_1050, %dma_start3A_1051] : memref<16x8x64xf32, #tpu.memory_space<vmem>> -> memref<1x8x64xf32, #tpu.memory_space<vmem>>
      %dma_start3A_1053 = tpu.memref_squeeze %dma_start3A_1052 : memref<1x8x64xf32, #tpu.memory_space<vmem>> -> memref<8x64xf32, #tpu.memory_space<vmem>>
      %dma_start3A_1054 = arith.constant 0 : i32
      %dma_start3A_1055 = arith.constant 0 : i32
      %dma_start3A_1056 = tpu.memref_slice %arg5[%squeeze3A_1048, %dma_start3A_1054, %dma_start3A_1055] : memref<125000x8x64xf32, #tpu.memory_space<hbm>> -> memref<1x8x64xf32, #tpu.memory_space<hbm>>
      %dma_start3A_1057 = tpu.memref_squeeze %dma_start3A_1056 : memref<1x8x64xf32, #tpu.memory_space<hbm>> -> memref<8x64xf32, #tpu.memory_space<hbm>>
      %dma_start3A_1058 = arith.constant 0 : i32
      %dma_start3A_1059 = arith.constant 0 : i32
      %dma_start3A_1060 = tpu.memref_slice %arg13[%dma_start3A_1049, %dma_start3A_1058, %dma_start3A_1059] : memref<16x8x64xf32, #tpu.memory_space<vmem>> -> memref<1x8x64xf32, #tpu.memory_space<vmem>>
      %dma_start3A_1061 = tpu.memref_squeeze %dma_start3A_1060 : memref<1x8x64xf32, #tpu.memory_space<vmem>> -> memref<8x64xf32, #tpu.memory_space<vmem>>
      %dma_start3A_1062 = arith.constant 0 : i32
      %dma_start3A_1063 = arith.constant 0 : i32
      %dma_start3A_1064 = tpu.memref_slice %arg5[%squeeze3A_1048, %dma_start3A_1062, %dma_start3A_1063] : memref<125000x8x64xf32, #tpu.memory_space<hbm>> -> memref<1x8x64xf32, #tpu.memory_space<hbm>>
      %dma_start3A_1065 = tpu.memref_squeeze %dma_start3A_1064 : memref<1x8x64xf32, #tpu.memory_space<hbm>> -> memref<8x64xf32, #tpu.memory_space<hbm>>
      tpu.enqueue_dma source(%dma_start3A_1065 : memref<8x64xf32, #tpu.memory_space<hbm>>) target(%dma_start3A_1061 : memref<8x64xf32, #tpu.memory_space<vmem>>) target_semaphore(%arg18 : memref<!tpu.dma_semaphore, #tpu.memory_space<semaphore_mem>>)
      %slice3A_1066 = vector.extract_strided_slice %shift_right_arithmetic3A_255 {offsets = [10], sizes = [1], strides = [1]} : vector<16xi32> to vector<1xi32>
      %squeeze3A_1067 = vector.extract %slice3A_1066[0] : i32 from vector<1xi32>
      %dma_start3A_1068 = arith.constant 10 : i32
      %dma_start3A_1069 = arith.constant 0 : i32
      %dma_start3A_1070 = arith.constant 0 : i32
      %dma_start3A_1071 = tpu.memref_slice %arg14[%dma_start3A_1068, %dma_start3A_1069, %dma_start3A_1070] : memref<16x8x64xf32, #tpu.memory_space<vmem>> -> memref<1x8x64xf32, #tpu.memory_space<vmem>>
      %dma_start3A_1072 = tpu.memref_squeeze %dma_start3A_1071 : memref<1x8x64xf32, #tpu.memory_space<vmem>> -> memref<8x64xf32, #tpu.memory_space<vmem>>
      %dma_start3A_1073 = arith.constant 0 : i32
      %dma_start3A_1074 = arith.constant 0 : i32
      %dma_start3A_1075 = tpu.memref_slice %arg5[%squeeze3A_1067, %dma_start3A_1073, %dma_start3A_1074] : memref<125000x8x64xf32, #tpu.memory_space<hbm>> -> memref<1x8x64xf32, #tpu.memory_space<hbm>>
      %dma_start3A_1076 = tpu.memref_squeeze %dma_start3A_1075 : memref<1x8x64xf32, #tpu.memory_space<hbm>> -> memref<8x64xf32, #tpu.memory_space<hbm>>
      %dma_start3A_1077 = arith.constant 0 : i32
      %dma_start3A_1078 = arith.constant 0 : i32
      %dma_start3A_1079 = tpu.memref_slice %arg14[%dma_start3A_1068, %dma_start3A_1077, %dma_start3A_1078] : memref<16x8x64xf32, #tpu.memory_space<vmem>> -> memref<1x8x64xf32, #tpu.memory_space<vmem>>
      %dma_start3A_1080 = tpu.memref_squeeze %dma_start3A_1079 : memref<1x8x64xf32, #tpu.memory_space<vmem>> -> memref<8x64xf32, #tpu.memory_space<vmem>>
      %dma_start3A_1081 = arith.constant 0 : i32
      %dma_start3A_1082 = arith.constant 0 : i32
      %dma_start3A_1083 = tpu.memref_slice %arg5[%squeeze3A_1067, %dma_start3A_1081, %dma_start3A_1082] : memref<125000x8x64xf32, #tpu.memory_space<hbm>> -> memref<1x8x64xf32, #tpu.memory_space<hbm>>
      %dma_start3A_1084 = tpu.memref_squeeze %dma_start3A_1083 : memref<1x8x64xf32, #tpu.memory_space<hbm>> -> memref<8x64xf32, #tpu.memory_space<hbm>>
      tpu.enqueue_dma source(%dma_start3A_1084 : memref<8x64xf32, #tpu.memory_space<hbm>>) target(%dma_start3A_1080 : memref<8x64xf32, #tpu.memory_space<vmem>>) target_semaphore(%arg18 : memref<!tpu.dma_semaphore, #tpu.memory_space<semaphore_mem>>)
      %slice3A_1085 = vector.extract_strided_slice %shift_right_arithmetic3A_264 {offsets = [10], sizes = [1], strides = [1]} : vector<16xi32> to vector<1xi32>
      %squeeze3A_1086 = vector.extract %slice3A_1085[0] : i32 from vector<1xi32>
      %dma_start3A_1087 = arith.constant 10 : i32
      %dma_start3A_1088 = arith.constant 0 : i32
      %dma_start3A_1089 = arith.constant 0 : i32
      %dma_start3A_1090 = tpu.memref_slice %arg15[%dma_start3A_1087, %dma_start3A_1088, %dma_start3A_1089] : memref<16x8x64xf32, #tpu.memory_space<vmem>> -> memref<1x8x64xf32, #tpu.memory_space<vmem>>
      %dma_start3A_1091 = tpu.memref_squeeze %dma_start3A_1090 : memref<1x8x64xf32, #tpu.memory_space<vmem>> -> memref<8x64xf32, #tpu.memory_space<vmem>>
      %dma_start3A_1092 = arith.constant 0 : i32
      %dma_start3A_1093 = arith.constant 0 : i32
      %dma_start3A_1094 = tpu.memref_slice %arg5[%squeeze3A_1086, %dma_start3A_1092, %dma_start3A_1093] : memref<125000x8x64xf32, #tpu.memory_space<hbm>> -> memref<1x8x64xf32, #tpu.memory_space<hbm>>
      %dma_start3A_1095 = tpu.memref_squeeze %dma_start3A_1094 : memref<1x8x64xf32, #tpu.memory_space<hbm>> -> memref<8x64xf32, #tpu.memory_space<hbm>>
      %dma_start3A_1096 = arith.constant 0 : i32
      %dma_start3A_1097 = arith.constant 0 : i32
      %dma_start3A_1098 = tpu.memref_slice %arg15[%dma_start3A_1087, %dma_start3A_1096, %dma_start3A_1097] : memref<16x8x64xf32, #tpu.memory_space<vmem>> -> memref<1x8x64xf32, #tpu.memory_space<vmem>>
      %dma_start3A_1099 = tpu.memref_squeeze %dma_start3A_1098 : memref<1x8x64xf32, #tpu.memory_space<vmem>> -> memref<8x64xf32, #tpu.memory_space<vmem>>
      %dma_start3A_1100 = arith.constant 0 : i32
      %dma_start3A_1101 = arith.constant 0 : i32
      %dma_start3A_1102 = tpu.memref_slice %arg5[%squeeze3A_1086, %dma_start3A_1100, %dma_start3A_1101] : memref<125000x8x64xf32, #tpu.memory_space<hbm>> -> memref<1x8x64xf32, #tpu.memory_space<hbm>>
      %dma_start3A_1103 = tpu.memref_squeeze %dma_start3A_1102 : memref<1x8x64xf32, #tpu.memory_space<hbm>> -> memref<8x64xf32, #tpu.memory_space<hbm>>
      tpu.enqueue_dma source(%dma_start3A_1103 : memref<8x64xf32, #tpu.memory_space<hbm>>) target(%dma_start3A_1099 : memref<8x64xf32, #tpu.memory_space<vmem>>) target_semaphore(%arg18 : memref<!tpu.dma_semaphore, #tpu.memory_space<semaphore_mem>>)
      %slice3A_1104 = vector.extract_strided_slice %shift_right_arithmetic3A_239 {offsets = [11], sizes = [1], strides = [1]} : vector<16xi32> to vector<1xi32>
      %squeeze3A_1105 = vector.extract %slice3A_1104[0] : i32 from vector<1xi32>
      %dma_start3A_1106 = arith.constant 11 : i32
      %dma_start3A_1107 = arith.constant 0 : i32
      %dma_start3A_1108 = arith.constant 0 : i32
      %dma_start3A_1109 = tpu.memref_slice %arg12[%dma_start3A_1106, %dma_start3A_1107, %dma_start3A_1108] : memref<16x8x64xf32, #tpu.memory_space<vmem>> -> memref<1x8x64xf32, #tpu.memory_space<vmem>>
      %dma_start3A_1110 = tpu.memref_squeeze %dma_start3A_1109 : memref<1x8x64xf32, #tpu.memory_space<vmem>> -> memref<8x64xf32, #tpu.memory_space<vmem>>
      %dma_start3A_1111 = arith.constant 0 : i32
      %dma_start3A_1112 = arith.constant 0 : i32
      %dma_start3A_1113 = tpu.memref_slice %arg5[%squeeze3A_1105, %dma_start3A_1111, %dma_start3A_1112] : memref<125000x8x64xf32, #tpu.memory_space<hbm>> -> memref<1x8x64xf32, #tpu.memory_space<hbm>>
      %dma_start3A_1114 = tpu.memref_squeeze %dma_start3A_1113 : memref<1x8x64xf32, #tpu.memory_space<hbm>> -> memref<8x64xf32, #tpu.memory_space<hbm>>
      %dma_start3A_1115 = arith.constant 0 : i32
      %dma_start3A_1116 = arith.constant 0 : i32
      %dma_start3A_1117 = tpu.memref_slice %arg12[%dma_start3A_1106, %dma_start3A_1115, %dma_start3A_1116] : memref<16x8x64xf32, #tpu.memory_space<vmem>> -> memref<1x8x64xf32, #tpu.memory_space<vmem>>
      %dma_start3A_1118 = tpu.memref_squeeze %dma_start3A_1117 : memref<1x8x64xf32, #tpu.memory_space<vmem>> -> memref<8x64xf32, #tpu.memory_space<vmem>>
      %dma_start3A_1119 = arith.constant 0 : i32
      %dma_start3A_1120 = arith.constant 0 : i32
      %dma_start3A_1121 = tpu.memref_slice %arg5[%squeeze3A_1105, %dma_start3A_1119, %dma_start3A_1120] : memref<125000x8x64xf32, #tpu.memory_space<hbm>> -> memref<1x8x64xf32, #tpu.memory_space<hbm>>
      %dma_start3A_1122 = tpu.memref_squeeze %dma_start3A_1121 : memref<1x8x64xf32, #tpu.memory_space<hbm>> -> memref<8x64xf32, #tpu.memory_space<hbm>>
      tpu.enqueue_dma source(%dma_start3A_1122 : memref<8x64xf32, #tpu.memory_space<hbm>>) target(%dma_start3A_1118 : memref<8x64xf32, #tpu.memory_space<vmem>>) target_semaphore(%arg18 : memref<!tpu.dma_semaphore, #tpu.memory_space<semaphore_mem>>)
      %slice3A_1123 = vector.extract_strided_slice %shift_right_arithmetic3A_246 {offsets = [11], sizes = [1], strides = [1]} : vector<16xi32> to vector<1xi32>
      %squeeze3A_1124 = vector.extract %slice3A_1123[0] : i32 from vector<1xi32>
      %dma_start3A_1125 = arith.constant 11 : i32
      %dma_start3A_1126 = arith.constant 0 : i32
      %dma_start3A_1127 = arith.constant 0 : i32
      %dma_start3A_1128 = tpu.memref_slice %arg13[%dma_start3A_1125, %dma_start3A_1126, %dma_start3A_1127] : memref<16x8x64xf32, #tpu.memory_space<vmem>> -> memref<1x8x64xf32, #tpu.memory_space<vmem>>
      %dma_start3A_1129 = tpu.memref_squeeze %dma_start3A_1128 : memref<1x8x64xf32, #tpu.memory_space<vmem>> -> memref<8x64xf32, #tpu.memory_space<vmem>>
      %dma_start3A_1130 = arith.constant 0 : i32
      %dma_start3A_1131 = arith.constant 0 : i32
      %dma_start3A_1132 = tpu.memref_slice %arg5[%squeeze3A_1124, %dma_start3A_1130, %dma_start3A_1131] : memref<125000x8x64xf32, #tpu.memory_space<hbm>> -> memref<1x8x64xf32, #tpu.memory_space<hbm>>
      %dma_start3A_1133 = tpu.memref_squeeze %dma_start3A_1132 : memref<1x8x64xf32, #tpu.memory_space<hbm>> -> memref<8x64xf32, #tpu.memory_space<hbm>>
      %dma_start3A_1134 = arith.constant 0 : i32
      %dma_start3A_1135 = arith.constant 0 : i32
      %dma_start3A_1136 = tpu.memref_slice %arg13[%dma_start3A_1125, %dma_start3A_1134, %dma_start3A_1135] : memref<16x8x64xf32, #tpu.memory_space<vmem>> -> memref<1x8x64xf32, #tpu.memory_space<vmem>>
      %dma_start3A_1137 = tpu.memref_squeeze %dma_start3A_1136 : memref<1x8x64xf32, #tpu.memory_space<vmem>> -> memref<8x64xf32, #tpu.memory_space<vmem>>
      %dma_start3A_1138 = arith.constant 0 : i32
      %dma_start3A_1139 = arith.constant 0 : i32
      %dma_start3A_1140 = tpu.memref_slice %arg5[%squeeze3A_1124, %dma_start3A_1138, %dma_start3A_1139] : memref<125000x8x64xf32, #tpu.memory_space<hbm>> -> memref<1x8x64xf32, #tpu.memory_space<hbm>>
      %dma_start3A_1141 = tpu.memref_squeeze %dma_start3A_1140 : memref<1x8x64xf32, #tpu.memory_space<hbm>> -> memref<8x64xf32, #tpu.memory_space<hbm>>
      tpu.enqueue_dma source(%dma_start3A_1141 : memref<8x64xf32, #tpu.memory_space<hbm>>) target(%dma_start3A_1137 : memref<8x64xf32, #tpu.memory_space<vmem>>) target_semaphore(%arg18 : memref<!tpu.dma_semaphore, #tpu.memory_space<semaphore_mem>>)
      %slice3A_1142 = vector.extract_strided_slice %shift_right_arithmetic3A_255 {offsets = [11], sizes = [1], strides = [1]} : vector<16xi32> to vector<1xi32>
      %squeeze3A_1143 = vector.extract %slice3A_1142[0] : i32 from vector<1xi32>
      %dma_start3A_1144 = arith.constant 11 : i32
      %dma_start3A_1145 = arith.constant 0 : i32
      %dma_start3A_1146 = arith.constant 0 : i32
      %dma_start3A_1147 = tpu.memref_slice %arg14[%dma_start3A_1144, %dma_start3A_1145, %dma_start3A_1146] : memref<16x8x64xf32, #tpu.memory_space<vmem>> -> memref<1x8x64xf32, #tpu.memory_space<vmem>>
      %dma_start3A_1148 = tpu.memref_squeeze %dma_start3A_1147 : memref<1x8x64xf32, #tpu.memory_space<vmem>> -> memref<8x64xf32, #tpu.memory_space<vmem>>
      %dma_start3A_1149 = arith.constant 0 : i32
      %dma_start3A_1150 = arith.constant 0 : i32
      %dma_start3A_1151 = tpu.memref_slice %arg5[%squeeze3A_1143, %dma_start3A_1149, %dma_start3A_1150] : memref<125000x8x64xf32, #tpu.memory_space<hbm>> -> memref<1x8x64xf32, #tpu.memory_space<hbm>>
      %dma_start3A_1152 = tpu.memref_squeeze %dma_start3A_1151 : memref<1x8x64xf32, #tpu.memory_space<hbm>> -> memref<8x64xf32, #tpu.memory_space<hbm>>
      %dma_start3A_1153 = arith.constant 0 : i32
      %dma_start3A_1154 = arith.constant 0 : i32
      %dma_start3A_1155 = tpu.memref_slice %arg14[%dma_start3A_1144, %dma_start3A_1153, %dma_start3A_1154] : memref<16x8x64xf32, #tpu.memory_space<vmem>> -> memref<1x8x64xf32, #tpu.memory_space<vmem>>
      %dma_start3A_1156 = tpu.memref_squeeze %dma_start3A_1155 : memref<1x8x64xf32, #tpu.memory_space<vmem>> -> memref<8x64xf32, #tpu.memory_space<vmem>>
      %dma_start3A_1157 = arith.constant 0 : i32
      %dma_start3A_1158 = arith.constant 0 : i32
      %dma_start3A_1159 = tpu.memref_slice %arg5[%squeeze3A_1143, %dma_start3A_1157, %dma_start3A_1158] : memref<125000x8x64xf32, #tpu.memory_space<hbm>> -> memref<1x8x64xf32, #tpu.memory_space<hbm>>
      %dma_start3A_1160 = tpu.memref_squeeze %dma_start3A_1159 : memref<1x8x64xf32, #tpu.memory_space<hbm>> -> memref<8x64xf32, #tpu.memory_space<hbm>>
      tpu.enqueue_dma source(%dma_start3A_1160 : memref<8x64xf32, #tpu.memory_space<hbm>>) target(%dma_start3A_1156 : memref<8x64xf32, #tpu.memory_space<vmem>>) target_semaphore(%arg18 : memref<!tpu.dma_semaphore, #tpu.memory_space<semaphore_mem>>)
      %slice3A_1161 = vector.extract_strided_slice %shift_right_arithmetic3A_264 {offsets = [11], sizes = [1], strides = [1]} : vector<16xi32> to vector<1xi32>
      %squeeze3A_1162 = vector.extract %slice3A_1161[0] : i32 from vector<1xi32>
      %dma_start3A_1163 = arith.constant 11 : i32
      %dma_start3A_1164 = arith.constant 0 : i32
      %dma_start3A_1165 = arith.constant 0 : i32
      %dma_start3A_1166 = tpu.memref_slice %arg15[%dma_start3A_1163, %dma_start3A_1164, %dma_start3A_1165] : memref<16x8x64xf32, #tpu.memory_space<vmem>> -> memref<1x8x64xf32, #tpu.memory_space<vmem>>
      %dma_start3A_1167 = tpu.memref_squeeze %dma_start3A_1166 : memref<1x8x64xf32, #tpu.memory_space<vmem>> -> memref<8x64xf32, #tpu.memory_space<vmem>>
      %dma_start3A_1168 = arith.constant 0 : i32
      %dma_start3A_1169 = arith.constant 0 : i32
      %dma_start3A_1170 = tpu.memref_slice %arg5[%squeeze3A_1162, %dma_start3A_1168, %dma_start3A_1169] : memref<125000x8x64xf32, #tpu.memory_space<hbm>> -> memref<1x8x64xf32, #tpu.memory_space<hbm>>
      %dma_start3A_1171 = tpu.memref_squeeze %dma_start3A_1170 : memref<1x8x64xf32, #tpu.memory_space<hbm>> -> memref<8x64xf32, #tpu.memory_space<hbm>>
      %dma_start3A_1172 = arith.constant 0 : i32
      %dma_start3A_1173 = arith.constant 0 : i32
      %dma_start3A_1174 = tpu.memref_slice %arg15[%dma_start3A_1163, %dma_start3A_1172, %dma_start3A_1173] : memref<16x8x64xf32, #tpu.memory_space<vmem>> -> memref<1x8x64xf32, #tpu.memory_space<vmem>>
      %dma_start3A_1175 = tpu.memref_squeeze %dma_start3A_1174 : memref<1x8x64xf32, #tpu.memory_space<vmem>> -> memref<8x64xf32, #tpu.memory_space<vmem>>
      %dma_start3A_1176 = arith.constant 0 : i32
      %dma_start3A_1177 = arith.constant 0 : i32
      %dma_start3A_1178 = tpu.memref_slice %arg5[%squeeze3A_1162, %dma_start3A_1176, %dma_start3A_1177] : memref<125000x8x64xf32, #tpu.memory_space<hbm>> -> memref<1x8x64xf32, #tpu.memory_space<hbm>>
      %dma_start3A_1179 = tpu.memref_squeeze %dma_start3A_1178 : memref<1x8x64xf32, #tpu.memory_space<hbm>> -> memref<8x64xf32, #tpu.memory_space<hbm>>
      tpu.enqueue_dma source(%dma_start3A_1179 : memref<8x64xf32, #tpu.memory_space<hbm>>) target(%dma_start3A_1175 : memref<8x64xf32, #tpu.memory_space<vmem>>) target_semaphore(%arg18 : memref<!tpu.dma_semaphore, #tpu.memory_space<semaphore_mem>>)
      %slice3A_1180 = vector.extract_strided_slice %shift_right_arithmetic3A_239 {offsets = [12], sizes = [1], strides = [1]} : vector<16xi32> to vector<1xi32>
      %squeeze3A_1181 = vector.extract %slice3A_1180[0] : i32 from vector<1xi32>
      %dma_start3A_1182 = arith.constant 12 : i32
      %dma_start3A_1183 = arith.constant 0 : i32
      %dma_start3A_1184 = arith.constant 0 : i32
      %dma_start3A_1185 = tpu.memref_slice %arg12[%dma_start3A_1182, %dma_start3A_1183, %dma_start3A_1184] : memref<16x8x64xf32, #tpu.memory_space<vmem>> -> memref<1x8x64xf32, #tpu.memory_space<vmem>>
      %dma_start3A_1186 = tpu.memref_squeeze %dma_start3A_1185 : memref<1x8x64xf32, #tpu.memory_space<vmem>> -> memref<8x64xf32, #tpu.memory_space<vmem>>
      %dma_start3A_1187 = arith.constant 0 : i32
      %dma_start3A_1188 = arith.constant 0 : i32
      %dma_start3A_1189 = tpu.memref_slice %arg5[%squeeze3A_1181, %dma_start3A_1187, %dma_start3A_1188] : memref<125000x8x64xf32, #tpu.memory_space<hbm>> -> memref<1x8x64xf32, #tpu.memory_space<hbm>>
      %dma_start3A_1190 = tpu.memref_squeeze %dma_start3A_1189 : memref<1x8x64xf32, #tpu.memory_space<hbm>> -> memref<8x64xf32, #tpu.memory_space<hbm>>
      %dma_start3A_1191 = arith.constant 0 : i32
      %dma_start3A_1192 = arith.constant 0 : i32
      %dma_start3A_1193 = tpu.memref_slice %arg12[%dma_start3A_1182, %dma_start3A_1191, %dma_start3A_1192] : memref<16x8x64xf32, #tpu.memory_space<vmem>> -> memref<1x8x64xf32, #tpu.memory_space<vmem>>
      %dma_start3A_1194 = tpu.memref_squeeze %dma_start3A_1193 : memref<1x8x64xf32, #tpu.memory_space<vmem>> -> memref<8x64xf32, #tpu.memory_space<vmem>>
      %dma_start3A_1195 = arith.constant 0 : i32
      %dma_start3A_1196 = arith.constant 0 : i32
      %dma_start3A_1197 = tpu.memref_slice %arg5[%squeeze3A_1181, %dma_start3A_1195, %dma_start3A_1196] : memref<125000x8x64xf32, #tpu.memory_space<hbm>> -> memref<1x8x64xf32, #tpu.memory_space<hbm>>
      %dma_start3A_1198 = tpu.memref_squeeze %dma_start3A_1197 : memref<1x8x64xf32, #tpu.memory_space<hbm>> -> memref<8x64xf32, #tpu.memory_space<hbm>>
      tpu.enqueue_dma source(%dma_start3A_1198 : memref<8x64xf32, #tpu.memory_space<hbm>>) target(%dma_start3A_1194 : memref<8x64xf32, #tpu.memory_space<vmem>>) target_semaphore(%arg18 : memref<!tpu.dma_semaphore, #tpu.memory_space<semaphore_mem>>)
      %slice3A_1199 = vector.extract_strided_slice %shift_right_arithmetic3A_246 {offsets = [12], sizes = [1], strides = [1]} : vector<16xi32> to vector<1xi32>
      %squeeze3A_1200 = vector.extract %slice3A_1199[0] : i32 from vector<1xi32>
      %dma_start3A_1201 = arith.constant 12 : i32
      %dma_start3A_1202 = arith.constant 0 : i32
      %dma_start3A_1203 = arith.constant 0 : i32
      %dma_start3A_1204 = tpu.memref_slice %arg13[%dma_start3A_1201, %dma_start3A_1202, %dma_start3A_1203] : memref<16x8x64xf32, #tpu.memory_space<vmem>> -> memref<1x8x64xf32, #tpu.memory_space<vmem>>
      %dma_start3A_1205 = tpu.memref_squeeze %dma_start3A_1204 : memref<1x8x64xf32, #tpu.memory_space<vmem>> -> memref<8x64xf32, #tpu.memory_space<vmem>>
      %dma_start3A_1206 = arith.constant 0 : i32
      %dma_start3A_1207 = arith.constant 0 : i32
      %dma_start3A_1208 = tpu.memref_slice %arg5[%squeeze3A_1200, %dma_start3A_1206, %dma_start3A_1207] : memref<125000x8x64xf32, #tpu.memory_space<hbm>> -> memref<1x8x64xf32, #tpu.memory_space<hbm>>
      %dma_start3A_1209 = tpu.memref_squeeze %dma_start3A_1208 : memref<1x8x64xf32, #tpu.memory_space<hbm>> -> memref<8x64xf32, #tpu.memory_space<hbm>>
      %dma_start3A_1210 = arith.constant 0 : i32
      %dma_start3A_1211 = arith.constant 0 : i32
      %dma_start3A_1212 = tpu.memref_slice %arg13[%dma_start3A_1201, %dma_start3A_1210, %dma_start3A_1211] : memref<16x8x64xf32, #tpu.memory_space<vmem>> -> memref<1x8x64xf32, #tpu.memory_space<vmem>>
      %dma_start3A_1213 = tpu.memref_squeeze %dma_start3A_1212 : memref<1x8x64xf32, #tpu.memory_space<vmem>> -> memref<8x64xf32, #tpu.memory_space<vmem>>
      %dma_start3A_1214 = arith.constant 0 : i32
      %dma_start3A_1215 = arith.constant 0 : i32
      %dma_start3A_1216 = tpu.memref_slice %arg5[%squeeze3A_1200, %dma_start3A_1214, %dma_start3A_1215] : memref<125000x8x64xf32, #tpu.memory_space<hbm>> -> memref<1x8x64xf32, #tpu.memory_space<hbm>>
      %dma_start3A_1217 = tpu.memref_squeeze %dma_start3A_1216 : memref<1x8x64xf32, #tpu.memory_space<hbm>> -> memref<8x64xf32, #tpu.memory_space<hbm>>
      tpu.enqueue_dma source(%dma_start3A_1217 : memref<8x64xf32, #tpu.memory_space<hbm>>) target(%dma_start3A_1213 : memref<8x64xf32, #tpu.memory_space<vmem>>) target_semaphore(%arg18 : memref<!tpu.dma_semaphore, #tpu.memory_space<semaphore_mem>>)
      %slice3A_1218 = vector.extract_strided_slice %shift_right_arithmetic3A_255 {offsets = [12], sizes = [1], strides = [1]} : vector<16xi32> to vector<1xi32>
      %squeeze3A_1219 = vector.extract %slice3A_1218[0] : i32 from vector<1xi32>
      %dma_start3A_1220 = arith.constant 12 : i32
      %dma_start3A_1221 = arith.constant 0 : i32
      %dma_start3A_1222 = arith.constant 0 : i32
      %dma_start3A_1223 = tpu.memref_slice %arg14[%dma_start3A_1220, %dma_start3A_1221, %dma_start3A_1222] : memref<16x8x64xf32, #tpu.memory_space<vmem>> -> memref<1x8x64xf32, #tpu.memory_space<vmem>>
      %dma_start3A_1224 = tpu.memref_squeeze %dma_start3A_1223 : memref<1x8x64xf32, #tpu.memory_space<vmem>> -> memref<8x64xf32, #tpu.memory_space<vmem>>
      %dma_start3A_1225 = arith.constant 0 : i32
      %dma_start3A_1226 = arith.constant 0 : i32
      %dma_start3A_1227 = tpu.memref_slice %arg5[%squeeze3A_1219, %dma_start3A_1225, %dma_start3A_1226] : memref<125000x8x64xf32, #tpu.memory_space<hbm>> -> memref<1x8x64xf32, #tpu.memory_space<hbm>>
      %dma_start3A_1228 = tpu.memref_squeeze %dma_start3A_1227 : memref<1x8x64xf32, #tpu.memory_space<hbm>> -> memref<8x64xf32, #tpu.memory_space<hbm>>
      %dma_start3A_1229 = arith.constant 0 : i32
      %dma_start3A_1230 = arith.constant 0 : i32
      %dma_start3A_1231 = tpu.memref_slice %arg14[%dma_start3A_1220, %dma_start3A_1229, %dma_start3A_1230] : memref<16x8x64xf32, #tpu.memory_space<vmem>> -> memref<1x8x64xf32, #tpu.memory_space<vmem>>
      %dma_start3A_1232 = tpu.memref_squeeze %dma_start3A_1231 : memref<1x8x64xf32, #tpu.memory_space<vmem>> -> memref<8x64xf32, #tpu.memory_space<vmem>>
      %dma_start3A_1233 = arith.constant 0 : i32
      %dma_start3A_1234 = arith.constant 0 : i32
      %dma_start3A_1235 = tpu.memref_slice %arg5[%squeeze3A_1219, %dma_start3A_1233, %dma_start3A_1234] : memref<125000x8x64xf32, #tpu.memory_space<hbm>> -> memref<1x8x64xf32, #tpu.memory_space<hbm>>
      %dma_start3A_1236 = tpu.memref_squeeze %dma_start3A_1235 : memref<1x8x64xf32, #tpu.memory_space<hbm>> -> memref<8x64xf32, #tpu.memory_space<hbm>>
      tpu.enqueue_dma source(%dma_start3A_1236 : memref<8x64xf32, #tpu.memory_space<hbm>>) target(%dma_start3A_1232 : memref<8x64xf32, #tpu.memory_space<vmem>>) target_semaphore(%arg18 : memref<!tpu.dma_semaphore, #tpu.memory_space<semaphore_mem>>)
      %slice3A_1237 = vector.extract_strided_slice %shift_right_arithmetic3A_264 {offsets = [12], sizes = [1], strides = [1]} : vector<16xi32> to vector<1xi32>
      %squeeze3A_1238 = vector.extract %slice3A_1237[0] : i32 from vector<1xi32>
      %dma_start3A_1239 = arith.constant 12 : i32
      %dma_start3A_1240 = arith.constant 0 : i32
      %dma_start3A_1241 = arith.constant 0 : i32
      %dma_start3A_1242 = tpu.memref_slice %arg15[%dma_start3A_1239, %dma_start3A_1240, %dma_start3A_1241] : memref<16x8x64xf32, #tpu.memory_space<vmem>> -> memref<1x8x64xf32, #tpu.memory_space<vmem>>
      %dma_start3A_1243 = tpu.memref_squeeze %dma_start3A_1242 : memref<1x8x64xf32, #tpu.memory_space<vmem>> -> memref<8x64xf32, #tpu.memory_space<vmem>>
      %dma_start3A_1244 = arith.constant 0 : i32
      %dma_start3A_1245 = arith.constant 0 : i32
      %dma_start3A_1246 = tpu.memref_slice %arg5[%squeeze3A_1238, %dma_start3A_1244, %dma_start3A_1245] : memref<125000x8x64xf32, #tpu.memory_space<hbm>> -> memref<1x8x64xf32, #tpu.memory_space<hbm>>
      %dma_start3A_1247 = tpu.memref_squeeze %dma_start3A_1246 : memref<1x8x64xf32, #tpu.memory_space<hbm>> -> memref<8x64xf32, #tpu.memory_space<hbm>>
      %dma_start3A_1248 = arith.constant 0 : i32
      %dma_start3A_1249 = arith.constant 0 : i32
      %dma_start3A_1250 = tpu.memref_slice %arg15[%dma_start3A_1239, %dma_start3A_1248, %dma_start3A_1249] : memref<16x8x64xf32, #tpu.memory_space<vmem>> -> memref<1x8x64xf32, #tpu.memory_space<vmem>>
      %dma_start3A_1251 = tpu.memref_squeeze %dma_start3A_1250 : memref<1x8x64xf32, #tpu.memory_space<vmem>> -> memref<8x64xf32, #tpu.memory_space<vmem>>
      %dma_start3A_1252 = arith.constant 0 : i32
      %dma_start3A_1253 = arith.constant 0 : i32
      %dma_start3A_1254 = tpu.memref_slice %arg5[%squeeze3A_1238, %dma_start3A_1252, %dma_start3A_1253] : memref<125000x8x64xf32, #tpu.memory_space<hbm>> -> memref<1x8x64xf32, #tpu.memory_space<hbm>>
      %dma_start3A_1255 = tpu.memref_squeeze %dma_start3A_1254 : memref<1x8x64xf32, #tpu.memory_space<hbm>> -> memref<8x64xf32, #tpu.memory_space<hbm>>
      tpu.enqueue_dma source(%dma_start3A_1255 : memref<8x64xf32, #tpu.memory_space<hbm>>) target(%dma_start3A_1251 : memref<8x64xf32, #tpu.memory_space<vmem>>) target_semaphore(%arg18 : memref<!tpu.dma_semaphore, #tpu.memory_space<semaphore_mem>>)
      %slice3A_1256 = vector.extract_strided_slice %shift_right_arithmetic3A_239 {offsets = [13], sizes = [1], strides = [1]} : vector<16xi32> to vector<1xi32>
      %squeeze3A_1257 = vector.extract %slice3A_1256[0] : i32 from vector<1xi32>
      %dma_start3A_1258 = arith.constant 13 : i32
      %dma_start3A_1259 = arith.constant 0 : i32
      %dma_start3A_1260 = arith.constant 0 : i32
      %dma_start3A_1261 = tpu.memref_slice %arg12[%dma_start3A_1258, %dma_start3A_1259, %dma_start3A_1260] : memref<16x8x64xf32, #tpu.memory_space<vmem>> -> memref<1x8x64xf32, #tpu.memory_space<vmem>>
      %dma_start3A_1262 = tpu.memref_squeeze %dma_start3A_1261 : memref<1x8x64xf32, #tpu.memory_space<vmem>> -> memref<8x64xf32, #tpu.memory_space<vmem>>
      %dma_start3A_1263 = arith.constant 0 : i32
      %dma_start3A_1264 = arith.constant 0 : i32
      %dma_start3A_1265 = tpu.memref_slice %arg5[%squeeze3A_1257, %dma_start3A_1263, %dma_start3A_1264] : memref<125000x8x64xf32, #tpu.memory_space<hbm>> -> memref<1x8x64xf32, #tpu.memory_space<hbm>>
      %dma_start3A_1266 = tpu.memref_squeeze %dma_start3A_1265 : memref<1x8x64xf32, #tpu.memory_space<hbm>> -> memref<8x64xf32, #tpu.memory_space<hbm>>
      %dma_start3A_1267 = arith.constant 0 : i32
      %dma_start3A_1268 = arith.constant 0 : i32
      %dma_start3A_1269 = tpu.memref_slice %arg12[%dma_start3A_1258, %dma_start3A_1267, %dma_start3A_1268] : memref<16x8x64xf32, #tpu.memory_space<vmem>> -> memref<1x8x64xf32, #tpu.memory_space<vmem>>
      %dma_start3A_1270 = tpu.memref_squeeze %dma_start3A_1269 : memref<1x8x64xf32, #tpu.memory_space<vmem>> -> memref<8x64xf32, #tpu.memory_space<vmem>>
      %dma_start3A_1271 = arith.constant 0 : i32
      %dma_start3A_1272 = arith.constant 0 : i32
      %dma_start3A_1273 = tpu.memref_slice %arg5[%squeeze3A_1257, %dma_start3A_1271, %dma_start3A_1272] : memref<125000x8x64xf32, #tpu.memory_space<hbm>> -> memref<1x8x64xf32, #tpu.memory_space<hbm>>
      %dma_start3A_1274 = tpu.memref_squeeze %dma_start3A_1273 : memref<1x8x64xf32, #tpu.memory_space<hbm>> -> memref<8x64xf32, #tpu.memory_space<hbm>>
      tpu.enqueue_dma source(%dma_start3A_1274 : memref<8x64xf32, #tpu.memory_space<hbm>>) target(%dma_start3A_1270 : memref<8x64xf32, #tpu.memory_space<vmem>>) target_semaphore(%arg18 : memref<!tpu.dma_semaphore, #tpu.memory_space<semaphore_mem>>)
      %slice3A_1275 = vector.extract_strided_slice %shift_right_arithmetic3A_246 {offsets = [13], sizes = [1], strides = [1]} : vector<16xi32> to vector<1xi32>
      %squeeze3A_1276 = vector.extract %slice3A_1275[0] : i32 from vector<1xi32>
      %dma_start3A_1277 = arith.constant 13 : i32
      %dma_start3A_1278 = arith.constant 0 : i32
      %dma_start3A_1279 = arith.constant 0 : i32
      %dma_start3A_1280 = tpu.memref_slice %arg13[%dma_start3A_1277, %dma_start3A_1278, %dma_start3A_1279] : memref<16x8x64xf32, #tpu.memory_space<vmem>> -> memref<1x8x64xf32, #tpu.memory_space<vmem>>
      %dma_start3A_1281 = tpu.memref_squeeze %dma_start3A_1280 : memref<1x8x64xf32, #tpu.memory_space<vmem>> -> memref<8x64xf32, #tpu.memory_space<vmem>>
      %dma_start3A_1282 = arith.constant 0 : i32
      %dma_start3A_1283 = arith.constant 0 : i32
      %dma_start3A_1284 = tpu.memref_slice %arg5[%squeeze3A_1276, %dma_start3A_1282, %dma_start3A_1283] : memref<125000x8x64xf32, #tpu.memory_space<hbm>> -> memref<1x8x64xf32, #tpu.memory_space<hbm>>
      %dma_start3A_1285 = tpu.memref_squeeze %dma_start3A_1284 : memref<1x8x64xf32, #tpu.memory_space<hbm>> -> memref<8x64xf32, #tpu.memory_space<hbm>>
      %dma_start3A_1286 = arith.constant 0 : i32
      %dma_start3A_1287 = arith.constant 0 : i32
      %dma_start3A_1288 = tpu.memref_slice %arg13[%dma_start3A_1277, %dma_start3A_1286, %dma_start3A_1287] : memref<16x8x64xf32, #tpu.memory_space<vmem>> -> memref<1x8x64xf32, #tpu.memory_space<vmem>>
      %dma_start3A_1289 = tpu.memref_squeeze %dma_start3A_1288 : memref<1x8x64xf32, #tpu.memory_space<vmem>> -> memref<8x64xf32, #tpu.memory_space<vmem>>
      %dma_start3A_1290 = arith.constant 0 : i32
      %dma_start3A_1291 = arith.constant 0 : i32
      %dma_start3A_1292 = tpu.memref_slice %arg5[%squeeze3A_1276, %dma_start3A_1290, %dma_start3A_1291] : memref<125000x8x64xf32, #tpu.memory_space<hbm>> -> memref<1x8x64xf32, #tpu.memory_space<hbm>>
      %dma_start3A_1293 = tpu.memref_squeeze %dma_start3A_1292 : memref<1x8x64xf32, #tpu.memory_space<hbm>> -> memref<8x64xf32, #tpu.memory_space<hbm>>
      tpu.enqueue_dma source(%dma_start3A_1293 : memref<8x64xf32, #tpu.memory_space<hbm>>) target(%dma_start3A_1289 : memref<8x64xf32, #tpu.memory_space<vmem>>) target_semaphore(%arg18 : memref<!tpu.dma_semaphore, #tpu.memory_space<semaphore_mem>>)
      %slice3A_1294 = vector.extract_strided_slice %shift_right_arithmetic3A_255 {offsets = [13], sizes = [1], strides = [1]} : vector<16xi32> to vector<1xi32>
      %squeeze3A_1295 = vector.extract %slice3A_1294[0] : i32 from vector<1xi32>
      %dma_start3A_1296 = arith.constant 13 : i32
      %dma_start3A_1297 = arith.constant 0 : i32
      %dma_start3A_1298 = arith.constant 0 : i32
      %dma_start3A_1299 = tpu.memref_slice %arg14[%dma_start3A_1296, %dma_start3A_1297, %dma_start3A_1298] : memref<16x8x64xf32, #tpu.memory_space<vmem>> -> memref<1x8x64xf32, #tpu.memory_space<vmem>>
      %dma_start3A_1300 = tpu.memref_squeeze %dma_start3A_1299 : memref<1x8x64xf32, #tpu.memory_space<vmem>> -> memref<8x64xf32, #tpu.memory_space<vmem>>
      %dma_start3A_1301 = arith.constant 0 : i32
      %dma_start3A_1302 = arith.constant 0 : i32
      %dma_start3A_1303 = tpu.memref_slice %arg5[%squeeze3A_1295, %dma_start3A_1301, %dma_start3A_1302] : memref<125000x8x64xf32, #tpu.memory_space<hbm>> -> memref<1x8x64xf32, #tpu.memory_space<hbm>>
      %dma_start3A_1304 = tpu.memref_squeeze %dma_start3A_1303 : memref<1x8x64xf32, #tpu.memory_space<hbm>> -> memref<8x64xf32, #tpu.memory_space<hbm>>
      %dma_start3A_1305 = arith.constant 0 : i32
      %dma_start3A_1306 = arith.constant 0 : i32
      %dma_start3A_1307 = tpu.memref_slice %arg14[%dma_start3A_1296, %dma_start3A_1305, %dma_start3A_1306] : memref<16x8x64xf32, #tpu.memory_space<vmem>> -> memref<1x8x64xf32, #tpu.memory_space<vmem>>
      %dma_start3A_1308 = tpu.memref_squeeze %dma_start3A_1307 : memref<1x8x64xf32, #tpu.memory_space<vmem>> -> memref<8x64xf32, #tpu.memory_space<vmem>>
      %dma_start3A_1309 = arith.constant 0 : i32
      %dma_start3A_1310 = arith.constant 0 : i32
      %dma_start3A_1311 = tpu.memref_slice %arg5[%squeeze3A_1295, %dma_start3A_1309, %dma_start3A_1310] : memref<125000x8x64xf32, #tpu.memory_space<hbm>> -> memref<1x8x64xf32, #tpu.memory_space<hbm>>
      %dma_start3A_1312 = tpu.memref_squeeze %dma_start3A_1311 : memref<1x8x64xf32, #tpu.memory_space<hbm>> -> memref<8x64xf32, #tpu.memory_space<hbm>>
      tpu.enqueue_dma source(%dma_start3A_1312 : memref<8x64xf32, #tpu.memory_space<hbm>>) target(%dma_start3A_1308 : memref<8x64xf32, #tpu.memory_space<vmem>>) target_semaphore(%arg18 : memref<!tpu.dma_semaphore, #tpu.memory_space<semaphore_mem>>)
      %slice3A_1313 = vector.extract_strided_slice %shift_right_arithmetic3A_264 {offsets = [13], sizes = [1], strides = [1]} : vector<16xi32> to vector<1xi32>
      %squeeze3A_1314 = vector.extract %slice3A_1313[0] : i32 from vector<1xi32>
      %dma_start3A_1315 = arith.constant 13 : i32
      %dma_start3A_1316 = arith.constant 0 : i32
      %dma_start3A_1317 = arith.constant 0 : i32
      %dma_start3A_1318 = tpu.memref_slice %arg15[%dma_start3A_1315, %dma_start3A_1316, %dma_start3A_1317] : memref<16x8x64xf32, #tpu.memory_space<vmem>> -> memref<1x8x64xf32, #tpu.memory_space<vmem>>
      %dma_start3A_1319 = tpu.memref_squeeze %dma_start3A_1318 : memref<1x8x64xf32, #tpu.memory_space<vmem>> -> memref<8x64xf32, #tpu.memory_space<vmem>>
      %dma_start3A_1320 = arith.constant 0 : i32
      %dma_start3A_1321 = arith.constant 0 : i32
      %dma_start3A_1322 = tpu.memref_slice %arg5[%squeeze3A_1314, %dma_start3A_1320, %dma_start3A_1321] : memref<125000x8x64xf32, #tpu.memory_space<hbm>> -> memref<1x8x64xf32, #tpu.memory_space<hbm>>
      %dma_start3A_1323 = tpu.memref_squeeze %dma_start3A_1322 : memref<1x8x64xf32, #tpu.memory_space<hbm>> -> memref<8x64xf32, #tpu.memory_space<hbm>>
      %dma_start3A_1324 = arith.constant 0 : i32
      %dma_start3A_1325 = arith.constant 0 : i32
      %dma_start3A_1326 = tpu.memref_slice %arg15[%dma_start3A_1315, %dma_start3A_1324, %dma_start3A_1325] : memref<16x8x64xf32, #tpu.memory_space<vmem>> -> memref<1x8x64xf32, #tpu.memory_space<vmem>>
      %dma_start3A_1327 = tpu.memref_squeeze %dma_start3A_1326 : memref<1x8x64xf32, #tpu.memory_space<vmem>> -> memref<8x64xf32, #tpu.memory_space<vmem>>
      %dma_start3A_1328 = arith.constant 0 : i32
      %dma_start3A_1329 = arith.constant 0 : i32
      %dma_start3A_1330 = tpu.memref_slice %arg5[%squeeze3A_1314, %dma_start3A_1328, %dma_start3A_1329] : memref<125000x8x64xf32, #tpu.memory_space<hbm>> -> memref<1x8x64xf32, #tpu.memory_space<hbm>>
      %dma_start3A_1331 = tpu.memref_squeeze %dma_start3A_1330 : memref<1x8x64xf32, #tpu.memory_space<hbm>> -> memref<8x64xf32, #tpu.memory_space<hbm>>
      tpu.enqueue_dma source(%dma_start3A_1331 : memref<8x64xf32, #tpu.memory_space<hbm>>) target(%dma_start3A_1327 : memref<8x64xf32, #tpu.memory_space<vmem>>) target_semaphore(%arg18 : memref<!tpu.dma_semaphore, #tpu.memory_space<semaphore_mem>>)
      %slice3A_1332 = vector.extract_strided_slice %shift_right_arithmetic3A_239 {offsets = [14], sizes = [1], strides = [1]} : vector<16xi32> to vector<1xi32>
      %squeeze3A_1333 = vector.extract %slice3A_1332[0] : i32 from vector<1xi32>
      %dma_start3A_1334 = arith.constant 14 : i32
      %dma_start3A_1335 = arith.constant 0 : i32
      %dma_start3A_1336 = arith.constant 0 : i32
      %dma_start3A_1337 = tpu.memref_slice %arg12[%dma_start3A_1334, %dma_start3A_1335, %dma_start3A_1336] : memref<16x8x64xf32, #tpu.memory_space<vmem>> -> memref<1x8x64xf32, #tpu.memory_space<vmem>>
      %dma_start3A_1338 = tpu.memref_squeeze %dma_start3A_1337 : memref<1x8x64xf32, #tpu.memory_space<vmem>> -> memref<8x64xf32, #tpu.memory_space<vmem>>
      %dma_start3A_1339 = arith.constant 0 : i32
      %dma_start3A_1340 = arith.constant 0 : i32
      %dma_start3A_1341 = tpu.memref_slice %arg5[%squeeze3A_1333, %dma_start3A_1339, %dma_start3A_1340] : memref<125000x8x64xf32, #tpu.memory_space<hbm>> -> memref<1x8x64xf32, #tpu.memory_space<hbm>>
      %dma_start3A_1342 = tpu.memref_squeeze %dma_start3A_1341 : memref<1x8x64xf32, #tpu.memory_space<hbm>> -> memref<8x64xf32, #tpu.memory_space<hbm>>
      %dma_start3A_1343 = arith.constant 0 : i32
      %dma_start3A_1344 = arith.constant 0 : i32
      %dma_start3A_1345 = tpu.memref_slice %arg12[%dma_start3A_1334, %dma_start3A_1343, %dma_start3A_1344] : memref<16x8x64xf32, #tpu.memory_space<vmem>> -> memref<1x8x64xf32, #tpu.memory_space<vmem>>
      %dma_start3A_1346 = tpu.memref_squeeze %dma_start3A_1345 : memref<1x8x64xf32, #tpu.memory_space<vmem>> -> memref<8x64xf32, #tpu.memory_space<vmem>>
      %dma_start3A_1347 = arith.constant 0 : i32
      %dma_start3A_1348 = arith.constant 0 : i32
      %dma_start3A_1349 = tpu.memref_slice %arg5[%squeeze3A_1333, %dma_start3A_1347, %dma_start3A_1348] : memref<125000x8x64xf32, #tpu.memory_space<hbm>> -> memref<1x8x64xf32, #tpu.memory_space<hbm>>
      %dma_start3A_1350 = tpu.memref_squeeze %dma_start3A_1349 : memref<1x8x64xf32, #tpu.memory_space<hbm>> -> memref<8x64xf32, #tpu.memory_space<hbm>>
      tpu.enqueue_dma source(%dma_start3A_1350 : memref<8x64xf32, #tpu.memory_space<hbm>>) target(%dma_start3A_1346 : memref<8x64xf32, #tpu.memory_space<vmem>>) target_semaphore(%arg18 : memref<!tpu.dma_semaphore, #tpu.memory_space<semaphore_mem>>)
      %slice3A_1351 = vector.extract_strided_slice %shift_right_arithmetic3A_246 {offsets = [14], sizes = [1], strides = [1]} : vector<16xi32> to vector<1xi32>
      %squeeze3A_1352 = vector.extract %slice3A_1351[0] : i32 from vector<1xi32>
      %dma_start3A_1353 = arith.constant 14 : i32
      %dma_start3A_1354 = arith.constant 0 : i32
      %dma_start3A_1355 = arith.constant 0 : i32
      %dma_start3A_1356 = tpu.memref_slice %arg13[%dma_start3A_1353, %dma_start3A_1354, %dma_start3A_1355] : memref<16x8x64xf32, #tpu.memory_space<vmem>> -> memref<1x8x64xf32, #tpu.memory_space<vmem>>
      %dma_start3A_1357 = tpu.memref_squeeze %dma_start3A_1356 : memref<1x8x64xf32, #tpu.memory_space<vmem>> -> memref<8x64xf32, #tpu.memory_space<vmem>>
      %dma_start3A_1358 = arith.constant 0 : i32
      %dma_start3A_1359 = arith.constant 0 : i32
      %dma_start3A_1360 = tpu.memref_slice %arg5[%squeeze3A_1352, %dma_start3A_1358, %dma_start3A_1359] : memref<125000x8x64xf32, #tpu.memory_space<hbm>> -> memref<1x8x64xf32, #tpu.memory_space<hbm>>
      %dma_start3A_1361 = tpu.memref_squeeze %dma_start3A_1360 : memref<1x8x64xf32, #tpu.memory_space<hbm>> -> memref<8x64xf32, #tpu.memory_space<hbm>>
      %dma_start3A_1362 = arith.constant 0 : i32
      %dma_start3A_1363 = arith.constant 0 : i32
      %dma_start3A_1364 = tpu.memref_slice %arg13[%dma_start3A_1353, %dma_start3A_1362, %dma_start3A_1363] : memref<16x8x64xf32, #tpu.memory_space<vmem>> -> memref<1x8x64xf32, #tpu.memory_space<vmem>>
      %dma_start3A_1365 = tpu.memref_squeeze %dma_start3A_1364 : memref<1x8x64xf32, #tpu.memory_space<vmem>> -> memref<8x64xf32, #tpu.memory_space<vmem>>
      %dma_start3A_1366 = arith.constant 0 : i32
      %dma_start3A_1367 = arith.constant 0 : i32
      %dma_start3A_1368 = tpu.memref_slice %arg5[%squeeze3A_1352, %dma_start3A_1366, %dma_start3A_1367] : memref<125000x8x64xf32, #tpu.memory_space<hbm>> -> memref<1x8x64xf32, #tpu.memory_space<hbm>>
      %dma_start3A_1369 = tpu.memref_squeeze %dma_start3A_1368 : memref<1x8x64xf32, #tpu.memory_space<hbm>> -> memref<8x64xf32, #tpu.memory_space<hbm>>
      tpu.enqueue_dma source(%dma_start3A_1369 : memref<8x64xf32, #tpu.memory_space<hbm>>) target(%dma_start3A_1365 : memref<8x64xf32, #tpu.memory_space<vmem>>) target_semaphore(%arg18 : memref<!tpu.dma_semaphore, #tpu.memory_space<semaphore_mem>>)
      %slice3A_1370 = vector.extract_strided_slice %shift_right_arithmetic3A_255 {offsets = [14], sizes = [1], strides = [1]} : vector<16xi32> to vector<1xi32>
      %squeeze3A_1371 = vector.extract %slice3A_1370[0] : i32 from vector<1xi32>
      %dma_start3A_1372 = arith.constant 14 : i32
      %dma_start3A_1373 = arith.constant 0 : i32
      %dma_start3A_1374 = arith.constant 0 : i32
      %dma_start3A_1375 = tpu.memref_slice %arg14[%dma_start3A_1372, %dma_start3A_1373, %dma_start3A_1374] : memref<16x8x64xf32, #tpu.memory_space<vmem>> -> memref<1x8x64xf32, #tpu.memory_space<vmem>>
      %dma_start3A_1376 = tpu.memref_squeeze %dma_start3A_1375 : memref<1x8x64xf32, #tpu.memory_space<vmem>> -> memref<8x64xf32, #tpu.memory_space<vmem>>
      %dma_start3A_1377 = arith.constant 0 : i32
      %dma_start3A_1378 = arith.constant 0 : i32
      %dma_start3A_1379 = tpu.memref_slice %arg5[%squeeze3A_1371, %dma_start3A_1377, %dma_start3A_1378] : memref<125000x8x64xf32, #tpu.memory_space<hbm>> -> memref<1x8x64xf32, #tpu.memory_space<hbm>>
      %dma_start3A_1380 = tpu.memref_squeeze %dma_start3A_1379 : memref<1x8x64xf32, #tpu.memory_space<hbm>> -> memref<8x64xf32, #tpu.memory_space<hbm>>
      %dma_start3A_1381 = arith.constant 0 : i32
      %dma_start3A_1382 = arith.constant 0 : i32
      %dma_start3A_1383 = tpu.memref_slice %arg14[%dma_start3A_1372, %dma_start3A_1381, %dma_start3A_1382] : memref<16x8x64xf32, #tpu.memory_space<vmem>> -> memref<1x8x64xf32, #tpu.memory_space<vmem>>
      %dma_start3A_1384 = tpu.memref_squeeze %dma_start3A_1383 : memref<1x8x64xf32, #tpu.memory_space<vmem>> -> memref<8x64xf32, #tpu.memory_space<vmem>>
      %dma_start3A_1385 = arith.constant 0 : i32
      %dma_start3A_1386 = arith.constant 0 : i32
      %dma_start3A_1387 = tpu.memref_slice %arg5[%squeeze3A_1371, %dma_start3A_1385, %dma_start3A_1386] : memref<125000x8x64xf32, #tpu.memory_space<hbm>> -> memref<1x8x64xf32, #tpu.memory_space<hbm>>
      %dma_start3A_1388 = tpu.memref_squeeze %dma_start3A_1387 : memref<1x8x64xf32, #tpu.memory_space<hbm>> -> memref<8x64xf32, #tpu.memory_space<hbm>>
      tpu.enqueue_dma source(%dma_start3A_1388 : memref<8x64xf32, #tpu.memory_space<hbm>>) target(%dma_start3A_1384 : memref<8x64xf32, #tpu.memory_space<vmem>>) target_semaphore(%arg18 : memref<!tpu.dma_semaphore, #tpu.memory_space<semaphore_mem>>)
      %slice3A_1389 = vector.extract_strided_slice %shift_right_arithmetic3A_264 {offsets = [14], sizes = [1], strides = [1]} : vector<16xi32> to vector<1xi32>
      %squeeze3A_1390 = vector.extract %slice3A_1389[0] : i32 from vector<1xi32>
      %dma_start3A_1391 = arith.constant 14 : i32
      %dma_start3A_1392 = arith.constant 0 : i32
      %dma_start3A_1393 = arith.constant 0 : i32
      %dma_start3A_1394 = tpu.memref_slice %arg15[%dma_start3A_1391, %dma_start3A_1392, %dma_start3A_1393] : memref<16x8x64xf32, #tpu.memory_space<vmem>> -> memref<1x8x64xf32, #tpu.memory_space<vmem>>
      %dma_start3A_1395 = tpu.memref_squeeze %dma_start3A_1394 : memref<1x8x64xf32, #tpu.memory_space<vmem>> -> memref<8x64xf32, #tpu.memory_space<vmem>>
      %dma_start3A_1396 = arith.constant 0 : i32
      %dma_start3A_1397 = arith.constant 0 : i32
      %dma_start3A_1398 = tpu.memref_slice %arg5[%squeeze3A_1390, %dma_start3A_1396, %dma_start3A_1397] : memref<125000x8x64xf32, #tpu.memory_space<hbm>> -> memref<1x8x64xf32, #tpu.memory_space<hbm>>
      %dma_start3A_1399 = tpu.memref_squeeze %dma_start3A_1398 : memref<1x8x64xf32, #tpu.memory_space<hbm>> -> memref<8x64xf32, #tpu.memory_space<hbm>>
      %dma_start3A_1400 = arith.constant 0 : i32
      %dma_start3A_1401 = arith.constant 0 : i32
      %dma_start3A_1402 = tpu.memref_slice %arg15[%dma_start3A_1391, %dma_start3A_1400, %dma_start3A_1401] : memref<16x8x64xf32, #tpu.memory_space<vmem>> -> memref<1x8x64xf32, #tpu.memory_space<vmem>>
      %dma_start3A_1403 = tpu.memref_squeeze %dma_start3A_1402 : memref<1x8x64xf32, #tpu.memory_space<vmem>> -> memref<8x64xf32, #tpu.memory_space<vmem>>
      %dma_start3A_1404 = arith.constant 0 : i32
      %dma_start3A_1405 = arith.constant 0 : i32
      %dma_start3A_1406 = tpu.memref_slice %arg5[%squeeze3A_1390, %dma_start3A_1404, %dma_start3A_1405] : memref<125000x8x64xf32, #tpu.memory_space<hbm>> -> memref<1x8x64xf32, #tpu.memory_space<hbm>>
      %dma_start3A_1407 = tpu.memref_squeeze %dma_start3A_1406 : memref<1x8x64xf32, #tpu.memory_space<hbm>> -> memref<8x64xf32, #tpu.memory_space<hbm>>
      tpu.enqueue_dma source(%dma_start3A_1407 : memref<8x64xf32, #tpu.memory_space<hbm>>) target(%dma_start3A_1403 : memref<8x64xf32, #tpu.memory_space<vmem>>) target_semaphore(%arg18 : memref<!tpu.dma_semaphore, #tpu.memory_space<semaphore_mem>>)
      %slice3A_1408 = vector.extract_strided_slice %shift_right_arithmetic3A_239 {offsets = [15], sizes = [1], strides = [1]} : vector<16xi32> to vector<1xi32>
      %squeeze3A_1409 = vector.extract %slice3A_1408[0] : i32 from vector<1xi32>
      %dma_start3A_1410 = arith.constant 15 : i32
      %dma_start3A_1411 = arith.constant 0 : i32
      %dma_start3A_1412 = arith.constant 0 : i32
      %dma_start3A_1413 = tpu.memref_slice %arg12[%dma_start3A_1410, %dma_start3A_1411, %dma_start3A_1412] : memref<16x8x64xf32, #tpu.memory_space<vmem>> -> memref<1x8x64xf32, #tpu.memory_space<vmem>>
      %dma_start3A_1414 = tpu.memref_squeeze %dma_start3A_1413 : memref<1x8x64xf32, #tpu.memory_space<vmem>> -> memref<8x64xf32, #tpu.memory_space<vmem>>
      %dma_start3A_1415 = arith.constant 0 : i32
      %dma_start3A_1416 = arith.constant 0 : i32
      %dma_start3A_1417 = tpu.memref_slice %arg5[%squeeze3A_1409, %dma_start3A_1415, %dma_start3A_1416] : memref<125000x8x64xf32, #tpu.memory_space<hbm>> -> memref<1x8x64xf32, #tpu.memory_space<hbm>>
      %dma_start3A_1418 = tpu.memref_squeeze %dma_start3A_1417 : memref<1x8x64xf32, #tpu.memory_space<hbm>> -> memref<8x64xf32, #tpu.memory_space<hbm>>
      %dma_start3A_1419 = arith.constant 0 : i32
      %dma_start3A_1420 = arith.constant 0 : i32
      %dma_start3A_1421 = tpu.memref_slice %arg12[%dma_start3A_1410, %dma_start3A_1419, %dma_start3A_1420] : memref<16x8x64xf32, #tpu.memory_space<vmem>> -> memref<1x8x64xf32, #tpu.memory_space<vmem>>
      %dma_start3A_1422 = tpu.memref_squeeze %dma_start3A_1421 : memref<1x8x64xf32, #tpu.memory_space<vmem>> -> memref<8x64xf32, #tpu.memory_space<vmem>>
      %dma_start3A_1423 = arith.constant 0 : i32
      %dma_start3A_1424 = arith.constant 0 : i32
      %dma_start3A_1425 = tpu.memref_slice %arg5[%squeeze3A_1409, %dma_start3A_1423, %dma_start3A_1424] : memref<125000x8x64xf32, #tpu.memory_space<hbm>> -> memref<1x8x64xf32, #tpu.memory_space<hbm>>
      %dma_start3A_1426 = tpu.memref_squeeze %dma_start3A_1425 : memref<1x8x64xf32, #tpu.memory_space<hbm>> -> memref<8x64xf32, #tpu.memory_space<hbm>>
      tpu.enqueue_dma source(%dma_start3A_1426 : memref<8x64xf32, #tpu.memory_space<hbm>>) target(%dma_start3A_1422 : memref<8x64xf32, #tpu.memory_space<vmem>>) target_semaphore(%arg18 : memref<!tpu.dma_semaphore, #tpu.memory_space<semaphore_mem>>)
      %slice3A_1427 = vector.extract_strided_slice %shift_right_arithmetic3A_246 {offsets = [15], sizes = [1], strides = [1]} : vector<16xi32> to vector<1xi32>
      %squeeze3A_1428 = vector.extract %slice3A_1427[0] : i32 from vector<1xi32>
      %dma_start3A_1429 = arith.constant 15 : i32
      %dma_start3A_1430 = arith.constant 0 : i32
      %dma_start3A_1431 = arith.constant 0 : i32
      %dma_start3A_1432 = tpu.memref_slice %arg13[%dma_start3A_1429, %dma_start3A_1430, %dma_start3A_1431] : memref<16x8x64xf32, #tpu.memory_space<vmem>> -> memref<1x8x64xf32, #tpu.memory_space<vmem>>
      %dma_start3A_1433 = tpu.memref_squeeze %dma_start3A_1432 : memref<1x8x64xf32, #tpu.memory_space<vmem>> -> memref<8x64xf32, #tpu.memory_space<vmem>>
      %dma_start3A_1434 = arith.constant 0 : i32
      %dma_start3A_1435 = arith.constant 0 : i32
      %dma_start3A_1436 = tpu.memref_slice %arg5[%squeeze3A_1428, %dma_start3A_1434, %dma_start3A_1435] : memref<125000x8x64xf32, #tpu.memory_space<hbm>> -> memref<1x8x64xf32, #tpu.memory_space<hbm>>
      %dma_start3A_1437 = tpu.memref_squeeze %dma_start3A_1436 : memref<1x8x64xf32, #tpu.memory_space<hbm>> -> memref<8x64xf32, #tpu.memory_space<hbm>>
      %dma_start3A_1438 = arith.constant 0 : i32
      %dma_start3A_1439 = arith.constant 0 : i32
      %dma_start3A_1440 = tpu.memref_slice %arg13[%dma_start3A_1429, %dma_start3A_1438, %dma_start3A_1439] : memref<16x8x64xf32, #tpu.memory_space<vmem>> -> memref<1x8x64xf32, #tpu.memory_space<vmem>>
      %dma_start3A_1441 = tpu.memref_squeeze %dma_start3A_1440 : memref<1x8x64xf32, #tpu.memory_space<vmem>> -> memref<8x64xf32, #tpu.memory_space<vmem>>
      %dma_start3A_1442 = arith.constant 0 : i32
      %dma_start3A_1443 = arith.constant 0 : i32
      %dma_start3A_1444 = tpu.memref_slice %arg5[%squeeze3A_1428, %dma_start3A_1442, %dma_start3A_1443] : memref<125000x8x64xf32, #tpu.memory_space<hbm>> -> memref<1x8x64xf32, #tpu.memory_space<hbm>>
      %dma_start3A_1445 = tpu.memref_squeeze %dma_start3A_1444 : memref<1x8x64xf32, #tpu.memory_space<hbm>> -> memref<8x64xf32, #tpu.memory_space<hbm>>
      tpu.enqueue_dma source(%dma_start3A_1445 : memref<8x64xf32, #tpu.memory_space<hbm>>) target(%dma_start3A_1441 : memref<8x64xf32, #tpu.memory_space<vmem>>) target_semaphore(%arg18 : memref<!tpu.dma_semaphore, #tpu.memory_space<semaphore_mem>>)
      %slice3A_1446 = vector.extract_strided_slice %shift_right_arithmetic3A_255 {offsets = [15], sizes = [1], strides = [1]} : vector<16xi32> to vector<1xi32>
      %squeeze3A_1447 = vector.extract %slice3A_1446[0] : i32 from vector<1xi32>
      %dma_start3A_1448 = arith.constant 15 : i32
      %dma_start3A_1449 = arith.constant 0 : i32
      %dma_start3A_1450 = arith.constant 0 : i32
      %dma_start3A_1451 = tpu.memref_slice %arg14[%dma_start3A_1448, %dma_start3A_1449, %dma_start3A_1450] : memref<16x8x64xf32, #tpu.memory_space<vmem>> -> memref<1x8x64xf32, #tpu.memory_space<vmem>>
      %dma_start3A_1452 = tpu.memref_squeeze %dma_start3A_1451 : memref<1x8x64xf32, #tpu.memory_space<vmem>> -> memref<8x64xf32, #tpu.memory_space<vmem>>
      %dma_start3A_1453 = arith.constant 0 : i32
      %dma_start3A_1454 = arith.constant 0 : i32
      %dma_start3A_1455 = tpu.memref_slice %arg5[%squeeze3A_1447, %dma_start3A_1453, %dma_start3A_1454] : memref<125000x8x64xf32, #tpu.memory_space<hbm>> -> memref<1x8x64xf32, #tpu.memory_space<hbm>>
      %dma_start3A_1456 = tpu.memref_squeeze %dma_start3A_1455 : memref<1x8x64xf32, #tpu.memory_space<hbm>> -> memref<8x64xf32, #tpu.memory_space<hbm>>
      %dma_start3A_1457 = arith.constant 0 : i32
      %dma_start3A_1458 = arith.constant 0 : i32
      %dma_start3A_1459 = tpu.memref_slice %arg14[%dma_start3A_1448, %dma_start3A_1457, %dma_start3A_1458] : memref<16x8x64xf32, #tpu.memory_space<vmem>> -> memref<1x8x64xf32, #tpu.memory_space<vmem>>
      %dma_start3A_1460 = tpu.memref_squeeze %dma_start3A_1459 : memref<1x8x64xf32, #tpu.memory_space<vmem>> -> memref<8x64xf32, #tpu.memory_space<vmem>>
      %dma_start3A_1461 = arith.constant 0 : i32
      %dma_start3A_1462 = arith.constant 0 : i32
      %dma_start3A_1463 = tpu.memref_slice %arg5[%squeeze3A_1447, %dma_start3A_1461, %dma_start3A_1462] : memref<125000x8x64xf32, #tpu.memory_space<hbm>> -> memref<1x8x64xf32, #tpu.memory_space<hbm>>
      %dma_start3A_1464 = tpu.memref_squeeze %dma_start3A_1463 : memref<1x8x64xf32, #tpu.memory_space<hbm>> -> memref<8x64xf32, #tpu.memory_space<hbm>>
      tpu.enqueue_dma source(%dma_start3A_1464 : memref<8x64xf32, #tpu.memory_space<hbm>>) target(%dma_start3A_1460 : memref<8x64xf32, #tpu.memory_space<vmem>>) target_semaphore(%arg18 : memref<!tpu.dma_semaphore, #tpu.memory_space<semaphore_mem>>)
      %slice3A_1465 = vector.extract_strided_slice %shift_right_arithmetic3A_264 {offsets = [15], sizes = [1], strides = [1]} : vector<16xi32> to vector<1xi32>
      %squeeze3A_1466 = vector.extract %slice3A_1465[0] : i32 from vector<1xi32>
      %dma_start3A_1467 = arith.constant 15 : i32
      %dma_start3A_1468 = arith.constant 0 : i32
      %dma_start3A_1469 = arith.constant 0 : i32
      %dma_start3A_1470 = tpu.memref_slice %arg15[%dma_start3A_1467, %dma_start3A_1468, %dma_start3A_1469] : memref<16x8x64xf32, #tpu.memory_space<vmem>> -> memref<1x8x64xf32, #tpu.memory_space<vmem>>
      %dma_start3A_1471 = tpu.memref_squeeze %dma_start3A_1470 : memref<1x8x64xf32, #tpu.memory_space<vmem>> -> memref<8x64xf32, #tpu.memory_space<vmem>>
      %dma_start3A_1472 = arith.constant 0 : i32
      %dma_start3A_1473 = arith.constant 0 : i32
      %dma_start3A_1474 = tpu.memref_slice %arg5[%squeeze3A_1466, %dma_start3A_1472, %dma_start3A_1473] : memref<125000x8x64xf32, #tpu.memory_space<hbm>> -> memref<1x8x64xf32, #tpu.memory_space<hbm>>
      %dma_start3A_1475 = tpu.memref_squeeze %dma_start3A_1474 : memref<1x8x64xf32, #tpu.memory_space<hbm>> -> memref<8x64xf32, #tpu.memory_space<hbm>>
      %dma_start3A_1476 = arith.constant 0 : i32
      %dma_start3A_1477 = arith.constant 0 : i32
      %dma_start3A_1478 = tpu.memref_slice %arg15[%dma_start3A_1467, %dma_start3A_1476, %dma_start3A_1477] : memref<16x8x64xf32, #tpu.memory_space<vmem>> -> memref<1x8x64xf32, #tpu.memory_space<vmem>>
      %dma_start3A_1479 = tpu.memref_squeeze %dma_start3A_1478 : memref<1x8x64xf32, #tpu.memory_space<vmem>> -> memref<8x64xf32, #tpu.memory_space<vmem>>
      %dma_start3A_1480 = arith.constant 0 : i32
      %dma_start3A_1481 = arith.constant 0 : i32
      %dma_start3A_1482 = tpu.memref_slice %arg5[%squeeze3A_1466, %dma_start3A_1480, %dma_start3A_1481] : memref<125000x8x64xf32, #tpu.memory_space<hbm>> -> memref<1x8x64xf32, #tpu.memory_space<hbm>>
      %dma_start3A_1483 = tpu.memref_squeeze %dma_start3A_1482 : memref<1x8x64xf32, #tpu.memory_space<hbm>> -> memref<8x64xf32, #tpu.memory_space<hbm>>
      tpu.enqueue_dma source(%dma_start3A_1483 : memref<8x64xf32, #tpu.memory_space<hbm>>) target(%dma_start3A_1479 : memref<8x64xf32, #tpu.memory_space<vmem>>) target_semaphore(%arg18 : memref<!tpu.dma_semaphore, #tpu.memory_space<semaphore_mem>>)
      %dma_wait3A = arith.constant 0 : i32
      %dma_wait3A_1484 = arith.constant 0 : i32
      %dma_wait3A_1485 = tpu.memref_slice %arg6[%dma_wait3A, %dma_wait3A_1484] : memref<500x128xf32, #tpu.memory_space<hbm>> -> memref<32x128xf32, #tpu.memory_space<hbm>>
      %dma_wait3A_1486 = arith.constant 0 : i32
      %dma_wait3A_1487 = arith.constant 0 : i32
      %dma_wait3A_1488 = tpu.memref_slice %arg6[%dma_wait3A_1486, %dma_wait3A_1487] : memref<500x128xf32, #tpu.memory_space<hbm>> -> memref<32x128xf32, #tpu.memory_space<hbm>>
      tpu.wait_dma2 semaphore(%arg18 : memref<!tpu.dma_semaphore, #tpu.memory_space<semaphore_mem>>) src(%dma_wait3A_1488 : memref<32x128xf32, #tpu.memory_space<hbm>>) dst(%arg16 : memref<32x128xf32, #tpu.memory_space<vmem>>)
      %dma_wait3A_1489 = arith.constant 0 : i32
      %dma_wait3A_1490 = arith.constant 0 : i32
      %dma_wait3A_1491 = arith.constant 0 : i32
      %dma_wait3A_1492 = tpu.memref_slice %arg5[%dma_wait3A_1489, %dma_wait3A_1490, %dma_wait3A_1491] : memref<125000x8x64xf32, #tpu.memory_space<hbm>> -> memref<16x8x64xf32, #tpu.memory_space<hbm>>
      %dma_wait3A_1493 = arith.constant 0 : i32
      %dma_wait3A_1494 = arith.constant 0 : i32
      %dma_wait3A_1495 = arith.constant 0 : i32
      %dma_wait3A_1496 = tpu.memref_slice %arg5[%dma_wait3A_1493, %dma_wait3A_1494, %dma_wait3A_1495] : memref<125000x8x64xf32, #tpu.memory_space<hbm>> -> memref<16x8x64xf32, #tpu.memory_space<hbm>>
      tpu.wait_dma2 semaphore(%arg18 : memref<!tpu.dma_semaphore, #tpu.memory_space<semaphore_mem>>) src(%dma_wait3A_1496 : memref<16x8x64xf32, #tpu.memory_space<hbm>>) dst(%arg12 : memref<16x8x64xf32, #tpu.memory_space<vmem>>)
      %dma_wait3A_1497 = arith.constant 0 : i32
      %dma_wait3A_1498 = arith.constant 0 : i32
      %dma_wait3A_1499 = arith.constant 0 : i32
      %dma_wait3A_1500 = tpu.memref_slice %arg5[%dma_wait3A_1497, %dma_wait3A_1498, %dma_wait3A_1499] : memref<125000x8x64xf32, #tpu.memory_space<hbm>> -> memref<16x8x64xf32, #tpu.memory_space<hbm>>
      %dma_wait3A_1501 = arith.constant 0 : i32
      %dma_wait3A_1502 = arith.constant 0 : i32
      %dma_wait3A_1503 = arith.constant 0 : i32
      %dma_wait3A_1504 = tpu.memref_slice %arg5[%dma_wait3A_1501, %dma_wait3A_1502, %dma_wait3A_1503] : memref<125000x8x64xf32, #tpu.memory_space<hbm>> -> memref<16x8x64xf32, #tpu.memory_space<hbm>>
      tpu.wait_dma2 semaphore(%arg18 : memref<!tpu.dma_semaphore, #tpu.memory_space<semaphore_mem>>) src(%dma_wait3A_1504 : memref<16x8x64xf32, #tpu.memory_space<hbm>>) dst(%arg13 : memref<16x8x64xf32, #tpu.memory_space<vmem>>)
      %dma_wait3A_1505 = arith.constant 0 : i32
      %dma_wait3A_1506 = arith.constant 0 : i32
      %dma_wait3A_1507 = arith.constant 0 : i32
      %dma_wait3A_1508 = tpu.memref_slice %arg5[%dma_wait3A_1505, %dma_wait3A_1506, %dma_wait3A_1507] : memref<125000x8x64xf32, #tpu.memory_space<hbm>> -> memref<16x8x64xf32, #tpu.memory_space<hbm>>
      %dma_wait3A_1509 = arith.constant 0 : i32
      %dma_wait3A_1510 = arith.constant 0 : i32
      %dma_wait3A_1511 = arith.constant 0 : i32
      %dma_wait3A_1512 = tpu.memref_slice %arg5[%dma_wait3A_1509, %dma_wait3A_1510, %dma_wait3A_1511] : memref<125000x8x64xf32, #tpu.memory_space<hbm>> -> memref<16x8x64xf32, #tpu.memory_space<hbm>>
      tpu.wait_dma2 semaphore(%arg18 : memref<!tpu.dma_semaphore, #tpu.memory_space<semaphore_mem>>) src(%dma_wait3A_1512 : memref<16x8x64xf32, #tpu.memory_space<hbm>>) dst(%arg14 : memref<16x8x64xf32, #tpu.memory_space<vmem>>)
      %dma_wait3A_1513 = arith.constant 0 : i32
      %dma_wait3A_1514 = arith.constant 0 : i32
      %dma_wait3A_1515 = arith.constant 0 : i32
      %dma_wait3A_1516 = tpu.memref_slice %arg5[%dma_wait3A_1513, %dma_wait3A_1514, %dma_wait3A_1515] : memref<125000x8x64xf32, #tpu.memory_space<hbm>> -> memref<16x8x64xf32, #tpu.memory_space<hbm>>
      %dma_wait3A_1517 = arith.constant 0 : i32
      %dma_wait3A_1518 = arith.constant 0 : i32
      %dma_wait3A_1519 = arith.constant 0 : i32
      %dma_wait3A_1520 = tpu.memref_slice %arg5[%dma_wait3A_1517, %dma_wait3A_1518, %dma_wait3A_1519] : memref<125000x8x64xf32, #tpu.memory_space<hbm>> -> memref<16x8x64xf32, #tpu.memory_space<hbm>>
      tpu.wait_dma2 semaphore(%arg18 : memref<!tpu.dma_semaphore, #tpu.memory_space<semaphore_mem>>) src(%dma_wait3A_1520 : memref<16x8x64xf32, #tpu.memory_space<hbm>>) dst(%arg15 : memref<16x8x64xf32, #tpu.memory_space<vmem>>)
      %mul3A_1521 = arith.constant 32 : i32
      %mul3A_1522 = arith.muli %scan3A_231, %mul3A_1521 : i32
      %add3A_1523 = arith.constant 0 : i32
      %add3A_1524 = arith.addi %mul3A_1522, %add3A_1523 : i32
      %get3A_1525 = arith.index_cast %add3A_1524 : i32 to index
      %get3A_1526 = tpu.vector_load %arg8[%get3A_1525] {strides = array<i32>} : memref<512xi32, #tpu.memory_space<vmem>>, vector<16xi32>,
      %get3A_1527 = arith.index_cast %add3A_1524 : i32 to index
      %get3A_1528 = tpu.vector_load %arg10[%get3A_1527] {strides = array<i32>} : memref<512xi32, #tpu.memory_space<vmem>>, vector<16xi32>,
      %get3A_1529 = arith.index_cast %add3A_1524 : i32 to index
      %get3A_1530 = tpu.vector_load %arg9[%get3A_1529] {strides = array<i32>} : memref<512xi32, #tpu.memory_space<vmem>>, vector<16xi32>,
      %and3A = arith.constant 7 : i32
      %and3A_1531 = vector.broadcast %and3A : i32 to vector<16xi32>
      %and3A_1532 = arith.andi %get3A_1526, %and3A_1531 : vector<16xi32>
      %and3A_1533 = arith.constant 7 : i32
      %and3A_1534 = vector.broadcast %and3A_1533 : i32 to vector<16xi32>
      %and3A_1535 = arith.andi %get3A_1528, %and3A_1534 : vector<16xi32>
      %and3A_1536 = arith.constant 1 : i32
      %and3A_1537 = vector.broadcast %and3A_1536 : i32 to vector<16xi32>
      %and3A_1538 = arith.andi %get3A_1530, %and3A_1537 : vector<16xi32>
      %mul3A_1539 = arith.constant 64 : i32
      %mul3A_1540 = vector.broadcast %mul3A_1539 : i32 to vector<16xi32>
      %mul3A_1541 = arith.muli %and3A_1538, %mul3A_1540 : vector<16xi32>
      %slice3A_1542 = vector.extract_strided_slice %and3A_1532 {offsets = [0], sizes = [1], strides = [1]} : vector<16xi32> to vector<1xi32>
      %squeeze3A_1543 = vector.extract %slice3A_1542[0] : i32 from vector<1xi32>
      %slice3A_1544 = vector.extract_strided_slice %and3A_1535 {offsets = [0], sizes = [1], strides = [1]} : vector<16xi32> to vector<1xi32>
      %squeeze3A_1545 = vector.extract %slice3A_1544[0] : i32 from vector<1xi32>
      %slice3A_1546 = vector.extract_strided_slice %mul3A_1541 {offsets = [0], sizes = [1], strides = [1]} : vector<16xi32> to vector<1xi32>
      %squeeze3A_1547 = vector.extract %slice3A_1546[0] : i32 from vector<1xi32>
      %get3A_1548 = arith.constant 0 : i32
      %get3A_1549 = arith.index_cast %get3A_1548 : i32 to index
      %get3A_1550 = arith.index_cast %squeeze3A_1543 : i32 to index
      %get3A_1551 = arith.constant 0 : index
      %get3A_1552 = tpu.vector_load %arg12[%get3A_1549, %get3A_1550, %get3A_1551] {strides = array<i32>} : memref<16x8x64xf32, #tpu.memory_space<vmem>>, vector<16xf32>,
      %get3A_1553 = arith.constant 0 : i32
      %get3A_1554 = arith.index_cast %get3A_1553 : i32 to index
      %get3A_1555 = arith.index_cast %squeeze3A_1545 : i32 to index
      %get3A_1556 = arith.constant 0 : index
      %get3A_1557 = tpu.vector_load %arg13[%get3A_1554, %get3A_1555, %get3A_1556] {strides = array<i32>} : memref<16x8x64xf32, #tpu.memory_space<vmem>>, vector<16xf32>,
      %add3A_1558 = arith.constant 0 : i32
      %add3A_1559 = arith.addi %squeeze3A_1547, %add3A_1558 : i32
      %get3A_1560 = arith.constant 0 : i32
      %get3A_1561 = arith.index_cast %get3A_1560 : i32 to index
      %get3A_1562 = arith.index_cast %add3A_1559 : i32 to index
      %get3A_1563 = tpu.vector_load %arg16[%get3A_1561, %get3A_1562] {strides = array<i32>} : memref<32x128xf32, #tpu.memory_space<vmem>>, vector<16xf32>,
      %add3A_1564 = arith.addf %get3A_1552, %get3A_1563 : vector<16xf32>
      %sub3A = arith.subf %add3A_1564, %get3A_1557 : vector<16xf32>
      %mul3A_1565 = arith.mulf %sub3A, %sub3A : vector<16xf32>
      %add3A_1566 = arith.addf %broadcast_in_dim3A_3, %mul3A_1565 : vector<16xf32>
      %get3A_1567 = arith.constant 0 : i32
      %get3A_1568 = arith.index_cast %get3A_1567 : i32 to index
      %get3A_1569 = arith.index_cast %squeeze3A_1543 : i32 to index
      %get3A_1570 = arith.constant 16 : index
      %get3A_1571 = tpu.vector_load %arg12[%get3A_1568, %get3A_1569, %get3A_1570] {strides = array<i32>} : memref<16x8x64xf32, #tpu.memory_space<vmem>>, vector<16xf32>,
      %get3A_1572 = arith.constant 0 : i32
      %get3A_1573 = arith.index_cast %get3A_1572 : i32 to index
      %get3A_1574 = arith.index_cast %squeeze3A_1545 : i32 to index
      %get3A_1575 = arith.constant 16 : index
      %get3A_1576 = tpu.vector_load %arg13[%get3A_1573, %get3A_1574, %get3A_1575] {strides = array<i32>} : memref<16x8x64xf32, #tpu.memory_space<vmem>>, vector<16xf32>,
      %add3A_1577 = arith.constant 16 : i32
      %add3A_1578 = arith.addi %squeeze3A_1547, %add3A_1577 : i32
      %get3A_1579 = arith.constant 0 : i32
      %get3A_1580 = arith.index_cast %get3A_1579 : i32 to index
      %get3A_1581 = arith.index_cast %add3A_1578 : i32 to index
      %get3A_1582 = tpu.vector_load %arg16[%get3A_1580, %get3A_1581] {strides = array<i32>} : memref<32x128xf32, #tpu.memory_space<vmem>>, vector<16xf32>,
      %add3A_1583 = arith.addf %get3A_1571, %get3A_1582 : vector<16xf32>
      %sub3A_1584 = arith.subf %add3A_1583, %get3A_1576 : vector<16xf32>
      %mul3A_1585 = arith.mulf %sub3A_1584, %sub3A_1584 : vector<16xf32>
      %add3A_1586 = arith.addf %add3A_1566, %mul3A_1585 : vector<16xf32>
      %get3A_1587 = arith.constant 0 : i32
      %get3A_1588 = arith.index_cast %get3A_1587 : i32 to index
      %get3A_1589 = arith.index_cast %squeeze3A_1543 : i32 to index
      %get3A_1590 = arith.constant 32 : index
      %get3A_1591 = tpu.vector_load %arg12[%get3A_1588, %get3A_1589, %get3A_1590] {strides = array<i32>} : memref<16x8x64xf32, #tpu.memory_space<vmem>>, vector<16xf32>,
      %get3A_1592 = arith.constant 0 : i32
      %get3A_1593 = arith.index_cast %get3A_1592 : i32 to index
      %get3A_1594 = arith.index_cast %squeeze3A_1545 : i32 to index
      %get3A_1595 = arith.constant 32 : index
      %get3A_1596 = tpu.vector_load %arg13[%get3A_1593, %get3A_1594, %get3A_1595] {strides = array<i32>} : memref<16x8x64xf32, #tpu.memory_space<vmem>>, vector<16xf32>,
      %add3A_1597 = arith.constant 32 : i32
      %add3A_1598 = arith.addi %squeeze3A_1547, %add3A_1597 : i32
      %get3A_1599 = arith.constant 0 : i32
      %get3A_1600 = arith.index_cast %get3A_1599 : i32 to index
      %get3A_1601 = arith.index_cast %add3A_1598 : i32 to index
      %get3A_1602 = tpu.vector_load %arg16[%get3A_1600, %get3A_1601] {strides = array<i32>} : memref<32x128xf32, #tpu.memory_space<vmem>>, vector<16xf32>,
      %add3A_1603 = arith.addf %get3A_1591, %get3A_1602 : vector<16xf32>
      %sub3A_1604 = arith.subf %add3A_1603, %get3A_1596 : vector<16xf32>
      %mul3A_1605 = arith.mulf %sub3A_1604, %sub3A_1604 : vector<16xf32>
      %add3A_1606 = arith.addf %add3A_1586, %mul3A_1605 : vector<16xf32>
      %get3A_1607 = arith.constant 0 : i32
      %get3A_1608 = arith.index_cast %get3A_1607 : i32 to index
      %get3A_1609 = arith.index_cast %squeeze3A_1543 : i32 to index
      %get3A_1610 = arith.constant 48 : index
      %get3A_1611 = tpu.vector_load %arg12[%get3A_1608, %get3A_1609, %get3A_1610] {strides = array<i32>} : memref<16x8x64xf32, #tpu.memory_space<vmem>>, vector<16xf32>,
      %get3A_1612 = arith.constant 0 : i32
      %get3A_1613 = arith.index_cast %get3A_1612 : i32 to index
      %get3A_1614 = arith.index_cast %squeeze3A_1545 : i32 to index
      %get3A_1615 = arith.constant 48 : index
      %get3A_1616 = tpu.vector_load %arg13[%get3A_1613, %get3A_1614, %get3A_1615] {strides = array<i32>} : memref<16x8x64xf32, #tpu.memory_space<vmem>>, vector<16xf32>,
      %add3A_1617 = arith.constant 48 : i32
      %add3A_1618 = arith.addi %squeeze3A_1547, %add3A_1617 : i32
      %get3A_1619 = arith.constant 0 : i32
      %get3A_1620 = arith.index_cast %get3A_1619 : i32 to index
      %get3A_1621 = arith.index_cast %add3A_1618 : i32 to index
      %get3A_1622 = tpu.vector_load %arg16[%get3A_1620, %get3A_1621] {strides = array<i32>} : memref<32x128xf32, #tpu.memory_space<vmem>>, vector<16xf32>,
      %add3A_1623 = arith.addf %get3A_1611, %get3A_1622 : vector<16xf32>
      %sub3A_1624 = arith.subf %add3A_1623, %get3A_1616 : vector<16xf32>
      %mul3A_1625 = arith.mulf %sub3A_1624, %sub3A_1624 : vector<16xf32>
      %add3A_1626 = arith.addf %add3A_1606, %mul3A_1625 : vector<16xf32>
      %reduce_sum3A = arith.constant true
      %reduce_sum3A_1627 = vector.broadcast %reduce_sum3A : i1 to vector<16xi1>
      %reduce_sum3A_1628 = tpu.scan <sum>, %add3A_1626 masked %reduce_sum3A_1627 : vector<16xf32>, vector<16xi1> -> vector<16xf32>
      %reduce_sum3A_1629 = vector.extract %reduce_sum3A_1628[15] : f32 from vector<16xf32>
      %eq3A = arith.constant 0 : i32
      %eq3A_1630 = vector.broadcast %eq3A : i32 to vector<16xi32>
      %eq3A_1631 = arith.cmpi eq, %iota3A, %eq3A_1630 : vector<16xi32>
      %broadcast_in_dim3A_1632 = vector.broadcast %reduce_sum3A_1629 : f32 to vector<16xf32>
      %select_n3A = arith.select %eq3A_1631, %broadcast_in_dim3A_1632, %broadcast_in_dim3A_3 : vector<16xi1>, vector<16xf32>
      %slice3A_1633 = vector.extract_strided_slice %and3A_1532 {offsets = [1], sizes = [1], strides = [1]} : vector<16xi32> to vector<1xi32>
      %squeeze3A_1634 = vector.extract %slice3A_1633[0] : i32 from vector<1xi32>
      %slice3A_1635 = vector.extract_strided_slice %and3A_1535 {offsets = [1], sizes = [1], strides = [1]} : vector<16xi32> to vector<1xi32>
      %squeeze3A_1636 = vector.extract %slice3A_1635[0] : i32 from vector<1xi32>
      %slice3A_1637 = vector.extract_strided_slice %mul3A_1541 {offsets = [1], sizes = [1], strides = [1]} : vector<16xi32> to vector<1xi32>
      %squeeze3A_1638 = vector.extract %slice3A_1637[0] : i32 from vector<1xi32>
      %get3A_1639 = arith.constant 1 : i32
      %get3A_1640 = arith.index_cast %get3A_1639 : i32 to index
      %get3A_1641 = arith.index_cast %squeeze3A_1634 : i32 to index
      %get3A_1642 = arith.constant 0 : index
      %get3A_1643 = tpu.vector_load %arg12[%get3A_1640, %get3A_1641, %get3A_1642] {strides = array<i32>} : memref<16x8x64xf32, #tpu.memory_space<vmem>>, vector<16xf32>,
      %get3A_1644 = arith.constant 1 : i32
      %get3A_1645 = arith.index_cast %get3A_1644 : i32 to index
      %get3A_1646 = arith.index_cast %squeeze3A_1636 : i32 to index
      %get3A_1647 = arith.constant 0 : index
      %get3A_1648 = tpu.vector_load %arg13[%get3A_1645, %get3A_1646, %get3A_1647] {strides = array<i32>} : memref<16x8x64xf32, #tpu.memory_space<vmem>>, vector<16xf32>,
      %add3A_1649 = arith.constant 0 : i32
      %add3A_1650 = arith.addi %squeeze3A_1638, %add3A_1649 : i32
      %get3A_1651 = arith.constant 1 : i32
      %get3A_1652 = arith.index_cast %get3A_1651 : i32 to index
      %get3A_1653 = arith.index_cast %add3A_1650 : i32 to index
      %get3A_1654 = tpu.vector_load %arg16[%get3A_1652, %get3A_1653] {strides = array<i32>} : memref<32x128xf32, #tpu.memory_space<vmem>>, vector<16xf32>,
      %add3A_1655 = arith.addf %get3A_1643, %get3A_1654 : vector<16xf32>
      %sub3A_1656 = arith.subf %add3A_1655, %get3A_1648 : vector<16xf32>
      %mul3A_1657 = arith.mulf %sub3A_1656, %sub3A_1656 : vector<16xf32>
      %add3A_1658 = arith.addf %broadcast_in_dim3A_3, %mul3A_1657 : vector<16xf32>
      %get3A_1659 = arith.constant 1 : i32
      %get3A_1660 = arith.index_cast %get3A_1659 : i32 to index
      %get3A_1661 = arith.index_cast %squeeze3A_1634 : i32 to index
      %get3A_1662 = arith.constant 16 : index
      %get3A_1663 = tpu.vector_load %arg12[%get3A_1660, %get3A_1661, %get3A_1662] {strides = array<i32>} : memref<16x8x64xf32, #tpu.memory_space<vmem>>, vector<16xf32>,
      %get3A_1664 = arith.constant 1 : i32
      %get3A_1665 = arith.index_cast %get3A_1664 : i32 to index
      %get3A_1666 = arith.index_cast %squeeze3A_1636 : i32 to index
      %get3A_1667 = arith.constant 16 : index
      %get3A_1668 = tpu.vector_load %arg13[%get3A_1665, %get3A_1666, %get3A_1667] {strides = array<i32>} : memref<16x8x64xf32, #tpu.memory_space<vmem>>, vector<16xf32>,
      %add3A_1669 = arith.constant 16 : i32
      %add3A_1670 = arith.addi %squeeze3A_1638, %add3A_1669 : i32
      %get3A_1671 = arith.constant 1 : i32
      %get3A_1672 = arith.index_cast %get3A_1671 : i32 to index
      %get3A_1673 = arith.index_cast %add3A_1670 : i32 to index
      %get3A_1674 = tpu.vector_load %arg16[%get3A_1672, %get3A_1673] {strides = array<i32>} : memref<32x128xf32, #tpu.memory_space<vmem>>, vector<16xf32>,
      %add3A_1675 = arith.addf %get3A_1663, %get3A_1674 : vector<16xf32>
      %sub3A_1676 = arith.subf %add3A_1675, %get3A_1668 : vector<16xf32>
      %mul3A_1677 = arith.mulf %sub3A_1676, %sub3A_1676 : vector<16xf32>
      %add3A_1678 = arith.addf %add3A_1658, %mul3A_1677 : vector<16xf32>
      %get3A_1679 = arith.constant 1 : i32
      %get3A_1680 = arith.index_cast %get3A_1679 : i32 to index
      %get3A_1681 = arith.index_cast %squeeze3A_1634 : i32 to index
      %get3A_1682 = arith.constant 32 : index
      %get3A_1683 = tpu.vector_load %arg12[%get3A_1680, %get3A_1681, %get3A_1682] {strides = array<i32>} : memref<16x8x64xf32, #tpu.memory_space<vmem>>, vector<16xf32>,
      %get3A_1684 = arith.constant 1 : i32
      %get3A_1685 = arith.index_cast %get3A_1684 : i32 to index
      %get3A_1686 = arith.index_cast %squeeze3A_1636 : i32 to index
      %get3A_1687 = arith.constant 32 : index
      %get3A_1688 = tpu.vector_load %arg13[%get3A_1685, %get3A_1686, %get3A_1687] {strides = array<i32>} : memref<16x8x64xf32, #tpu.memory_space<vmem>>, vector<16xf32>,
      %add3A_1689 = arith.constant 32 : i32
      %add3A_1690 = arith.addi %squeeze3A_1638, %add3A_1689 : i32
      %get3A_1691 = arith.constant 1 : i32
      %get3A_1692 = arith.index_cast %get3A_1691 : i32 to index
      %get3A_1693 = arith.index_cast %add3A_1690 : i32 to index
      %get3A_1694 = tpu.vector_load %arg16[%get3A_1692, %get3A_1693] {strides = array<i32>} : memref<32x128xf32, #tpu.memory_space<vmem>>, vector<16xf32>,
      %add3A_1695 = arith.addf %get3A_1683, %get3A_1694 : vector<16xf32>
      %sub3A_1696 = arith.subf %add3A_1695, %get3A_1688 : vector<16xf32>
      %mul3A_1697 = arith.mulf %sub3A_1696, %sub3A_1696 : vector<16xf32>
      %add3A_1698 = arith.addf %add3A_1678, %mul3A_1697 : vector<16xf32>
      %get3A_1699 = arith.constant 1 : i32
      %get3A_1700 = arith.index_cast %get3A_1699 : i32 to index
      %get3A_1701 = arith.index_cast %squeeze3A_1634 : i32 to index
      %get3A_1702 = arith.constant 48 : index
      %get3A_1703 = tpu.vector_load %arg12[%get3A_1700, %get3A_1701, %get3A_1702] {strides = array<i32>} : memref<16x8x64xf32, #tpu.memory_space<vmem>>, vector<16xf32>,
      %get3A_1704 = arith.constant 1 : i32
      %get3A_1705 = arith.index_cast %get3A_1704 : i32 to index
      %get3A_1706 = arith.index_cast %squeeze3A_1636 : i32 to index
      %get3A_1707 = arith.constant 48 : index
      %get3A_1708 = tpu.vector_load %arg13[%get3A_1705, %get3A_1706, %get3A_1707] {strides = array<i32>} : memref<16x8x64xf32, #tpu.memory_space<vmem>>, vector<16xf32>,
      %add3A_1709 = arith.constant 48 : i32
      %add3A_1710 = arith.addi %squeeze3A_1638, %add3A_1709 : i32
      %get3A_1711 = arith.constant 1 : i32
      %get3A_1712 = arith.index_cast %get3A_1711 : i32 to index
      %get3A_1713 = arith.index_cast %add3A_1710 : i32 to index
      %get3A_1714 = tpu.vector_load %arg16[%get3A_1712, %get3A_1713] {strides = array<i32>} : memref<32x128xf32, #tpu.memory_space<vmem>>, vector<16xf32>,
      %add3A_1715 = arith.addf %get3A_1703, %get3A_1714 : vector<16xf32>
      %sub3A_1716 = arith.subf %add3A_1715, %get3A_1708 : vector<16xf32>
      %mul3A_1717 = arith.mulf %sub3A_1716, %sub3A_1716 : vector<16xf32>
      %add3A_1718 = arith.addf %add3A_1698, %mul3A_1717 : vector<16xf32>
      %reduce_sum3A_1719 = arith.constant true
      %reduce_sum3A_1720 = vector.broadcast %reduce_sum3A_1719 : i1 to vector<16xi1>
      %reduce_sum3A_1721 = tpu.scan <sum>, %add3A_1718 masked %reduce_sum3A_1720 : vector<16xf32>, vector<16xi1> -> vector<16xf32>
      %reduce_sum3A_1722 = vector.extract %reduce_sum3A_1721[15] : f32 from vector<16xf32>
      %eq3A_1723 = arith.constant 1 : i32
      %eq3A_1724 = vector.broadcast %eq3A_1723 : i32 to vector<16xi32>
      %eq3A_1725 = arith.cmpi eq, %iota3A, %eq3A_1724 : vector<16xi32>
      %broadcast_in_dim3A_1726 = vector.broadcast %reduce_sum3A_1722 : f32 to vector<16xf32>
      %select_n3A_1727 = arith.select %eq3A_1725, %broadcast_in_dim3A_1726, %select_n3A : vector<16xi1>, vector<16xf32>
      %slice3A_1728 = vector.extract_strided_slice %and3A_1532 {offsets = [2], sizes = [1], strides = [1]} : vector<16xi32> to vector<1xi32>
      %squeeze3A_1729 = vector.extract %slice3A_1728[0] : i32 from vector<1xi32>
      %slice3A_1730 = vector.extract_strided_slice %and3A_1535 {offsets = [2], sizes = [1], strides = [1]} : vector<16xi32> to vector<1xi32>
      %squeeze3A_1731 = vector.extract %slice3A_1730[0] : i32 from vector<1xi32>
      %slice3A_1732 = vector.extract_strided_slice %mul3A_1541 {offsets = [2], sizes = [1], strides = [1]} : vector<16xi32> to vector<1xi32>
      %squeeze3A_1733 = vector.extract %slice3A_1732[0] : i32 from vector<1xi32>
      %get3A_1734 = arith.constant 2 : i32
      %get3A_1735 = arith.index_cast %get3A_1734 : i32 to index
      %get3A_1736 = arith.index_cast %squeeze3A_1729 : i32 to index
      %get3A_1737 = arith.constant 0 : index
      %get3A_1738 = tpu.vector_load %arg12[%get3A_1735, %get3A_1736, %get3A_1737] {strides = array<i32>} : memref<16x8x64xf32, #tpu.memory_space<vmem>>, vector<16xf32>,
      %get3A_1739 = arith.constant 2 : i32
      %get3A_1740 = arith.index_cast %get3A_1739 : i32 to index
      %get3A_1741 = arith.index_cast %squeeze3A_1731 : i32 to index
      %get3A_1742 = arith.constant 0 : index
      %get3A_1743 = tpu.vector_load %arg13[%get3A_1740, %get3A_1741, %get3A_1742] {strides = array<i32>} : memref<16x8x64xf32, #tpu.memory_space<vmem>>, vector<16xf32>,
      %add3A_1744 = arith.constant 0 : i32
      %add3A_1745 = arith.addi %squeeze3A_1733, %add3A_1744 : i32
      %get3A_1746 = arith.constant 2 : i32
      %get3A_1747 = arith.index_cast %get3A_1746 : i32 to index
      %get3A_1748 = arith.index_cast %add3A_1745 : i32 to index
      %get3A_1749 = tpu.vector_load %arg16[%get3A_1747, %get3A_1748] {strides = array<i32>} : memref<32x128xf32, #tpu.memory_space<vmem>>, vector<16xf32>,
      %add3A_1750 = arith.addf %get3A_1738, %get3A_1749 : vector<16xf32>
      %sub3A_1751 = arith.subf %add3A_1750, %get3A_1743 : vector<16xf32>
      %mul3A_1752 = arith.mulf %sub3A_1751, %sub3A_1751 : vector<16xf32>
      %add3A_1753 = arith.addf %broadcast_in_dim3A_3, %mul3A_1752 : vector<16xf32>
      %get3A_1754 = arith.constant 2 : i32
      %get3A_1755 = arith.index_cast %get3A_1754 : i32 to index
      %get3A_1756 = arith.index_cast %squeeze3A_1729 : i32 to index
      %get3A_1757 = arith.constant 16 : index
      %get3A_1758 = tpu.vector_load %arg12[%get3A_1755, %get3A_1756, %get3A_1757] {strides = array<i32>} : memref<16x8x64xf32, #tpu.memory_space<vmem>>, vector<16xf32>,
      %get3A_1759 = arith.constant 2 : i32
      %get3A_1760 = arith.index_cast %get3A_1759 : i32 to index
      %get3A_1761 = arith.index_cast %squeeze3A_1731 : i32 to index
      %get3A_1762 = arith.constant 16 : index
      %get3A_1763 = tpu.vector_load %arg13[%get3A_1760, %get3A_1761, %get3A_1762] {strides = array<i32>} : memref<16x8x64xf32, #tpu.memory_space<vmem>>, vector<16xf32>,
      %add3A_1764 = arith.constant 16 : i32
      %add3A_1765 = arith.addi %squeeze3A_1733, %add3A_1764 : i32
      %get3A_1766 = arith.constant 2 : i32
      %get3A_1767 = arith.index_cast %get3A_1766 : i32 to index
      %get3A_1768 = arith.index_cast %add3A_1765 : i32 to index
      %get3A_1769 = tpu.vector_load %arg16[%get3A_1767, %get3A_1768] {strides = array<i32>} : memref<32x128xf32, #tpu.memory_space<vmem>>, vector<16xf32>,
      %add3A_1770 = arith.addf %get3A_1758, %get3A_1769 : vector<16xf32>
      %sub3A_1771 = arith.subf %add3A_1770, %get3A_1763 : vector<16xf32>
      %mul3A_1772 = arith.mulf %sub3A_1771, %sub3A_1771 : vector<16xf32>
      %add3A_1773 = arith.addf %add3A_1753, %mul3A_1772 : vector<16xf32>
      %get3A_1774 = arith.constant 2 : i32
      %get3A_1775 = arith.index_cast %get3A_1774 : i32 to index
      %get3A_1776 = arith.index_cast %squeeze3A_1729 : i32 to index
      %get3A_1777 = arith.constant 32 : index
      %get3A_1778 = tpu.vector_load %arg12[%get3A_1775, %get3A_1776, %get3A_1777] {strides = array<i32>} : memref<16x8x64xf32, #tpu.memory_space<vmem>>, vector<16xf32>,
      %get3A_1779 = arith.constant 2 : i32
      %get3A_1780 = arith.index_cast %get3A_1779 : i32 to index
      %get3A_1781 = arith.index_cast %squeeze3A_1731 : i32 to index
      %get3A_1782 = arith.constant 32 : index
      %get3A_1783 = tpu.vector_load %arg13[%get3A_1780, %get3A_1781, %get3A_1782] {strides = array<i32>} : memref<16x8x64xf32, #tpu.memory_space<vmem>>, vector<16xf32>,
      %add3A_1784 = arith.constant 32 : i32
      %add3A_1785 = arith.addi %squeeze3A_1733, %add3A_1784 : i32
      %get3A_1786 = arith.constant 2 : i32
      %get3A_1787 = arith.index_cast %get3A_1786 : i32 to index
      %get3A_1788 = arith.index_cast %add3A_1785 : i32 to index
      %get3A_1789 = tpu.vector_load %arg16[%get3A_1787, %get3A_1788] {strides = array<i32>} : memref<32x128xf32, #tpu.memory_space<vmem>>, vector<16xf32>,
      %add3A_1790 = arith.addf %get3A_1778, %get3A_1789 : vector<16xf32>
      %sub3A_1791 = arith.subf %add3A_1790, %get3A_1783 : vector<16xf32>
      %mul3A_1792 = arith.mulf %sub3A_1791, %sub3A_1791 : vector<16xf32>
      %add3A_1793 = arith.addf %add3A_1773, %mul3A_1792 : vector<16xf32>
      %get3A_1794 = arith.constant 2 : i32
      %get3A_1795 = arith.index_cast %get3A_1794 : i32 to index
      %get3A_1796 = arith.index_cast %squeeze3A_1729 : i32 to index
      %get3A_1797 = arith.constant 48 : index
      %get3A_1798 = tpu.vector_load %arg12[%get3A_1795, %get3A_1796, %get3A_1797] {strides = array<i32>} : memref<16x8x64xf32, #tpu.memory_space<vmem>>, vector<16xf32>,
      %get3A_1799 = arith.constant 2 : i32
      %get3A_1800 = arith.index_cast %get3A_1799 : i32 to index
      %get3A_1801 = arith.index_cast %squeeze3A_1731 : i32 to index
      %get3A_1802 = arith.constant 48 : index
      %get3A_1803 = tpu.vector_load %arg13[%get3A_1800, %get3A_1801, %get3A_1802] {strides = array<i32>} : memref<16x8x64xf32, #tpu.memory_space<vmem>>, vector<16xf32>,
      %add3A_1804 = arith.constant 48 : i32
      %add3A_1805 = arith.addi %squeeze3A_1733, %add3A_1804 : i32
      %get3A_1806 = arith.constant 2 : i32
      %get3A_1807 = arith.index_cast %get3A_1806 : i32 to index
      %get3A_1808 = arith.index_cast %add3A_1805 : i32 to index
      %get3A_1809 = tpu.vector_load %arg16[%get3A_1807, %get3A_1808] {strides = array<i32>} : memref<32x128xf32, #tpu.memory_space<vmem>>, vector<16xf32>,
      %add3A_1810 = arith.addf %get3A_1798, %get3A_1809 : vector<16xf32>
      %sub3A_1811 = arith.subf %add3A_1810, %get3A_1803 : vector<16xf32>
      %mul3A_1812 = arith.mulf %sub3A_1811, %sub3A_1811 : vector<16xf32>
      %add3A_1813 = arith.addf %add3A_1793, %mul3A_1812 : vector<16xf32>
      %reduce_sum3A_1814 = arith.constant true
      %reduce_sum3A_1815 = vector.broadcast %reduce_sum3A_1814 : i1 to vector<16xi1>
      %reduce_sum3A_1816 = tpu.scan <sum>, %add3A_1813 masked %reduce_sum3A_1815 : vector<16xf32>, vector<16xi1> -> vector<16xf32>
      %reduce_sum3A_1817 = vector.extract %reduce_sum3A_1816[15] : f32 from vector<16xf32>
      %eq3A_1818 = arith.constant 2 : i32
      %eq3A_1819 = vector.broadcast %eq3A_1818 : i32 to vector<16xi32>
      %eq3A_1820 = arith.cmpi eq, %iota3A, %eq3A_1819 : vector<16xi32>
      %broadcast_in_dim3A_1821 = vector.broadcast %reduce_sum3A_1817 : f32 to vector<16xf32>
      %select_n3A_1822 = arith.select %eq3A_1820, %broadcast_in_dim3A_1821, %select_n3A_1727 : vector<16xi1>, vector<16xf32>
      %slice3A_1823 = vector.extract_strided_slice %and3A_1532 {offsets = [3], sizes = [1], strides = [1]} : vector<16xi32> to vector<1xi32>
      %squeeze3A_1824 = vector.extract %slice3A_1823[0] : i32 from vector<1xi32>
      %slice3A_1825 = vector.extract_strided_slice %and3A_1535 {offsets = [3], sizes = [1], strides = [1]} : vector<16xi32> to vector<1xi32>
      %squeeze3A_1826 = vector.extract %slice3A_1825[0] : i32 from vector<1xi32>
      %slice3A_1827 = vector.extract_strided_slice %mul3A_1541 {offsets = [3], sizes = [1], strides = [1]} : vector<16xi32> to vector<1xi32>
      %squeeze3A_1828 = vector.extract %slice3A_1827[0] : i32 from vector<1xi32>
      %get3A_1829 = arith.constant 3 : i32
      %get3A_1830 = arith.index_cast %get3A_1829 : i32 to index
      %get3A_1831 = arith.index_cast %squeeze3A_1824 : i32 to index
      %get3A_1832 = arith.constant 0 : index
      %get3A_1833 = tpu.vector_load %arg12[%get3A_1830, %get3A_1831, %get3A_1832] {strides = array<i32>} : memref<16x8x64xf32, #tpu.memory_space<vmem>>, vector<16xf32>,
      %get3A_1834 = arith.constant 3 : i32
      %get3A_1835 = arith.index_cast %get3A_1834 : i32 to index
      %get3A_1836 = arith.index_cast %squeeze3A_1826 : i32 to index
      %get3A_1837 = arith.constant 0 : index
      %get3A_1838 = tpu.vector_load %arg13[%get3A_1835, %get3A_1836, %get3A_1837] {strides = array<i32>} : memref<16x8x64xf32, #tpu.memory_space<vmem>>, vector<16xf32>,
      %add3A_1839 = arith.constant 0 : i32
      %add3A_1840 = arith.addi %squeeze3A_1828, %add3A_1839 : i32
      %get3A_1841 = arith.constant 3 : i32
      %get3A_1842 = arith.index_cast %get3A_1841 : i32 to index
      %get3A_1843 = arith.index_cast %add3A_1840 : i32 to index
      %get3A_1844 = tpu.vector_load %arg16[%get3A_1842, %get3A_1843] {strides = array<i32>} : memref<32x128xf32, #tpu.memory_space<vmem>>, vector<16xf32>,
      %add3A_1845 = arith.addf %get3A_1833, %get3A_1844 : vector<16xf32>
      %sub3A_1846 = arith.subf %add3A_1845, %get3A_1838 : vector<16xf32>
      %mul3A_1847 = arith.mulf %sub3A_1846, %sub3A_1846 : vector<16xf32>
      %add3A_1848 = arith.addf %broadcast_in_dim3A_3, %mul3A_1847 : vector<16xf32>
      %get3A_1849 = arith.constant 3 : i32
      %get3A_1850 = arith.index_cast %get3A_1849 : i32 to index
      %get3A_1851 = arith.index_cast %squeeze3A_1824 : i32 to index
      %get3A_1852 = arith.constant 16 : index
      %get3A_1853 = tpu.vector_load %arg12[%get3A_1850, %get3A_1851, %get3A_1852] {strides = array<i32>} : memref<16x8x64xf32, #tpu.memory_space<vmem>>, vector<16xf32>,
      %get3A_1854 = arith.constant 3 : i32
      %get3A_1855 = arith.index_cast %get3A_1854 : i32 to index
      %get3A_1856 = arith.index_cast %squeeze3A_1826 : i32 to index
      %get3A_1857 = arith.constant 16 : index
      %get3A_1858 = tpu.vector_load %arg13[%get3A_1855, %get3A_1856, %get3A_1857] {strides = array<i32>} : memref<16x8x64xf32, #tpu.memory_space<vmem>>, vector<16xf32>,
      %add3A_1859 = arith.constant 16 : i32
      %add3A_1860 = arith.addi %squeeze3A_1828, %add3A_1859 : i32
      %get3A_1861 = arith.constant 3 : i32
      %get3A_1862 = arith.index_cast %get3A_1861 : i32 to index
      %get3A_1863 = arith.index_cast %add3A_1860 : i32 to index
      %get3A_1864 = tpu.vector_load %arg16[%get3A_1862, %get3A_1863] {strides = array<i32>} : memref<32x128xf32, #tpu.memory_space<vmem>>, vector<16xf32>,
      %add3A_1865 = arith.addf %get3A_1853, %get3A_1864 : vector<16xf32>
      %sub3A_1866 = arith.subf %add3A_1865, %get3A_1858 : vector<16xf32>
      %mul3A_1867 = arith.mulf %sub3A_1866, %sub3A_1866 : vector<16xf32>
      %add3A_1868 = arith.addf %add3A_1848, %mul3A_1867 : vector<16xf32>
      %get3A_1869 = arith.constant 3 : i32
      %get3A_1870 = arith.index_cast %get3A_1869 : i32 to index
      %get3A_1871 = arith.index_cast %squeeze3A_1824 : i32 to index
      %get3A_1872 = arith.constant 32 : index
      %get3A_1873 = tpu.vector_load %arg12[%get3A_1870, %get3A_1871, %get3A_1872] {strides = array<i32>} : memref<16x8x64xf32, #tpu.memory_space<vmem>>, vector<16xf32>,
      %get3A_1874 = arith.constant 3 : i32
      %get3A_1875 = arith.index_cast %get3A_1874 : i32 to index
      %get3A_1876 = arith.index_cast %squeeze3A_1826 : i32 to index
      %get3A_1877 = arith.constant 32 : index
      %get3A_1878 = tpu.vector_load %arg13[%get3A_1875, %get3A_1876, %get3A_1877] {strides = array<i32>} : memref<16x8x64xf32, #tpu.memory_space<vmem>>, vector<16xf32>,
      %add3A_1879 = arith.constant 32 : i32
      %add3A_1880 = arith.addi %squeeze3A_1828, %add3A_1879 : i32
      %get3A_1881 = arith.constant 3 : i32
      %get3A_1882 = arith.index_cast %get3A_1881 : i32 to index
      %get3A_1883 = arith.index_cast %add3A_1880 : i32 to index
      %get3A_1884 = tpu.vector_load %arg16[%get3A_1882, %get3A_1883] {strides = array<i32>} : memref<32x128xf32, #tpu.memory_space<vmem>>, vector<16xf32>,
      %add3A_1885 = arith.addf %get3A_1873, %get3A_1884 : vector<16xf32>
      %sub3A_1886 = arith.subf %add3A_1885, %get3A_1878 : vector<16xf32>
      %mul3A_1887 = arith.mulf %sub3A_1886, %sub3A_1886 : vector<16xf32>
      %add3A_1888 = arith.addf %add3A_1868, %mul3A_1887 : vector<16xf32>
      %get3A_1889 = arith.constant 3 : i32
      %get3A_1890 = arith.index_cast %get3A_1889 : i32 to index
      %get3A_1891 = arith.index_cast %squeeze3A_1824 : i32 to index
      %get3A_1892 = arith.constant 48 : index
      %get3A_1893 = tpu.vector_load %arg12[%get3A_1890, %get3A_1891, %get3A_1892] {strides = array<i32>} : memref<16x8x64xf32, #tpu.memory_space<vmem>>, vector<16xf32>,
      %get3A_1894 = arith.constant 3 : i32
      %get3A_1895 = arith.index_cast %get3A_1894 : i32 to index
      %get3A_1896 = arith.index_cast %squeeze3A_1826 : i32 to index
      %get3A_1897 = arith.constant 48 : index
      %get3A_1898 = tpu.vector_load %arg13[%get3A_1895, %get3A_1896, %get3A_1897] {strides = array<i32>} : memref<16x8x64xf32, #tpu.memory_space<vmem>>, vector<16xf32>,
      %add3A_1899 = arith.constant 48 : i32
      %add3A_1900 = arith.addi %squeeze3A_1828, %add3A_1899 : i32
      %get3A_1901 = arith.constant 3 : i32
      %get3A_1902 = arith.index_cast %get3A_1901 : i32 to index
      %get3A_1903 = arith.index_cast %add3A_1900 : i32 to index
      %get3A_1904 = tpu.vector_load %arg16[%get3A_1902, %get3A_1903] {strides = array<i32>} : memref<32x128xf32, #tpu.memory_space<vmem>>, vector<16xf32>,
      %add3A_1905 = arith.addf %get3A_1893, %get3A_1904 : vector<16xf32>
      %sub3A_1906 = arith.subf %add3A_1905, %get3A_1898 : vector<16xf32>
      %mul3A_1907 = arith.mulf %sub3A_1906, %sub3A_1906 : vector<16xf32>
      %add3A_1908 = arith.addf %add3A_1888, %mul3A_1907 : vector<16xf32>
      %reduce_sum3A_1909 = arith.constant true
      %reduce_sum3A_1910 = vector.broadcast %reduce_sum3A_1909 : i1 to vector<16xi1>
      %reduce_sum3A_1911 = tpu.scan <sum>, %add3A_1908 masked %reduce_sum3A_1910 : vector<16xf32>, vector<16xi1> -> vector<16xf32>
      %reduce_sum3A_1912 = vector.extract %reduce_sum3A_1911[15] : f32 from vector<16xf32>
      %eq3A_1913 = arith.constant 3 : i32
      %eq3A_1914 = vector.broadcast %eq3A_1913 : i32 to vector<16xi32>
      %eq3A_1915 = arith.cmpi eq, %iota3A, %eq3A_1914 : vector<16xi32>
      %broadcast_in_dim3A_1916 = vector.broadcast %reduce_sum3A_1912 : f32 to vector<16xf32>
      %select_n3A_1917 = arith.select %eq3A_1915, %broadcast_in_dim3A_1916, %select_n3A_1822 : vector<16xi1>, vector<16xf32>
      %slice3A_1918 = vector.extract_strided_slice %and3A_1532 {offsets = [4], sizes = [1], strides = [1]} : vector<16xi32> to vector<1xi32>
      %squeeze3A_1919 = vector.extract %slice3A_1918[0] : i32 from vector<1xi32>
      %slice3A_1920 = vector.extract_strided_slice %and3A_1535 {offsets = [4], sizes = [1], strides = [1]} : vector<16xi32> to vector<1xi32>
      %squeeze3A_1921 = vector.extract %slice3A_1920[0] : i32 from vector<1xi32>
      %slice3A_1922 = vector.extract_strided_slice %mul3A_1541 {offsets = [4], sizes = [1], strides = [1]} : vector<16xi32> to vector<1xi32>
      %squeeze3A_1923 = vector.extract %slice3A_1922[0] : i32 from vector<1xi32>
      %get3A_1924 = arith.constant 4 : i32
      %get3A_1925 = arith.index_cast %get3A_1924 : i32 to index
      %get3A_1926 = arith.index_cast %squeeze3A_1919 : i32 to index
      %get3A_1927 = arith.constant 0 : index
      %get3A_1928 = tpu.vector_load %arg12[%get3A_1925, %get3A_1926, %get3A_1927] {strides = array<i32>} : memref<16x8x64xf32, #tpu.memory_space<vmem>>, vector<16xf32>,
      %get3A_1929 = arith.constant 4 : i32
      %get3A_1930 = arith.index_cast %get3A_1929 : i32 to index
      %get3A_1931 = arith.index_cast %squeeze3A_1921 : i32 to index
      %get3A_1932 = arith.constant 0 : index
      %get3A_1933 = tpu.vector_load %arg13[%get3A_1930, %get3A_1931, %get3A_1932] {strides = array<i32>} : memref<16x8x64xf32, #tpu.memory_space<vmem>>, vector<16xf32>,
      %add3A_1934 = arith.constant 0 : i32
      %add3A_1935 = arith.addi %squeeze3A_1923, %add3A_1934 : i32
      %get3A_1936 = arith.constant 4 : i32
      %get3A_1937 = arith.index_cast %get3A_1936 : i32 to index
      %get3A_1938 = arith.index_cast %add3A_1935 : i32 to index
      %get3A_1939 = tpu.vector_load %arg16[%get3A_1937, %get3A_1938] {strides = array<i32>} : memref<32x128xf32, #tpu.memory_space<vmem>>, vector<16xf32>,
      %add3A_1940 = arith.addf %get3A_1928, %get3A_1939 : vector<16xf32>
      %sub3A_1941 = arith.subf %add3A_1940, %get3A_1933 : vector<16xf32>
      %mul3A_1942 = arith.mulf %sub3A_1941, %sub3A_1941 : vector<16xf32>
      %add3A_1943 = arith.addf %broadcast_in_dim3A_3, %mul3A_1942 : vector<16xf32>
      %get3A_1944 = arith.constant 4 : i32
      %get3A_1945 = arith.index_cast %get3A_1944 : i32 to index
      %get3A_1946 = arith.index_cast %squeeze3A_1919 : i32 to index
      %get3A_1947 = arith.constant 16 : index
      %get3A_1948 = tpu.vector_load %arg12[%get3A_1945, %get3A_1946, %get3A_1947] {strides = array<i32>} : memref<16x8x64xf32, #tpu.memory_space<vmem>>, vector<16xf32>,
      %get3A_1949 = arith.constant 4 : i32
      %get3A_1950 = arith.index_cast %get3A_1949 : i32 to index
      %get3A_1951 = arith.index_cast %squeeze3A_1921 : i32 to index
      %get3A_1952 = arith.constant 16 : index
      %get3A_1953 = tpu.vector_load %arg13[%get3A_1950, %get3A_1951, %get3A_1952] {strides = array<i32>} : memref<16x8x64xf32, #tpu.memory_space<vmem>>, vector<16xf32>,
      %add3A_1954 = arith.constant 16 : i32
      %add3A_1955 = arith.addi %squeeze3A_1923, %add3A_1954 : i32
      %get3A_1956 = arith.constant 4 : i32
      %get3A_1957 = arith.index_cast %get3A_1956 : i32 to index
      %get3A_1958 = arith.index_cast %add3A_1955 : i32 to index
      %get3A_1959 = tpu.vector_load %arg16[%get3A_1957, %get3A_1958] {strides = array<i32>} : memref<32x128xf32, #tpu.memory_space<vmem>>, vector<16xf32>,
      %add3A_1960 = arith.addf %get3A_1948, %get3A_1959 : vector<16xf32>
      %sub3A_1961 = arith.subf %add3A_1960, %get3A_1953 : vector<16xf32>
      %mul3A_1962 = arith.mulf %sub3A_1961, %sub3A_1961 : vector<16xf32>
      %add3A_1963 = arith.addf %add3A_1943, %mul3A_1962 : vector<16xf32>
      %get3A_1964 = arith.constant 4 : i32
      %get3A_1965 = arith.index_cast %get3A_1964 : i32 to index
      %get3A_1966 = arith.index_cast %squeeze3A_1919 : i32 to index
      %get3A_1967 = arith.constant 32 : index
      %get3A_1968 = tpu.vector_load %arg12[%get3A_1965, %get3A_1966, %get3A_1967] {strides = array<i32>} : memref<16x8x64xf32, #tpu.memory_space<vmem>>, vector<16xf32>,
      %get3A_1969 = arith.constant 4 : i32
      %get3A_1970 = arith.index_cast %get3A_1969 : i32 to index
      %get3A_1971 = arith.index_cast %squeeze3A_1921 : i32 to index
      %get3A_1972 = arith.constant 32 : index
      %get3A_1973 = tpu.vector_load %arg13[%get3A_1970, %get3A_1971, %get3A_1972] {strides = array<i32>} : memref<16x8x64xf32, #tpu.memory_space<vmem>>, vector<16xf32>,
      %add3A_1974 = arith.constant 32 : i32
      %add3A_1975 = arith.addi %squeeze3A_1923, %add3A_1974 : i32
      %get3A_1976 = arith.constant 4 : i32
      %get3A_1977 = arith.index_cast %get3A_1976 : i32 to index
      %get3A_1978 = arith.index_cast %add3A_1975 : i32 to index
      %get3A_1979 = tpu.vector_load %arg16[%get3A_1977, %get3A_1978] {strides = array<i32>} : memref<32x128xf32, #tpu.memory_space<vmem>>, vector<16xf32>,
      %add3A_1980 = arith.addf %get3A_1968, %get3A_1979 : vector<16xf32>
      %sub3A_1981 = arith.subf %add3A_1980, %get3A_1973 : vector<16xf32>
      %mul3A_1982 = arith.mulf %sub3A_1981, %sub3A_1981 : vector<16xf32>
      %add3A_1983 = arith.addf %add3A_1963, %mul3A_1982 : vector<16xf32>
      %get3A_1984 = arith.constant 4 : i32
      %get3A_1985 = arith.index_cast %get3A_1984 : i32 to index
      %get3A_1986 = arith.index_cast %squeeze3A_1919 : i32 to index
      %get3A_1987 = arith.constant 48 : index
      %get3A_1988 = tpu.vector_load %arg12[%get3A_1985, %get3A_1986, %get3A_1987] {strides = array<i32>} : memref<16x8x64xf32, #tpu.memory_space<vmem>>, vector<16xf32>,
      %get3A_1989 = arith.constant 4 : i32
      %get3A_1990 = arith.index_cast %get3A_1989 : i32 to index
      %get3A_1991 = arith.index_cast %squeeze3A_1921 : i32 to index
      %get3A_1992 = arith.constant 48 : index
      %get3A_1993 = tpu.vector_load %arg13[%get3A_1990, %get3A_1991, %get3A_1992] {strides = array<i32>} : memref<16x8x64xf32, #tpu.memory_space<vmem>>, vector<16xf32>,
      %add3A_1994 = arith.constant 48 : i32
      %add3A_1995 = arith.addi %squeeze3A_1923, %add3A_1994 : i32
      %get3A_1996 = arith.constant 4 : i32
      %get3A_1997 = arith.index_cast %get3A_1996 : i32 to index
      %get3A_1998 = arith.index_cast %add3A_1995 : i32 to index
      %get3A_1999 = tpu.vector_load %arg16[%get3A_1997, %get3A_1998] {strides = array<i32>} : memref<32x128xf32, #tpu.memory_space<vmem>>, vector<16xf32>,
      %add3A_2000 = arith.addf %get3A_1988, %get3A_1999 : vector<16xf32>
      %sub3A_2001 = arith.subf %add3A_2000, %get3A_1993 : vector<16xf32>
      %mul3A_2002 = arith.mulf %sub3A_2001, %sub3A_2001 : vector<16xf32>
      %add3A_2003 = arith.addf %add3A_1983, %mul3A_2002 : vector<16xf32>
      %reduce_sum3A_2004 = arith.constant true
      %reduce_sum3A_2005 = vector.broadcast %reduce_sum3A_2004 : i1 to vector<16xi1>
      %reduce_sum3A_2006 = tpu.scan <sum>, %add3A_2003 masked %reduce_sum3A_2005 : vector<16xf32>, vector<16xi1> -> vector<16xf32>
      %reduce_sum3A_2007 = vector.extract %reduce_sum3A_2006[15] : f32 from vector<16xf32>
      %eq3A_2008 = arith.constant 4 : i32
      %eq3A_2009 = vector.broadcast %eq3A_2008 : i32 to vector<16xi32>
      %eq3A_2010 = arith.cmpi eq, %iota3A, %eq3A_2009 : vector<16xi32>
      %broadcast_in_dim3A_2011 = vector.broadcast %reduce_sum3A_2007 : f32 to vector<16xf32>
      %select_n3A_2012 = arith.select %eq3A_2010, %broadcast_in_dim3A_2011, %select_n3A_1917 : vector<16xi1>, vector<16xf32>
      %slice3A_2013 = vector.extract_strided_slice %and3A_1532 {offsets = [5], sizes = [1], strides = [1]} : vector<16xi32> to vector<1xi32>
      %squeeze3A_2014 = vector.extract %slice3A_2013[0] : i32 from vector<1xi32>
      %slice3A_2015 = vector.extract_strided_slice %and3A_1535 {offsets = [5], sizes = [1], strides = [1]} : vector<16xi32> to vector<1xi32>
      %squeeze3A_2016 = vector.extract %slice3A_2015[0] : i32 from vector<1xi32>
      %slice3A_2017 = vector.extract_strided_slice %mul3A_1541 {offsets = [5], sizes = [1], strides = [1]} : vector<16xi32> to vector<1xi32>
      %squeeze3A_2018 = vector.extract %slice3A_2017[0] : i32 from vector<1xi32>
      %get3A_2019 = arith.constant 5 : i32
      %get3A_2020 = arith.index_cast %get3A_2019 : i32 to index
      %get3A_2021 = arith.index_cast %squeeze3A_2014 : i32 to index
      %get3A_2022 = arith.constant 0 : index
      %get3A_2023 = tpu.vector_load %arg12[%get3A_2020, %get3A_2021, %get3A_2022] {strides = array<i32>} : memref<16x8x64xf32, #tpu.memory_space<vmem>>, vector<16xf32>,
      %get3A_2024 = arith.constant 5 : i32
      %get3A_2025 = arith.index_cast %get3A_2024 : i32 to index
      %get3A_2026 = arith.index_cast %squeeze3A_2016 : i32 to index
      %get3A_2027 = arith.constant 0 : index
      %get3A_2028 = tpu.vector_load %arg13[%get3A_2025, %get3A_2026, %get3A_2027] {strides = array<i32>} : memref<16x8x64xf32, #tpu.memory_space<vmem>>, vector<16xf32>,
      %add3A_2029 = arith.constant 0 : i32
      %add3A_2030 = arith.addi %squeeze3A_2018, %add3A_2029 : i32
      %get3A_2031 = arith.constant 5 : i32
      %get3A_2032 = arith.index_cast %get3A_2031 : i32 to index
      %get3A_2033 = arith.index_cast %add3A_2030 : i32 to index
      %get3A_2034 = tpu.vector_load %arg16[%get3A_2032, %get3A_2033] {strides = array<i32>} : memref<32x128xf32, #tpu.memory_space<vmem>>, vector<16xf32>,
      %add3A_2035 = arith.addf %get3A_2023, %get3A_2034 : vector<16xf32>
      %sub3A_2036 = arith.subf %add3A_2035, %get3A_2028 : vector<16xf32>
      %mul3A_2037 = arith.mulf %sub3A_2036, %sub3A_2036 : vector<16xf32>
      %add3A_2038 = arith.addf %broadcast_in_dim3A_3, %mul3A_2037 : vector<16xf32>
      %get3A_2039 = arith.constant 5 : i32
      %get3A_2040 = arith.index_cast %get3A_2039 : i32 to index
      %get3A_2041 = arith.index_cast %squeeze3A_2014 : i32 to index
      %get3A_2042 = arith.constant 16 : index
      %get3A_2043 = tpu.vector_load %arg12[%get3A_2040, %get3A_2041, %get3A_2042] {strides = array<i32>} : memref<16x8x64xf32, #tpu.memory_space<vmem>>, vector<16xf32>,
      %get3A_2044 = arith.constant 5 : i32
      %get3A_2045 = arith.index_cast %get3A_2044 : i32 to index
      %get3A_2046 = arith.index_cast %squeeze3A_2016 : i32 to index
      %get3A_2047 = arith.constant 16 : index
      %get3A_2048 = tpu.vector_load %arg13[%get3A_2045, %get3A_2046, %get3A_2047] {strides = array<i32>} : memref<16x8x64xf32, #tpu.memory_space<vmem>>, vector<16xf32>,
      %add3A_2049 = arith.constant 16 : i32
      %add3A_2050 = arith.addi %squeeze3A_2018, %add3A_2049 : i32
      %get3A_2051 = arith.constant 5 : i32
      %get3A_2052 = arith.index_cast %get3A_2051 : i32 to index
      %get3A_2053 = arith.index_cast %add3A_2050 : i32 to index
      %get3A_2054 = tpu.vector_load %arg16[%get3A_2052, %get3A_2053] {strides = array<i32>} : memref<32x128xf32, #tpu.memory_space<vmem>>, vector<16xf32>,
      %add3A_2055 = arith.addf %get3A_2043, %get3A_2054 : vector<16xf32>
      %sub3A_2056 = arith.subf %add3A_2055, %get3A_2048 : vector<16xf32>
      %mul3A_2057 = arith.mulf %sub3A_2056, %sub3A_2056 : vector<16xf32>
      %add3A_2058 = arith.addf %add3A_2038, %mul3A_2057 : vector<16xf32>
      %get3A_2059 = arith.constant 5 : i32
      %get3A_2060 = arith.index_cast %get3A_2059 : i32 to index
      %get3A_2061 = arith.index_cast %squeeze3A_2014 : i32 to index
      %get3A_2062 = arith.constant 32 : index
      %get3A_2063 = tpu.vector_load %arg12[%get3A_2060, %get3A_2061, %get3A_2062] {strides = array<i32>} : memref<16x8x64xf32, #tpu.memory_space<vmem>>, vector<16xf32>,
      %get3A_2064 = arith.constant 5 : i32
      %get3A_2065 = arith.index_cast %get3A_2064 : i32 to index
      %get3A_2066 = arith.index_cast %squeeze3A_2016 : i32 to index
      %get3A_2067 = arith.constant 32 : index
      %get3A_2068 = tpu.vector_load %arg13[%get3A_2065, %get3A_2066, %get3A_2067] {strides = array<i32>} : memref<16x8x64xf32, #tpu.memory_space<vmem>>, vector<16xf32>,
      %add3A_2069 = arith.constant 32 : i32
      %add3A_2070 = arith.addi %squeeze3A_2018, %add3A_2069 : i32
      %get3A_2071 = arith.constant 5 : i32
      %get3A_2072 = arith.index_cast %get3A_2071 : i32 to index
      %get3A_2073 = arith.index_cast %add3A_2070 : i32 to index
      %get3A_2074 = tpu.vector_load %arg16[%get3A_2072, %get3A_2073] {strides = array<i32>} : memref<32x128xf32, #tpu.memory_space<vmem>>, vector<16xf32>,
      %add3A_2075 = arith.addf %get3A_2063, %get3A_2074 : vector<16xf32>
      %sub3A_2076 = arith.subf %add3A_2075, %get3A_2068 : vector<16xf32>
      %mul3A_2077 = arith.mulf %sub3A_2076, %sub3A_2076 : vector<16xf32>
      %add3A_2078 = arith.addf %add3A_2058, %mul3A_2077 : vector<16xf32>
      %get3A_2079 = arith.constant 5 : i32
      %get3A_2080 = arith.index_cast %get3A_2079 : i32 to index
      %get3A_2081 = arith.index_cast %squeeze3A_2014 : i32 to index
      %get3A_2082 = arith.constant 48 : index
      %get3A_2083 = tpu.vector_load %arg12[%get3A_2080, %get3A_2081, %get3A_2082] {strides = array<i32>} : memref<16x8x64xf32, #tpu.memory_space<vmem>>, vector<16xf32>,
      %get3A_2084 = arith.constant 5 : i32
      %get3A_2085 = arith.index_cast %get3A_2084 : i32 to index
      %get3A_2086 = arith.index_cast %squeeze3A_2016 : i32 to index
      %get3A_2087 = arith.constant 48 : index
      %get3A_2088 = tpu.vector_load %arg13[%get3A_2085, %get3A_2086, %get3A_2087] {strides = array<i32>} : memref<16x8x64xf32, #tpu.memory_space<vmem>>, vector<16xf32>,
      %add3A_2089 = arith.constant 48 : i32
      %add3A_2090 = arith.addi %squeeze3A_2018, %add3A_2089 : i32
      %get3A_2091 = arith.constant 5 : i32
      %get3A_2092 = arith.index_cast %get3A_2091 : i32 to index
      %get3A_2093 = arith.index_cast %add3A_2090 : i32 to index
      %get3A_2094 = tpu.vector_load %arg16[%get3A_2092, %get3A_2093] {strides = array<i32>} : memref<32x128xf32, #tpu.memory_space<vmem>>, vector<16xf32>,
      %add3A_2095 = arith.addf %get3A_2083, %get3A_2094 : vector<16xf32>
      %sub3A_2096 = arith.subf %add3A_2095, %get3A_2088 : vector<16xf32>
      %mul3A_2097 = arith.mulf %sub3A_2096, %sub3A_2096 : vector<16xf32>
      %add3A_2098 = arith.addf %add3A_2078, %mul3A_2097 : vector<16xf32>
      %reduce_sum3A_2099 = arith.constant true
      %reduce_sum3A_2100 = vector.broadcast %reduce_sum3A_2099 : i1 to vector<16xi1>
      %reduce_sum3A_2101 = tpu.scan <sum>, %add3A_2098 masked %reduce_sum3A_2100 : vector<16xf32>, vector<16xi1> -> vector<16xf32>
      %reduce_sum3A_2102 = vector.extract %reduce_sum3A_2101[15] : f32 from vector<16xf32>
      %eq3A_2103 = arith.constant 5 : i32
      %eq3A_2104 = vector.broadcast %eq3A_2103 : i32 to vector<16xi32>
      %eq3A_2105 = arith.cmpi eq, %iota3A, %eq3A_2104 : vector<16xi32>
      %broadcast_in_dim3A_2106 = vector.broadcast %reduce_sum3A_2102 : f32 to vector<16xf32>
      %select_n3A_2107 = arith.select %eq3A_2105, %broadcast_in_dim3A_2106, %select_n3A_2012 : vector<16xi1>, vector<16xf32>
      %slice3A_2108 = vector.extract_strided_slice %and3A_1532 {offsets = [6], sizes = [1], strides = [1]} : vector<16xi32> to vector<1xi32>
      %squeeze3A_2109 = vector.extract %slice3A_2108[0] : i32 from vector<1xi32>
      %slice3A_2110 = vector.extract_strided_slice %and3A_1535 {offsets = [6], sizes = [1], strides = [1]} : vector<16xi32> to vector<1xi32>
      %squeeze3A_2111 = vector.extract %slice3A_2110[0] : i32 from vector<1xi32>
      %slice3A_2112 = vector.extract_strided_slice %mul3A_1541 {offsets = [6], sizes = [1], strides = [1]} : vector<16xi32> to vector<1xi32>
      %squeeze3A_2113 = vector.extract %slice3A_2112[0] : i32 from vector<1xi32>
      %get3A_2114 = arith.constant 6 : i32
      %get3A_2115 = arith.index_cast %get3A_2114 : i32 to index
      %get3A_2116 = arith.index_cast %squeeze3A_2109 : i32 to index
      %get3A_2117 = arith.constant 0 : index
      %get3A_2118 = tpu.vector_load %arg12[%get3A_2115, %get3A_2116, %get3A_2117] {strides = array<i32>} : memref<16x8x64xf32, #tpu.memory_space<vmem>>, vector<16xf32>,
      %get3A_2119 = arith.constant 6 : i32
      %get3A_2120 = arith.index_cast %get3A_2119 : i32 to index
      %get3A_2121 = arith.index_cast %squeeze3A_2111 : i32 to index
      %get3A_2122 = arith.constant 0 : index
      %get3A_2123 = tpu.vector_load %arg13[%get3A_2120, %get3A_2121, %get3A_2122] {strides = array<i32>} : memref<16x8x64xf32, #tpu.memory_space<vmem>>, vector<16xf32>,
      %add3A_2124 = arith.constant 0 : i32
      %add3A_2125 = arith.addi %squeeze3A_2113, %add3A_2124 : i32
      %get3A_2126 = arith.constant 6 : i32
      %get3A_2127 = arith.index_cast %get3A_2126 : i32 to index
      %get3A_2128 = arith.index_cast %add3A_2125 : i32 to index
      %get3A_2129 = tpu.vector_load %arg16[%get3A_2127, %get3A_2128] {strides = array<i32>} : memref<32x128xf32, #tpu.memory_space<vmem>>, vector<16xf32>,
      %add3A_2130 = arith.addf %get3A_2118, %get3A_2129 : vector<16xf32>
      %sub3A_2131 = arith.subf %add3A_2130, %get3A_2123 : vector<16xf32>
      %mul3A_2132 = arith.mulf %sub3A_2131, %sub3A_2131 : vector<16xf32>
      %add3A_2133 = arith.addf %broadcast_in_dim3A_3, %mul3A_2132 : vector<16xf32>
      %get3A_2134 = arith.constant 6 : i32
      %get3A_2135 = arith.index_cast %get3A_2134 : i32 to index
      %get3A_2136 = arith.index_cast %squeeze3A_2109 : i32 to index
      %get3A_2137 = arith.constant 16 : index
      %get3A_2138 = tpu.vector_load %arg12[%get3A_2135, %get3A_2136, %get3A_2137] {strides = array<i32>} : memref<16x8x64xf32, #tpu.memory_space<vmem>>, vector<16xf32>,
      %get3A_2139 = arith.constant 6 : i32
      %get3A_2140 = arith.index_cast %get3A_2139 : i32 to index
      %get3A_2141 = arith.index_cast %squeeze3A_2111 : i32 to index
      %get3A_2142 = arith.constant 16 : index
      %get3A_2143 = tpu.vector_load %arg13[%get3A_2140, %get3A_2141, %get3A_2142] {strides = array<i32>} : memref<16x8x64xf32, #tpu.memory_space<vmem>>, vector<16xf32>,
      %add3A_2144 = arith.constant 16 : i32
      %add3A_2145 = arith.addi %squeeze3A_2113, %add3A_2144 : i32
      %get3A_2146 = arith.constant 6 : i32
      %get3A_2147 = arith.index_cast %get3A_2146 : i32 to index
      %get3A_2148 = arith.index_cast %add3A_2145 : i32 to index
      %get3A_2149 = tpu.vector_load %arg16[%get3A_2147, %get3A_2148] {strides = array<i32>} : memref<32x128xf32, #tpu.memory_space<vmem>>, vector<16xf32>,
      %add3A_2150 = arith.addf %get3A_2138, %get3A_2149 : vector<16xf32>
      %sub3A_2151 = arith.subf %add3A_2150, %get3A_2143 : vector<16xf32>
      %mul3A_2152 = arith.mulf %sub3A_2151, %sub3A_2151 : vector<16xf32>
      %add3A_2153 = arith.addf %add3A_2133, %mul3A_2152 : vector<16xf32>
      %get3A_2154 = arith.constant 6 : i32
      %get3A_2155 = arith.index_cast %get3A_2154 : i32 to index
      %get3A_2156 = arith.index_cast %squeeze3A_2109 : i32 to index
      %get3A_2157 = arith.constant 32 : index
      %get3A_2158 = tpu.vector_load %arg12[%get3A_2155, %get3A_2156, %get3A_2157] {strides = array<i32>} : memref<16x8x64xf32, #tpu.memory_space<vmem>>, vector<16xf32>,
      %get3A_2159 = arith.constant 6 : i32
      %get3A_2160 = arith.index_cast %get3A_2159 : i32 to index
      %get3A_2161 = arith.index_cast %squeeze3A_2111 : i32 to index
      %get3A_2162 = arith.constant 32 : index
      %get3A_2163 = tpu.vector_load %arg13[%get3A_2160, %get3A_2161, %get3A_2162] {strides = array<i32>} : memref<16x8x64xf32, #tpu.memory_space<vmem>>, vector<16xf32>,
      %add3A_2164 = arith.constant 32 : i32
      %add3A_2165 = arith.addi %squeeze3A_2113, %add3A_2164 : i32
      %get3A_2166 = arith.constant 6 : i32
      %get3A_2167 = arith.index_cast %get3A_2166 : i32 to index
      %get3A_2168 = arith.index_cast %add3A_2165 : i32 to index
      %get3A_2169 = tpu.vector_load %arg16[%get3A_2167, %get3A_2168] {strides = array<i32>} : memref<32x128xf32, #tpu.memory_space<vmem>>, vector<16xf32>,
      %add3A_2170 = arith.addf %get3A_2158, %get3A_2169 : vector<16xf32>
      %sub3A_2171 = arith.subf %add3A_2170, %get3A_2163 : vector<16xf32>
      %mul3A_2172 = arith.mulf %sub3A_2171, %sub3A_2171 : vector<16xf32>
      %add3A_2173 = arith.addf %add3A_2153, %mul3A_2172 : vector<16xf32>
      %get3A_2174 = arith.constant 6 : i32
      %get3A_2175 = arith.index_cast %get3A_2174 : i32 to index
      %get3A_2176 = arith.index_cast %squeeze3A_2109 : i32 to index
      %get3A_2177 = arith.constant 48 : index
      %get3A_2178 = tpu.vector_load %arg12[%get3A_2175, %get3A_2176, %get3A_2177] {strides = array<i32>} : memref<16x8x64xf32, #tpu.memory_space<vmem>>, vector<16xf32>,
      %get3A_2179 = arith.constant 6 : i32
      %get3A_2180 = arith.index_cast %get3A_2179 : i32 to index
      %get3A_2181 = arith.index_cast %squeeze3A_2111 : i32 to index
      %get3A_2182 = arith.constant 48 : index
      %get3A_2183 = tpu.vector_load %arg13[%get3A_2180, %get3A_2181, %get3A_2182] {strides = array<i32>} : memref<16x8x64xf32, #tpu.memory_space<vmem>>, vector<16xf32>,
      %add3A_2184 = arith.constant 48 : i32
      %add3A_2185 = arith.addi %squeeze3A_2113, %add3A_2184 : i32
      %get3A_2186 = arith.constant 6 : i32
      %get3A_2187 = arith.index_cast %get3A_2186 : i32 to index
      %get3A_2188 = arith.index_cast %add3A_2185 : i32 to index
      %get3A_2189 = tpu.vector_load %arg16[%get3A_2187, %get3A_2188] {strides = array<i32>} : memref<32x128xf32, #tpu.memory_space<vmem>>, vector<16xf32>,
      %add3A_2190 = arith.addf %get3A_2178, %get3A_2189 : vector<16xf32>
      %sub3A_2191 = arith.subf %add3A_2190, %get3A_2183 : vector<16xf32>
      %mul3A_2192 = arith.mulf %sub3A_2191, %sub3A_2191 : vector<16xf32>
      %add3A_2193 = arith.addf %add3A_2173, %mul3A_2192 : vector<16xf32>
      %reduce_sum3A_2194 = arith.constant true
      %reduce_sum3A_2195 = vector.broadcast %reduce_sum3A_2194 : i1 to vector<16xi1>
      %reduce_sum3A_2196 = tpu.scan <sum>, %add3A_2193 masked %reduce_sum3A_2195 : vector<16xf32>, vector<16xi1> -> vector<16xf32>
      %reduce_sum3A_2197 = vector.extract %reduce_sum3A_2196[15] : f32 from vector<16xf32>
      %eq3A_2198 = arith.constant 6 : i32
      %eq3A_2199 = vector.broadcast %eq3A_2198 : i32 to vector<16xi32>
      %eq3A_2200 = arith.cmpi eq, %iota3A, %eq3A_2199 : vector<16xi32>
      %broadcast_in_dim3A_2201 = vector.broadcast %reduce_sum3A_2197 : f32 to vector<16xf32>
      %select_n3A_2202 = arith.select %eq3A_2200, %broadcast_in_dim3A_2201, %select_n3A_2107 : vector<16xi1>, vector<16xf32>
      %slice3A_2203 = vector.extract_strided_slice %and3A_1532 {offsets = [7], sizes = [1], strides = [1]} : vector<16xi32> to vector<1xi32>
      %squeeze3A_2204 = vector.extract %slice3A_2203[0] : i32 from vector<1xi32>
      %slice3A_2205 = vector.extract_strided_slice %and3A_1535 {offsets = [7], sizes = [1], strides = [1]} : vector<16xi32> to vector<1xi32>
      %squeeze3A_2206 = vector.extract %slice3A_2205[0] : i32 from vector<1xi32>
      %slice3A_2207 = vector.extract_strided_slice %mul3A_1541 {offsets = [7], sizes = [1], strides = [1]} : vector<16xi32> to vector<1xi32>
      %squeeze3A_2208 = vector.extract %slice3A_2207[0] : i32 from vector<1xi32>
      %get3A_2209 = arith.constant 7 : i32
      %get3A_2210 = arith.index_cast %get3A_2209 : i32 to index
      %get3A_2211 = arith.index_cast %squeeze3A_2204 : i32 to index
      %get3A_2212 = arith.constant 0 : index
      %get3A_2213 = tpu.vector_load %arg12[%get3A_2210, %get3A_2211, %get3A_2212] {strides = array<i32>} : memref<16x8x64xf32, #tpu.memory_space<vmem>>, vector<16xf32>,
      %get3A_2214 = arith.constant 7 : i32
      %get3A_2215 = arith.index_cast %get3A_2214 : i32 to index
      %get3A_2216 = arith.index_cast %squeeze3A_2206 : i32 to index
      %get3A_2217 = arith.constant 0 : index
      %get3A_2218 = tpu.vector_load %arg13[%get3A_2215, %get3A_2216, %get3A_2217] {strides = array<i32>} : memref<16x8x64xf32, #tpu.memory_space<vmem>>, vector<16xf32>,
      %add3A_2219 = arith.constant 0 : i32
      %add3A_2220 = arith.addi %squeeze3A_2208, %add3A_2219 : i32
      %get3A_2221 = arith.constant 7 : i32
      %get3A_2222 = arith.index_cast %get3A_2221 : i32 to index
      %get3A_2223 = arith.index_cast %add3A_2220 : i32 to index
      %get3A_2224 = tpu.vector_load %arg16[%get3A_2222, %get3A_2223] {strides = array<i32>} : memref<32x128xf32, #tpu.memory_space<vmem>>, vector<16xf32>,
      %add3A_2225 = arith.addf %get3A_2213, %get3A_2224 : vector<16xf32>
      %sub3A_2226 = arith.subf %add3A_2225, %get3A_2218 : vector<16xf32>
      %mul3A_2227 = arith.mulf %sub3A_2226, %sub3A_2226 : vector<16xf32>
      %add3A_2228 = arith.addf %broadcast_in_dim3A_3, %mul3A_2227 : vector<16xf32>
      %get3A_2229 = arith.constant 7 : i32
      %get3A_2230 = arith.index_cast %get3A_2229 : i32 to index
      %get3A_2231 = arith.index_cast %squeeze3A_2204 : i32 to index
      %get3A_2232 = arith.constant 16 : index
      %get3A_2233 = tpu.vector_load %arg12[%get3A_2230, %get3A_2231, %get3A_2232] {strides = array<i32>} : memref<16x8x64xf32, #tpu.memory_space<vmem>>, vector<16xf32>,
      %get3A_2234 = arith.constant 7 : i32
      %get3A_2235 = arith.index_cast %get3A_2234 : i32 to index
      %get3A_2236 = arith.index_cast %squeeze3A_2206 : i32 to index
      %get3A_2237 = arith.constant 16 : index
      %get3A_2238 = tpu.vector_load %arg13[%get3A_2235, %get3A_2236, %get3A_2237] {strides = array<i32>} : memref<16x8x64xf32, #tpu.memory_space<vmem>>, vector<16xf32>,
      %add3A_2239 = arith.constant 16 : i32
      %add3A_2240 = arith.addi %squeeze3A_2208, %add3A_2239 : i32
      %get3A_2241 = arith.constant 7 : i32
      %get3A_2242 = arith.index_cast %get3A_2241 : i32 to index
      %get3A_2243 = arith.index_cast %add3A_2240 : i32 to index
      %get3A_2244 = tpu.vector_load %arg16[%get3A_2242, %get3A_2243] {strides = array<i32>} : memref<32x128xf32, #tpu.memory_space<vmem>>, vector<16xf32>,
      %add3A_2245 = arith.addf %get3A_2233, %get3A_2244 : vector<16xf32>
      %sub3A_2246 = arith.subf %add3A_2245, %get3A_2238 : vector<16xf32>
      %mul3A_2247 = arith.mulf %sub3A_2246, %sub3A_2246 : vector<16xf32>
      %add3A_2248 = arith.addf %add3A_2228, %mul3A_2247 : vector<16xf32>
      %get3A_2249 = arith.constant 7 : i32
      %get3A_2250 = arith.index_cast %get3A_2249 : i32 to index
      %get3A_2251 = arith.index_cast %squeeze3A_2204 : i32 to index
      %get3A_2252 = arith.constant 32 : index
      %get3A_2253 = tpu.vector_load %arg12[%get3A_2250, %get3A_2251, %get3A_2252] {strides = array<i32>} : memref<16x8x64xf32, #tpu.memory_space<vmem>>, vector<16xf32>,
      %get3A_2254 = arith.constant 7 : i32
      %get3A_2255 = arith.index_cast %get3A_2254 : i32 to index
      %get3A_2256 = arith.index_cast %squeeze3A_2206 : i32 to index
      %get3A_2257 = arith.constant 32 : index
      %get3A_2258 = tpu.vector_load %arg13[%get3A_2255, %get3A_2256, %get3A_2257] {strides = array<i32>} : memref<16x8x64xf32, #tpu.memory_space<vmem>>, vector<16xf32>,
      %add3A_2259 = arith.constant 32 : i32
      %add3A_2260 = arith.addi %squeeze3A_2208, %add3A_2259 : i32
      %get3A_2261 = arith.constant 7 : i32
      %get3A_2262 = arith.index_cast %get3A_2261 : i32 to index
      %get3A_2263 = arith.index_cast %add3A_2260 : i32 to index
      %get3A_2264 = tpu.vector_load %arg16[%get3A_2262, %get3A_2263] {strides = array<i32>} : memref<32x128xf32, #tpu.memory_space<vmem>>, vector<16xf32>,
      %add3A_2265 = arith.addf %get3A_2253, %get3A_2264 : vector<16xf32>
      %sub3A_2266 = arith.subf %add3A_2265, %get3A_2258 : vector<16xf32>
      %mul3A_2267 = arith.mulf %sub3A_2266, %sub3A_2266 : vector<16xf32>
      %add3A_2268 = arith.addf %add3A_2248, %mul3A_2267 : vector<16xf32>
      %get3A_2269 = arith.constant 7 : i32
      %get3A_2270 = arith.index_cast %get3A_2269 : i32 to index
      %get3A_2271 = arith.index_cast %squeeze3A_2204 : i32 to index
      %get3A_2272 = arith.constant 48 : index
      %get3A_2273 = tpu.vector_load %arg12[%get3A_2270, %get3A_2271, %get3A_2272] {strides = array<i32>} : memref<16x8x64xf32, #tpu.memory_space<vmem>>, vector<16xf32>,
      %get3A_2274 = arith.constant 7 : i32
      %get3A_2275 = arith.index_cast %get3A_2274 : i32 to index
      %get3A_2276 = arith.index_cast %squeeze3A_2206 : i32 to index
      %get3A_2277 = arith.constant 48 : index
      %get3A_2278 = tpu.vector_load %arg13[%get3A_2275, %get3A_2276, %get3A_2277] {strides = array<i32>} : memref<16x8x64xf32, #tpu.memory_space<vmem>>, vector<16xf32>,
      %add3A_2279 = arith.constant 48 : i32
      %add3A_2280 = arith.addi %squeeze3A_2208, %add3A_2279 : i32
      %get3A_2281 = arith.constant 7 : i32
      %get3A_2282 = arith.index_cast %get3A_2281 : i32 to index
      %get3A_2283 = arith.index_cast %add3A_2280 : i32 to index
      %get3A_2284 = tpu.vector_load %arg16[%get3A_2282, %get3A_2283] {strides = array<i32>} : memref<32x128xf32, #tpu.memory_space<vmem>>, vector<16xf32>,
      %add3A_2285 = arith.addf %get3A_2273, %get3A_2284 : vector<16xf32>
      %sub3A_2286 = arith.subf %add3A_2285, %get3A_2278 : vector<16xf32>
      %mul3A_2287 = arith.mulf %sub3A_2286, %sub3A_2286 : vector<16xf32>
      %add3A_2288 = arith.addf %add3A_2268, %mul3A_2287 : vector<16xf32>
      %reduce_sum3A_2289 = arith.constant true
      %reduce_sum3A_2290 = vector.broadcast %reduce_sum3A_2289 : i1 to vector<16xi1>
      %reduce_sum3A_2291 = tpu.scan <sum>, %add3A_2288 masked %reduce_sum3A_2290 : vector<16xf32>, vector<16xi1> -> vector<16xf32>
      %reduce_sum3A_2292 = vector.extract %reduce_sum3A_2291[15] : f32 from vector<16xf32>
      %eq3A_2293 = arith.constant 7 : i32
      %eq3A_2294 = vector.broadcast %eq3A_2293 : i32 to vector<16xi32>
      %eq3A_2295 = arith.cmpi eq, %iota3A, %eq3A_2294 : vector<16xi32>
      %broadcast_in_dim3A_2296 = vector.broadcast %reduce_sum3A_2292 : f32 to vector<16xf32>
      %select_n3A_2297 = arith.select %eq3A_2295, %broadcast_in_dim3A_2296, %select_n3A_2202 : vector<16xi1>, vector<16xf32>
      %slice3A_2298 = vector.extract_strided_slice %and3A_1532 {offsets = [8], sizes = [1], strides = [1]} : vector<16xi32> to vector<1xi32>
      %squeeze3A_2299 = vector.extract %slice3A_2298[0] : i32 from vector<1xi32>
      %slice3A_2300 = vector.extract_strided_slice %and3A_1535 {offsets = [8], sizes = [1], strides = [1]} : vector<16xi32> to vector<1xi32>
      %squeeze3A_2301 = vector.extract %slice3A_2300[0] : i32 from vector<1xi32>
      %slice3A_2302 = vector.extract_strided_slice %mul3A_1541 {offsets = [8], sizes = [1], strides = [1]} : vector<16xi32> to vector<1xi32>
      %squeeze3A_2303 = vector.extract %slice3A_2302[0] : i32 from vector<1xi32>
      %get3A_2304 = arith.constant 8 : i32
      %get3A_2305 = arith.index_cast %get3A_2304 : i32 to index
      %get3A_2306 = arith.index_cast %squeeze3A_2299 : i32 to index
      %get3A_2307 = arith.constant 0 : index
      %get3A_2308 = tpu.vector_load %arg12[%get3A_2305, %get3A_2306, %get3A_2307] {strides = array<i32>} : memref<16x8x64xf32, #tpu.memory_space<vmem>>, vector<16xf32>,
      %get3A_2309 = arith.constant 8 : i32
      %get3A_2310 = arith.index_cast %get3A_2309 : i32 to index
      %get3A_2311 = arith.index_cast %squeeze3A_2301 : i32 to index
      %get3A_2312 = arith.constant 0 : index
      %get3A_2313 = tpu.vector_load %arg13[%get3A_2310, %get3A_2311, %get3A_2312] {strides = array<i32>} : memref<16x8x64xf32, #tpu.memory_space<vmem>>, vector<16xf32>,
      %add3A_2314 = arith.constant 0 : i32
      %add3A_2315 = arith.addi %squeeze3A_2303, %add3A_2314 : i32
      %get3A_2316 = arith.constant 8 : i32
      %get3A_2317 = arith.index_cast %get3A_2316 : i32 to index
      %get3A_2318 = arith.index_cast %add3A_2315 : i32 to index
      %get3A_2319 = tpu.vector_load %arg16[%get3A_2317, %get3A_2318] {strides = array<i32>} : memref<32x128xf32, #tpu.memory_space<vmem>>, vector<16xf32>,
      %add3A_2320 = arith.addf %get3A_2308, %get3A_2319 : vector<16xf32>
      %sub3A_2321 = arith.subf %add3A_2320, %get3A_2313 : vector<16xf32>
      %mul3A_2322 = arith.mulf %sub3A_2321, %sub3A_2321 : vector<16xf32>
      %add3A_2323 = arith.addf %broadcast_in_dim3A_3, %mul3A_2322 : vector<16xf32>
      %get3A_2324 = arith.constant 8 : i32
      %get3A_2325 = arith.index_cast %get3A_2324 : i32 to index
      %get3A_2326 = arith.index_cast %squeeze3A_2299 : i32 to index
      %get3A_2327 = arith.constant 16 : index
      %get3A_2328 = tpu.vector_load %arg12[%get3A_2325, %get3A_2326, %get3A_2327] {strides = array<i32>} : memref<16x8x64xf32, #tpu.memory_space<vmem>>, vector<16xf32>,
      %get3A_2329 = arith.constant 8 : i32
      %get3A_2330 = arith.index_cast %get3A_2329 : i32 to index
      %get3A_2331 = arith.index_cast %squeeze3A_2301 : i32 to index
      %get3A_2332 = arith.constant 16 : index
      %get3A_2333 = tpu.vector_load %arg13[%get3A_2330, %get3A_2331, %get3A_2332] {strides = array<i32>} : memref<16x8x64xf32, #tpu.memory_space<vmem>>, vector<16xf32>,
      %add3A_2334 = arith.constant 16 : i32
      %add3A_2335 = arith.addi %squeeze3A_2303, %add3A_2334 : i32
      %get3A_2336 = arith.constant 8 : i32
      %get3A_2337 = arith.index_cast %get3A_2336 : i32 to index
      %get3A_2338 = arith.index_cast %add3A_2335 : i32 to index
      %get3A_2339 = tpu.vector_load %arg16[%get3A_2337, %get3A_2338] {strides = array<i32>} : memref<32x128xf32, #tpu.memory_space<vmem>>, vector<16xf32>,
      %add3A_2340 = arith.addf %get3A_2328, %get3A_2339 : vector<16xf32>
      %sub3A_2341 = arith.subf %add3A_2340, %get3A_2333 : vector<16xf32>
      %mul3A_2342 = arith.mulf %sub3A_2341, %sub3A_2341 : vector<16xf32>
      %add3A_2343 = arith.addf %add3A_2323, %mul3A_2342 : vector<16xf32>
      %get3A_2344 = arith.constant 8 : i32
      %get3A_2345 = arith.index_cast %get3A_2344 : i32 to index
      %get3A_2346 = arith.index_cast %squeeze3A_2299 : i32 to index
      %get3A_2347 = arith.constant 32 : index
      %get3A_2348 = tpu.vector_load %arg12[%get3A_2345, %get3A_2346, %get3A_2347] {strides = array<i32>} : memref<16x8x64xf32, #tpu.memory_space<vmem>>, vector<16xf32>,
      %get3A_2349 = arith.constant 8 : i32
      %get3A_2350 = arith.index_cast %get3A_2349 : i32 to index
      %get3A_2351 = arith.index_cast %squeeze3A_2301 : i32 to index
      %get3A_2352 = arith.constant 32 : index
      %get3A_2353 = tpu.vector_load %arg13[%get3A_2350, %get3A_2351, %get3A_2352] {strides = array<i32>} : memref<16x8x64xf32, #tpu.memory_space<vmem>>, vector<16xf32>,
      %add3A_2354 = arith.constant 32 : i32
      %add3A_2355 = arith.addi %squeeze3A_2303, %add3A_2354 : i32
      %get3A_2356 = arith.constant 8 : i32
      %get3A_2357 = arith.index_cast %get3A_2356 : i32 to index
      %get3A_2358 = arith.index_cast %add3A_2355 : i32 to index
      %get3A_2359 = tpu.vector_load %arg16[%get3A_2357, %get3A_2358] {strides = array<i32>} : memref<32x128xf32, #tpu.memory_space<vmem>>, vector<16xf32>,
      %add3A_2360 = arith.addf %get3A_2348, %get3A_2359 : vector<16xf32>
      %sub3A_2361 = arith.subf %add3A_2360, %get3A_2353 : vector<16xf32>
      %mul3A_2362 = arith.mulf %sub3A_2361, %sub3A_2361 : vector<16xf32>
      %add3A_2363 = arith.addf %add3A_2343, %mul3A_2362 : vector<16xf32>
      %get3A_2364 = arith.constant 8 : i32
      %get3A_2365 = arith.index_cast %get3A_2364 : i32 to index
      %get3A_2366 = arith.index_cast %squeeze3A_2299 : i32 to index
      %get3A_2367 = arith.constant 48 : index
      %get3A_2368 = tpu.vector_load %arg12[%get3A_2365, %get3A_2366, %get3A_2367] {strides = array<i32>} : memref<16x8x64xf32, #tpu.memory_space<vmem>>, vector<16xf32>,
      %get3A_2369 = arith.constant 8 : i32
      %get3A_2370 = arith.index_cast %get3A_2369 : i32 to index
      %get3A_2371 = arith.index_cast %squeeze3A_2301 : i32 to index
      %get3A_2372 = arith.constant 48 : index
      %get3A_2373 = tpu.vector_load %arg13[%get3A_2370, %get3A_2371, %get3A_2372] {strides = array<i32>} : memref<16x8x64xf32, #tpu.memory_space<vmem>>, vector<16xf32>,
      %add3A_2374 = arith.constant 48 : i32
      %add3A_2375 = arith.addi %squeeze3A_2303, %add3A_2374 : i32
      %get3A_2376 = arith.constant 8 : i32
      %get3A_2377 = arith.index_cast %get3A_2376 : i32 to index
      %get3A_2378 = arith.index_cast %add3A_2375 : i32 to index
      %get3A_2379 = tpu.vector_load %arg16[%get3A_2377, %get3A_2378] {strides = array<i32>} : memref<32x128xf32, #tpu.memory_space<vmem>>, vector<16xf32>,
      %add3A_2380 = arith.addf %get3A_2368, %get3A_2379 : vector<16xf32>
      %sub3A_2381 = arith.subf %add3A_2380, %get3A_2373 : vector<16xf32>
      %mul3A_2382 = arith.mulf %sub3A_2381, %sub3A_2381 : vector<16xf32>
      %add3A_2383 = arith.addf %add3A_2363, %mul3A_2382 : vector<16xf32>
      %reduce_sum3A_2384 = arith.constant true
      %reduce_sum3A_2385 = vector.broadcast %reduce_sum3A_2384 : i1 to vector<16xi1>
      %reduce_sum3A_2386 = tpu.scan <sum>, %add3A_2383 masked %reduce_sum3A_2385 : vector<16xf32>, vector<16xi1> -> vector<16xf32>
      %reduce_sum3A_2387 = vector.extract %reduce_sum3A_2386[15] : f32 from vector<16xf32>
      %eq3A_2388 = arith.constant 8 : i32
      %eq3A_2389 = vector.broadcast %eq3A_2388 : i32 to vector<16xi32>
      %eq3A_2390 = arith.cmpi eq, %iota3A, %eq3A_2389 : vector<16xi32>
      %broadcast_in_dim3A_2391 = vector.broadcast %reduce_sum3A_2387 : f32 to vector<16xf32>
      %select_n3A_2392 = arith.select %eq3A_2390, %broadcast_in_dim3A_2391, %select_n3A_2297 : vector<16xi1>, vector<16xf32>
      %slice3A_2393 = vector.extract_strided_slice %and3A_1532 {offsets = [9], sizes = [1], strides = [1]} : vector<16xi32> to vector<1xi32>
      %squeeze3A_2394 = vector.extract %slice3A_2393[0] : i32 from vector<1xi32>
      %slice3A_2395 = vector.extract_strided_slice %and3A_1535 {offsets = [9], sizes = [1], strides = [1]} : vector<16xi32> to vector<1xi32>
      %squeeze3A_2396 = vector.extract %slice3A_2395[0] : i32 from vector<1xi32>
      %slice3A_2397 = vector.extract_strided_slice %mul3A_1541 {offsets = [9], sizes = [1], strides = [1]} : vector<16xi32> to vector<1xi32>
      %squeeze3A_2398 = vector.extract %slice3A_2397[0] : i32 from vector<1xi32>
      %get3A_2399 = arith.constant 9 : i32
      %get3A_2400 = arith.index_cast %get3A_2399 : i32 to index
      %get3A_2401 = arith.index_cast %squeeze3A_2394 : i32 to index
      %get3A_2402 = arith.constant 0 : index
      %get3A_2403 = tpu.vector_load %arg12[%get3A_2400, %get3A_2401, %get3A_2402] {strides = array<i32>} : memref<16x8x64xf32, #tpu.memory_space<vmem>>, vector<16xf32>,
      %get3A_2404 = arith.constant 9 : i32
      %get3A_2405 = arith.index_cast %get3A_2404 : i32 to index
      %get3A_2406 = arith.index_cast %squeeze3A_2396 : i32 to index
      %get3A_2407 = arith.constant 0 : index
      %get3A_2408 = tpu.vector_load %arg13[%get3A_2405, %get3A_2406, %get3A_2407] {strides = array<i32>} : memref<16x8x64xf32, #tpu.memory_space<vmem>>, vector<16xf32>,
      %add3A_2409 = arith.constant 0 : i32
      %add3A_2410 = arith.addi %squeeze3A_2398, %add3A_2409 : i32
      %get3A_2411 = arith.constant 9 : i32
      %get3A_2412 = arith.index_cast %get3A_2411 : i32 to index
      %get3A_2413 = arith.index_cast %add3A_2410 : i32 to index
      %get3A_2414 = tpu.vector_load %arg16[%get3A_2412, %get3A_2413] {strides = array<i32>} : memref<32x128xf32, #tpu.memory_space<vmem>>, vector<16xf32>,
      %add3A_2415 = arith.addf %get3A_2403, %get3A_2414 : vector<16xf32>
      %sub3A_2416 = arith.subf %add3A_2415, %get3A_2408 : vector<16xf32>
      %mul3A_2417 = arith.mulf %sub3A_2416, %sub3A_2416 : vector<16xf32>
      %add3A_2418 = arith.addf %broadcast_in_dim3A_3, %mul3A_2417 : vector<16xf32>
      %get3A_2419 = arith.constant 9 : i32
      %get3A_2420 = arith.index_cast %get3A_2419 : i32 to index
      %get3A_2421 = arith.index_cast %squeeze3A_2394 : i32 to index
      %get3A_2422 = arith.constant 16 : index
      %get3A_2423 = tpu.vector_load %arg12[%get3A_2420, %get3A_2421, %get3A_2422] {strides = array<i32>} : memref<16x8x64xf32, #tpu.memory_space<vmem>>, vector<16xf32>,
      %get3A_2424 = arith.constant 9 : i32
      %get3A_2425 = arith.index_cast %get3A_2424 : i32 to index
      %get3A_2426 = arith.index_cast %squeeze3A_2396 : i32 to index
      %get3A_2427 = arith.constant 16 : index
      %get3A_2428 = tpu.vector_load %arg13[%get3A_2425, %get3A_2426, %get3A_2427] {strides = array<i32>} : memref<16x8x64xf32, #tpu.memory_space<vmem>>, vector<16xf32>,
      %add3A_2429 = arith.constant 16 : i32
      %add3A_2430 = arith.addi %squeeze3A_2398, %add3A_2429 : i32
      %get3A_2431 = arith.constant 9 : i32
      %get3A_2432 = arith.index_cast %get3A_2431 : i32 to index
      %get3A_2433 = arith.index_cast %add3A_2430 : i32 to index
      %get3A_2434 = tpu.vector_load %arg16[%get3A_2432, %get3A_2433] {strides = array<i32>} : memref<32x128xf32, #tpu.memory_space<vmem>>, vector<16xf32>,
      %add3A_2435 = arith.addf %get3A_2423, %get3A_2434 : vector<16xf32>
      %sub3A_2436 = arith.subf %add3A_2435, %get3A_2428 : vector<16xf32>
      %mul3A_2437 = arith.mulf %sub3A_2436, %sub3A_2436 : vector<16xf32>
      %add3A_2438 = arith.addf %add3A_2418, %mul3A_2437 : vector<16xf32>
      %get3A_2439 = arith.constant 9 : i32
      %get3A_2440 = arith.index_cast %get3A_2439 : i32 to index
      %get3A_2441 = arith.index_cast %squeeze3A_2394 : i32 to index
      %get3A_2442 = arith.constant 32 : index
      %get3A_2443 = tpu.vector_load %arg12[%get3A_2440, %get3A_2441, %get3A_2442] {strides = array<i32>} : memref<16x8x64xf32, #tpu.memory_space<vmem>>, vector<16xf32>,
      %get3A_2444 = arith.constant 9 : i32
      %get3A_2445 = arith.index_cast %get3A_2444 : i32 to index
      %get3A_2446 = arith.index_cast %squeeze3A_2396 : i32 to index
      %get3A_2447 = arith.constant 32 : index
      %get3A_2448 = tpu.vector_load %arg13[%get3A_2445, %get3A_2446, %get3A_2447] {strides = array<i32>} : memref<16x8x64xf32, #tpu.memory_space<vmem>>, vector<16xf32>,
      %add3A_2449 = arith.constant 32 : i32
      %add3A_2450 = arith.addi %squeeze3A_2398, %add3A_2449 : i32
      %get3A_2451 = arith.constant 9 : i32
      %get3A_2452 = arith.index_cast %get3A_2451 : i32 to index
      %get3A_2453 = arith.index_cast %add3A_2450 : i32 to index
      %get3A_2454 = tpu.vector_load %arg16[%get3A_2452, %get3A_2453] {strides = array<i32>} : memref<32x128xf32, #tpu.memory_space<vmem>>, vector<16xf32>,
      %add3A_2455 = arith.addf %get3A_2443, %get3A_2454 : vector<16xf32>
      %sub3A_2456 = arith.subf %add3A_2455, %get3A_2448 : vector<16xf32>
      %mul3A_2457 = arith.mulf %sub3A_2456, %sub3A_2456 : vector<16xf32>
      %add3A_2458 = arith.addf %add3A_2438, %mul3A_2457 : vector<16xf32>
      %get3A_2459 = arith.constant 9 : i32
      %get3A_2460 = arith.index_cast %get3A_2459 : i32 to index
      %get3A_2461 = arith.index_cast %squeeze3A_2394 : i32 to index
      %get3A_2462 = arith.constant 48 : index
      %get3A_2463 = tpu.vector_load %arg12[%get3A_2460, %get3A_2461, %get3A_2462] {strides = array<i32>} : memref<16x8x64xf32, #tpu.memory_space<vmem>>, vector<16xf32>,
      %get3A_2464 = arith.constant 9 : i32
      %get3A_2465 = arith.index_cast %get3A_2464 : i32 to index
      %get3A_2466 = arith.index_cast %squeeze3A_2396 : i32 to index
      %get3A_2467 = arith.constant 48 : index
      %get3A_2468 = tpu.vector_load %arg13[%get3A_2465, %get3A_2466, %get3A_2467] {strides = array<i32>} : memref<16x8x64xf32, #tpu.memory_space<vmem>>, vector<16xf32>,
      %add3A_2469 = arith.constant 48 : i32
      %add3A_2470 = arith.addi %squeeze3A_2398, %add3A_2469 : i32
      %get3A_2471 = arith.constant 9 : i32
      %get3A_2472 = arith.index_cast %get3A_2471 : i32 to index
      %get3A_2473 = arith.index_cast %add3A_2470 : i32 to index
      %get3A_2474 = tpu.vector_load %arg16[%get3A_2472, %get3A_2473] {strides = array<i32>} : memref<32x128xf32, #tpu.memory_space<vmem>>, vector<16xf32>,
      %add3A_2475 = arith.addf %get3A_2463, %get3A_2474 : vector<16xf32>
      %sub3A_2476 = arith.subf %add3A_2475, %get3A_2468 : vector<16xf32>
      %mul3A_2477 = arith.mulf %sub3A_2476, %sub3A_2476 : vector<16xf32>
      %add3A_2478 = arith.addf %add3A_2458, %mul3A_2477 : vector<16xf32>
      %reduce_sum3A_2479 = arith.constant true
      %reduce_sum3A_2480 = vector.broadcast %reduce_sum3A_2479 : i1 to vector<16xi1>
      %reduce_sum3A_2481 = tpu.scan <sum>, %add3A_2478 masked %reduce_sum3A_2480 : vector<16xf32>, vector<16xi1> -> vector<16xf32>
      %reduce_sum3A_2482 = vector.extract %reduce_sum3A_2481[15] : f32 from vector<16xf32>
      %eq3A_2483 = arith.constant 9 : i32
      %eq3A_2484 = vector.broadcast %eq3A_2483 : i32 to vector<16xi32>
      %eq3A_2485 = arith.cmpi eq, %iota3A, %eq3A_2484 : vector<16xi32>
      %broadcast_in_dim3A_2486 = vector.broadcast %reduce_sum3A_2482 : f32 to vector<16xf32>
      %select_n3A_2487 = arith.select %eq3A_2485, %broadcast_in_dim3A_2486, %select_n3A_2392 : vector<16xi1>, vector<16xf32>
      %slice3A_2488 = vector.extract_strided_slice %and3A_1532 {offsets = [10], sizes = [1], strides = [1]} : vector<16xi32> to vector<1xi32>
      %squeeze3A_2489 = vector.extract %slice3A_2488[0] : i32 from vector<1xi32>
      %slice3A_2490 = vector.extract_strided_slice %and3A_1535 {offsets = [10], sizes = [1], strides = [1]} : vector<16xi32> to vector<1xi32>
      %squeeze3A_2491 = vector.extract %slice3A_2490[0] : i32 from vector<1xi32>
      %slice3A_2492 = vector.extract_strided_slice %mul3A_1541 {offsets = [10], sizes = [1], strides = [1]} : vector<16xi32> to vector<1xi32>
      %squeeze3A_2493 = vector.extract %slice3A_2492[0] : i32 from vector<1xi32>
      %get3A_2494 = arith.constant 10 : i32
      %get3A_2495 = arith.index_cast %get3A_2494 : i32 to index
      %get3A_2496 = arith.index_cast %squeeze3A_2489 : i32 to index
      %get3A_2497 = arith.constant 0 : index
      %get3A_2498 = tpu.vector_load %arg12[%get3A_2495, %get3A_2496, %get3A_2497] {strides = array<i32>} : memref<16x8x64xf32, #tpu.memory_space<vmem>>, vector<16xf32>,
      %get3A_2499 = arith.constant 10 : i32
      %get3A_2500 = arith.index_cast %get3A_2499 : i32 to index
      %get3A_2501 = arith.index_cast %squeeze3A_2491 : i32 to index
      %get3A_2502 = arith.constant 0 : index
      %get3A_2503 = tpu.vector_load %arg13[%get3A_2500, %get3A_2501, %get3A_2502] {strides = array<i32>} : memref<16x8x64xf32, #tpu.memory_space<vmem>>, vector<16xf32>,
      %add3A_2504 = arith.constant 0 : i32
      %add3A_2505 = arith.addi %squeeze3A_2493, %add3A_2504 : i32
      %get3A_2506 = arith.constant 10 : i32
      %get3A_2507 = arith.index_cast %get3A_2506 : i32 to index
      %get3A_2508 = arith.index_cast %add3A_2505 : i32 to index
      %get3A_2509 = tpu.vector_load %arg16[%get3A_2507, %get3A_2508] {strides = array<i32>} : memref<32x128xf32, #tpu.memory_space<vmem>>, vector<16xf32>,
      %add3A_2510 = arith.addf %get3A_2498, %get3A_2509 : vector<16xf32>
      %sub3A_2511 = arith.subf %add3A_2510, %get3A_2503 : vector<16xf32>
      %mul3A_2512 = arith.mulf %sub3A_2511, %sub3A_2511 : vector<16xf32>
      %add3A_2513 = arith.addf %broadcast_in_dim3A_3, %mul3A_2512 : vector<16xf32>
      %get3A_2514 = arith.constant 10 : i32
      %get3A_2515 = arith.index_cast %get3A_2514 : i32 to index
      %get3A_2516 = arith.index_cast %squeeze3A_2489 : i32 to index
      %get3A_2517 = arith.constant 16 : index
      %get3A_2518 = tpu.vector_load %arg12[%get3A_2515, %get3A_2516, %get3A_2517] {strides = array<i32>} : memref<16x8x64xf32, #tpu.memory_space<vmem>>, vector<16xf32>,
      %get3A_2519 = arith.constant 10 : i32
      %get3A_2520 = arith.index_cast %get3A_2519 : i32 to index
      %get3A_2521 = arith.index_cast %squeeze3A_2491 : i32 to index
      %get3A_2522 = arith.constant 16 : index
      %get3A_2523 = tpu.vector_load %arg13[%get3A_2520, %get3A_2521, %get3A_2522] {strides = array<i32>} : memref<16x8x64xf32, #tpu.memory_space<vmem>>, vector<16xf32>,
      %add3A_2524 = arith.constant 16 : i32
      %add3A_2525 = arith.addi %squeeze3A_2493, %add3A_2524 : i32
      %get3A_2526 = arith.constant 10 : i32
      %get3A_2527 = arith.index_cast %get3A_2526 : i32 to index
      %get3A_2528 = arith.index_cast %add3A_2525 : i32 to index
      %get3A_2529 = tpu.vector_load %arg16[%get3A_2527, %get3A_2528] {strides = array<i32>} : memref<32x128xf32, #tpu.memory_space<vmem>>, vector<16xf32>,
      %add3A_2530 = arith.addf %get3A_2518, %get3A_2529 : vector<16xf32>
      %sub3A_2531 = arith.subf %add3A_2530, %get3A_2523 : vector<16xf32>
      %mul3A_2532 = arith.mulf %sub3A_2531, %sub3A_2531 : vector<16xf32>
      %add3A_2533 = arith.addf %add3A_2513, %mul3A_2532 : vector<16xf32>
      %get3A_2534 = arith.constant 10 : i32
      %get3A_2535 = arith.index_cast %get3A_2534 : i32 to index
      %get3A_2536 = arith.index_cast %squeeze3A_2489 : i32 to index
      %get3A_2537 = arith.constant 32 : index
      %get3A_2538 = tpu.vector_load %arg12[%get3A_2535, %get3A_2536, %get3A_2537] {strides = array<i32>} : memref<16x8x64xf32, #tpu.memory_space<vmem>>, vector<16xf32>,
      %get3A_2539 = arith.constant 10 : i32
      %get3A_2540 = arith.index_cast %get3A_2539 : i32 to index
      %get3A_2541 = arith.index_cast %squeeze3A_2491 : i32 to index
      %get3A_2542 = arith.constant 32 : index
      %get3A_2543 = tpu.vector_load %arg13[%get3A_2540, %get3A_2541, %get3A_2542] {strides = array<i32>} : memref<16x8x64xf32, #tpu.memory_space<vmem>>, vector<16xf32>,
      %add3A_2544 = arith.constant 32 : i32
      %add3A_2545 = arith.addi %squeeze3A_2493, %add3A_2544 : i32
      %get3A_2546 = arith.constant 10 : i32
      %get3A_2547 = arith.index_cast %get3A_2546 : i32 to index
      %get3A_2548 = arith.index_cast %add3A_2545 : i32 to index
      %get3A_2549 = tpu.vector_load %arg16[%get3A_2547, %get3A_2548] {strides = array<i32>} : memref<32x128xf32, #tpu.memory_space<vmem>>, vector<16xf32>,
      %add3A_2550 = arith.addf %get3A_2538, %get3A_2549 : vector<16xf32>
      %sub3A_2551 = arith.subf %add3A_2550, %get3A_2543 : vector<16xf32>
      %mul3A_2552 = arith.mulf %sub3A_2551, %sub3A_2551 : vector<16xf32>
      %add3A_2553 = arith.addf %add3A_2533, %mul3A_2552 : vector<16xf32>
      %get3A_2554 = arith.constant 10 : i32
      %get3A_2555 = arith.index_cast %get3A_2554 : i32 to index
      %get3A_2556 = arith.index_cast %squeeze3A_2489 : i32 to index
      %get3A_2557 = arith.constant 48 : index
      %get3A_2558 = tpu.vector_load %arg12[%get3A_2555, %get3A_2556, %get3A_2557] {strides = array<i32>} : memref<16x8x64xf32, #tpu.memory_space<vmem>>, vector<16xf32>,
      %get3A_2559 = arith.constant 10 : i32
      %get3A_2560 = arith.index_cast %get3A_2559 : i32 to index
      %get3A_2561 = arith.index_cast %squeeze3A_2491 : i32 to index
      %get3A_2562 = arith.constant 48 : index
      %get3A_2563 = tpu.vector_load %arg13[%get3A_2560, %get3A_2561, %get3A_2562] {strides = array<i32>} : memref<16x8x64xf32, #tpu.memory_space<vmem>>, vector<16xf32>,
      %add3A_2564 = arith.constant 48 : i32
      %add3A_2565 = arith.addi %squeeze3A_2493, %add3A_2564 : i32
      %get3A_2566 = arith.constant 10 : i32
      %get3A_2567 = arith.index_cast %get3A_2566 : i32 to index
      %get3A_2568 = arith.index_cast %add3A_2565 : i32 to index
      %get3A_2569 = tpu.vector_load %arg16[%get3A_2567, %get3A_2568] {strides = array<i32>} : memref<32x128xf32, #tpu.memory_space<vmem>>, vector<16xf32>,
      %add3A_2570 = arith.addf %get3A_2558, %get3A_2569 : vector<16xf32>
      %sub3A_2571 = arith.subf %add3A_2570, %get3A_2563 : vector<16xf32>
      %mul3A_2572 = arith.mulf %sub3A_2571, %sub3A_2571 : vector<16xf32>
      %add3A_2573 = arith.addf %add3A_2553, %mul3A_2572 : vector<16xf32>
      %reduce_sum3A_2574 = arith.constant true
      %reduce_sum3A_2575 = vector.broadcast %reduce_sum3A_2574 : i1 to vector<16xi1>
      %reduce_sum3A_2576 = tpu.scan <sum>, %add3A_2573 masked %reduce_sum3A_2575 : vector<16xf32>, vector<16xi1> -> vector<16xf32>
      %reduce_sum3A_2577 = vector.extract %reduce_sum3A_2576[15] : f32 from vector<16xf32>
      %eq3A_2578 = arith.constant 10 : i32
      %eq3A_2579 = vector.broadcast %eq3A_2578 : i32 to vector<16xi32>
      %eq3A_2580 = arith.cmpi eq, %iota3A, %eq3A_2579 : vector<16xi32>
      %broadcast_in_dim3A_2581 = vector.broadcast %reduce_sum3A_2577 : f32 to vector<16xf32>
      %select_n3A_2582 = arith.select %eq3A_2580, %broadcast_in_dim3A_2581, %select_n3A_2487 : vector<16xi1>, vector<16xf32>
      %slice3A_2583 = vector.extract_strided_slice %and3A_1532 {offsets = [11], sizes = [1], strides = [1]} : vector<16xi32> to vector<1xi32>
      %squeeze3A_2584 = vector.extract %slice3A_2583[0] : i32 from vector<1xi32>
      %slice3A_2585 = vector.extract_strided_slice %and3A_1535 {offsets = [11], sizes = [1], strides = [1]} : vector<16xi32> to vector<1xi32>
      %squeeze3A_2586 = vector.extract %slice3A_2585[0] : i32 from vector<1xi32>
      %slice3A_2587 = vector.extract_strided_slice %mul3A_1541 {offsets = [11], sizes = [1], strides = [1]} : vector<16xi32> to vector<1xi32>
      %squeeze3A_2588 = vector.extract %slice3A_2587[0] : i32 from vector<1xi32>
      %get3A_2589 = arith.constant 11 : i32
      %get3A_2590 = arith.index_cast %get3A_2589 : i32 to index
      %get3A_2591 = arith.index_cast %squeeze3A_2584 : i32 to index
      %get3A_2592 = arith.constant 0 : index
      %get3A_2593 = tpu.vector_load %arg12[%get3A_2590, %get3A_2591, %get3A_2592] {strides = array<i32>} : memref<16x8x64xf32, #tpu.memory_space<vmem>>, vector<16xf32>,
      %get3A_2594 = arith.constant 11 : i32
      %get3A_2595 = arith.index_cast %get3A_2594 : i32 to index
      %get3A_2596 = arith.index_cast %squeeze3A_2586 : i32 to index
      %get3A_2597 = arith.constant 0 : index
      %get3A_2598 = tpu.vector_load %arg13[%get3A_2595, %get3A_2596, %get3A_2597] {strides = array<i32>} : memref<16x8x64xf32, #tpu.memory_space<vmem>>, vector<16xf32>,
      %add3A_2599 = arith.constant 0 : i32
      %add3A_2600 = arith.addi %squeeze3A_2588, %add3A_2599 : i32
      %get3A_2601 = arith.constant 11 : i32
      %get3A_2602 = arith.index_cast %get3A_2601 : i32 to index
      %get3A_2603 = arith.index_cast %add3A_2600 : i32 to index
      %get3A_2604 = tpu.vector_load %arg16[%get3A_2602, %get3A_2603] {strides = array<i32>} : memref<32x128xf32, #tpu.memory_space<vmem>>, vector<16xf32>,
      %add3A_2605 = arith.addf %get3A_2593, %get3A_2604 : vector<16xf32>
      %sub3A_2606 = arith.subf %add3A_2605, %get3A_2598 : vector<16xf32>
      %mul3A_2607 = arith.mulf %sub3A_2606, %sub3A_2606 : vector<16xf32>
      %add3A_2608 = arith.addf %broadcast_in_dim3A_3, %mul3A_2607 : vector<16xf32>
      %get3A_2609 = arith.constant 11 : i32
      %get3A_2610 = arith.index_cast %get3A_2609 : i32 to index
      %get3A_2611 = arith.index_cast %squeeze3A_2584 : i32 to index
      %get3A_2612 = arith.constant 16 : index
      %get3A_2613 = tpu.vector_load %arg12[%get3A_2610, %get3A_2611, %get3A_2612] {strides = array<i32>} : memref<16x8x64xf32, #tpu.memory_space<vmem>>, vector<16xf32>,
      %get3A_2614 = arith.constant 11 : i32
      %get3A_2615 = arith.index_cast %get3A_2614 : i32 to index
      %get3A_2616 = arith.index_cast %squeeze3A_2586 : i32 to index
      %get3A_2617 = arith.constant 16 : index
      %get3A_2618 = tpu.vector_load %arg13[%get3A_2615, %get3A_2616, %get3A_2617] {strides = array<i32>} : memref<16x8x64xf32, #tpu.memory_space<vmem>>, vector<16xf32>,
      %add3A_2619 = arith.constant 16 : i32
      %add3A_2620 = arith.addi %squeeze3A_2588, %add3A_2619 : i32
      %get3A_2621 = arith.constant 11 : i32
      %get3A_2622 = arith.index_cast %get3A_2621 : i32 to index
      %get3A_2623 = arith.index_cast %add3A_2620 : i32 to index
      %get3A_2624 = tpu.vector_load %arg16[%get3A_2622, %get3A_2623] {strides = array<i32>} : memref<32x128xf32, #tpu.memory_space<vmem>>, vector<16xf32>,
      %add3A_2625 = arith.addf %get3A_2613, %get3A_2624 : vector<16xf32>
      %sub3A_2626 = arith.subf %add3A_2625, %get3A_2618 : vector<16xf32>
      %mul3A_2627 = arith.mulf %sub3A_2626, %sub3A_2626 : vector<16xf32>
      %add3A_2628 = arith.addf %add3A_2608, %mul3A_2627 : vector<16xf32>
      %get3A_2629 = arith.constant 11 : i32
      %get3A_2630 = arith.index_cast %get3A_2629 : i32 to index
      %get3A_2631 = arith.index_cast %squeeze3A_2584 : i32 to index
      %get3A_2632 = arith.constant 32 : index
      %get3A_2633 = tpu.vector_load %arg12[%get3A_2630, %get3A_2631, %get3A_2632] {strides = array<i32>} : memref<16x8x64xf32, #tpu.memory_space<vmem>>, vector<16xf32>,
      %get3A_2634 = arith.constant 11 : i32
      %get3A_2635 = arith.index_cast %get3A_2634 : i32 to index
      %get3A_2636 = arith.index_cast %squeeze3A_2586 : i32 to index
      %get3A_2637 = arith.constant 32 : index
      %get3A_2638 = tpu.vector_load %arg13[%get3A_2635, %get3A_2636, %get3A_2637] {strides = array<i32>} : memref<16x8x64xf32, #tpu.memory_space<vmem>>, vector<16xf32>,
      %add3A_2639 = arith.constant 32 : i32
      %add3A_2640 = arith.addi %squeeze3A_2588, %add3A_2639 : i32
      %get3A_2641 = arith.constant 11 : i32
      %get3A_2642 = arith.index_cast %get3A_2641 : i32 to index
      %get3A_2643 = arith.index_cast %add3A_2640 : i32 to index
      %get3A_2644 = tpu.vector_load %arg16[%get3A_2642, %get3A_2643] {strides = array<i32>} : memref<32x128xf32, #tpu.memory_space<vmem>>, vector<16xf32>,
      %add3A_2645 = arith.addf %get3A_2633, %get3A_2644 : vector<16xf32>
      %sub3A_2646 = arith.subf %add3A_2645, %get3A_2638 : vector<16xf32>
      %mul3A_2647 = arith.mulf %sub3A_2646, %sub3A_2646 : vector<16xf32>
      %add3A_2648 = arith.addf %add3A_2628, %mul3A_2647 : vector<16xf32>
      %get3A_2649 = arith.constant 11 : i32
      %get3A_2650 = arith.index_cast %get3A_2649 : i32 to index
      %get3A_2651 = arith.index_cast %squeeze3A_2584 : i32 to index
      %get3A_2652 = arith.constant 48 : index
      %get3A_2653 = tpu.vector_load %arg12[%get3A_2650, %get3A_2651, %get3A_2652] {strides = array<i32>} : memref<16x8x64xf32, #tpu.memory_space<vmem>>, vector<16xf32>,
      %get3A_2654 = arith.constant 11 : i32
      %get3A_2655 = arith.index_cast %get3A_2654 : i32 to index
      %get3A_2656 = arith.index_cast %squeeze3A_2586 : i32 to index
      %get3A_2657 = arith.constant 48 : index
      %get3A_2658 = tpu.vector_load %arg13[%get3A_2655, %get3A_2656, %get3A_2657] {strides = array<i32>} : memref<16x8x64xf32, #tpu.memory_space<vmem>>, vector<16xf32>,
      %add3A_2659 = arith.constant 48 : i32
      %add3A_2660 = arith.addi %squeeze3A_2588, %add3A_2659 : i32
      %get3A_2661 = arith.constant 11 : i32
      %get3A_2662 = arith.index_cast %get3A_2661 : i32 to index
      %get3A_2663 = arith.index_cast %add3A_2660 : i32 to index
      %get3A_2664 = tpu.vector_load %arg16[%get3A_2662, %get3A_2663] {strides = array<i32>} : memref<32x128xf32, #tpu.memory_space<vmem>>, vector<16xf32>,
      %add3A_2665 = arith.addf %get3A_2653, %get3A_2664 : vector<16xf32>
      %sub3A_2666 = arith.subf %add3A_2665, %get3A_2658 : vector<16xf32>
      %mul3A_2667 = arith.mulf %sub3A_2666, %sub3A_2666 : vector<16xf32>
      %add3A_2668 = arith.addf %add3A_2648, %mul3A_2667 : vector<16xf32>
      %reduce_sum3A_2669 = arith.constant true
      %reduce_sum3A_2670 = vector.broadcast %reduce_sum3A_2669 : i1 to vector<16xi1>
      %reduce_sum3A_2671 = tpu.scan <sum>, %add3A_2668 masked %reduce_sum3A_2670 : vector<16xf32>, vector<16xi1> -> vector<16xf32>
      %reduce_sum3A_2672 = vector.extract %reduce_sum3A_2671[15] : f32 from vector<16xf32>
      %eq3A_2673 = arith.constant 11 : i32
      %eq3A_2674 = vector.broadcast %eq3A_2673 : i32 to vector<16xi32>
      %eq3A_2675 = arith.cmpi eq, %iota3A, %eq3A_2674 : vector<16xi32>
      %broadcast_in_dim3A_2676 = vector.broadcast %reduce_sum3A_2672 : f32 to vector<16xf32>
      %select_n3A_2677 = arith.select %eq3A_2675, %broadcast_in_dim3A_2676, %select_n3A_2582 : vector<16xi1>, vector<16xf32>
      %slice3A_2678 = vector.extract_strided_slice %and3A_1532 {offsets = [12], sizes = [1], strides = [1]} : vector<16xi32> to vector<1xi32>
      %squeeze3A_2679 = vector.extract %slice3A_2678[0] : i32 from vector<1xi32>
      %slice3A_2680 = vector.extract_strided_slice %and3A_1535 {offsets = [12], sizes = [1], strides = [1]} : vector<16xi32> to vector<1xi32>
      %squeeze3A_2681 = vector.extract %slice3A_2680[0] : i32 from vector<1xi32>
      %slice3A_2682 = vector.extract_strided_slice %mul3A_1541 {offsets = [12], sizes = [1], strides = [1]} : vector<16xi32> to vector<1xi32>
      %squeeze3A_2683 = vector.extract %slice3A_2682[0] : i32 from vector<1xi32>
      %get3A_2684 = arith.constant 12 : i32
      %get3A_2685 = arith.index_cast %get3A_2684 : i32 to index
      %get3A_2686 = arith.index_cast %squeeze3A_2679 : i32 to index
      %get3A_2687 = arith.constant 0 : index
      %get3A_2688 = tpu.vector_load %arg12[%get3A_2685, %get3A_2686, %get3A_2687] {strides = array<i32>} : memref<16x8x64xf32, #tpu.memory_space<vmem>>, vector<16xf32>,
      %get3A_2689 = arith.constant 12 : i32
      %get3A_2690 = arith.index_cast %get3A_2689 : i32 to index
      %get3A_2691 = arith.index_cast %squeeze3A_2681 : i32 to index
      %get3A_2692 = arith.constant 0 : index
      %get3A_2693 = tpu.vector_load %arg13[%get3A_2690, %get3A_2691, %get3A_2692] {strides = array<i32>} : memref<16x8x64xf32, #tpu.memory_space<vmem>>, vector<16xf32>,
      %add3A_2694 = arith.constant 0 : i32
      %add3A_2695 = arith.addi %squeeze3A_2683, %add3A_2694 : i32
      %get3A_2696 = arith.constant 12 : i32
      %get3A_2697 = arith.index_cast %get3A_2696 : i32 to index
      %get3A_2698 = arith.index_cast %add3A_2695 : i32 to index
      %get3A_2699 = tpu.vector_load %arg16[%get3A_2697, %get3A_2698] {strides = array<i32>} : memref<32x128xf32, #tpu.memory_space<vmem>>, vector<16xf32>,
      %add3A_2700 = arith.addf %get3A_2688, %get3A_2699 : vector<16xf32>
      %sub3A_2701 = arith.subf %add3A_2700, %get3A_2693 : vector<16xf32>
      %mul3A_2702 = arith.mulf %sub3A_2701, %sub3A_2701 : vector<16xf32>
      %add3A_2703 = arith.addf %broadcast_in_dim3A_3, %mul3A_2702 : vector<16xf32>
      %get3A_2704 = arith.constant 12 : i32
      %get3A_2705 = arith.index_cast %get3A_2704 : i32 to index
      %get3A_2706 = arith.index_cast %squeeze3A_2679 : i32 to index
      %get3A_2707 = arith.constant 16 : index
      %get3A_2708 = tpu.vector_load %arg12[%get3A_2705, %get3A_2706, %get3A_2707] {strides = array<i32>} : memref<16x8x64xf32, #tpu.memory_space<vmem>>, vector<16xf32>,
      %get3A_2709 = arith.constant 12 : i32
      %get3A_2710 = arith.index_cast %get3A_2709 : i32 to index
      %get3A_2711 = arith.index_cast %squeeze3A_2681 : i32 to index
      %get3A_2712 = arith.constant 16 : index
      %get3A_2713 = tpu.vector_load %arg13[%get3A_2710, %get3A_2711, %get3A_2712] {strides = array<i32>} : memref<16x8x64xf32, #tpu.memory_space<vmem>>, vector<16xf32>,
      %add3A_2714 = arith.constant 16 : i32
      %add3A_2715 = arith.addi %squeeze3A_2683, %add3A_2714 : i32
      %get3A_2716 = arith.constant 12 : i32
      %get3A_2717 = arith.index_cast %get3A_2716 : i32 to index
      %get3A_2718 = arith.index_cast %add3A_2715 : i32 to index
      %get3A_2719 = tpu.vector_load %arg16[%get3A_2717, %get3A_2718] {strides = array<i32>} : memref<32x128xf32, #tpu.memory_space<vmem>>, vector<16xf32>,
      %add3A_2720 = arith.addf %get3A_2708, %get3A_2719 : vector<16xf32>
      %sub3A_2721 = arith.subf %add3A_2720, %get3A_2713 : vector<16xf32>
      %mul3A_2722 = arith.mulf %sub3A_2721, %sub3A_2721 : vector<16xf32>
      %add3A_2723 = arith.addf %add3A_2703, %mul3A_2722 : vector<16xf32>
      %get3A_2724 = arith.constant 12 : i32
      %get3A_2725 = arith.index_cast %get3A_2724 : i32 to index
      %get3A_2726 = arith.index_cast %squeeze3A_2679 : i32 to index
      %get3A_2727 = arith.constant 32 : index
      %get3A_2728 = tpu.vector_load %arg12[%get3A_2725, %get3A_2726, %get3A_2727] {strides = array<i32>} : memref<16x8x64xf32, #tpu.memory_space<vmem>>, vector<16xf32>,
      %get3A_2729 = arith.constant 12 : i32
      %get3A_2730 = arith.index_cast %get3A_2729 : i32 to index
      %get3A_2731 = arith.index_cast %squeeze3A_2681 : i32 to index
      %get3A_2732 = arith.constant 32 : index
      %get3A_2733 = tpu.vector_load %arg13[%get3A_2730, %get3A_2731, %get3A_2732] {strides = array<i32>} : memref<16x8x64xf32, #tpu.memory_space<vmem>>, vector<16xf32>,
      %add3A_2734 = arith.constant 32 : i32
      %add3A_2735 = arith.addi %squeeze3A_2683, %add3A_2734 : i32
      %get3A_2736 = arith.constant 12 : i32
      %get3A_2737 = arith.index_cast %get3A_2736 : i32 to index
      %get3A_2738 = arith.index_cast %add3A_2735 : i32 to index
      %get3A_2739 = tpu.vector_load %arg16[%get3A_2737, %get3A_2738] {strides = array<i32>} : memref<32x128xf32, #tpu.memory_space<vmem>>, vector<16xf32>,
      %add3A_2740 = arith.addf %get3A_2728, %get3A_2739 : vector<16xf32>
      %sub3A_2741 = arith.subf %add3A_2740, %get3A_2733 : vector<16xf32>
      %mul3A_2742 = arith.mulf %sub3A_2741, %sub3A_2741 : vector<16xf32>
      %add3A_2743 = arith.addf %add3A_2723, %mul3A_2742 : vector<16xf32>
      %get3A_2744 = arith.constant 12 : i32
      %get3A_2745 = arith.index_cast %get3A_2744 : i32 to index
      %get3A_2746 = arith.index_cast %squeeze3A_2679 : i32 to index
      %get3A_2747 = arith.constant 48 : index
      %get3A_2748 = tpu.vector_load %arg12[%get3A_2745, %get3A_2746, %get3A_2747] {strides = array<i32>} : memref<16x8x64xf32, #tpu.memory_space<vmem>>, vector<16xf32>,
      %get3A_2749 = arith.constant 12 : i32
      %get3A_2750 = arith.index_cast %get3A_2749 : i32 to index
      %get3A_2751 = arith.index_cast %squeeze3A_2681 : i32 to index
      %get3A_2752 = arith.constant 48 : index
      %get3A_2753 = tpu.vector_load %arg13[%get3A_2750, %get3A_2751, %get3A_2752] {strides = array<i32>} : memref<16x8x64xf32, #tpu.memory_space<vmem>>, vector<16xf32>,
      %add3A_2754 = arith.constant 48 : i32
      %add3A_2755 = arith.addi %squeeze3A_2683, %add3A_2754 : i32
      %get3A_2756 = arith.constant 12 : i32
      %get3A_2757 = arith.index_cast %get3A_2756 : i32 to index
      %get3A_2758 = arith.index_cast %add3A_2755 : i32 to index
      %get3A_2759 = tpu.vector_load %arg16[%get3A_2757, %get3A_2758] {strides = array<i32>} : memref<32x128xf32, #tpu.memory_space<vmem>>, vector<16xf32>,
      %add3A_2760 = arith.addf %get3A_2748, %get3A_2759 : vector<16xf32>
      %sub3A_2761 = arith.subf %add3A_2760, %get3A_2753 : vector<16xf32>
      %mul3A_2762 = arith.mulf %sub3A_2761, %sub3A_2761 : vector<16xf32>
      %add3A_2763 = arith.addf %add3A_2743, %mul3A_2762 : vector<16xf32>
      %reduce_sum3A_2764 = arith.constant true
      %reduce_sum3A_2765 = vector.broadcast %reduce_sum3A_2764 : i1 to vector<16xi1>
      %reduce_sum3A_2766 = tpu.scan <sum>, %add3A_2763 masked %reduce_sum3A_2765 : vector<16xf32>, vector<16xi1> -> vector<16xf32>
      %reduce_sum3A_2767 = vector.extract %reduce_sum3A_2766[15] : f32 from vector<16xf32>
      %eq3A_2768 = arith.constant 12 : i32
      %eq3A_2769 = vector.broadcast %eq3A_2768 : i32 to vector<16xi32>
      %eq3A_2770 = arith.cmpi eq, %iota3A, %eq3A_2769 : vector<16xi32>
      %broadcast_in_dim3A_2771 = vector.broadcast %reduce_sum3A_2767 : f32 to vector<16xf32>
      %select_n3A_2772 = arith.select %eq3A_2770, %broadcast_in_dim3A_2771, %select_n3A_2677 : vector<16xi1>, vector<16xf32>
      %slice3A_2773 = vector.extract_strided_slice %and3A_1532 {offsets = [13], sizes = [1], strides = [1]} : vector<16xi32> to vector<1xi32>
      %squeeze3A_2774 = vector.extract %slice3A_2773[0] : i32 from vector<1xi32>
      %slice3A_2775 = vector.extract_strided_slice %and3A_1535 {offsets = [13], sizes = [1], strides = [1]} : vector<16xi32> to vector<1xi32>
      %squeeze3A_2776 = vector.extract %slice3A_2775[0] : i32 from vector<1xi32>
      %slice3A_2777 = vector.extract_strided_slice %mul3A_1541 {offsets = [13], sizes = [1], strides = [1]} : vector<16xi32> to vector<1xi32>
      %squeeze3A_2778 = vector.extract %slice3A_2777[0] : i32 from vector<1xi32>
      %get3A_2779 = arith.constant 13 : i32
      %get3A_2780 = arith.index_cast %get3A_2779 : i32 to index
      %get3A_2781 = arith.index_cast %squeeze3A_2774 : i32 to index
      %get3A_2782 = arith.constant 0 : index
      %get3A_2783 = tpu.vector_load %arg12[%get3A_2780, %get3A_2781, %get3A_2782] {strides = array<i32>} : memref<16x8x64xf32, #tpu.memory_space<vmem>>, vector<16xf32>,
      %get3A_2784 = arith.constant 13 : i32
      %get3A_2785 = arith.index_cast %get3A_2784 : i32 to index
      %get3A_2786 = arith.index_cast %squeeze3A_2776 : i32 to index
      %get3A_2787 = arith.constant 0 : index
      %get3A_2788 = tpu.vector_load %arg13[%get3A_2785, %get3A_2786, %get3A_2787] {strides = array<i32>} : memref<16x8x64xf32, #tpu.memory_space<vmem>>, vector<16xf32>,
      %add3A_2789 = arith.constant 0 : i32
      %add3A_2790 = arith.addi %squeeze3A_2778, %add3A_2789 : i32
      %get3A_2791 = arith.constant 13 : i32
      %get3A_2792 = arith.index_cast %get3A_2791 : i32 to index
      %get3A_2793 = arith.index_cast %add3A_2790 : i32 to index
      %get3A_2794 = tpu.vector_load %arg16[%get3A_2792, %get3A_2793] {strides = array<i32>} : memref<32x128xf32, #tpu.memory_space<vmem>>, vector<16xf32>,
      %add3A_2795 = arith.addf %get3A_2783, %get3A_2794 : vector<16xf32>
      %sub3A_2796 = arith.subf %add3A_2795, %get3A_2788 : vector<16xf32>
      %mul3A_2797 = arith.mulf %sub3A_2796, %sub3A_2796 : vector<16xf32>
      %add3A_2798 = arith.addf %broadcast_in_dim3A_3, %mul3A_2797 : vector<16xf32>
      %get3A_2799 = arith.constant 13 : i32
      %get3A_2800 = arith.index_cast %get3A_2799 : i32 to index
      %get3A_2801 = arith.index_cast %squeeze3A_2774 : i32 to index
      %get3A_2802 = arith.constant 16 : index
      %get3A_2803 = tpu.vector_load %arg12[%get3A_2800, %get3A_2801, %get3A_2802] {strides = array<i32>} : memref<16x8x64xf32, #tpu.memory_space<vmem>>, vector<16xf32>,
      %get3A_2804 = arith.constant 13 : i32
      %get3A_2805 = arith.index_cast %get3A_2804 : i32 to index
      %get3A_2806 = arith.index_cast %squeeze3A_2776 : i32 to index
      %get3A_2807 = arith.constant 16 : index
      %get3A_2808 = tpu.vector_load %arg13[%get3A_2805, %get3A_2806, %get3A_2807] {strides = array<i32>} : memref<16x8x64xf32, #tpu.memory_space<vmem>>, vector<16xf32>,
      %add3A_2809 = arith.constant 16 : i32
      %add3A_2810 = arith.addi %squeeze3A_2778, %add3A_2809 : i32
      %get3A_2811 = arith.constant 13 : i32
      %get3A_2812 = arith.index_cast %get3A_2811 : i32 to index
      %get3A_2813 = arith.index_cast %add3A_2810 : i32 to index
      %get3A_2814 = tpu.vector_load %arg16[%get3A_2812, %get3A_2813] {strides = array<i32>} : memref<32x128xf32, #tpu.memory_space<vmem>>, vector<16xf32>,
      %add3A_2815 = arith.addf %get3A_2803, %get3A_2814 : vector<16xf32>
      %sub3A_2816 = arith.subf %add3A_2815, %get3A_2808 : vector<16xf32>
      %mul3A_2817 = arith.mulf %sub3A_2816, %sub3A_2816 : vector<16xf32>
      %add3A_2818 = arith.addf %add3A_2798, %mul3A_2817 : vector<16xf32>
      %get3A_2819 = arith.constant 13 : i32
      %get3A_2820 = arith.index_cast %get3A_2819 : i32 to index
      %get3A_2821 = arith.index_cast %squeeze3A_2774 : i32 to index
      %get3A_2822 = arith.constant 32 : index
      %get3A_2823 = tpu.vector_load %arg12[%get3A_2820, %get3A_2821, %get3A_2822] {strides = array<i32>} : memref<16x8x64xf32, #tpu.memory_space<vmem>>, vector<16xf32>,
      %get3A_2824 = arith.constant 13 : i32
      %get3A_2825 = arith.index_cast %get3A_2824 : i32 to index
      %get3A_2826 = arith.index_cast %squeeze3A_2776 : i32 to index
      %get3A_2827 = arith.constant 32 : index
      %get3A_2828 = tpu.vector_load %arg13[%get3A_2825, %get3A_2826, %get3A_2827] {strides = array<i32>} : memref<16x8x64xf32, #tpu.memory_space<vmem>>, vector<16xf32>,
      %add3A_2829 = arith.constant 32 : i32
      %add3A_2830 = arith.addi %squeeze3A_2778, %add3A_2829 : i32
      %get3A_2831 = arith.constant 13 : i32
      %get3A_2832 = arith.index_cast %get3A_2831 : i32 to index
      %get3A_2833 = arith.index_cast %add3A_2830 : i32 to index
      %get3A_2834 = tpu.vector_load %arg16[%get3A_2832, %get3A_2833] {strides = array<i32>} : memref<32x128xf32, #tpu.memory_space<vmem>>, vector<16xf32>,
      %add3A_2835 = arith.addf %get3A_2823, %get3A_2834 : vector<16xf32>
      %sub3A_2836 = arith.subf %add3A_2835, %get3A_2828 : vector<16xf32>
      %mul3A_2837 = arith.mulf %sub3A_2836, %sub3A_2836 : vector<16xf32>
      %add3A_2838 = arith.addf %add3A_2818, %mul3A_2837 : vector<16xf32>
      %get3A_2839 = arith.constant 13 : i32
      %get3A_2840 = arith.index_cast %get3A_2839 : i32 to index
      %get3A_2841 = arith.index_cast %squeeze3A_2774 : i32 to index
      %get3A_2842 = arith.constant 48 : index
      %get3A_2843 = tpu.vector_load %arg12[%get3A_2840, %get3A_2841, %get3A_2842] {strides = array<i32>} : memref<16x8x64xf32, #tpu.memory_space<vmem>>, vector<16xf32>,
      %get3A_2844 = arith.constant 13 : i32
      %get3A_2845 = arith.index_cast %get3A_2844 : i32 to index
      %get3A_2846 = arith.index_cast %squeeze3A_2776 : i32 to index
      %get3A_2847 = arith.constant 48 : index
      %get3A_2848 = tpu.vector_load %arg13[%get3A_2845, %get3A_2846, %get3A_2847] {strides = array<i32>} : memref<16x8x64xf32, #tpu.memory_space<vmem>>, vector<16xf32>,
      %add3A_2849 = arith.constant 48 : i32
      %add3A_2850 = arith.addi %squeeze3A_2778, %add3A_2849 : i32
      %get3A_2851 = arith.constant 13 : i32
      %get3A_2852 = arith.index_cast %get3A_2851 : i32 to index
      %get3A_2853 = arith.index_cast %add3A_2850 : i32 to index
      %get3A_2854 = tpu.vector_load %arg16[%get3A_2852, %get3A_2853] {strides = array<i32>} : memref<32x128xf32, #tpu.memory_space<vmem>>, vector<16xf32>,
      %add3A_2855 = arith.addf %get3A_2843, %get3A_2854 : vector<16xf32>
      %sub3A_2856 = arith.subf %add3A_2855, %get3A_2848 : vector<16xf32>
      %mul3A_2857 = arith.mulf %sub3A_2856, %sub3A_2856 : vector<16xf32>
      %add3A_2858 = arith.addf %add3A_2838, %mul3A_2857 : vector<16xf32>
      %reduce_sum3A_2859 = arith.constant true
      %reduce_sum3A_2860 = vector.broadcast %reduce_sum3A_2859 : i1 to vector<16xi1>
      %reduce_sum3A_2861 = tpu.scan <sum>, %add3A_2858 masked %reduce_sum3A_2860 : vector<16xf32>, vector<16xi1> -> vector<16xf32>
      %reduce_sum3A_2862 = vector.extract %reduce_sum3A_2861[15] : f32 from vector<16xf32>
      %eq3A_2863 = arith.constant 13 : i32
      %eq3A_2864 = vector.broadcast %eq3A_2863 : i32 to vector<16xi32>
      %eq3A_2865 = arith.cmpi eq, %iota3A, %eq3A_2864 : vector<16xi32>
      %broadcast_in_dim3A_2866 = vector.broadcast %reduce_sum3A_2862 : f32 to vector<16xf32>
      %select_n3A_2867 = arith.select %eq3A_2865, %broadcast_in_dim3A_2866, %select_n3A_2772 : vector<16xi1>, vector<16xf32>
      %slice3A_2868 = vector.extract_strided_slice %and3A_1532 {offsets = [14], sizes = [1], strides = [1]} : vector<16xi32> to vector<1xi32>
      %squeeze3A_2869 = vector.extract %slice3A_2868[0] : i32 from vector<1xi32>
      %slice3A_2870 = vector.extract_strided_slice %and3A_1535 {offsets = [14], sizes = [1], strides = [1]} : vector<16xi32> to vector<1xi32>
      %squeeze3A_2871 = vector.extract %slice3A_2870[0] : i32 from vector<1xi32>
      %slice3A_2872 = vector.extract_strided_slice %mul3A_1541 {offsets = [14], sizes = [1], strides = [1]} : vector<16xi32> to vector<1xi32>
      %squeeze3A_2873 = vector.extract %slice3A_2872[0] : i32 from vector<1xi32>
      %get3A_2874 = arith.constant 14 : i32
      %get3A_2875 = arith.index_cast %get3A_2874 : i32 to index
      %get3A_2876 = arith.index_cast %squeeze3A_2869 : i32 to index
      %get3A_2877 = arith.constant 0 : index
      %get3A_2878 = tpu.vector_load %arg12[%get3A_2875, %get3A_2876, %get3A_2877] {strides = array<i32>} : memref<16x8x64xf32, #tpu.memory_space<vmem>>, vector<16xf32>,
      %get3A_2879 = arith.constant 14 : i32
      %get3A_2880 = arith.index_cast %get3A_2879 : i32 to index
      %get3A_2881 = arith.index_cast %squeeze3A_2871 : i32 to index
      %get3A_2882 = arith.constant 0 : index
      %get3A_2883 = tpu.vector_load %arg13[%get3A_2880, %get3A_2881, %get3A_2882] {strides = array<i32>} : memref<16x8x64xf32, #tpu.memory_space<vmem>>, vector<16xf32>,
      %add3A_2884 = arith.constant 0 : i32
      %add3A_2885 = arith.addi %squeeze3A_2873, %add3A_2884 : i32
      %get3A_2886 = arith.constant 14 : i32
      %get3A_2887 = arith.index_cast %get3A_2886 : i32 to index
      %get3A_2888 = arith.index_cast %add3A_2885 : i32 to index
      %get3A_2889 = tpu.vector_load %arg16[%get3A_2887, %get3A_2888] {strides = array<i32>} : memref<32x128xf32, #tpu.memory_space<vmem>>, vector<16xf32>,
      %add3A_2890 = arith.addf %get3A_2878, %get3A_2889 : vector<16xf32>
      %sub3A_2891 = arith.subf %add3A_2890, %get3A_2883 : vector<16xf32>
      %mul3A_2892 = arith.mulf %sub3A_2891, %sub3A_2891 : vector<16xf32>
      %add3A_2893 = arith.addf %broadcast_in_dim3A_3, %mul3A_2892 : vector<16xf32>
      %get3A_2894 = arith.constant 14 : i32
      %get3A_2895 = arith.index_cast %get3A_2894 : i32 to index
      %get3A_2896 = arith.index_cast %squeeze3A_2869 : i32 to index
      %get3A_2897 = arith.constant 16 : index
      %get3A_2898 = tpu.vector_load %arg12[%get3A_2895, %get3A_2896, %get3A_2897] {strides = array<i32>} : memref<16x8x64xf32, #tpu.memory_space<vmem>>, vector<16xf32>,
      %get3A_2899 = arith.constant 14 : i32
      %get3A_2900 = arith.index_cast %get3A_2899 : i32 to index
      %get3A_2901 = arith.index_cast %squeeze3A_2871 : i32 to index
      %get3A_2902 = arith.constant 16 : index
      %get3A_2903 = tpu.vector_load %arg13[%get3A_2900, %get3A_2901, %get3A_2902] {strides = array<i32>} : memref<16x8x64xf32, #tpu.memory_space<vmem>>, vector<16xf32>,
      %add3A_2904 = arith.constant 16 : i32
      %add3A_2905 = arith.addi %squeeze3A_2873, %add3A_2904 : i32
      %get3A_2906 = arith.constant 14 : i32
      %get3A_2907 = arith.index_cast %get3A_2906 : i32 to index
      %get3A_2908 = arith.index_cast %add3A_2905 : i32 to index
      %get3A_2909 = tpu.vector_load %arg16[%get3A_2907, %get3A_2908] {strides = array<i32>} : memref<32x128xf32, #tpu.memory_space<vmem>>, vector<16xf32>,
      %add3A_2910 = arith.addf %get3A_2898, %get3A_2909 : vector<16xf32>
      %sub3A_2911 = arith.subf %add3A_2910, %get3A_2903 : vector<16xf32>
      %mul3A_2912 = arith.mulf %sub3A_2911, %sub3A_2911 : vector<16xf32>
      %add3A_2913 = arith.addf %add3A_2893, %mul3A_2912 : vector<16xf32>
      %get3A_2914 = arith.constant 14 : i32
      %get3A_2915 = arith.index_cast %get3A_2914 : i32 to index
      %get3A_2916 = arith.index_cast %squeeze3A_2869 : i32 to index
      %get3A_2917 = arith.constant 32 : index
      %get3A_2918 = tpu.vector_load %arg12[%get3A_2915, %get3A_2916, %get3A_2917] {strides = array<i32>} : memref<16x8x64xf32, #tpu.memory_space<vmem>>, vector<16xf32>,
      %get3A_2919 = arith.constant 14 : i32
      %get3A_2920 = arith.index_cast %get3A_2919 : i32 to index
      %get3A_2921 = arith.index_cast %squeeze3A_2871 : i32 to index
      %get3A_2922 = arith.constant 32 : index
      %get3A_2923 = tpu.vector_load %arg13[%get3A_2920, %get3A_2921, %get3A_2922] {strides = array<i32>} : memref<16x8x64xf32, #tpu.memory_space<vmem>>, vector<16xf32>,
      %add3A_2924 = arith.constant 32 : i32
      %add3A_2925 = arith.addi %squeeze3A_2873, %add3A_2924 : i32
      %get3A_2926 = arith.constant 14 : i32
      %get3A_2927 = arith.index_cast %get3A_2926 : i32 to index
      %get3A_2928 = arith.index_cast %add3A_2925 : i32 to index
      %get3A_2929 = tpu.vector_load %arg16[%get3A_2927, %get3A_2928] {strides = array<i32>} : memref<32x128xf32, #tpu.memory_space<vmem>>, vector<16xf32>,
      %add3A_2930 = arith.addf %get3A_2918, %get3A_2929 : vector<16xf32>
      %sub3A_2931 = arith.subf %add3A_2930, %get3A_2923 : vector<16xf32>
      %mul3A_2932 = arith.mulf %sub3A_2931, %sub3A_2931 : vector<16xf32>
      %add3A_2933 = arith.addf %add3A_2913, %mul3A_2932 : vector<16xf32>
      %get3A_2934 = arith.constant 14 : i32
      %get3A_2935 = arith.index_cast %get3A_2934 : i32 to index
      %get3A_2936 = arith.index_cast %squeeze3A_2869 : i32 to index
      %get3A_2937 = arith.constant 48 : index
      %get3A_2938 = tpu.vector_load %arg12[%get3A_2935, %get3A_2936, %get3A_2937] {strides = array<i32>} : memref<16x8x64xf32, #tpu.memory_space<vmem>>, vector<16xf32>,
      %get3A_2939 = arith.constant 14 : i32
      %get3A_2940 = arith.index_cast %get3A_2939 : i32 to index
      %get3A_2941 = arith.index_cast %squeeze3A_2871 : i32 to index
      %get3A_2942 = arith.constant 48 : index
      %get3A_2943 = tpu.vector_load %arg13[%get3A_2940, %get3A_2941, %get3A_2942] {strides = array<i32>} : memref<16x8x64xf32, #tpu.memory_space<vmem>>, vector<16xf32>,
      %add3A_2944 = arith.constant 48 : i32
      %add3A_2945 = arith.addi %squeeze3A_2873, %add3A_2944 : i32
      %get3A_2946 = arith.constant 14 : i32
      %get3A_2947 = arith.index_cast %get3A_2946 : i32 to index
      %get3A_2948 = arith.index_cast %add3A_2945 : i32 to index
      %get3A_2949 = tpu.vector_load %arg16[%get3A_2947, %get3A_2948] {strides = array<i32>} : memref<32x128xf32, #tpu.memory_space<vmem>>, vector<16xf32>,
      %add3A_2950 = arith.addf %get3A_2938, %get3A_2949 : vector<16xf32>
      %sub3A_2951 = arith.subf %add3A_2950, %get3A_2943 : vector<16xf32>
      %mul3A_2952 = arith.mulf %sub3A_2951, %sub3A_2951 : vector<16xf32>
      %add3A_2953 = arith.addf %add3A_2933, %mul3A_2952 : vector<16xf32>
      %reduce_sum3A_2954 = arith.constant true
      %reduce_sum3A_2955 = vector.broadcast %reduce_sum3A_2954 : i1 to vector<16xi1>
      %reduce_sum3A_2956 = tpu.scan <sum>, %add3A_2953 masked %reduce_sum3A_2955 : vector<16xf32>, vector<16xi1> -> vector<16xf32>
      %reduce_sum3A_2957 = vector.extract %reduce_sum3A_2956[15] : f32 from vector<16xf32>
      %eq3A_2958 = arith.constant 14 : i32
      %eq3A_2959 = vector.broadcast %eq3A_2958 : i32 to vector<16xi32>
      %eq3A_2960 = arith.cmpi eq, %iota3A, %eq3A_2959 : vector<16xi32>
      %broadcast_in_dim3A_2961 = vector.broadcast %reduce_sum3A_2957 : f32 to vector<16xf32>
      %select_n3A_2962 = arith.select %eq3A_2960, %broadcast_in_dim3A_2961, %select_n3A_2867 : vector<16xi1>, vector<16xf32>
      %slice3A_2963 = vector.extract_strided_slice %and3A_1532 {offsets = [15], sizes = [1], strides = [1]} : vector<16xi32> to vector<1xi32>
      %squeeze3A_2964 = vector.extract %slice3A_2963[0] : i32 from vector<1xi32>
      %slice3A_2965 = vector.extract_strided_slice %and3A_1535 {offsets = [15], sizes = [1], strides = [1]} : vector<16xi32> to vector<1xi32>
      %squeeze3A_2966 = vector.extract %slice3A_2965[0] : i32 from vector<1xi32>
      %slice3A_2967 = vector.extract_strided_slice %mul3A_1541 {offsets = [15], sizes = [1], strides = [1]} : vector<16xi32> to vector<1xi32>
      %squeeze3A_2968 = vector.extract %slice3A_2967[0] : i32 from vector<1xi32>
      %get3A_2969 = arith.constant 15 : i32
      %get3A_2970 = arith.index_cast %get3A_2969 : i32 to index
      %get3A_2971 = arith.index_cast %squeeze3A_2964 : i32 to index
      %get3A_2972 = arith.constant 0 : index
      %get3A_2973 = tpu.vector_load %arg12[%get3A_2970, %get3A_2971, %get3A_2972] {strides = array<i32>} : memref<16x8x64xf32, #tpu.memory_space<vmem>>, vector<16xf32>,
      %get3A_2974 = arith.constant 15 : i32
      %get3A_2975 = arith.index_cast %get3A_2974 : i32 to index
      %get3A_2976 = arith.index_cast %squeeze3A_2966 : i32 to index
      %get3A_2977 = arith.constant 0 : index
      %get3A_2978 = tpu.vector_load %arg13[%get3A_2975, %get3A_2976, %get3A_2977] {strides = array<i32>} : memref<16x8x64xf32, #tpu.memory_space<vmem>>, vector<16xf32>,
      %add3A_2979 = arith.constant 0 : i32
      %add3A_2980 = arith.addi %squeeze3A_2968, %add3A_2979 : i32
      %get3A_2981 = arith.constant 15 : i32
      %get3A_2982 = arith.index_cast %get3A_2981 : i32 to index
      %get3A_2983 = arith.index_cast %add3A_2980 : i32 to index
      %get3A_2984 = tpu.vector_load %arg16[%get3A_2982, %get3A_2983] {strides = array<i32>} : memref<32x128xf32, #tpu.memory_space<vmem>>, vector<16xf32>,
      %add3A_2985 = arith.addf %get3A_2973, %get3A_2984 : vector<16xf32>
      %sub3A_2986 = arith.subf %add3A_2985, %get3A_2978 : vector<16xf32>
      %mul3A_2987 = arith.mulf %sub3A_2986, %sub3A_2986 : vector<16xf32>
      %add3A_2988 = arith.addf %broadcast_in_dim3A_3, %mul3A_2987 : vector<16xf32>
      %get3A_2989 = arith.constant 15 : i32
      %get3A_2990 = arith.index_cast %get3A_2989 : i32 to index
      %get3A_2991 = arith.index_cast %squeeze3A_2964 : i32 to index
      %get3A_2992 = arith.constant 16 : index
      %get3A_2993 = tpu.vector_load %arg12[%get3A_2990, %get3A_2991, %get3A_2992] {strides = array<i32>} : memref<16x8x64xf32, #tpu.memory_space<vmem>>, vector<16xf32>,
      %get3A_2994 = arith.constant 15 : i32
      %get3A_2995 = arith.index_cast %get3A_2994 : i32 to index
      %get3A_2996 = arith.index_cast %squeeze3A_2966 : i32 to index
      %get3A_2997 = arith.constant 16 : index
      %get3A_2998 = tpu.vector_load %arg13[%get3A_2995, %get3A_2996, %get3A_2997] {strides = array<i32>} : memref<16x8x64xf32, #tpu.memory_space<vmem>>, vector<16xf32>,
      %add3A_2999 = arith.constant 16 : i32
      %add3A_3000 = arith.addi %squeeze3A_2968, %add3A_2999 : i32
      %get3A_3001 = arith.constant 15 : i32
      %get3A_3002 = arith.index_cast %get3A_3001 : i32 to index
      %get3A_3003 = arith.index_cast %add3A_3000 : i32 to index
      %get3A_3004 = tpu.vector_load %arg16[%get3A_3002, %get3A_3003] {strides = array<i32>} : memref<32x128xf32, #tpu.memory_space<vmem>>, vector<16xf32>,
      %add3A_3005 = arith.addf %get3A_2993, %get3A_3004 : vector<16xf32>
      %sub3A_3006 = arith.subf %add3A_3005, %get3A_2998 : vector<16xf32>
      %mul3A_3007 = arith.mulf %sub3A_3006, %sub3A_3006 : vector<16xf32>
      %add3A_3008 = arith.addf %add3A_2988, %mul3A_3007 : vector<16xf32>
      %get3A_3009 = arith.constant 15 : i32
      %get3A_3010 = arith.index_cast %get3A_3009 : i32 to index
      %get3A_3011 = arith.index_cast %squeeze3A_2964 : i32 to index
      %get3A_3012 = arith.constant 32 : index
      %get3A_3013 = tpu.vector_load %arg12[%get3A_3010, %get3A_3011, %get3A_3012] {strides = array<i32>} : memref<16x8x64xf32, #tpu.memory_space<vmem>>, vector<16xf32>,
      %get3A_3014 = arith.constant 15 : i32
      %get3A_3015 = arith.index_cast %get3A_3014 : i32 to index
      %get3A_3016 = arith.index_cast %squeeze3A_2966 : i32 to index
      %get3A_3017 = arith.constant 32 : index
      %get3A_3018 = tpu.vector_load %arg13[%get3A_3015, %get3A_3016, %get3A_3017] {strides = array<i32>} : memref<16x8x64xf32, #tpu.memory_space<vmem>>, vector<16xf32>,
      %add3A_3019 = arith.constant 32 : i32
      %add3A_3020 = arith.addi %squeeze3A_2968, %add3A_3019 : i32
      %get3A_3021 = arith.constant 15 : i32
      %get3A_3022 = arith.index_cast %get3A_3021 : i32 to index
      %get3A_3023 = arith.index_cast %add3A_3020 : i32 to index
      %get3A_3024 = tpu.vector_load %arg16[%get3A_3022, %get3A_3023] {strides = array<i32>} : memref<32x128xf32, #tpu.memory_space<vmem>>, vector<16xf32>,
      %add3A_3025 = arith.addf %get3A_3013, %get3A_3024 : vector<16xf32>
      %sub3A_3026 = arith.subf %add3A_3025, %get3A_3018 : vector<16xf32>
      %mul3A_3027 = arith.mulf %sub3A_3026, %sub3A_3026 : vector<16xf32>
      %add3A_3028 = arith.addf %add3A_3008, %mul3A_3027 : vector<16xf32>
      %get3A_3029 = arith.constant 15 : i32
      %get3A_3030 = arith.index_cast %get3A_3029 : i32 to index
      %get3A_3031 = arith.index_cast %squeeze3A_2964 : i32 to index
      %get3A_3032 = arith.constant 48 : index
      %get3A_3033 = tpu.vector_load %arg12[%get3A_3030, %get3A_3031, %get3A_3032] {strides = array<i32>} : memref<16x8x64xf32, #tpu.memory_space<vmem>>, vector<16xf32>,
      %get3A_3034 = arith.constant 15 : i32
      %get3A_3035 = arith.index_cast %get3A_3034 : i32 to index
      %get3A_3036 = arith.index_cast %squeeze3A_2966 : i32 to index
      %get3A_3037 = arith.constant 48 : index
      %get3A_3038 = tpu.vector_load %arg13[%get3A_3035, %get3A_3036, %get3A_3037] {strides = array<i32>} : memref<16x8x64xf32, #tpu.memory_space<vmem>>, vector<16xf32>,
      %add3A_3039 = arith.constant 48 : i32
      %add3A_3040 = arith.addi %squeeze3A_2968, %add3A_3039 : i32
      %get3A_3041 = arith.constant 15 : i32
      %get3A_3042 = arith.index_cast %get3A_3041 : i32 to index
      %get3A_3043 = arith.index_cast %add3A_3040 : i32 to index
      %get3A_3044 = tpu.vector_load %arg16[%get3A_3042, %get3A_3043] {strides = array<i32>} : memref<32x128xf32, #tpu.memory_space<vmem>>, vector<16xf32>,
      %add3A_3045 = arith.addf %get3A_3033, %get3A_3044 : vector<16xf32>
      %sub3A_3046 = arith.subf %add3A_3045, %get3A_3038 : vector<16xf32>
      %mul3A_3047 = arith.mulf %sub3A_3046, %sub3A_3046 : vector<16xf32>
      %add3A_3048 = arith.addf %add3A_3028, %mul3A_3047 : vector<16xf32>
      %reduce_sum3A_3049 = arith.constant true
      %reduce_sum3A_3050 = vector.broadcast %reduce_sum3A_3049 : i1 to vector<16xi1>
      %reduce_sum3A_3051 = tpu.scan <sum>, %add3A_3048 masked %reduce_sum3A_3050 : vector<16xf32>, vector<16xi1> -> vector<16xf32>
      %reduce_sum3A_3052 = vector.extract %reduce_sum3A_3051[15] : f32 from vector<16xf32>
      %eq3A_3053 = arith.constant 15 : i32
      %eq3A_3054 = vector.broadcast %eq3A_3053 : i32 to vector<16xi32>
      %eq3A_3055 = arith.cmpi eq, %iota3A, %eq3A_3054 : vector<16xi32>
      %broadcast_in_dim3A_3056 = vector.broadcast %reduce_sum3A_3052 : f32 to vector<16xf32>
      %select_n3A_3057 = arith.select %eq3A_3055, %broadcast_in_dim3A_3056, %select_n3A_2962 : vector<16xi1>, vector<16xf32>
      %max3A = arith.constant 1.000000e-35 : f32
      %max3A_3058 = vector.broadcast %max3A : f32 to vector<16xf32>
      %max3A_3059 = arith.maximumf %select_n3A_3057, %max3A_3058 : vector<16xf32>
      %bitcast3A = vector.bitcast %max3A_3059 : vector<16xf32> to vector<16xi32>
      %shift_right_arithmetic3A_3060 = arith.constant 1 : i32
      %shift_right_arithmetic3A_3061 = vector.broadcast %shift_right_arithmetic3A_3060 : i32 to vector<16xi32>
      %shift_right_arithmetic3A_3062 = arith.shrsi %bitcast3A, %shift_right_arithmetic3A_3061 : vector<16xi32>
      %sub3A_3063 = arith.constant 1597463007 : i32
      %sub3A_3064 = vector.broadcast %sub3A_3063 : i32 to vector<16xi32>
      %sub3A_3065 = arith.subi %sub3A_3064, %shift_right_arithmetic3A_3062 : vector<16xi32>
      %bitcast3A_3066 = vector.bitcast %sub3A_3065 : vector<16xi32> to vector<16xf32>
      %mul3A_3067 = arith.constant 5.000000e-01 : f32
      %mul3A_3068 = vector.broadcast %mul3A_3067 : f32 to vector<16xf32>
      %mul3A_3069 = arith.mulf %mul3A_3068, %max3A_3059 : vector<16xf32>
      %mul3A_3070 = arith.mulf %mul3A_3069, %bitcast3A_3066 : vector<16xf32>
      %mul3A_3071 = arith.mulf %mul3A_3070, %bitcast3A_3066 : vector<16xf32>
      %sub3A_3072 = arith.constant 1.500000e+00 : f32
      %sub3A_3073 = vector.broadcast %sub3A_3072 : f32 to vector<16xf32>
      %sub3A_3074 = arith.subf %sub3A_3073, %mul3A_3071 : vector<16xf32>
      %mul3A_3075 = arith.mulf %bitcast3A_3066, %sub3A_3074 : vector<16xf32>
      %mul3A_3076 = arith.mulf %mul3A_3069, %mul3A_3075 : vector<16xf32>
      %mul3A_3077 = arith.mulf %mul3A_3076, %mul3A_3075 : vector<16xf32>
      %sub3A_3078 = arith.constant 1.500000e+00 : f32
      %sub3A_3079 = vector.broadcast %sub3A_3078 : f32 to vector<16xf32>
      %sub3A_3080 = arith.subf %sub3A_3079, %mul3A_3077 : vector<16xf32>
      %mul3A_3081 = arith.mulf %mul3A_3075, %sub3A_3080 : vector<16xf32>
      %mul3A_3082 = arith.mulf %mul3A_3069, %mul3A_3081 : vector<16xf32>
      %mul3A_3083 = arith.mulf %mul3A_3082, %mul3A_3081 : vector<16xf32>
      %sub3A_3084 = arith.constant 1.500000e+00 : f32
      %sub3A_3085 = vector.broadcast %sub3A_3084 : f32 to vector<16xf32>
      %sub3A_3086 = arith.subf %sub3A_3085, %mul3A_3083 : vector<16xf32>
      %mul3A_3087 = arith.mulf %mul3A_3081, %sub3A_3086 : vector<16xf32>
      %mul3A_3088 = arith.mulf %mul3A_3069, %mul3A_3087 : vector<16xf32>
      %mul3A_3089 = arith.mulf %mul3A_3088, %mul3A_3087 : vector<16xf32>
      %sub3A_3090 = arith.constant 1.500000e+00 : f32
      %sub3A_3091 = vector.broadcast %sub3A_3090 : f32 to vector<16xf32>
      %sub3A_3092 = arith.subf %sub3A_3091, %mul3A_3089 : vector<16xf32>
      %mul3A_3093 = arith.mulf %mul3A_3087, %sub3A_3092 : vector<16xf32>
      %mul3A_3094 = arith.mulf %select_n3A_3057, %mul3A_3093 : vector<16xf32>
      %swap3A_3095 = arith.index_cast %add3A_1524 : i32 to index
      %swap3A_3096 = tpu.vector_load %arg17[%swap3A_3095] {strides = array<i32>} : memref<512xf32, #tpu.memory_space<vmem>>, vector<16xf32>,
      tpu.vector_store %arg17[%swap3A_3095], %mul3A_3094 {strides = array<i32>} : memref<512xf32, #tpu.memory_space<vmem>>, vector<16xf32>,
      %mul3A_3097 = arith.constant 32 : i32
      %mul3A_3098 = arith.muli %scan3A_231, %mul3A_3097 : i32
      %add3A_3099 = arith.constant 16 : i32
      %add3A_3100 = arith.addi %mul3A_3098, %add3A_3099 : i32
      %get3A_3101 = arith.index_cast %add3A_3100 : i32 to index
      %get3A_3102 = tpu.vector_load %arg8[%get3A_3101] {strides = array<i32>} : memref<512xi32, #tpu.memory_space<vmem>>, vector<16xi32>,
      %get3A_3103 = arith.index_cast %add3A_3100 : i32 to index
      %get3A_3104 = tpu.vector_load %arg10[%get3A_3103] {strides = array<i32>} : memref<512xi32, #tpu.memory_space<vmem>>, vector<16xi32>,
      %get3A_3105 = arith.index_cast %add3A_3100 : i32 to index
      %get3A_3106 = tpu.vector_load %arg9[%get3A_3105] {strides = array<i32>} : memref<512xi32, #tpu.memory_space<vmem>>, vector<16xi32>,
      %and3A_3107 = arith.constant 7 : i32
      %and3A_3108 = vector.broadcast %and3A_3107 : i32 to vector<16xi32>
      %and3A_3109 = arith.andi %get3A_3102, %and3A_3108 : vector<16xi32>
      %and3A_3110 = arith.constant 7 : i32
      %and3A_3111 = vector.broadcast %and3A_3110 : i32 to vector<16xi32>
      %and3A_3112 = arith.andi %get3A_3104, %and3A_3111 : vector<16xi32>
      %and3A_3113 = arith.constant 1 : i32
      %and3A_3114 = vector.broadcast %and3A_3113 : i32 to vector<16xi32>
      %and3A_3115 = arith.andi %get3A_3106, %and3A_3114 : vector<16xi32>
      %mul3A_3116 = arith.constant 64 : i32
      %mul3A_3117 = vector.broadcast %mul3A_3116 : i32 to vector<16xi32>
      %mul3A_3118 = arith.muli %and3A_3115, %mul3A_3117 : vector<16xi32>
      %slice3A_3119 = vector.extract_strided_slice %and3A_3109 {offsets = [0], sizes = [1], strides = [1]} : vector<16xi32> to vector<1xi32>
      %squeeze3A_3120 = vector.extract %slice3A_3119[0] : i32 from vector<1xi32>
      %slice3A_3121 = vector.extract_strided_slice %and3A_3112 {offsets = [0], sizes = [1], strides = [1]} : vector<16xi32> to vector<1xi32>
      %squeeze3A_3122 = vector.extract %slice3A_3121[0] : i32 from vector<1xi32>
      %slice3A_3123 = vector.extract_strided_slice %mul3A_3118 {offsets = [0], sizes = [1], strides = [1]} : vector<16xi32> to vector<1xi32>
      %squeeze3A_3124 = vector.extract %slice3A_3123[0] : i32 from vector<1xi32>
      %get3A_3125 = arith.constant 0 : i32
      %get3A_3126 = arith.index_cast %get3A_3125 : i32 to index
      %get3A_3127 = arith.index_cast %squeeze3A_3120 : i32 to index
      %get3A_3128 = arith.constant 0 : index
      %get3A_3129 = tpu.vector_load %arg14[%get3A_3126, %get3A_3127, %get3A_3128] {strides = array<i32>} : memref<16x8x64xf32, #tpu.memory_space<vmem>>, vector<16xf32>,
      %get3A_3130 = arith.constant 0 : i32
      %get3A_3131 = arith.index_cast %get3A_3130 : i32 to index
      %get3A_3132 = arith.index_cast %squeeze3A_3122 : i32 to index
      %get3A_3133 = arith.constant 0 : index
      %get3A_3134 = tpu.vector_load %arg15[%get3A_3131, %get3A_3132, %get3A_3133] {strides = array<i32>} : memref<16x8x64xf32, #tpu.memory_space<vmem>>, vector<16xf32>,
      %add3A_3135 = arith.constant 0 : i32
      %add3A_3136 = arith.addi %squeeze3A_3124, %add3A_3135 : i32
      %get3A_3137 = arith.constant 16 : i32
      %get3A_3138 = arith.index_cast %get3A_3137 : i32 to index
      %get3A_3139 = arith.index_cast %add3A_3136 : i32 to index
      %get3A_3140 = tpu.vector_load %arg16[%get3A_3138, %get3A_3139] {strides = array<i32>} : memref<32x128xf32, #tpu.memory_space<vmem>>, vector<16xf32>,
      %add3A_3141 = arith.addf %get3A_3129, %get3A_3140 : vector<16xf32>
      %sub3A_3142 = arith.subf %add3A_3141, %get3A_3134 : vector<16xf32>
      %mul3A_3143 = arith.mulf %sub3A_3142, %sub3A_3142 : vector<16xf32>
      %add3A_3144 = arith.addf %broadcast_in_dim3A_3, %mul3A_3143 : vector<16xf32>
      %get3A_3145 = arith.constant 0 : i32
      %get3A_3146 = arith.index_cast %get3A_3145 : i32 to index
      %get3A_3147 = arith.index_cast %squeeze3A_3120 : i32 to index
      %get3A_3148 = arith.constant 16 : index
      %get3A_3149 = tpu.vector_load %arg14[%get3A_3146, %get3A_3147, %get3A_3148] {strides = array<i32>} : memref<16x8x64xf32, #tpu.memory_space<vmem>>, vector<16xf32>,
      %get3A_3150 = arith.constant 0 : i32
      %get3A_3151 = arith.index_cast %get3A_3150 : i32 to index
      %get3A_3152 = arith.index_cast %squeeze3A_3122 : i32 to index
      %get3A_3153 = arith.constant 16 : index
      %get3A_3154 = tpu.vector_load %arg15[%get3A_3151, %get3A_3152, %get3A_3153] {strides = array<i32>} : memref<16x8x64xf32, #tpu.memory_space<vmem>>, vector<16xf32>,
      %add3A_3155 = arith.constant 16 : i32
      %add3A_3156 = arith.addi %squeeze3A_3124, %add3A_3155 : i32
      %get3A_3157 = arith.constant 16 : i32
      %get3A_3158 = arith.index_cast %get3A_3157 : i32 to index
      %get3A_3159 = arith.index_cast %add3A_3156 : i32 to index
      %get3A_3160 = tpu.vector_load %arg16[%get3A_3158, %get3A_3159] {strides = array<i32>} : memref<32x128xf32, #tpu.memory_space<vmem>>, vector<16xf32>,
      %add3A_3161 = arith.addf %get3A_3149, %get3A_3160 : vector<16xf32>
      %sub3A_3162 = arith.subf %add3A_3161, %get3A_3154 : vector<16xf32>
      %mul3A_3163 = arith.mulf %sub3A_3162, %sub3A_3162 : vector<16xf32>
      %add3A_3164 = arith.addf %add3A_3144, %mul3A_3163 : vector<16xf32>
      %get3A_3165 = arith.constant 0 : i32
      %get3A_3166 = arith.index_cast %get3A_3165 : i32 to index
      %get3A_3167 = arith.index_cast %squeeze3A_3120 : i32 to index
      %get3A_3168 = arith.constant 32 : index
      %get3A_3169 = tpu.vector_load %arg14[%get3A_3166, %get3A_3167, %get3A_3168] {strides = array<i32>} : memref<16x8x64xf32, #tpu.memory_space<vmem>>, vector<16xf32>,
      %get3A_3170 = arith.constant 0 : i32
      %get3A_3171 = arith.index_cast %get3A_3170 : i32 to index
      %get3A_3172 = arith.index_cast %squeeze3A_3122 : i32 to index
      %get3A_3173 = arith.constant 32 : index
      %get3A_3174 = tpu.vector_load %arg15[%get3A_3171, %get3A_3172, %get3A_3173] {strides = array<i32>} : memref<16x8x64xf32, #tpu.memory_space<vmem>>, vector<16xf32>,
      %add3A_3175 = arith.constant 32 : i32
      %add3A_3176 = arith.addi %squeeze3A_3124, %add3A_3175 : i32
      %get3A_3177 = arith.constant 16 : i32
      %get3A_3178 = arith.index_cast %get3A_3177 : i32 to index
      %get3A_3179 = arith.index_cast %add3A_3176 : i32 to index
      %get3A_3180 = tpu.vector_load %arg16[%get3A_3178, %get3A_3179] {strides = array<i32>} : memref<32x128xf32, #tpu.memory_space<vmem>>, vector<16xf32>,
      %add3A_3181 = arith.addf %get3A_3169, %get3A_3180 : vector<16xf32>
      %sub3A_3182 = arith.subf %add3A_3181, %get3A_3174 : vector<16xf32>
      %mul3A_3183 = arith.mulf %sub3A_3182, %sub3A_3182 : vector<16xf32>
      %add3A_3184 = arith.addf %add3A_3164, %mul3A_3183 : vector<16xf32>
      %get3A_3185 = arith.constant 0 : i32
      %get3A_3186 = arith.index_cast %get3A_3185 : i32 to index
      %get3A_3187 = arith.index_cast %squeeze3A_3120 : i32 to index
      %get3A_3188 = arith.constant 48 : index
      %get3A_3189 = tpu.vector_load %arg14[%get3A_3186, %get3A_3187, %get3A_3188] {strides = array<i32>} : memref<16x8x64xf32, #tpu.memory_space<vmem>>, vector<16xf32>,
      %get3A_3190 = arith.constant 0 : i32
      %get3A_3191 = arith.index_cast %get3A_3190 : i32 to index
      %get3A_3192 = arith.index_cast %squeeze3A_3122 : i32 to index
      %get3A_3193 = arith.constant 48 : index
      %get3A_3194 = tpu.vector_load %arg15[%get3A_3191, %get3A_3192, %get3A_3193] {strides = array<i32>} : memref<16x8x64xf32, #tpu.memory_space<vmem>>, vector<16xf32>,
      %add3A_3195 = arith.constant 48 : i32
      %add3A_3196 = arith.addi %squeeze3A_3124, %add3A_3195 : i32
      %get3A_3197 = arith.constant 16 : i32
      %get3A_3198 = arith.index_cast %get3A_3197 : i32 to index
      %get3A_3199 = arith.index_cast %add3A_3196 : i32 to index
      %get3A_3200 = tpu.vector_load %arg16[%get3A_3198, %get3A_3199] {strides = array<i32>} : memref<32x128xf32, #tpu.memory_space<vmem>>, vector<16xf32>,
      %add3A_3201 = arith.addf %get3A_3189, %get3A_3200 : vector<16xf32>
      %sub3A_3202 = arith.subf %add3A_3201, %get3A_3194 : vector<16xf32>
      %mul3A_3203 = arith.mulf %sub3A_3202, %sub3A_3202 : vector<16xf32>
      %add3A_3204 = arith.addf %add3A_3184, %mul3A_3203 : vector<16xf32>
      %reduce_sum3A_3205 = arith.constant true
      %reduce_sum3A_3206 = vector.broadcast %reduce_sum3A_3205 : i1 to vector<16xi1>
      %reduce_sum3A_3207 = tpu.scan <sum>, %add3A_3204 masked %reduce_sum3A_3206 : vector<16xf32>, vector<16xi1> -> vector<16xf32>
      %reduce_sum3A_3208 = vector.extract %reduce_sum3A_3207[15] : f32 from vector<16xf32>
      %eq3A_3209 = arith.constant 0 : i32
      %eq3A_3210 = vector.broadcast %eq3A_3209 : i32 to vector<16xi32>
      %eq3A_3211 = arith.cmpi eq, %iota3A, %eq3A_3210 : vector<16xi32>
      %broadcast_in_dim3A_3212 = vector.broadcast %reduce_sum3A_3208 : f32 to vector<16xf32>
      %select_n3A_3213 = arith.select %eq3A_3211, %broadcast_in_dim3A_3212, %broadcast_in_dim3A_3 : vector<16xi1>, vector<16xf32>
      %slice3A_3214 = vector.extract_strided_slice %and3A_3109 {offsets = [1], sizes = [1], strides = [1]} : vector<16xi32> to vector<1xi32>
      %squeeze3A_3215 = vector.extract %slice3A_3214[0] : i32 from vector<1xi32>
      %slice3A_3216 = vector.extract_strided_slice %and3A_3112 {offsets = [1], sizes = [1], strides = [1]} : vector<16xi32> to vector<1xi32>
      %squeeze3A_3217 = vector.extract %slice3A_3216[0] : i32 from vector<1xi32>
      %slice3A_3218 = vector.extract_strided_slice %mul3A_3118 {offsets = [1], sizes = [1], strides = [1]} : vector<16xi32> to vector<1xi32>
      %squeeze3A_3219 = vector.extract %slice3A_3218[0] : i32 from vector<1xi32>
      %get3A_3220 = arith.constant 1 : i32
      %get3A_3221 = arith.index_cast %get3A_3220 : i32 to index
      %get3A_3222 = arith.index_cast %squeeze3A_3215 : i32 to index
      %get3A_3223 = arith.constant 0 : index
      %get3A_3224 = tpu.vector_load %arg14[%get3A_3221, %get3A_3222, %get3A_3223] {strides = array<i32>} : memref<16x8x64xf32, #tpu.memory_space<vmem>>, vector<16xf32>,
      %get3A_3225 = arith.constant 1 : i32
      %get3A_3226 = arith.index_cast %get3A_3225 : i32 to index
      %get3A_3227 = arith.index_cast %squeeze3A_3217 : i32 to index
      %get3A_3228 = arith.constant 0 : index
      %get3A_3229 = tpu.vector_load %arg15[%get3A_3226, %get3A_3227, %get3A_3228] {strides = array<i32>} : memref<16x8x64xf32, #tpu.memory_space<vmem>>, vector<16xf32>,
      %add3A_3230 = arith.constant 0 : i32
      %add3A_3231 = arith.addi %squeeze3A_3219, %add3A_3230 : i32
      %get3A_3232 = arith.constant 17 : i32
      %get3A_3233 = arith.index_cast %get3A_3232 : i32 to index
      %get3A_3234 = arith.index_cast %add3A_3231 : i32 to index
      %get3A_3235 = tpu.vector_load %arg16[%get3A_3233, %get3A_3234] {strides = array<i32>} : memref<32x128xf32, #tpu.memory_space<vmem>>, vector<16xf32>,
      %add3A_3236 = arith.addf %get3A_3224, %get3A_3235 : vector<16xf32>
      %sub3A_3237 = arith.subf %add3A_3236, %get3A_3229 : vector<16xf32>
      %mul3A_3238 = arith.mulf %sub3A_3237, %sub3A_3237 : vector<16xf32>
      %add3A_3239 = arith.addf %broadcast_in_dim3A_3, %mul3A_3238 : vector<16xf32>
      %get3A_3240 = arith.constant 1 : i32
      %get3A_3241 = arith.index_cast %get3A_3240 : i32 to index
      %get3A_3242 = arith.index_cast %squeeze3A_3215 : i32 to index
      %get3A_3243 = arith.constant 16 : index
      %get3A_3244 = tpu.vector_load %arg14[%get3A_3241, %get3A_3242, %get3A_3243] {strides = array<i32>} : memref<16x8x64xf32, #tpu.memory_space<vmem>>, vector<16xf32>,
      %get3A_3245 = arith.constant 1 : i32
      %get3A_3246 = arith.index_cast %get3A_3245 : i32 to index
      %get3A_3247 = arith.index_cast %squeeze3A_3217 : i32 to index
      %get3A_3248 = arith.constant 16 : index
      %get3A_3249 = tpu.vector_load %arg15[%get3A_3246, %get3A_3247, %get3A_3248] {strides = array<i32>} : memref<16x8x64xf32, #tpu.memory_space<vmem>>, vector<16xf32>,
      %add3A_3250 = arith.constant 16 : i32
      %add3A_3251 = arith.addi %squeeze3A_3219, %add3A_3250 : i32
      %get3A_3252 = arith.constant 17 : i32
      %get3A_3253 = arith.index_cast %get3A_3252 : i32 to index
      %get3A_3254 = arith.index_cast %add3A_3251 : i32 to index
      %get3A_3255 = tpu.vector_load %arg16[%get3A_3253, %get3A_3254] {strides = array<i32>} : memref<32x128xf32, #tpu.memory_space<vmem>>, vector<16xf32>,
      %add3A_3256 = arith.addf %get3A_3244, %get3A_3255 : vector<16xf32>
      %sub3A_3257 = arith.subf %add3A_3256, %get3A_3249 : vector<16xf32>
      %mul3A_3258 = arith.mulf %sub3A_3257, %sub3A_3257 : vector<16xf32>
      %add3A_3259 = arith.addf %add3A_3239, %mul3A_3258 : vector<16xf32>
      %get3A_3260 = arith.constant 1 : i32
      %get3A_3261 = arith.index_cast %get3A_3260 : i32 to index
      %get3A_3262 = arith.index_cast %squeeze3A_3215 : i32 to index
      %get3A_3263 = arith.constant 32 : index
      %get3A_3264 = tpu.vector_load %arg14[%get3A_3261, %get3A_3262, %get3A_3263] {strides = array<i32>} : memref<16x8x64xf32, #tpu.memory_space<vmem>>, vector<16xf32>,
      %get3A_3265 = arith.constant 1 : i32
      %get3A_3266 = arith.index_cast %get3A_3265 : i32 to index
      %get3A_3267 = arith.index_cast %squeeze3A_3217 : i32 to index
      %get3A_3268 = arith.constant 32 : index
      %get3A_3269 = tpu.vector_load %arg15[%get3A_3266, %get3A_3267, %get3A_3268] {strides = array<i32>} : memref<16x8x64xf32, #tpu.memory_space<vmem>>, vector<16xf32>,
      %add3A_3270 = arith.constant 32 : i32
      %add3A_3271 = arith.addi %squeeze3A_3219, %add3A_3270 : i32
      %get3A_3272 = arith.constant 17 : i32
      %get3A_3273 = arith.index_cast %get3A_3272 : i32 to index
      %get3A_3274 = arith.index_cast %add3A_3271 : i32 to index
      %get3A_3275 = tpu.vector_load %arg16[%get3A_3273, %get3A_3274] {strides = array<i32>} : memref<32x128xf32, #tpu.memory_space<vmem>>, vector<16xf32>,
      %add3A_3276 = arith.addf %get3A_3264, %get3A_3275 : vector<16xf32>
      %sub3A_3277 = arith.subf %add3A_3276, %get3A_3269 : vector<16xf32>
      %mul3A_3278 = arith.mulf %sub3A_3277, %sub3A_3277 : vector<16xf32>
      %add3A_3279 = arith.addf %add3A_3259, %mul3A_3278 : vector<16xf32>
      %get3A_3280 = arith.constant 1 : i32
      %get3A_3281 = arith.index_cast %get3A_3280 : i32 to index
      %get3A_3282 = arith.index_cast %squeeze3A_3215 : i32 to index
      %get3A_3283 = arith.constant 48 : index
      %get3A_3284 = tpu.vector_load %arg14[%get3A_3281, %get3A_3282, %get3A_3283] {strides = array<i32>} : memref<16x8x64xf32, #tpu.memory_space<vmem>>, vector<16xf32>,
      %get3A_3285 = arith.constant 1 : i32
      %get3A_3286 = arith.index_cast %get3A_3285 : i32 to index
      %get3A_3287 = arith.index_cast %squeeze3A_3217 : i32 to index
      %get3A_3288 = arith.constant 48 : index
      %get3A_3289 = tpu.vector_load %arg15[%get3A_3286, %get3A_3287, %get3A_3288] {strides = array<i32>} : memref<16x8x64xf32, #tpu.memory_space<vmem>>, vector<16xf32>,
      %add3A_3290 = arith.constant 48 : i32
      %add3A_3291 = arith.addi %squeeze3A_3219, %add3A_3290 : i32
      %get3A_3292 = arith.constant 17 : i32
      %get3A_3293 = arith.index_cast %get3A_3292 : i32 to index
      %get3A_3294 = arith.index_cast %add3A_3291 : i32 to index
      %get3A_3295 = tpu.vector_load %arg16[%get3A_3293, %get3A_3294] {strides = array<i32>} : memref<32x128xf32, #tpu.memory_space<vmem>>, vector<16xf32>,
      %add3A_3296 = arith.addf %get3A_3284, %get3A_3295 : vector<16xf32>
      %sub3A_3297 = arith.subf %add3A_3296, %get3A_3289 : vector<16xf32>
      %mul3A_3298 = arith.mulf %sub3A_3297, %sub3A_3297 : vector<16xf32>
      %add3A_3299 = arith.addf %add3A_3279, %mul3A_3298 : vector<16xf32>
      %reduce_sum3A_3300 = arith.constant true
      %reduce_sum3A_3301 = vector.broadcast %reduce_sum3A_3300 : i1 to vector<16xi1>
      %reduce_sum3A_3302 = tpu.scan <sum>, %add3A_3299 masked %reduce_sum3A_3301 : vector<16xf32>, vector<16xi1> -> vector<16xf32>
      %reduce_sum3A_3303 = vector.extract %reduce_sum3A_3302[15] : f32 from vector<16xf32>
      %eq3A_3304 = arith.constant 1 : i32
      %eq3A_3305 = vector.broadcast %eq3A_3304 : i32 to vector<16xi32>
      %eq3A_3306 = arith.cmpi eq, %iota3A, %eq3A_3305 : vector<16xi32>
      %broadcast_in_dim3A_3307 = vector.broadcast %reduce_sum3A_3303 : f32 to vector<16xf32>
      %select_n3A_3308 = arith.select %eq3A_3306, %broadcast_in_dim3A_3307, %select_n3A_3213 : vector<16xi1>, vector<16xf32>
      %slice3A_3309 = vector.extract_strided_slice %and3A_3109 {offsets = [2], sizes = [1], strides = [1]} : vector<16xi32> to vector<1xi32>
      %squeeze3A_3310 = vector.extract %slice3A_3309[0] : i32 from vector<1xi32>
      %slice3A_3311 = vector.extract_strided_slice %and3A_3112 {offsets = [2], sizes = [1], strides = [1]} : vector<16xi32> to vector<1xi32>
      %squeeze3A_3312 = vector.extract %slice3A_3311[0] : i32 from vector<1xi32>
      %slice3A_3313 = vector.extract_strided_slice %mul3A_3118 {offsets = [2], sizes = [1], strides = [1]} : vector<16xi32> to vector<1xi32>
      %squeeze3A_3314 = vector.extract %slice3A_3313[0] : i32 from vector<1xi32>
      %get3A_3315 = arith.constant 2 : i32
      %get3A_3316 = arith.index_cast %get3A_3315 : i32 to index
      %get3A_3317 = arith.index_cast %squeeze3A_3310 : i32 to index
      %get3A_3318 = arith.constant 0 : index
      %get3A_3319 = tpu.vector_load %arg14[%get3A_3316, %get3A_3317, %get3A_3318] {strides = array<i32>} : memref<16x8x64xf32, #tpu.memory_space<vmem>>, vector<16xf32>,
      %get3A_3320 = arith.constant 2 : i32
      %get3A_3321 = arith.index_cast %get3A_3320 : i32 to index
      %get3A_3322 = arith.index_cast %squeeze3A_3312 : i32 to index
      %get3A_3323 = arith.constant 0 : index
      %get3A_3324 = tpu.vector_load %arg15[%get3A_3321, %get3A_3322, %get3A_3323] {strides = array<i32>} : memref<16x8x64xf32, #tpu.memory_space<vmem>>, vector<16xf32>,
      %add3A_3325 = arith.constant 0 : i32
      %add3A_3326 = arith.addi %squeeze3A_3314, %add3A_3325 : i32
      %get3A_3327 = arith.constant 18 : i32
      %get3A_3328 = arith.index_cast %get3A_3327 : i32 to index
      %get3A_3329 = arith.index_cast %add3A_3326 : i32 to index
      %get3A_3330 = tpu.vector_load %arg16[%get3A_3328, %get3A_3329] {strides = array<i32>} : memref<32x128xf32, #tpu.memory_space<vmem>>, vector<16xf32>,
      %add3A_3331 = arith.addf %get3A_3319, %get3A_3330 : vector<16xf32>
      %sub3A_3332 = arith.subf %add3A_3331, %get3A_3324 : vector<16xf32>
      %mul3A_3333 = arith.mulf %sub3A_3332, %sub3A_3332 : vector<16xf32>
      %add3A_3334 = arith.addf %broadcast_in_dim3A_3, %mul3A_3333 : vector<16xf32>
      %get3A_3335 = arith.constant 2 : i32
      %get3A_3336 = arith.index_cast %get3A_3335 : i32 to index
      %get3A_3337 = arith.index_cast %squeeze3A_3310 : i32 to index
      %get3A_3338 = arith.constant 16 : index
      %get3A_3339 = tpu.vector_load %arg14[%get3A_3336, %get3A_3337, %get3A_3338] {strides = array<i32>} : memref<16x8x64xf32, #tpu.memory_space<vmem>>, vector<16xf32>,
      %get3A_3340 = arith.constant 2 : i32
      %get3A_3341 = arith.index_cast %get3A_3340 : i32 to index
      %get3A_3342 = arith.index_cast %squeeze3A_3312 : i32 to index
      %get3A_3343 = arith.constant 16 : index
      %get3A_3344 = tpu.vector_load %arg15[%get3A_3341, %get3A_3342, %get3A_3343] {strides = array<i32>} : memref<16x8x64xf32, #tpu.memory_space<vmem>>, vector<16xf32>,
      %add3A_3345 = arith.constant 16 : i32
      %add3A_3346 = arith.addi %squeeze3A_3314, %add3A_3345 : i32
      %get3A_3347 = arith.constant 18 : i32
      %get3A_3348 = arith.index_cast %get3A_3347 : i32 to index
      %get3A_3349 = arith.index_cast %add3A_3346 : i32 to index
      %get3A_3350 = tpu.vector_load %arg16[%get3A_3348, %get3A_3349] {strides = array<i32>} : memref<32x128xf32, #tpu.memory_space<vmem>>, vector<16xf32>,
      %add3A_3351 = arith.addf %get3A_3339, %get3A_3350 : vector<16xf32>
      %sub3A_3352 = arith.subf %add3A_3351, %get3A_3344 : vector<16xf32>
      %mul3A_3353 = arith.mulf %sub3A_3352, %sub3A_3352 : vector<16xf32>
      %add3A_3354 = arith.addf %add3A_3334, %mul3A_3353 : vector<16xf32>
      %get3A_3355 = arith.constant 2 : i32
      %get3A_3356 = arith.index_cast %get3A_3355 : i32 to index
      %get3A_3357 = arith.index_cast %squeeze3A_3310 : i32 to index
      %get3A_3358 = arith.constant 32 : index
      %get3A_3359 = tpu.vector_load %arg14[%get3A_3356, %get3A_3357, %get3A_3358] {strides = array<i32>} : memref<16x8x64xf32, #tpu.memory_space<vmem>>, vector<16xf32>,
      %get3A_3360 = arith.constant 2 : i32
      %get3A_3361 = arith.index_cast %get3A_3360 : i32 to index
      %get3A_3362 = arith.index_cast %squeeze3A_3312 : i32 to index
      %get3A_3363 = arith.constant 32 : index
      %get3A_3364 = tpu.vector_load %arg15[%get3A_3361, %get3A_3362, %get3A_3363] {strides = array<i32>} : memref<16x8x64xf32, #tpu.memory_space<vmem>>, vector<16xf32>,
      %add3A_3365 = arith.constant 32 : i32
      %add3A_3366 = arith.addi %squeeze3A_3314, %add3A_3365 : i32
      %get3A_3367 = arith.constant 18 : i32
      %get3A_3368 = arith.index_cast %get3A_3367 : i32 to index
      %get3A_3369 = arith.index_cast %add3A_3366 : i32 to index
      %get3A_3370 = tpu.vector_load %arg16[%get3A_3368, %get3A_3369] {strides = array<i32>} : memref<32x128xf32, #tpu.memory_space<vmem>>, vector<16xf32>,
      %add3A_3371 = arith.addf %get3A_3359, %get3A_3370 : vector<16xf32>
      %sub3A_3372 = arith.subf %add3A_3371, %get3A_3364 : vector<16xf32>
      %mul3A_3373 = arith.mulf %sub3A_3372, %sub3A_3372 : vector<16xf32>
      %add3A_3374 = arith.addf %add3A_3354, %mul3A_3373 : vector<16xf32>
      %get3A_3375 = arith.constant 2 : i32
      %get3A_3376 = arith.index_cast %get3A_3375 : i32 to index
      %get3A_3377 = arith.index_cast %squeeze3A_3310 : i32 to index
      %get3A_3378 = arith.constant 48 : index
      %get3A_3379 = tpu.vector_load %arg14[%get3A_3376, %get3A_3377, %get3A_3378] {strides = array<i32>} : memref<16x8x64xf32, #tpu.memory_space<vmem>>, vector<16xf32>,
      %get3A_3380 = arith.constant 2 : i32
      %get3A_3381 = arith.index_cast %get3A_3380 : i32 to index
      %get3A_3382 = arith.index_cast %squeeze3A_3312 : i32 to index
      %get3A_3383 = arith.constant 48 : index
      %get3A_3384 = tpu.vector_load %arg15[%get3A_3381, %get3A_3382, %get3A_3383] {strides = array<i32>} : memref<16x8x64xf32, #tpu.memory_space<vmem>>, vector<16xf32>,
      %add3A_3385 = arith.constant 48 : i32
      %add3A_3386 = arith.addi %squeeze3A_3314, %add3A_3385 : i32
      %get3A_3387 = arith.constant 18 : i32
      %get3A_3388 = arith.index_cast %get3A_3387 : i32 to index
      %get3A_3389 = arith.index_cast %add3A_3386 : i32 to index
      %get3A_3390 = tpu.vector_load %arg16[%get3A_3388, %get3A_3389] {strides = array<i32>} : memref<32x128xf32, #tpu.memory_space<vmem>>, vector<16xf32>,
      %add3A_3391 = arith.addf %get3A_3379, %get3A_3390 : vector<16xf32>
      %sub3A_3392 = arith.subf %add3A_3391, %get3A_3384 : vector<16xf32>
      %mul3A_3393 = arith.mulf %sub3A_3392, %sub3A_3392 : vector<16xf32>
      %add3A_3394 = arith.addf %add3A_3374, %mul3A_3393 : vector<16xf32>
      %reduce_sum3A_3395 = arith.constant true
      %reduce_sum3A_3396 = vector.broadcast %reduce_sum3A_3395 : i1 to vector<16xi1>
      %reduce_sum3A_3397 = tpu.scan <sum>, %add3A_3394 masked %reduce_sum3A_3396 : vector<16xf32>, vector<16xi1> -> vector<16xf32>
      %reduce_sum3A_3398 = vector.extract %reduce_sum3A_3397[15] : f32 from vector<16xf32>
      %eq3A_3399 = arith.constant 2 : i32
      %eq3A_3400 = vector.broadcast %eq3A_3399 : i32 to vector<16xi32>
      %eq3A_3401 = arith.cmpi eq, %iota3A, %eq3A_3400 : vector<16xi32>
      %broadcast_in_dim3A_3402 = vector.broadcast %reduce_sum3A_3398 : f32 to vector<16xf32>
      %select_n3A_3403 = arith.select %eq3A_3401, %broadcast_in_dim3A_3402, %select_n3A_3308 : vector<16xi1>, vector<16xf32>
      %slice3A_3404 = vector.extract_strided_slice %and3A_3109 {offsets = [3], sizes = [1], strides = [1]} : vector<16xi32> to vector<1xi32>
      %squeeze3A_3405 = vector.extract %slice3A_3404[0] : i32 from vector<1xi32>
      %slice3A_3406 = vector.extract_strided_slice %and3A_3112 {offsets = [3], sizes = [1], strides = [1]} : vector<16xi32> to vector<1xi32>
      %squeeze3A_3407 = vector.extract %slice3A_3406[0] : i32 from vector<1xi32>
      %slice3A_3408 = vector.extract_strided_slice %mul3A_3118 {offsets = [3], sizes = [1], strides = [1]} : vector<16xi32> to vector<1xi32>
      %squeeze3A_3409 = vector.extract %slice3A_3408[0] : i32 from vector<1xi32>
      %get3A_3410 = arith.constant 3 : i32
      %get3A_3411 = arith.index_cast %get3A_3410 : i32 to index
      %get3A_3412 = arith.index_cast %squeeze3A_3405 : i32 to index
      %get3A_3413 = arith.constant 0 : index
      %get3A_3414 = tpu.vector_load %arg14[%get3A_3411, %get3A_3412, %get3A_3413] {strides = array<i32>} : memref<16x8x64xf32, #tpu.memory_space<vmem>>, vector<16xf32>,
      %get3A_3415 = arith.constant 3 : i32
      %get3A_3416 = arith.index_cast %get3A_3415 : i32 to index
      %get3A_3417 = arith.index_cast %squeeze3A_3407 : i32 to index
      %get3A_3418 = arith.constant 0 : index
      %get3A_3419 = tpu.vector_load %arg15[%get3A_3416, %get3A_3417, %get3A_3418] {strides = array<i32>} : memref<16x8x64xf32, #tpu.memory_space<vmem>>, vector<16xf32>,
      %add3A_3420 = arith.constant 0 : i32
      %add3A_3421 = arith.addi %squeeze3A_3409, %add3A_3420 : i32
      %get3A_3422 = arith.constant 19 : i32
      %get3A_3423 = arith.index_cast %get3A_3422 : i32 to index
      %get3A_3424 = arith.index_cast %add3A_3421 : i32 to index
      %get3A_3425 = tpu.vector_load %arg16[%get3A_3423, %get3A_3424] {strides = array<i32>} : memref<32x128xf32, #tpu.memory_space<vmem>>, vector<16xf32>,
      %add3A_3426 = arith.addf %get3A_3414, %get3A_3425 : vector<16xf32>
      %sub3A_3427 = arith.subf %add3A_3426, %get3A_3419 : vector<16xf32>
      %mul3A_3428 = arith.mulf %sub3A_3427, %sub3A_3427 : vector<16xf32>
      %add3A_3429 = arith.addf %broadcast_in_dim3A_3, %mul3A_3428 : vector<16xf32>
      %get3A_3430 = arith.constant 3 : i32
      %get3A_3431 = arith.index_cast %get3A_3430 : i32 to index
      %get3A_3432 = arith.index_cast %squeeze3A_3405 : i32 to index
      %get3A_3433 = arith.constant 16 : index
      %get3A_3434 = tpu.vector_load %arg14[%get3A_3431, %get3A_3432, %get3A_3433] {strides = array<i32>} : memref<16x8x64xf32, #tpu.memory_space<vmem>>, vector<16xf32>,
      %get3A_3435 = arith.constant 3 : i32
      %get3A_3436 = arith.index_cast %get3A_3435 : i32 to index
      %get3A_3437 = arith.index_cast %squeeze3A_3407 : i32 to index
      %get3A_3438 = arith.constant 16 : index
      %get3A_3439 = tpu.vector_load %arg15[%get3A_3436, %get3A_3437, %get3A_3438] {strides = array<i32>} : memref<16x8x64xf32, #tpu.memory_space<vmem>>, vector<16xf32>,
      %add3A_3440 = arith.constant 16 : i32
      %add3A_3441 = arith.addi %squeeze3A_3409, %add3A_3440 : i32
      %get3A_3442 = arith.constant 19 : i32
      %get3A_3443 = arith.index_cast %get3A_3442 : i32 to index
      %get3A_3444 = arith.index_cast %add3A_3441 : i32 to index
      %get3A_3445 = tpu.vector_load %arg16[%get3A_3443, %get3A_3444] {strides = array<i32>} : memref<32x128xf32, #tpu.memory_space<vmem>>, vector<16xf32>,
      %add3A_3446 = arith.addf %get3A_3434, %get3A_3445 : vector<16xf32>
      %sub3A_3447 = arith.subf %add3A_3446, %get3A_3439 : vector<16xf32>
      %mul3A_3448 = arith.mulf %sub3A_3447, %sub3A_3447 : vector<16xf32>
      %add3A_3449 = arith.addf %add3A_3429, %mul3A_3448 : vector<16xf32>
      %get3A_3450 = arith.constant 3 : i32
      %get3A_3451 = arith.index_cast %get3A_3450 : i32 to index
      %get3A_3452 = arith.index_cast %squeeze3A_3405 : i32 to index
      %get3A_3453 = arith.constant 32 : index
      %get3A_3454 = tpu.vector_load %arg14[%get3A_3451, %get3A_3452, %get3A_3453] {strides = array<i32>} : memref<16x8x64xf32, #tpu.memory_space<vmem>>, vector<16xf32>,
      %get3A_3455 = arith.constant 3 : i32
      %get3A_3456 = arith.index_cast %get3A_3455 : i32 to index
      %get3A_3457 = arith.index_cast %squeeze3A_3407 : i32 to index
      %get3A_3458 = arith.constant 32 : index
      %get3A_3459 = tpu.vector_load %arg15[%get3A_3456, %get3A_3457, %get3A_3458] {strides = array<i32>} : memref<16x8x64xf32, #tpu.memory_space<vmem>>, vector<16xf32>,
      %add3A_3460 = arith.constant 32 : i32
      %add3A_3461 = arith.addi %squeeze3A_3409, %add3A_3460 : i32
      %get3A_3462 = arith.constant 19 : i32
      %get3A_3463 = arith.index_cast %get3A_3462 : i32 to index
      %get3A_3464 = arith.index_cast %add3A_3461 : i32 to index
      %get3A_3465 = tpu.vector_load %arg16[%get3A_3463, %get3A_3464] {strides = array<i32>} : memref<32x128xf32, #tpu.memory_space<vmem>>, vector<16xf32>,
      %add3A_3466 = arith.addf %get3A_3454, %get3A_3465 : vector<16xf32>
      %sub3A_3467 = arith.subf %add3A_3466, %get3A_3459 : vector<16xf32>
      %mul3A_3468 = arith.mulf %sub3A_3467, %sub3A_3467 : vector<16xf32>
      %add3A_3469 = arith.addf %add3A_3449, %mul3A_3468 : vector<16xf32>
      %get3A_3470 = arith.constant 3 : i32
      %get3A_3471 = arith.index_cast %get3A_3470 : i32 to index
      %get3A_3472 = arith.index_cast %squeeze3A_3405 : i32 to index
      %get3A_3473 = arith.constant 48 : index
      %get3A_3474 = tpu.vector_load %arg14[%get3A_3471, %get3A_3472, %get3A_3473] {strides = array<i32>} : memref<16x8x64xf32, #tpu.memory_space<vmem>>, vector<16xf32>,
      %get3A_3475 = arith.constant 3 : i32
      %get3A_3476 = arith.index_cast %get3A_3475 : i32 to index
      %get3A_3477 = arith.index_cast %squeeze3A_3407 : i32 to index
      %get3A_3478 = arith.constant 48 : index
      %get3A_3479 = tpu.vector_load %arg15[%get3A_3476, %get3A_3477, %get3A_3478] {strides = array<i32>} : memref<16x8x64xf32, #tpu.memory_space<vmem>>, vector<16xf32>,
      %add3A_3480 = arith.constant 48 : i32
      %add3A_3481 = arith.addi %squeeze3A_3409, %add3A_3480 : i32
      %get3A_3482 = arith.constant 19 : i32
      %get3A_3483 = arith.index_cast %get3A_3482 : i32 to index
      %get3A_3484 = arith.index_cast %add3A_3481 : i32 to index
      %get3A_3485 = tpu.vector_load %arg16[%get3A_3483, %get3A_3484] {strides = array<i32>} : memref<32x128xf32, #tpu.memory_space<vmem>>, vector<16xf32>,
      %add3A_3486 = arith.addf %get3A_3474, %get3A_3485 : vector<16xf32>
      %sub3A_3487 = arith.subf %add3A_3486, %get3A_3479 : vector<16xf32>
      %mul3A_3488 = arith.mulf %sub3A_3487, %sub3A_3487 : vector<16xf32>
      %add3A_3489 = arith.addf %add3A_3469, %mul3A_3488 : vector<16xf32>
      %reduce_sum3A_3490 = arith.constant true
      %reduce_sum3A_3491 = vector.broadcast %reduce_sum3A_3490 : i1 to vector<16xi1>
      %reduce_sum3A_3492 = tpu.scan <sum>, %add3A_3489 masked %reduce_sum3A_3491 : vector<16xf32>, vector<16xi1> -> vector<16xf32>
      %reduce_sum3A_3493 = vector.extract %reduce_sum3A_3492[15] : f32 from vector<16xf32>
      %eq3A_3494 = arith.constant 3 : i32
      %eq3A_3495 = vector.broadcast %eq3A_3494 : i32 to vector<16xi32>
      %eq3A_3496 = arith.cmpi eq, %iota3A, %eq3A_3495 : vector<16xi32>
      %broadcast_in_dim3A_3497 = vector.broadcast %reduce_sum3A_3493 : f32 to vector<16xf32>
      %select_n3A_3498 = arith.select %eq3A_3496, %broadcast_in_dim3A_3497, %select_n3A_3403 : vector<16xi1>, vector<16xf32>
      %slice3A_3499 = vector.extract_strided_slice %and3A_3109 {offsets = [4], sizes = [1], strides = [1]} : vector<16xi32> to vector<1xi32>
      %squeeze3A_3500 = vector.extract %slice3A_3499[0] : i32 from vector<1xi32>
      %slice3A_3501 = vector.extract_strided_slice %and3A_3112 {offsets = [4], sizes = [1], strides = [1]} : vector<16xi32> to vector<1xi32>
      %squeeze3A_3502 = vector.extract %slice3A_3501[0] : i32 from vector<1xi32>
      %slice3A_3503 = vector.extract_strided_slice %mul3A_3118 {offsets = [4], sizes = [1], strides = [1]} : vector<16xi32> to vector<1xi32>
      %squeeze3A_3504 = vector.extract %slice3A_3503[0] : i32 from vector<1xi32>
      %get3A_3505 = arith.constant 4 : i32
      %get3A_3506 = arith.index_cast %get3A_3505 : i32 to index
      %get3A_3507 = arith.index_cast %squeeze3A_3500 : i32 to index
      %get3A_3508 = arith.constant 0 : index
      %get3A_3509 = tpu.vector_load %arg14[%get3A_3506, %get3A_3507, %get3A_3508] {strides = array<i32>} : memref<16x8x64xf32, #tpu.memory_space<vmem>>, vector<16xf32>,
      %get3A_3510 = arith.constant 4 : i32
      %get3A_3511 = arith.index_cast %get3A_3510 : i32 to index
      %get3A_3512 = arith.index_cast %squeeze3A_3502 : i32 to index
      %get3A_3513 = arith.constant 0 : index
      %get3A_3514 = tpu.vector_load %arg15[%get3A_3511, %get3A_3512, %get3A_3513] {strides = array<i32>} : memref<16x8x64xf32, #tpu.memory_space<vmem>>, vector<16xf32>,
      %add3A_3515 = arith.constant 0 : i32
      %add3A_3516 = arith.addi %squeeze3A_3504, %add3A_3515 : i32
      %get3A_3517 = arith.constant 20 : i32
      %get3A_3518 = arith.index_cast %get3A_3517 : i32 to index
      %get3A_3519 = arith.index_cast %add3A_3516 : i32 to index
      %get3A_3520 = tpu.vector_load %arg16[%get3A_3518, %get3A_3519] {strides = array<i32>} : memref<32x128xf32, #tpu.memory_space<vmem>>, vector<16xf32>,
      %add3A_3521 = arith.addf %get3A_3509, %get3A_3520 : vector<16xf32>
      %sub3A_3522 = arith.subf %add3A_3521, %get3A_3514 : vector<16xf32>
      %mul3A_3523 = arith.mulf %sub3A_3522, %sub3A_3522 : vector<16xf32>
      %add3A_3524 = arith.addf %broadcast_in_dim3A_3, %mul3A_3523 : vector<16xf32>
      %get3A_3525 = arith.constant 4 : i32
      %get3A_3526 = arith.index_cast %get3A_3525 : i32 to index
      %get3A_3527 = arith.index_cast %squeeze3A_3500 : i32 to index
      %get3A_3528 = arith.constant 16 : index
      %get3A_3529 = tpu.vector_load %arg14[%get3A_3526, %get3A_3527, %get3A_3528] {strides = array<i32>} : memref<16x8x64xf32, #tpu.memory_space<vmem>>, vector<16xf32>,
      %get3A_3530 = arith.constant 4 : i32
      %get3A_3531 = arith.index_cast %get3A_3530 : i32 to index
      %get3A_3532 = arith.index_cast %squeeze3A_3502 : i32 to index
      %get3A_3533 = arith.constant 16 : index
      %get3A_3534 = tpu.vector_load %arg15[%get3A_3531, %get3A_3532, %get3A_3533] {strides = array<i32>} : memref<16x8x64xf32, #tpu.memory_space<vmem>>, vector<16xf32>,
      %add3A_3535 = arith.constant 16 : i32
      %add3A_3536 = arith.addi %squeeze3A_3504, %add3A_3535 : i32
      %get3A_3537 = arith.constant 20 : i32
      %get3A_3538 = arith.index_cast %get3A_3537 : i32 to index
      %get3A_3539 = arith.index_cast %add3A_3536 : i32 to index
      %get3A_3540 = tpu.vector_load %arg16[%get3A_3538, %get3A_3539] {strides = array<i32>} : memref<32x128xf32, #tpu.memory_space<vmem>>, vector<16xf32>,
      %add3A_3541 = arith.addf %get3A_3529, %get3A_3540 : vector<16xf32>
      %sub3A_3542 = arith.subf %add3A_3541, %get3A_3534 : vector<16xf32>
      %mul3A_3543 = arith.mulf %sub3A_3542, %sub3A_3542 : vector<16xf32>
      %add3A_3544 = arith.addf %add3A_3524, %mul3A_3543 : vector<16xf32>
      %get3A_3545 = arith.constant 4 : i32
      %get3A_3546 = arith.index_cast %get3A_3545 : i32 to index
      %get3A_3547 = arith.index_cast %squeeze3A_3500 : i32 to index
      %get3A_3548 = arith.constant 32 : index
      %get3A_3549 = tpu.vector_load %arg14[%get3A_3546, %get3A_3547, %get3A_3548] {strides = array<i32>} : memref<16x8x64xf32, #tpu.memory_space<vmem>>, vector<16xf32>,
      %get3A_3550 = arith.constant 4 : i32
      %get3A_3551 = arith.index_cast %get3A_3550 : i32 to index
      %get3A_3552 = arith.index_cast %squeeze3A_3502 : i32 to index
      %get3A_3553 = arith.constant 32 : index
      %get3A_3554 = tpu.vector_load %arg15[%get3A_3551, %get3A_3552, %get3A_3553] {strides = array<i32>} : memref<16x8x64xf32, #tpu.memory_space<vmem>>, vector<16xf32>,
      %add3A_3555 = arith.constant 32 : i32
      %add3A_3556 = arith.addi %squeeze3A_3504, %add3A_3555 : i32
      %get3A_3557 = arith.constant 20 : i32
      %get3A_3558 = arith.index_cast %get3A_3557 : i32 to index
      %get3A_3559 = arith.index_cast %add3A_3556 : i32 to index
      %get3A_3560 = tpu.vector_load %arg16[%get3A_3558, %get3A_3559] {strides = array<i32>} : memref<32x128xf32, #tpu.memory_space<vmem>>, vector<16xf32>,
      %add3A_3561 = arith.addf %get3A_3549, %get3A_3560 : vector<16xf32>
      %sub3A_3562 = arith.subf %add3A_3561, %get3A_3554 : vector<16xf32>
      %mul3A_3563 = arith.mulf %sub3A_3562, %sub3A_3562 : vector<16xf32>
      %add3A_3564 = arith.addf %add3A_3544, %mul3A_3563 : vector<16xf32>
      %get3A_3565 = arith.constant 4 : i32
      %get3A_3566 = arith.index_cast %get3A_3565 : i32 to index
      %get3A_3567 = arith.index_cast %squeeze3A_3500 : i32 to index
      %get3A_3568 = arith.constant 48 : index
      %get3A_3569 = tpu.vector_load %arg14[%get3A_3566, %get3A_3567, %get3A_3568] {strides = array<i32>} : memref<16x8x64xf32, #tpu.memory_space<vmem>>, vector<16xf32>,
      %get3A_3570 = arith.constant 4 : i32
      %get3A_3571 = arith.index_cast %get3A_3570 : i32 to index
      %get3A_3572 = arith.index_cast %squeeze3A_3502 : i32 to index
      %get3A_3573 = arith.constant 48 : index
      %get3A_3574 = tpu.vector_load %arg15[%get3A_3571, %get3A_3572, %get3A_3573] {strides = array<i32>} : memref<16x8x64xf32, #tpu.memory_space<vmem>>, vector<16xf32>,
      %add3A_3575 = arith.constant 48 : i32
      %add3A_3576 = arith.addi %squeeze3A_3504, %add3A_3575 : i32
      %get3A_3577 = arith.constant 20 : i32
      %get3A_3578 = arith.index_cast %get3A_3577 : i32 to index
      %get3A_3579 = arith.index_cast %add3A_3576 : i32 to index
      %get3A_3580 = tpu.vector_load %arg16[%get3A_3578, %get3A_3579] {strides = array<i32>} : memref<32x128xf32, #tpu.memory_space<vmem>>, vector<16xf32>,
      %add3A_3581 = arith.addf %get3A_3569, %get3A_3580 : vector<16xf32>
      %sub3A_3582 = arith.subf %add3A_3581, %get3A_3574 : vector<16xf32>
      %mul3A_3583 = arith.mulf %sub3A_3582, %sub3A_3582 : vector<16xf32>
      %add3A_3584 = arith.addf %add3A_3564, %mul3A_3583 : vector<16xf32>
      %reduce_sum3A_3585 = arith.constant true
      %reduce_sum3A_3586 = vector.broadcast %reduce_sum3A_3585 : i1 to vector<16xi1>
      %reduce_sum3A_3587 = tpu.scan <sum>, %add3A_3584 masked %reduce_sum3A_3586 : vector<16xf32>, vector<16xi1> -> vector<16xf32>
      %reduce_sum3A_3588 = vector.extract %reduce_sum3A_3587[15] : f32 from vector<16xf32>
      %eq3A_3589 = arith.constant 4 : i32
      %eq3A_3590 = vector.broadcast %eq3A_3589 : i32 to vector<16xi32>
      %eq3A_3591 = arith.cmpi eq, %iota3A, %eq3A_3590 : vector<16xi32>
      %broadcast_in_dim3A_3592 = vector.broadcast %reduce_sum3A_3588 : f32 to vector<16xf32>
      %select_n3A_3593 = arith.select %eq3A_3591, %broadcast_in_dim3A_3592, %select_n3A_3498 : vector<16xi1>, vector<16xf32>
      %slice3A_3594 = vector.extract_strided_slice %and3A_3109 {offsets = [5], sizes = [1], strides = [1]} : vector<16xi32> to vector<1xi32>
      %squeeze3A_3595 = vector.extract %slice3A_3594[0] : i32 from vector<1xi32>
      %slice3A_3596 = vector.extract_strided_slice %and3A_3112 {offsets = [5], sizes = [1], strides = [1]} : vector<16xi32> to vector<1xi32>
      %squeeze3A_3597 = vector.extract %slice3A_3596[0] : i32 from vector<1xi32>
      %slice3A_3598 = vector.extract_strided_slice %mul3A_3118 {offsets = [5], sizes = [1], strides = [1]} : vector<16xi32> to vector<1xi32>
      %squeeze3A_3599 = vector.extract %slice3A_3598[0] : i32 from vector<1xi32>
      %get3A_3600 = arith.constant 5 : i32
      %get3A_3601 = arith.index_cast %get3A_3600 : i32 to index
      %get3A_3602 = arith.index_cast %squeeze3A_3595 : i32 to index
      %get3A_3603 = arith.constant 0 : index
      %get3A_3604 = tpu.vector_load %arg14[%get3A_3601, %get3A_3602, %get3A_3603] {strides = array<i32>} : memref<16x8x64xf32, #tpu.memory_space<vmem>>, vector<16xf32>,
      %get3A_3605 = arith.constant 5 : i32
      %get3A_3606 = arith.index_cast %get3A_3605 : i32 to index
      %get3A_3607 = arith.index_cast %squeeze3A_3597 : i32 to index
      %get3A_3608 = arith.constant 0 : index
      %get3A_3609 = tpu.vector_load %arg15[%get3A_3606, %get3A_3607, %get3A_3608] {strides = array<i32>} : memref<16x8x64xf32, #tpu.memory_space<vmem>>, vector<16xf32>,
      %add3A_3610 = arith.constant 0 : i32
      %add3A_3611 = arith.addi %squeeze3A_3599, %add3A_3610 : i32
      %get3A_3612 = arith.constant 21 : i32
      %get3A_3613 = arith.index_cast %get3A_3612 : i32 to index
      %get3A_3614 = arith.index_cast %add3A_3611 : i32 to index
      %get3A_3615 = tpu.vector_load %arg16[%get3A_3613, %get3A_3614] {strides = array<i32>} : memref<32x128xf32, #tpu.memory_space<vmem>>, vector<16xf32>,
      %add3A_3616 = arith.addf %get3A_3604, %get3A_3615 : vector<16xf32>
      %sub3A_3617 = arith.subf %add3A_3616, %get3A_3609 : vector<16xf32>
      %mul3A_3618 = arith.mulf %sub3A_3617, %sub3A_3617 : vector<16xf32>
      %add3A_3619 = arith.addf %broadcast_in_dim3A_3, %mul3A_3618 : vector<16xf32>
      %get3A_3620 = arith.constant 5 : i32
      %get3A_3621 = arith.index_cast %get3A_3620 : i32 to index
      %get3A_3622 = arith.index_cast %squeeze3A_3595 : i32 to index
      %get3A_3623 = arith.constant 16 : index
      %get3A_3624 = tpu.vector_load %arg14[%get3A_3621, %get3A_3622, %get3A_3623] {strides = array<i32>} : memref<16x8x64xf32, #tpu.memory_space<vmem>>, vector<16xf32>,
      %get3A_3625 = arith.constant 5 : i32
      %get3A_3626 = arith.index_cast %get3A_3625 : i32 to index
      %get3A_3627 = arith.index_cast %squeeze3A_3597 : i32 to index
      %get3A_3628 = arith.constant 16 : index
      %get3A_3629 = tpu.vector_load %arg15[%get3A_3626, %get3A_3627, %get3A_3628] {strides = array<i32>} : memref<16x8x64xf32, #tpu.memory_space<vmem>>, vector<16xf32>,
      %add3A_3630 = arith.constant 16 : i32
      %add3A_3631 = arith.addi %squeeze3A_3599, %add3A_3630 : i32
      %get3A_3632 = arith.constant 21 : i32
      %get3A_3633 = arith.index_cast %get3A_3632 : i32 to index
      %get3A_3634 = arith.index_cast %add3A_3631 : i32 to index
      %get3A_3635 = tpu.vector_load %arg16[%get3A_3633, %get3A_3634] {strides = array<i32>} : memref<32x128xf32, #tpu.memory_space<vmem>>, vector<16xf32>,
      %add3A_3636 = arith.addf %get3A_3624, %get3A_3635 : vector<16xf32>
      %sub3A_3637 = arith.subf %add3A_3636, %get3A_3629 : vector<16xf32>
      %mul3A_3638 = arith.mulf %sub3A_3637, %sub3A_3637 : vector<16xf32>
      %add3A_3639 = arith.addf %add3A_3619, %mul3A_3638 : vector<16xf32>
      %get3A_3640 = arith.constant 5 : i32
      %get3A_3641 = arith.index_cast %get3A_3640 : i32 to index
      %get3A_3642 = arith.index_cast %squeeze3A_3595 : i32 to index
      %get3A_3643 = arith.constant 32 : index
      %get3A_3644 = tpu.vector_load %arg14[%get3A_3641, %get3A_3642, %get3A_3643] {strides = array<i32>} : memref<16x8x64xf32, #tpu.memory_space<vmem>>, vector<16xf32>,
      %get3A_3645 = arith.constant 5 : i32
      %get3A_3646 = arith.index_cast %get3A_3645 : i32 to index
      %get3A_3647 = arith.index_cast %squeeze3A_3597 : i32 to index
      %get3A_3648 = arith.constant 32 : index
      %get3A_3649 = tpu.vector_load %arg15[%get3A_3646, %get3A_3647, %get3A_3648] {strides = array<i32>} : memref<16x8x64xf32, #tpu.memory_space<vmem>>, vector<16xf32>,
      %add3A_3650 = arith.constant 32 : i32
      %add3A_3651 = arith.addi %squeeze3A_3599, %add3A_3650 : i32
      %get3A_3652 = arith.constant 21 : i32
      %get3A_3653 = arith.index_cast %get3A_3652 : i32 to index
      %get3A_3654 = arith.index_cast %add3A_3651 : i32 to index
      %get3A_3655 = tpu.vector_load %arg16[%get3A_3653, %get3A_3654] {strides = array<i32>} : memref<32x128xf32, #tpu.memory_space<vmem>>, vector<16xf32>,
      %add3A_3656 = arith.addf %get3A_3644, %get3A_3655 : vector<16xf32>
      %sub3A_3657 = arith.subf %add3A_3656, %get3A_3649 : vector<16xf32>
      %mul3A_3658 = arith.mulf %sub3A_3657, %sub3A_3657 : vector<16xf32>
      %add3A_3659 = arith.addf %add3A_3639, %mul3A_3658 : vector<16xf32>
      %get3A_3660 = arith.constant 5 : i32
      %get3A_3661 = arith.index_cast %get3A_3660 : i32 to index
      %get3A_3662 = arith.index_cast %squeeze3A_3595 : i32 to index
      %get3A_3663 = arith.constant 48 : index
      %get3A_3664 = tpu.vector_load %arg14[%get3A_3661, %get3A_3662, %get3A_3663] {strides = array<i32>} : memref<16x8x64xf32, #tpu.memory_space<vmem>>, vector<16xf32>,
      %get3A_3665 = arith.constant 5 : i32
      %get3A_3666 = arith.index_cast %get3A_3665 : i32 to index
      %get3A_3667 = arith.index_cast %squeeze3A_3597 : i32 to index
      %get3A_3668 = arith.constant 48 : index
      %get3A_3669 = tpu.vector_load %arg15[%get3A_3666, %get3A_3667, %get3A_3668] {strides = array<i32>} : memref<16x8x64xf32, #tpu.memory_space<vmem>>, vector<16xf32>,
      %add3A_3670 = arith.constant 48 : i32
      %add3A_3671 = arith.addi %squeeze3A_3599, %add3A_3670 : i32
      %get3A_3672 = arith.constant 21 : i32
      %get3A_3673 = arith.index_cast %get3A_3672 : i32 to index
      %get3A_3674 = arith.index_cast %add3A_3671 : i32 to index
      %get3A_3675 = tpu.vector_load %arg16[%get3A_3673, %get3A_3674] {strides = array<i32>} : memref<32x128xf32, #tpu.memory_space<vmem>>, vector<16xf32>,
      %add3A_3676 = arith.addf %get3A_3664, %get3A_3675 : vector<16xf32>
      %sub3A_3677 = arith.subf %add3A_3676, %get3A_3669 : vector<16xf32>
      %mul3A_3678 = arith.mulf %sub3A_3677, %sub3A_3677 : vector<16xf32>
      %add3A_3679 = arith.addf %add3A_3659, %mul3A_3678 : vector<16xf32>
      %reduce_sum3A_3680 = arith.constant true
      %reduce_sum3A_3681 = vector.broadcast %reduce_sum3A_3680 : i1 to vector<16xi1>
      %reduce_sum3A_3682 = tpu.scan <sum>, %add3A_3679 masked %reduce_sum3A_3681 : vector<16xf32>, vector<16xi1> -> vector<16xf32>
      %reduce_sum3A_3683 = vector.extract %reduce_sum3A_3682[15] : f32 from vector<16xf32>
      %eq3A_3684 = arith.constant 5 : i32
      %eq3A_3685 = vector.broadcast %eq3A_3684 : i32 to vector<16xi32>
      %eq3A_3686 = arith.cmpi eq, %iota3A, %eq3A_3685 : vector<16xi32>
      %broadcast_in_dim3A_3687 = vector.broadcast %reduce_sum3A_3683 : f32 to vector<16xf32>
      %select_n3A_3688 = arith.select %eq3A_3686, %broadcast_in_dim3A_3687, %select_n3A_3593 : vector<16xi1>, vector<16xf32>
      %slice3A_3689 = vector.extract_strided_slice %and3A_3109 {offsets = [6], sizes = [1], strides = [1]} : vector<16xi32> to vector<1xi32>
      %squeeze3A_3690 = vector.extract %slice3A_3689[0] : i32 from vector<1xi32>
      %slice3A_3691 = vector.extract_strided_slice %and3A_3112 {offsets = [6], sizes = [1], strides = [1]} : vector<16xi32> to vector<1xi32>
      %squeeze3A_3692 = vector.extract %slice3A_3691[0] : i32 from vector<1xi32>
      %slice3A_3693 = vector.extract_strided_slice %mul3A_3118 {offsets = [6], sizes = [1], strides = [1]} : vector<16xi32> to vector<1xi32>
      %squeeze3A_3694 = vector.extract %slice3A_3693[0] : i32 from vector<1xi32>
      %get3A_3695 = arith.constant 6 : i32
      %get3A_3696 = arith.index_cast %get3A_3695 : i32 to index
      %get3A_3697 = arith.index_cast %squeeze3A_3690 : i32 to index
      %get3A_3698 = arith.constant 0 : index
      %get3A_3699 = tpu.vector_load %arg14[%get3A_3696, %get3A_3697, %get3A_3698] {strides = array<i32>} : memref<16x8x64xf32, #tpu.memory_space<vmem>>, vector<16xf32>,
      %get3A_3700 = arith.constant 6 : i32
      %get3A_3701 = arith.index_cast %get3A_3700 : i32 to index
      %get3A_3702 = arith.index_cast %squeeze3A_3692 : i32 to index
      %get3A_3703 = arith.constant 0 : index
      %get3A_3704 = tpu.vector_load %arg15[%get3A_3701, %get3A_3702, %get3A_3703] {strides = array<i32>} : memref<16x8x64xf32, #tpu.memory_space<vmem>>, vector<16xf32>,
      %add3A_3705 = arith.constant 0 : i32
      %add3A_3706 = arith.addi %squeeze3A_3694, %add3A_3705 : i32
      %get3A_3707 = arith.constant 22 : i32
      %get3A_3708 = arith.index_cast %get3A_3707 : i32 to index
      %get3A_3709 = arith.index_cast %add3A_3706 : i32 to index
      %get3A_3710 = tpu.vector_load %arg16[%get3A_3708, %get3A_3709] {strides = array<i32>} : memref<32x128xf32, #tpu.memory_space<vmem>>, vector<16xf32>,
      %add3A_3711 = arith.addf %get3A_3699, %get3A_3710 : vector<16xf32>
      %sub3A_3712 = arith.subf %add3A_3711, %get3A_3704 : vector<16xf32>
      %mul3A_3713 = arith.mulf %sub3A_3712, %sub3A_3712 : vector<16xf32>
      %add3A_3714 = arith.addf %broadcast_in_dim3A_3, %mul3A_3713 : vector<16xf32>
      %get3A_3715 = arith.constant 6 : i32
      %get3A_3716 = arith.index_cast %get3A_3715 : i32 to index
      %get3A_3717 = arith.index_cast %squeeze3A_3690 : i32 to index
      %get3A_3718 = arith.constant 16 : index
      %get3A_3719 = tpu.vector_load %arg14[%get3A_3716, %get3A_3717, %get3A_3718] {strides = array<i32>} : memref<16x8x64xf32, #tpu.memory_space<vmem>>, vector<16xf32>,
      %get3A_3720 = arith.constant 6 : i32
      %get3A_3721 = arith.index_cast %get3A_3720 : i32 to index
      %get3A_3722 = arith.index_cast %squeeze3A_3692 : i32 to index
      %get3A_3723 = arith.constant 16 : index
      %get3A_3724 = tpu.vector_load %arg15[%get3A_3721, %get3A_3722, %get3A_3723] {strides = array<i32>} : memref<16x8x64xf32, #tpu.memory_space<vmem>>, vector<16xf32>,
      %add3A_3725 = arith.constant 16 : i32
      %add3A_3726 = arith.addi %squeeze3A_3694, %add3A_3725 : i32
      %get3A_3727 = arith.constant 22 : i32
      %get3A_3728 = arith.index_cast %get3A_3727 : i32 to index
      %get3A_3729 = arith.index_cast %add3A_3726 : i32 to index
      %get3A_3730 = tpu.vector_load %arg16[%get3A_3728, %get3A_3729] {strides = array<i32>} : memref<32x128xf32, #tpu.memory_space<vmem>>, vector<16xf32>,
      %add3A_3731 = arith.addf %get3A_3719, %get3A_3730 : vector<16xf32>
      %sub3A_3732 = arith.subf %add3A_3731, %get3A_3724 : vector<16xf32>
      %mul3A_3733 = arith.mulf %sub3A_3732, %sub3A_3732 : vector<16xf32>
      %add3A_3734 = arith.addf %add3A_3714, %mul3A_3733 : vector<16xf32>
      %get3A_3735 = arith.constant 6 : i32
      %get3A_3736 = arith.index_cast %get3A_3735 : i32 to index
      %get3A_3737 = arith.index_cast %squeeze3A_3690 : i32 to index
      %get3A_3738 = arith.constant 32 : index
      %get3A_3739 = tpu.vector_load %arg14[%get3A_3736, %get3A_3737, %get3A_3738] {strides = array<i32>} : memref<16x8x64xf32, #tpu.memory_space<vmem>>, vector<16xf32>,
      %get3A_3740 = arith.constant 6 : i32
      %get3A_3741 = arith.index_cast %get3A_3740 : i32 to index
      %get3A_3742 = arith.index_cast %squeeze3A_3692 : i32 to index
      %get3A_3743 = arith.constant 32 : index
      %get3A_3744 = tpu.vector_load %arg15[%get3A_3741, %get3A_3742, %get3A_3743] {strides = array<i32>} : memref<16x8x64xf32, #tpu.memory_space<vmem>>, vector<16xf32>,
      %add3A_3745 = arith.constant 32 : i32
      %add3A_3746 = arith.addi %squeeze3A_3694, %add3A_3745 : i32
      %get3A_3747 = arith.constant 22 : i32
      %get3A_3748 = arith.index_cast %get3A_3747 : i32 to index
      %get3A_3749 = arith.index_cast %add3A_3746 : i32 to index
      %get3A_3750 = tpu.vector_load %arg16[%get3A_3748, %get3A_3749] {strides = array<i32>} : memref<32x128xf32, #tpu.memory_space<vmem>>, vector<16xf32>,
      %add3A_3751 = arith.addf %get3A_3739, %get3A_3750 : vector<16xf32>
      %sub3A_3752 = arith.subf %add3A_3751, %get3A_3744 : vector<16xf32>
      %mul3A_3753 = arith.mulf %sub3A_3752, %sub3A_3752 : vector<16xf32>
      %add3A_3754 = arith.addf %add3A_3734, %mul3A_3753 : vector<16xf32>
      %get3A_3755 = arith.constant 6 : i32
      %get3A_3756 = arith.index_cast %get3A_3755 : i32 to index
      %get3A_3757 = arith.index_cast %squeeze3A_3690 : i32 to index
      %get3A_3758 = arith.constant 48 : index
      %get3A_3759 = tpu.vector_load %arg14[%get3A_3756, %get3A_3757, %get3A_3758] {strides = array<i32>} : memref<16x8x64xf32, #tpu.memory_space<vmem>>, vector<16xf32>,
      %get3A_3760 = arith.constant 6 : i32
      %get3A_3761 = arith.index_cast %get3A_3760 : i32 to index
      %get3A_3762 = arith.index_cast %squeeze3A_3692 : i32 to index
      %get3A_3763 = arith.constant 48 : index
      %get3A_3764 = tpu.vector_load %arg15[%get3A_3761, %get3A_3762, %get3A_3763] {strides = array<i32>} : memref<16x8x64xf32, #tpu.memory_space<vmem>>, vector<16xf32>,
      %add3A_3765 = arith.constant 48 : i32
      %add3A_3766 = arith.addi %squeeze3A_3694, %add3A_3765 : i32
      %get3A_3767 = arith.constant 22 : i32
      %get3A_3768 = arith.index_cast %get3A_3767 : i32 to index
      %get3A_3769 = arith.index_cast %add3A_3766 : i32 to index
      %get3A_3770 = tpu.vector_load %arg16[%get3A_3768, %get3A_3769] {strides = array<i32>} : memref<32x128xf32, #tpu.memory_space<vmem>>, vector<16xf32>,
      %add3A_3771 = arith.addf %get3A_3759, %get3A_3770 : vector<16xf32>
      %sub3A_3772 = arith.subf %add3A_3771, %get3A_3764 : vector<16xf32>
      %mul3A_3773 = arith.mulf %sub3A_3772, %sub3A_3772 : vector<16xf32>
      %add3A_3774 = arith.addf %add3A_3754, %mul3A_3773 : vector<16xf32>
      %reduce_sum3A_3775 = arith.constant true
      %reduce_sum3A_3776 = vector.broadcast %reduce_sum3A_3775 : i1 to vector<16xi1>
      %reduce_sum3A_3777 = tpu.scan <sum>, %add3A_3774 masked %reduce_sum3A_3776 : vector<16xf32>, vector<16xi1> -> vector<16xf32>
      %reduce_sum3A_3778 = vector.extract %reduce_sum3A_3777[15] : f32 from vector<16xf32>
      %eq3A_3779 = arith.constant 6 : i32
      %eq3A_3780 = vector.broadcast %eq3A_3779 : i32 to vector<16xi32>
      %eq3A_3781 = arith.cmpi eq, %iota3A, %eq3A_3780 : vector<16xi32>
      %broadcast_in_dim3A_3782 = vector.broadcast %reduce_sum3A_3778 : f32 to vector<16xf32>
      %select_n3A_3783 = arith.select %eq3A_3781, %broadcast_in_dim3A_3782, %select_n3A_3688 : vector<16xi1>, vector<16xf32>
      %slice3A_3784 = vector.extract_strided_slice %and3A_3109 {offsets = [7], sizes = [1], strides = [1]} : vector<16xi32> to vector<1xi32>
      %squeeze3A_3785 = vector.extract %slice3A_3784[0] : i32 from vector<1xi32>
      %slice3A_3786 = vector.extract_strided_slice %and3A_3112 {offsets = [7], sizes = [1], strides = [1]} : vector<16xi32> to vector<1xi32>
      %squeeze3A_3787 = vector.extract %slice3A_3786[0] : i32 from vector<1xi32>
      %slice3A_3788 = vector.extract_strided_slice %mul3A_3118 {offsets = [7], sizes = [1], strides = [1]} : vector<16xi32> to vector<1xi32>
      %squeeze3A_3789 = vector.extract %slice3A_3788[0] : i32 from vector<1xi32>
      %get3A_3790 = arith.constant 7 : i32
      %get3A_3791 = arith.index_cast %get3A_3790 : i32 to index
      %get3A_3792 = arith.index_cast %squeeze3A_3785 : i32 to index
      %get3A_3793 = arith.constant 0 : index
      %get3A_3794 = tpu.vector_load %arg14[%get3A_3791, %get3A_3792, %get3A_3793] {strides = array<i32>} : memref<16x8x64xf32, #tpu.memory_space<vmem>>, vector<16xf32>,
      %get3A_3795 = arith.constant 7 : i32
      %get3A_3796 = arith.index_cast %get3A_3795 : i32 to index
      %get3A_3797 = arith.index_cast %squeeze3A_3787 : i32 to index
      %get3A_3798 = arith.constant 0 : index
      %get3A_3799 = tpu.vector_load %arg15[%get3A_3796, %get3A_3797, %get3A_3798] {strides = array<i32>} : memref<16x8x64xf32, #tpu.memory_space<vmem>>, vector<16xf32>,
      %add3A_3800 = arith.constant 0 : i32
      %add3A_3801 = arith.addi %squeeze3A_3789, %add3A_3800 : i32
      %get3A_3802 = arith.constant 23 : i32
      %get3A_3803 = arith.index_cast %get3A_3802 : i32 to index
      %get3A_3804 = arith.index_cast %add3A_3801 : i32 to index
      %get3A_3805 = tpu.vector_load %arg16[%get3A_3803, %get3A_3804] {strides = array<i32>} : memref<32x128xf32, #tpu.memory_space<vmem>>, vector<16xf32>,
      %add3A_3806 = arith.addf %get3A_3794, %get3A_3805 : vector<16xf32>
      %sub3A_3807 = arith.subf %add3A_3806, %get3A_3799 : vector<16xf32>
      %mul3A_3808 = arith.mulf %sub3A_3807, %sub3A_3807 : vector<16xf32>
      %add3A_3809 = arith.addf %broadcast_in_dim3A_3, %mul3A_3808 : vector<16xf32>
      %get3A_3810 = arith.constant 7 : i32
      %get3A_3811 = arith.index_cast %get3A_3810 : i32 to index
      %get3A_3812 = arith.index_cast %squeeze3A_3785 : i32 to index
      %get3A_3813 = arith.constant 16 : index
      %get3A_3814 = tpu.vector_load %arg14[%get3A_3811, %get3A_3812, %get3A_3813] {strides = array<i32>} : memref<16x8x64xf32, #tpu.memory_space<vmem>>, vector<16xf32>,
      %get3A_3815 = arith.constant 7 : i32
      %get3A_3816 = arith.index_cast %get3A_3815 : i32 to index
      %get3A_3817 = arith.index_cast %squeeze3A_3787 : i32 to index
      %get3A_3818 = arith.constant 16 : index
      %get3A_3819 = tpu.vector_load %arg15[%get3A_3816, %get3A_3817, %get3A_3818] {strides = array<i32>} : memref<16x8x64xf32, #tpu.memory_space<vmem>>, vector<16xf32>,
      %add3A_3820 = arith.constant 16 : i32
      %add3A_3821 = arith.addi %squeeze3A_3789, %add3A_3820 : i32
      %get3A_3822 = arith.constant 23 : i32
      %get3A_3823 = arith.index_cast %get3A_3822 : i32 to index
      %get3A_3824 = arith.index_cast %add3A_3821 : i32 to index
      %get3A_3825 = tpu.vector_load %arg16[%get3A_3823, %get3A_3824] {strides = array<i32>} : memref<32x128xf32, #tpu.memory_space<vmem>>, vector<16xf32>,
      %add3A_3826 = arith.addf %get3A_3814, %get3A_3825 : vector<16xf32>
      %sub3A_3827 = arith.subf %add3A_3826, %get3A_3819 : vector<16xf32>
      %mul3A_3828 = arith.mulf %sub3A_3827, %sub3A_3827 : vector<16xf32>
      %add3A_3829 = arith.addf %add3A_3809, %mul3A_3828 : vector<16xf32>
      %get3A_3830 = arith.constant 7 : i32
      %get3A_3831 = arith.index_cast %get3A_3830 : i32 to index
      %get3A_3832 = arith.index_cast %squeeze3A_3785 : i32 to index
      %get3A_3833 = arith.constant 32 : index
      %get3A_3834 = tpu.vector_load %arg14[%get3A_3831, %get3A_3832, %get3A_3833] {strides = array<i32>} : memref<16x8x64xf32, #tpu.memory_space<vmem>>, vector<16xf32>,
      %get3A_3835 = arith.constant 7 : i32
      %get3A_3836 = arith.index_cast %get3A_3835 : i32 to index
      %get3A_3837 = arith.index_cast %squeeze3A_3787 : i32 to index
      %get3A_3838 = arith.constant 32 : index
      %get3A_3839 = tpu.vector_load %arg15[%get3A_3836, %get3A_3837, %get3A_3838] {strides = array<i32>} : memref<16x8x64xf32, #tpu.memory_space<vmem>>, vector<16xf32>,
      %add3A_3840 = arith.constant 32 : i32
      %add3A_3841 = arith.addi %squeeze3A_3789, %add3A_3840 : i32
      %get3A_3842 = arith.constant 23 : i32
      %get3A_3843 = arith.index_cast %get3A_3842 : i32 to index
      %get3A_3844 = arith.index_cast %add3A_3841 : i32 to index
      %get3A_3845 = tpu.vector_load %arg16[%get3A_3843, %get3A_3844] {strides = array<i32>} : memref<32x128xf32, #tpu.memory_space<vmem>>, vector<16xf32>,
      %add3A_3846 = arith.addf %get3A_3834, %get3A_3845 : vector<16xf32>
      %sub3A_3847 = arith.subf %add3A_3846, %get3A_3839 : vector<16xf32>
      %mul3A_3848 = arith.mulf %sub3A_3847, %sub3A_3847 : vector<16xf32>
      %add3A_3849 = arith.addf %add3A_3829, %mul3A_3848 : vector<16xf32>
      %get3A_3850 = arith.constant 7 : i32
      %get3A_3851 = arith.index_cast %get3A_3850 : i32 to index
      %get3A_3852 = arith.index_cast %squeeze3A_3785 : i32 to index
      %get3A_3853 = arith.constant 48 : index
      %get3A_3854 = tpu.vector_load %arg14[%get3A_3851, %get3A_3852, %get3A_3853] {strides = array<i32>} : memref<16x8x64xf32, #tpu.memory_space<vmem>>, vector<16xf32>,
      %get3A_3855 = arith.constant 7 : i32
      %get3A_3856 = arith.index_cast %get3A_3855 : i32 to index
      %get3A_3857 = arith.index_cast %squeeze3A_3787 : i32 to index
      %get3A_3858 = arith.constant 48 : index
      %get3A_3859 = tpu.vector_load %arg15[%get3A_3856, %get3A_3857, %get3A_3858] {strides = array<i32>} : memref<16x8x64xf32, #tpu.memory_space<vmem>>, vector<16xf32>,
      %add3A_3860 = arith.constant 48 : i32
      %add3A_3861 = arith.addi %squeeze3A_3789, %add3A_3860 : i32
      %get3A_3862 = arith.constant 23 : i32
      %get3A_3863 = arith.index_cast %get3A_3862 : i32 to index
      %get3A_3864 = arith.index_cast %add3A_3861 : i32 to index
      %get3A_3865 = tpu.vector_load %arg16[%get3A_3863, %get3A_3864] {strides = array<i32>} : memref<32x128xf32, #tpu.memory_space<vmem>>, vector<16xf32>,
      %add3A_3866 = arith.addf %get3A_3854, %get3A_3865 : vector<16xf32>
      %sub3A_3867 = arith.subf %add3A_3866, %get3A_3859 : vector<16xf32>
      %mul3A_3868 = arith.mulf %sub3A_3867, %sub3A_3867 : vector<16xf32>
      %add3A_3869 = arith.addf %add3A_3849, %mul3A_3868 : vector<16xf32>
      %reduce_sum3A_3870 = arith.constant true
      %reduce_sum3A_3871 = vector.broadcast %reduce_sum3A_3870 : i1 to vector<16xi1>
      %reduce_sum3A_3872 = tpu.scan <sum>, %add3A_3869 masked %reduce_sum3A_3871 : vector<16xf32>, vector<16xi1> -> vector<16xf32>
      %reduce_sum3A_3873 = vector.extract %reduce_sum3A_3872[15] : f32 from vector<16xf32>
      %eq3A_3874 = arith.constant 7 : i32
      %eq3A_3875 = vector.broadcast %eq3A_3874 : i32 to vector<16xi32>
      %eq3A_3876 = arith.cmpi eq, %iota3A, %eq3A_3875 : vector<16xi32>
      %broadcast_in_dim3A_3877 = vector.broadcast %reduce_sum3A_3873 : f32 to vector<16xf32>
      %select_n3A_3878 = arith.select %eq3A_3876, %broadcast_in_dim3A_3877, %select_n3A_3783 : vector<16xi1>, vector<16xf32>
      %slice3A_3879 = vector.extract_strided_slice %and3A_3109 {offsets = [8], sizes = [1], strides = [1]} : vector<16xi32> to vector<1xi32>
      %squeeze3A_3880 = vector.extract %slice3A_3879[0] : i32 from vector<1xi32>
      %slice3A_3881 = vector.extract_strided_slice %and3A_3112 {offsets = [8], sizes = [1], strides = [1]} : vector<16xi32> to vector<1xi32>
      %squeeze3A_3882 = vector.extract %slice3A_3881[0] : i32 from vector<1xi32>
      %slice3A_3883 = vector.extract_strided_slice %mul3A_3118 {offsets = [8], sizes = [1], strides = [1]} : vector<16xi32> to vector<1xi32>
      %squeeze3A_3884 = vector.extract %slice3A_3883[0] : i32 from vector<1xi32>
      %get3A_3885 = arith.constant 8 : i32
      %get3A_3886 = arith.index_cast %get3A_3885 : i32 to index
      %get3A_3887 = arith.index_cast %squeeze3A_3880 : i32 to index
      %get3A_3888 = arith.constant 0 : index
      %get3A_3889 = tpu.vector_load %arg14[%get3A_3886, %get3A_3887, %get3A_3888] {strides = array<i32>} : memref<16x8x64xf32, #tpu.memory_space<vmem>>, vector<16xf32>,
      %get3A_3890 = arith.constant 8 : i32
      %get3A_3891 = arith.index_cast %get3A_3890 : i32 to index
      %get3A_3892 = arith.index_cast %squeeze3A_3882 : i32 to index
      %get3A_3893 = arith.constant 0 : index
      %get3A_3894 = tpu.vector_load %arg15[%get3A_3891, %get3A_3892, %get3A_3893] {strides = array<i32>} : memref<16x8x64xf32, #tpu.memory_space<vmem>>, vector<16xf32>,
      %add3A_3895 = arith.constant 0 : i32
      %add3A_3896 = arith.addi %squeeze3A_3884, %add3A_3895 : i32
      %get3A_3897 = arith.constant 24 : i32
      %get3A_3898 = arith.index_cast %get3A_3897 : i32 to index
      %get3A_3899 = arith.index_cast %add3A_3896 : i32 to index
      %get3A_3900 = tpu.vector_load %arg16[%get3A_3898, %get3A_3899] {strides = array<i32>} : memref<32x128xf32, #tpu.memory_space<vmem>>, vector<16xf32>,
      %add3A_3901 = arith.addf %get3A_3889, %get3A_3900 : vector<16xf32>
      %sub3A_3902 = arith.subf %add3A_3901, %get3A_3894 : vector<16xf32>
      %mul3A_3903 = arith.mulf %sub3A_3902, %sub3A_3902 : vector<16xf32>
      %add3A_3904 = arith.addf %broadcast_in_dim3A_3, %mul3A_3903 : vector<16xf32>
      %get3A_3905 = arith.constant 8 : i32
      %get3A_3906 = arith.index_cast %get3A_3905 : i32 to index
      %get3A_3907 = arith.index_cast %squeeze3A_3880 : i32 to index
      %get3A_3908 = arith.constant 16 : index
      %get3A_3909 = tpu.vector_load %arg14[%get3A_3906, %get3A_3907, %get3A_3908] {strides = array<i32>} : memref<16x8x64xf32, #tpu.memory_space<vmem>>, vector<16xf32>,
      %get3A_3910 = arith.constant 8 : i32
      %get3A_3911 = arith.index_cast %get3A_3910 : i32 to index
      %get3A_3912 = arith.index_cast %squeeze3A_3882 : i32 to index
      %get3A_3913 = arith.constant 16 : index
      %get3A_3914 = tpu.vector_load %arg15[%get3A_3911, %get3A_3912, %get3A_3913] {strides = array<i32>} : memref<16x8x64xf32, #tpu.memory_space<vmem>>, vector<16xf32>,
      %add3A_3915 = arith.constant 16 : i32
      %add3A_3916 = arith.addi %squeeze3A_3884, %add3A_3915 : i32
      %get3A_3917 = arith.constant 24 : i32
      %get3A_3918 = arith.index_cast %get3A_3917 : i32 to index
      %get3A_3919 = arith.index_cast %add3A_3916 : i32 to index
      %get3A_3920 = tpu.vector_load %arg16[%get3A_3918, %get3A_3919] {strides = array<i32>} : memref<32x128xf32, #tpu.memory_space<vmem>>, vector<16xf32>,
      %add3A_3921 = arith.addf %get3A_3909, %get3A_3920 : vector<16xf32>
      %sub3A_3922 = arith.subf %add3A_3921, %get3A_3914 : vector<16xf32>
      %mul3A_3923 = arith.mulf %sub3A_3922, %sub3A_3922 : vector<16xf32>
      %add3A_3924 = arith.addf %add3A_3904, %mul3A_3923 : vector<16xf32>
      %get3A_3925 = arith.constant 8 : i32
      %get3A_3926 = arith.index_cast %get3A_3925 : i32 to index
      %get3A_3927 = arith.index_cast %squeeze3A_3880 : i32 to index
      %get3A_3928 = arith.constant 32 : index
      %get3A_3929 = tpu.vector_load %arg14[%get3A_3926, %get3A_3927, %get3A_3928] {strides = array<i32>} : memref<16x8x64xf32, #tpu.memory_space<vmem>>, vector<16xf32>,
      %get3A_3930 = arith.constant 8 : i32
      %get3A_3931 = arith.index_cast %get3A_3930 : i32 to index
      %get3A_3932 = arith.index_cast %squeeze3A_3882 : i32 to index
      %get3A_3933 = arith.constant 32 : index
      %get3A_3934 = tpu.vector_load %arg15[%get3A_3931, %get3A_3932, %get3A_3933] {strides = array<i32>} : memref<16x8x64xf32, #tpu.memory_space<vmem>>, vector<16xf32>,
      %add3A_3935 = arith.constant 32 : i32
      %add3A_3936 = arith.addi %squeeze3A_3884, %add3A_3935 : i32
      %get3A_3937 = arith.constant 24 : i32
      %get3A_3938 = arith.index_cast %get3A_3937 : i32 to index
      %get3A_3939 = arith.index_cast %add3A_3936 : i32 to index
      %get3A_3940 = tpu.vector_load %arg16[%get3A_3938, %get3A_3939] {strides = array<i32>} : memref<32x128xf32, #tpu.memory_space<vmem>>, vector<16xf32>,
      %add3A_3941 = arith.addf %get3A_3929, %get3A_3940 : vector<16xf32>
      %sub3A_3942 = arith.subf %add3A_3941, %get3A_3934 : vector<16xf32>
      %mul3A_3943 = arith.mulf %sub3A_3942, %sub3A_3942 : vector<16xf32>
      %add3A_3944 = arith.addf %add3A_3924, %mul3A_3943 : vector<16xf32>
      %get3A_3945 = arith.constant 8 : i32
      %get3A_3946 = arith.index_cast %get3A_3945 : i32 to index
      %get3A_3947 = arith.index_cast %squeeze3A_3880 : i32 to index
      %get3A_3948 = arith.constant 48 : index
      %get3A_3949 = tpu.vector_load %arg14[%get3A_3946, %get3A_3947, %get3A_3948] {strides = array<i32>} : memref<16x8x64xf32, #tpu.memory_space<vmem>>, vector<16xf32>,
      %get3A_3950 = arith.constant 8 : i32
      %get3A_3951 = arith.index_cast %get3A_3950 : i32 to index
      %get3A_3952 = arith.index_cast %squeeze3A_3882 : i32 to index
      %get3A_3953 = arith.constant 48 : index
      %get3A_3954 = tpu.vector_load %arg15[%get3A_3951, %get3A_3952, %get3A_3953] {strides = array<i32>} : memref<16x8x64xf32, #tpu.memory_space<vmem>>, vector<16xf32>,
      %add3A_3955 = arith.constant 48 : i32
      %add3A_3956 = arith.addi %squeeze3A_3884, %add3A_3955 : i32
      %get3A_3957 = arith.constant 24 : i32
      %get3A_3958 = arith.index_cast %get3A_3957 : i32 to index
      %get3A_3959 = arith.index_cast %add3A_3956 : i32 to index
      %get3A_3960 = tpu.vector_load %arg16[%get3A_3958, %get3A_3959] {strides = array<i32>} : memref<32x128xf32, #tpu.memory_space<vmem>>, vector<16xf32>,
      %add3A_3961 = arith.addf %get3A_3949, %get3A_3960 : vector<16xf32>
      %sub3A_3962 = arith.subf %add3A_3961, %get3A_3954 : vector<16xf32>
      %mul3A_3963 = arith.mulf %sub3A_3962, %sub3A_3962 : vector<16xf32>
      %add3A_3964 = arith.addf %add3A_3944, %mul3A_3963 : vector<16xf32>
      %reduce_sum3A_3965 = arith.constant true
      %reduce_sum3A_3966 = vector.broadcast %reduce_sum3A_3965 : i1 to vector<16xi1>
      %reduce_sum3A_3967 = tpu.scan <sum>, %add3A_3964 masked %reduce_sum3A_3966 : vector<16xf32>, vector<16xi1> -> vector<16xf32>
      %reduce_sum3A_3968 = vector.extract %reduce_sum3A_3967[15] : f32 from vector<16xf32>
      %eq3A_3969 = arith.constant 8 : i32
      %eq3A_3970 = vector.broadcast %eq3A_3969 : i32 to vector<16xi32>
      %eq3A_3971 = arith.cmpi eq, %iota3A, %eq3A_3970 : vector<16xi32>
      %broadcast_in_dim3A_3972 = vector.broadcast %reduce_sum3A_3968 : f32 to vector<16xf32>
      %select_n3A_3973 = arith.select %eq3A_3971, %broadcast_in_dim3A_3972, %select_n3A_3878 : vector<16xi1>, vector<16xf32>
      %slice3A_3974 = vector.extract_strided_slice %and3A_3109 {offsets = [9], sizes = [1], strides = [1]} : vector<16xi32> to vector<1xi32>
      %squeeze3A_3975 = vector.extract %slice3A_3974[0] : i32 from vector<1xi32>
      %slice3A_3976 = vector.extract_strided_slice %and3A_3112 {offsets = [9], sizes = [1], strides = [1]} : vector<16xi32> to vector<1xi32>
      %squeeze3A_3977 = vector.extract %slice3A_3976[0] : i32 from vector<1xi32>
      %slice3A_3978 = vector.extract_strided_slice %mul3A_3118 {offsets = [9], sizes = [1], strides = [1]} : vector<16xi32> to vector<1xi32>
      %squeeze3A_3979 = vector.extract %slice3A_3978[0] : i32 from vector<1xi32>
      %get3A_3980 = arith.constant 9 : i32
      %get3A_3981 = arith.index_cast %get3A_3980 : i32 to index
      %get3A_3982 = arith.index_cast %squeeze3A_3975 : i32 to index
      %get3A_3983 = arith.constant 0 : index
      %get3A_3984 = tpu.vector_load %arg14[%get3A_3981, %get3A_3982, %get3A_3983] {strides = array<i32>} : memref<16x8x64xf32, #tpu.memory_space<vmem>>, vector<16xf32>,
      %get3A_3985 = arith.constant 9 : i32
      %get3A_3986 = arith.index_cast %get3A_3985 : i32 to index
      %get3A_3987 = arith.index_cast %squeeze3A_3977 : i32 to index
      %get3A_3988 = arith.constant 0 : index
      %get3A_3989 = tpu.vector_load %arg15[%get3A_3986, %get3A_3987, %get3A_3988] {strides = array<i32>} : memref<16x8x64xf32, #tpu.memory_space<vmem>>, vector<16xf32>,
      %add3A_3990 = arith.constant 0 : i32
      %add3A_3991 = arith.addi %squeeze3A_3979, %add3A_3990 : i32
      %get3A_3992 = arith.constant 25 : i32
      %get3A_3993 = arith.index_cast %get3A_3992 : i32 to index
      %get3A_3994 = arith.index_cast %add3A_3991 : i32 to index
      %get3A_3995 = tpu.vector_load %arg16[%get3A_3993, %get3A_3994] {strides = array<i32>} : memref<32x128xf32, #tpu.memory_space<vmem>>, vector<16xf32>,
      %add3A_3996 = arith.addf %get3A_3984, %get3A_3995 : vector<16xf32>
      %sub3A_3997 = arith.subf %add3A_3996, %get3A_3989 : vector<16xf32>
      %mul3A_3998 = arith.mulf %sub3A_3997, %sub3A_3997 : vector<16xf32>
      %add3A_3999 = arith.addf %broadcast_in_dim3A_3, %mul3A_3998 : vector<16xf32>
      %get3A_4000 = arith.constant 9 : i32
      %get3A_4001 = arith.index_cast %get3A_4000 : i32 to index
      %get3A_4002 = arith.index_cast %squeeze3A_3975 : i32 to index
      %get3A_4003 = arith.constant 16 : index
      %get3A_4004 = tpu.vector_load %arg14[%get3A_4001, %get3A_4002, %get3A_4003] {strides = array<i32>} : memref<16x8x64xf32, #tpu.memory_space<vmem>>, vector<16xf32>,
      %get3A_4005 = arith.constant 9 : i32
      %get3A_4006 = arith.index_cast %get3A_4005 : i32 to index
      %get3A_4007 = arith.index_cast %squeeze3A_3977 : i32 to index
      %get3A_4008 = arith.constant 16 : index
      %get3A_4009 = tpu.vector_load %arg15[%get3A_4006, %get3A_4007, %get3A_4008] {strides = array<i32>} : memref<16x8x64xf32, #tpu.memory_space<vmem>>, vector<16xf32>,
      %add3A_4010 = arith.constant 16 : i32
      %add3A_4011 = arith.addi %squeeze3A_3979, %add3A_4010 : i32
      %get3A_4012 = arith.constant 25 : i32
      %get3A_4013 = arith.index_cast %get3A_4012 : i32 to index
      %get3A_4014 = arith.index_cast %add3A_4011 : i32 to index
      %get3A_4015 = tpu.vector_load %arg16[%get3A_4013, %get3A_4014] {strides = array<i32>} : memref<32x128xf32, #tpu.memory_space<vmem>>, vector<16xf32>,
      %add3A_4016 = arith.addf %get3A_4004, %get3A_4015 : vector<16xf32>
      %sub3A_4017 = arith.subf %add3A_4016, %get3A_4009 : vector<16xf32>
      %mul3A_4018 = arith.mulf %sub3A_4017, %sub3A_4017 : vector<16xf32>
      %add3A_4019 = arith.addf %add3A_3999, %mul3A_4018 : vector<16xf32>
      %get3A_4020 = arith.constant 9 : i32
      %get3A_4021 = arith.index_cast %get3A_4020 : i32 to index
      %get3A_4022 = arith.index_cast %squeeze3A_3975 : i32 to index
      %get3A_4023 = arith.constant 32 : index
      %get3A_4024 = tpu.vector_load %arg14[%get3A_4021, %get3A_4022, %get3A_4023] {strides = array<i32>} : memref<16x8x64xf32, #tpu.memory_space<vmem>>, vector<16xf32>,
      %get3A_4025 = arith.constant 9 : i32
      %get3A_4026 = arith.index_cast %get3A_4025 : i32 to index
      %get3A_4027 = arith.index_cast %squeeze3A_3977 : i32 to index
      %get3A_4028 = arith.constant 32 : index
      %get3A_4029 = tpu.vector_load %arg15[%get3A_4026, %get3A_4027, %get3A_4028] {strides = array<i32>} : memref<16x8x64xf32, #tpu.memory_space<vmem>>, vector<16xf32>,
      %add3A_4030 = arith.constant 32 : i32
      %add3A_4031 = arith.addi %squeeze3A_3979, %add3A_4030 : i32
      %get3A_4032 = arith.constant 25 : i32
      %get3A_4033 = arith.index_cast %get3A_4032 : i32 to index
      %get3A_4034 = arith.index_cast %add3A_4031 : i32 to index
      %get3A_4035 = tpu.vector_load %arg16[%get3A_4033, %get3A_4034] {strides = array<i32>} : memref<32x128xf32, #tpu.memory_space<vmem>>, vector<16xf32>,
      %add3A_4036 = arith.addf %get3A_4024, %get3A_4035 : vector<16xf32>
      %sub3A_4037 = arith.subf %add3A_4036, %get3A_4029 : vector<16xf32>
      %mul3A_4038 = arith.mulf %sub3A_4037, %sub3A_4037 : vector<16xf32>
      %add3A_4039 = arith.addf %add3A_4019, %mul3A_4038 : vector<16xf32>
      %get3A_4040 = arith.constant 9 : i32
      %get3A_4041 = arith.index_cast %get3A_4040 : i32 to index
      %get3A_4042 = arith.index_cast %squeeze3A_3975 : i32 to index
      %get3A_4043 = arith.constant 48 : index
      %get3A_4044 = tpu.vector_load %arg14[%get3A_4041, %get3A_4042, %get3A_4043] {strides = array<i32>} : memref<16x8x64xf32, #tpu.memory_space<vmem>>, vector<16xf32>,
      %get3A_4045 = arith.constant 9 : i32
      %get3A_4046 = arith.index_cast %get3A_4045 : i32 to index
      %get3A_4047 = arith.index_cast %squeeze3A_3977 : i32 to index
      %get3A_4048 = arith.constant 48 : index
      %get3A_4049 = tpu.vector_load %arg15[%get3A_4046, %get3A_4047, %get3A_4048] {strides = array<i32>} : memref<16x8x64xf32, #tpu.memory_space<vmem>>, vector<16xf32>,
      %add3A_4050 = arith.constant 48 : i32
      %add3A_4051 = arith.addi %squeeze3A_3979, %add3A_4050 : i32
      %get3A_4052 = arith.constant 25 : i32
      %get3A_4053 = arith.index_cast %get3A_4052 : i32 to index
      %get3A_4054 = arith.index_cast %add3A_4051 : i32 to index
      %get3A_4055 = tpu.vector_load %arg16[%get3A_4053, %get3A_4054] {strides = array<i32>} : memref<32x128xf32, #tpu.memory_space<vmem>>, vector<16xf32>,
      %add3A_4056 = arith.addf %get3A_4044, %get3A_4055 : vector<16xf32>
      %sub3A_4057 = arith.subf %add3A_4056, %get3A_4049 : vector<16xf32>
      %mul3A_4058 = arith.mulf %sub3A_4057, %sub3A_4057 : vector<16xf32>
      %add3A_4059 = arith.addf %add3A_4039, %mul3A_4058 : vector<16xf32>
      %reduce_sum3A_4060 = arith.constant true
      %reduce_sum3A_4061 = vector.broadcast %reduce_sum3A_4060 : i1 to vector<16xi1>
      %reduce_sum3A_4062 = tpu.scan <sum>, %add3A_4059 masked %reduce_sum3A_4061 : vector<16xf32>, vector<16xi1> -> vector<16xf32>
      %reduce_sum3A_4063 = vector.extract %reduce_sum3A_4062[15] : f32 from vector<16xf32>
      %eq3A_4064 = arith.constant 9 : i32
      %eq3A_4065 = vector.broadcast %eq3A_4064 : i32 to vector<16xi32>
      %eq3A_4066 = arith.cmpi eq, %iota3A, %eq3A_4065 : vector<16xi32>
      %broadcast_in_dim3A_4067 = vector.broadcast %reduce_sum3A_4063 : f32 to vector<16xf32>
      %select_n3A_4068 = arith.select %eq3A_4066, %broadcast_in_dim3A_4067, %select_n3A_3973 : vector<16xi1>, vector<16xf32>
      %slice3A_4069 = vector.extract_strided_slice %and3A_3109 {offsets = [10], sizes = [1], strides = [1]} : vector<16xi32> to vector<1xi32>
      %squeeze3A_4070 = vector.extract %slice3A_4069[0] : i32 from vector<1xi32>
      %slice3A_4071 = vector.extract_strided_slice %and3A_3112 {offsets = [10], sizes = [1], strides = [1]} : vector<16xi32> to vector<1xi32>
      %squeeze3A_4072 = vector.extract %slice3A_4071[0] : i32 from vector<1xi32>
      %slice3A_4073 = vector.extract_strided_slice %mul3A_3118 {offsets = [10], sizes = [1], strides = [1]} : vector<16xi32> to vector<1xi32>
      %squeeze3A_4074 = vector.extract %slice3A_4073[0] : i32 from vector<1xi32>
      %get3A_4075 = arith.constant 10 : i32
      %get3A_4076 = arith.index_cast %get3A_4075 : i32 to index
      %get3A_4077 = arith.index_cast %squeeze3A_4070 : i32 to index
      %get3A_4078 = arith.constant 0 : index
      %get3A_4079 = tpu.vector_load %arg14[%get3A_4076, %get3A_4077, %get3A_4078] {strides = array<i32>} : memref<16x8x64xf32, #tpu.memory_space<vmem>>, vector<16xf32>,
      %get3A_4080 = arith.constant 10 : i32
      %get3A_4081 = arith.index_cast %get3A_4080 : i32 to index
      %get3A_4082 = arith.index_cast %squeeze3A_4072 : i32 to index
      %get3A_4083 = arith.constant 0 : index
      %get3A_4084 = tpu.vector_load %arg15[%get3A_4081, %get3A_4082, %get3A_4083] {strides = array<i32>} : memref<16x8x64xf32, #tpu.memory_space<vmem>>, vector<16xf32>,
      %add3A_4085 = arith.constant 0 : i32
      %add3A_4086 = arith.addi %squeeze3A_4074, %add3A_4085 : i32
      %get3A_4087 = arith.constant 26 : i32
      %get3A_4088 = arith.index_cast %get3A_4087 : i32 to index
      %get3A_4089 = arith.index_cast %add3A_4086 : i32 to index
      %get3A_4090 = tpu.vector_load %arg16[%get3A_4088, %get3A_4089] {strides = array<i32>} : memref<32x128xf32, #tpu.memory_space<vmem>>, vector<16xf32>,
      %add3A_4091 = arith.addf %get3A_4079, %get3A_4090 : vector<16xf32>
      %sub3A_4092 = arith.subf %add3A_4091, %get3A_4084 : vector<16xf32>
      %mul3A_4093 = arith.mulf %sub3A_4092, %sub3A_4092 : vector<16xf32>
      %add3A_4094 = arith.addf %broadcast_in_dim3A_3, %mul3A_4093 : vector<16xf32>
      %get3A_4095 = arith.constant 10 : i32
      %get3A_4096 = arith.index_cast %get3A_4095 : i32 to index
      %get3A_4097 = arith.index_cast %squeeze3A_4070 : i32 to index
      %get3A_4098 = arith.constant 16 : index
      %get3A_4099 = tpu.vector_load %arg14[%get3A_4096, %get3A_4097, %get3A_4098] {strides = array<i32>} : memref<16x8x64xf32, #tpu.memory_space<vmem>>, vector<16xf32>,
      %get3A_4100 = arith.constant 10 : i32
      %get3A_4101 = arith.index_cast %get3A_4100 : i32 to index
      %get3A_4102 = arith.index_cast %squeeze3A_4072 : i32 to index
      %get3A_4103 = arith.constant 16 : index
      %get3A_4104 = tpu.vector_load %arg15[%get3A_4101, %get3A_4102, %get3A_4103] {strides = array<i32>} : memref<16x8x64xf32, #tpu.memory_space<vmem>>, vector<16xf32>,
      %add3A_4105 = arith.constant 16 : i32
      %add3A_4106 = arith.addi %squeeze3A_4074, %add3A_4105 : i32
      %get3A_4107 = arith.constant 26 : i32
      %get3A_4108 = arith.index_cast %get3A_4107 : i32 to index
      %get3A_4109 = arith.index_cast %add3A_4106 : i32 to index
      %get3A_4110 = tpu.vector_load %arg16[%get3A_4108, %get3A_4109] {strides = array<i32>} : memref<32x128xf32, #tpu.memory_space<vmem>>, vector<16xf32>,
      %add3A_4111 = arith.addf %get3A_4099, %get3A_4110 : vector<16xf32>
      %sub3A_4112 = arith.subf %add3A_4111, %get3A_4104 : vector<16xf32>
      %mul3A_4113 = arith.mulf %sub3A_4112, %sub3A_4112 : vector<16xf32>
      %add3A_4114 = arith.addf %add3A_4094, %mul3A_4113 : vector<16xf32>
      %get3A_4115 = arith.constant 10 : i32
      %get3A_4116 = arith.index_cast %get3A_4115 : i32 to index
      %get3A_4117 = arith.index_cast %squeeze3A_4070 : i32 to index
      %get3A_4118 = arith.constant 32 : index
      %get3A_4119 = tpu.vector_load %arg14[%get3A_4116, %get3A_4117, %get3A_4118] {strides = array<i32>} : memref<16x8x64xf32, #tpu.memory_space<vmem>>, vector<16xf32>,
      %get3A_4120 = arith.constant 10 : i32
      %get3A_4121 = arith.index_cast %get3A_4120 : i32 to index
      %get3A_4122 = arith.index_cast %squeeze3A_4072 : i32 to index
      %get3A_4123 = arith.constant 32 : index
      %get3A_4124 = tpu.vector_load %arg15[%get3A_4121, %get3A_4122, %get3A_4123] {strides = array<i32>} : memref<16x8x64xf32, #tpu.memory_space<vmem>>, vector<16xf32>,
      %add3A_4125 = arith.constant 32 : i32
      %add3A_4126 = arith.addi %squeeze3A_4074, %add3A_4125 : i32
      %get3A_4127 = arith.constant 26 : i32
      %get3A_4128 = arith.index_cast %get3A_4127 : i32 to index
      %get3A_4129 = arith.index_cast %add3A_4126 : i32 to index
      %get3A_4130 = tpu.vector_load %arg16[%get3A_4128, %get3A_4129] {strides = array<i32>} : memref<32x128xf32, #tpu.memory_space<vmem>>, vector<16xf32>,
      %add3A_4131 = arith.addf %get3A_4119, %get3A_4130 : vector<16xf32>
      %sub3A_4132 = arith.subf %add3A_4131, %get3A_4124 : vector<16xf32>
      %mul3A_4133 = arith.mulf %sub3A_4132, %sub3A_4132 : vector<16xf32>
      %add3A_4134 = arith.addf %add3A_4114, %mul3A_4133 : vector<16xf32>
      %get3A_4135 = arith.constant 10 : i32
      %get3A_4136 = arith.index_cast %get3A_4135 : i32 to index
      %get3A_4137 = arith.index_cast %squeeze3A_4070 : i32 to index
      %get3A_4138 = arith.constant 48 : index
      %get3A_4139 = tpu.vector_load %arg14[%get3A_4136, %get3A_4137, %get3A_4138] {strides = array<i32>} : memref<16x8x64xf32, #tpu.memory_space<vmem>>, vector<16xf32>,
      %get3A_4140 = arith.constant 10 : i32
      %get3A_4141 = arith.index_cast %get3A_4140 : i32 to index
      %get3A_4142 = arith.index_cast %squeeze3A_4072 : i32 to index
      %get3A_4143 = arith.constant 48 : index
      %get3A_4144 = tpu.vector_load %arg15[%get3A_4141, %get3A_4142, %get3A_4143] {strides = array<i32>} : memref<16x8x64xf32, #tpu.memory_space<vmem>>, vector<16xf32>,
      %add3A_4145 = arith.constant 48 : i32
      %add3A_4146 = arith.addi %squeeze3A_4074, %add3A_4145 : i32
      %get3A_4147 = arith.constant 26 : i32
      %get3A_4148 = arith.index_cast %get3A_4147 : i32 to index
      %get3A_4149 = arith.index_cast %add3A_4146 : i32 to index
      %get3A_4150 = tpu.vector_load %arg16[%get3A_4148, %get3A_4149] {strides = array<i32>} : memref<32x128xf32, #tpu.memory_space<vmem>>, vector<16xf32>,
      %add3A_4151 = arith.addf %get3A_4139, %get3A_4150 : vector<16xf32>
      %sub3A_4152 = arith.subf %add3A_4151, %get3A_4144 : vector<16xf32>
      %mul3A_4153 = arith.mulf %sub3A_4152, %sub3A_4152 : vector<16xf32>
      %add3A_4154 = arith.addf %add3A_4134, %mul3A_4153 : vector<16xf32>
      %reduce_sum3A_4155 = arith.constant true
      %reduce_sum3A_4156 = vector.broadcast %reduce_sum3A_4155 : i1 to vector<16xi1>
      %reduce_sum3A_4157 = tpu.scan <sum>, %add3A_4154 masked %reduce_sum3A_4156 : vector<16xf32>, vector<16xi1> -> vector<16xf32>
      %reduce_sum3A_4158 = vector.extract %reduce_sum3A_4157[15] : f32 from vector<16xf32>
      %eq3A_4159 = arith.constant 10 : i32
      %eq3A_4160 = vector.broadcast %eq3A_4159 : i32 to vector<16xi32>
      %eq3A_4161 = arith.cmpi eq, %iota3A, %eq3A_4160 : vector<16xi32>
      %broadcast_in_dim3A_4162 = vector.broadcast %reduce_sum3A_4158 : f32 to vector<16xf32>
      %select_n3A_4163 = arith.select %eq3A_4161, %broadcast_in_dim3A_4162, %select_n3A_4068 : vector<16xi1>, vector<16xf32>
      %slice3A_4164 = vector.extract_strided_slice %and3A_3109 {offsets = [11], sizes = [1], strides = [1]} : vector<16xi32> to vector<1xi32>
      %squeeze3A_4165 = vector.extract %slice3A_4164[0] : i32 from vector<1xi32>
      %slice3A_4166 = vector.extract_strided_slice %and3A_3112 {offsets = [11], sizes = [1], strides = [1]} : vector<16xi32> to vector<1xi32>
      %squeeze3A_4167 = vector.extract %slice3A_4166[0] : i32 from vector<1xi32>
      %slice3A_4168 = vector.extract_strided_slice %mul3A_3118 {offsets = [11], sizes = [1], strides = [1]} : vector<16xi32> to vector<1xi32>
      %squeeze3A_4169 = vector.extract %slice3A_4168[0] : i32 from vector<1xi32>
      %get3A_4170 = arith.constant 11 : i32
      %get3A_4171 = arith.index_cast %get3A_4170 : i32 to index
      %get3A_4172 = arith.index_cast %squeeze3A_4165 : i32 to index
      %get3A_4173 = arith.constant 0 : index
      %get3A_4174 = tpu.vector_load %arg14[%get3A_4171, %get3A_4172, %get3A_4173] {strides = array<i32>} : memref<16x8x64xf32, #tpu.memory_space<vmem>>, vector<16xf32>,
      %get3A_4175 = arith.constant 11 : i32
      %get3A_4176 = arith.index_cast %get3A_4175 : i32 to index
      %get3A_4177 = arith.index_cast %squeeze3A_4167 : i32 to index
      %get3A_4178 = arith.constant 0 : index
      %get3A_4179 = tpu.vector_load %arg15[%get3A_4176, %get3A_4177, %get3A_4178] {strides = array<i32>} : memref<16x8x64xf32, #tpu.memory_space<vmem>>, vector<16xf32>,
      %add3A_4180 = arith.constant 0 : i32
      %add3A_4181 = arith.addi %squeeze3A_4169, %add3A_4180 : i32
      %get3A_4182 = arith.constant 27 : i32
      %get3A_4183 = arith.index_cast %get3A_4182 : i32 to index
      %get3A_4184 = arith.index_cast %add3A_4181 : i32 to index
      %get3A_4185 = tpu.vector_load %arg16[%get3A_4183, %get3A_4184] {strides = array<i32>} : memref<32x128xf32, #tpu.memory_space<vmem>>, vector<16xf32>,
      %add3A_4186 = arith.addf %get3A_4174, %get3A_4185 : vector<16xf32>
      %sub3A_4187 = arith.subf %add3A_4186, %get3A_4179 : vector<16xf32>
      %mul3A_4188 = arith.mulf %sub3A_4187, %sub3A_4187 : vector<16xf32>
      %add3A_4189 = arith.addf %broadcast_in_dim3A_3, %mul3A_4188 : vector<16xf32>
      %get3A_4190 = arith.constant 11 : i32
      %get3A_4191 = arith.index_cast %get3A_4190 : i32 to index
      %get3A_4192 = arith.index_cast %squeeze3A_4165 : i32 to index
      %get3A_4193 = arith.constant 16 : index
      %get3A_4194 = tpu.vector_load %arg14[%get3A_4191, %get3A_4192, %get3A_4193] {strides = array<i32>} : memref<16x8x64xf32, #tpu.memory_space<vmem>>, vector<16xf32>,
      %get3A_4195 = arith.constant 11 : i32
      %get3A_4196 = arith.index_cast %get3A_4195 : i32 to index
      %get3A_4197 = arith.index_cast %squeeze3A_4167 : i32 to index
      %get3A_4198 = arith.constant 16 : index
      %get3A_4199 = tpu.vector_load %arg15[%get3A_4196, %get3A_4197, %get3A_4198] {strides = array<i32>} : memref<16x8x64xf32, #tpu.memory_space<vmem>>, vector<16xf32>,
      %add3A_4200 = arith.constant 16 : i32
      %add3A_4201 = arith.addi %squeeze3A_4169, %add3A_4200 : i32
      %get3A_4202 = arith.constant 27 : i32
      %get3A_4203 = arith.index_cast %get3A_4202 : i32 to index
      %get3A_4204 = arith.index_cast %add3A_4201 : i32 to index
      %get3A_4205 = tpu.vector_load %arg16[%get3A_4203, %get3A_4204] {strides = array<i32>} : memref<32x128xf32, #tpu.memory_space<vmem>>, vector<16xf32>,
      %add3A_4206 = arith.addf %get3A_4194, %get3A_4205 : vector<16xf32>
      %sub3A_4207 = arith.subf %add3A_4206, %get3A_4199 : vector<16xf32>
      %mul3A_4208 = arith.mulf %sub3A_4207, %sub3A_4207 : vector<16xf32>
      %add3A_4209 = arith.addf %add3A_4189, %mul3A_4208 : vector<16xf32>
      %get3A_4210 = arith.constant 11 : i32
      %get3A_4211 = arith.index_cast %get3A_4210 : i32 to index
      %get3A_4212 = arith.index_cast %squeeze3A_4165 : i32 to index
      %get3A_4213 = arith.constant 32 : index
      %get3A_4214 = tpu.vector_load %arg14[%get3A_4211, %get3A_4212, %get3A_4213] {strides = array<i32>} : memref<16x8x64xf32, #tpu.memory_space<vmem>>, vector<16xf32>,
      %get3A_4215 = arith.constant 11 : i32
      %get3A_4216 = arith.index_cast %get3A_4215 : i32 to index
      %get3A_4217 = arith.index_cast %squeeze3A_4167 : i32 to index
      %get3A_4218 = arith.constant 32 : index
      %get3A_4219 = tpu.vector_load %arg15[%get3A_4216, %get3A_4217, %get3A_4218] {strides = array<i32>} : memref<16x8x64xf32, #tpu.memory_space<vmem>>, vector<16xf32>,
      %add3A_4220 = arith.constant 32 : i32
      %add3A_4221 = arith.addi %squeeze3A_4169, %add3A_4220 : i32
      %get3A_4222 = arith.constant 27 : i32
      %get3A_4223 = arith.index_cast %get3A_4222 : i32 to index
      %get3A_4224 = arith.index_cast %add3A_4221 : i32 to index
      %get3A_4225 = tpu.vector_load %arg16[%get3A_4223, %get3A_4224] {strides = array<i32>} : memref<32x128xf32, #tpu.memory_space<vmem>>, vector<16xf32>,
      %add3A_4226 = arith.addf %get3A_4214, %get3A_4225 : vector<16xf32>
      %sub3A_4227 = arith.subf %add3A_4226, %get3A_4219 : vector<16xf32>
      %mul3A_4228 = arith.mulf %sub3A_4227, %sub3A_4227 : vector<16xf32>
      %add3A_4229 = arith.addf %add3A_4209, %mul3A_4228 : vector<16xf32>
      %get3A_4230 = arith.constant 11 : i32
      %get3A_4231 = arith.index_cast %get3A_4230 : i32 to index
      %get3A_4232 = arith.index_cast %squeeze3A_4165 : i32 to index
      %get3A_4233 = arith.constant 48 : index
      %get3A_4234 = tpu.vector_load %arg14[%get3A_4231, %get3A_4232, %get3A_4233] {strides = array<i32>} : memref<16x8x64xf32, #tpu.memory_space<vmem>>, vector<16xf32>,
      %get3A_4235 = arith.constant 11 : i32
      %get3A_4236 = arith.index_cast %get3A_4235 : i32 to index
      %get3A_4237 = arith.index_cast %squeeze3A_4167 : i32 to index
      %get3A_4238 = arith.constant 48 : index
      %get3A_4239 = tpu.vector_load %arg15[%get3A_4236, %get3A_4237, %get3A_4238] {strides = array<i32>} : memref<16x8x64xf32, #tpu.memory_space<vmem>>, vector<16xf32>,
      %add3A_4240 = arith.constant 48 : i32
      %add3A_4241 = arith.addi %squeeze3A_4169, %add3A_4240 : i32
      %get3A_4242 = arith.constant 27 : i32
      %get3A_4243 = arith.index_cast %get3A_4242 : i32 to index
      %get3A_4244 = arith.index_cast %add3A_4241 : i32 to index
      %get3A_4245 = tpu.vector_load %arg16[%get3A_4243, %get3A_4244] {strides = array<i32>} : memref<32x128xf32, #tpu.memory_space<vmem>>, vector<16xf32>,
      %add3A_4246 = arith.addf %get3A_4234, %get3A_4245 : vector<16xf32>
      %sub3A_4247 = arith.subf %add3A_4246, %get3A_4239 : vector<16xf32>
      %mul3A_4248 = arith.mulf %sub3A_4247, %sub3A_4247 : vector<16xf32>
      %add3A_4249 = arith.addf %add3A_4229, %mul3A_4248 : vector<16xf32>
      %reduce_sum3A_4250 = arith.constant true
      %reduce_sum3A_4251 = vector.broadcast %reduce_sum3A_4250 : i1 to vector<16xi1>
      %reduce_sum3A_4252 = tpu.scan <sum>, %add3A_4249 masked %reduce_sum3A_4251 : vector<16xf32>, vector<16xi1> -> vector<16xf32>
      %reduce_sum3A_4253 = vector.extract %reduce_sum3A_4252[15] : f32 from vector<16xf32>
      %eq3A_4254 = arith.constant 11 : i32
      %eq3A_4255 = vector.broadcast %eq3A_4254 : i32 to vector<16xi32>
      %eq3A_4256 = arith.cmpi eq, %iota3A, %eq3A_4255 : vector<16xi32>
      %broadcast_in_dim3A_4257 = vector.broadcast %reduce_sum3A_4253 : f32 to vector<16xf32>
      %select_n3A_4258 = arith.select %eq3A_4256, %broadcast_in_dim3A_4257, %select_n3A_4163 : vector<16xi1>, vector<16xf32>
      %slice3A_4259 = vector.extract_strided_slice %and3A_3109 {offsets = [12], sizes = [1], strides = [1]} : vector<16xi32> to vector<1xi32>
      %squeeze3A_4260 = vector.extract %slice3A_4259[0] : i32 from vector<1xi32>
      %slice3A_4261 = vector.extract_strided_slice %and3A_3112 {offsets = [12], sizes = [1], strides = [1]} : vector<16xi32> to vector<1xi32>
      %squeeze3A_4262 = vector.extract %slice3A_4261[0] : i32 from vector<1xi32>
      %slice3A_4263 = vector.extract_strided_slice %mul3A_3118 {offsets = [12], sizes = [1], strides = [1]} : vector<16xi32> to vector<1xi32>
      %squeeze3A_4264 = vector.extract %slice3A_4263[0] : i32 from vector<1xi32>
      %get3A_4265 = arith.constant 12 : i32
      %get3A_4266 = arith.index_cast %get3A_4265 : i32 to index
      %get3A_4267 = arith.index_cast %squeeze3A_4260 : i32 to index
      %get3A_4268 = arith.constant 0 : index
      %get3A_4269 = tpu.vector_load %arg14[%get3A_4266, %get3A_4267, %get3A_4268] {strides = array<i32>} : memref<16x8x64xf32, #tpu.memory_space<vmem>>, vector<16xf32>,
      %get3A_4270 = arith.constant 12 : i32
      %get3A_4271 = arith.index_cast %get3A_4270 : i32 to index
      %get3A_4272 = arith.index_cast %squeeze3A_4262 : i32 to index
      %get3A_4273 = arith.constant 0 : index
      %get3A_4274 = tpu.vector_load %arg15[%get3A_4271, %get3A_4272, %get3A_4273] {strides = array<i32>} : memref<16x8x64xf32, #tpu.memory_space<vmem>>, vector<16xf32>,
      %add3A_4275 = arith.constant 0 : i32
      %add3A_4276 = arith.addi %squeeze3A_4264, %add3A_4275 : i32
      %get3A_4277 = arith.constant 28 : i32
      %get3A_4278 = arith.index_cast %get3A_4277 : i32 to index
      %get3A_4279 = arith.index_cast %add3A_4276 : i32 to index
      %get3A_4280 = tpu.vector_load %arg16[%get3A_4278, %get3A_4279] {strides = array<i32>} : memref<32x128xf32, #tpu.memory_space<vmem>>, vector<16xf32>,
      %add3A_4281 = arith.addf %get3A_4269, %get3A_4280 : vector<16xf32>
      %sub3A_4282 = arith.subf %add3A_4281, %get3A_4274 : vector<16xf32>
      %mul3A_4283 = arith.mulf %sub3A_4282, %sub3A_4282 : vector<16xf32>
      %add3A_4284 = arith.addf %broadcast_in_dim3A_3, %mul3A_4283 : vector<16xf32>
      %get3A_4285 = arith.constant 12 : i32
      %get3A_4286 = arith.index_cast %get3A_4285 : i32 to index
      %get3A_4287 = arith.index_cast %squeeze3A_4260 : i32 to index
      %get3A_4288 = arith.constant 16 : index
      %get3A_4289 = tpu.vector_load %arg14[%get3A_4286, %get3A_4287, %get3A_4288] {strides = array<i32>} : memref<16x8x64xf32, #tpu.memory_space<vmem>>, vector<16xf32>,
      %get3A_4290 = arith.constant 12 : i32
      %get3A_4291 = arith.index_cast %get3A_4290 : i32 to index
      %get3A_4292 = arith.index_cast %squeeze3A_4262 : i32 to index
      %get3A_4293 = arith.constant 16 : index
      %get3A_4294 = tpu.vector_load %arg15[%get3A_4291, %get3A_4292, %get3A_4293] {strides = array<i32>} : memref<16x8x64xf32, #tpu.memory_space<vmem>>, vector<16xf32>,
      %add3A_4295 = arith.constant 16 : i32
      %add3A_4296 = arith.addi %squeeze3A_4264, %add3A_4295 : i32
      %get3A_4297 = arith.constant 28 : i32
      %get3A_4298 = arith.index_cast %get3A_4297 : i32 to index
      %get3A_4299 = arith.index_cast %add3A_4296 : i32 to index
      %get3A_4300 = tpu.vector_load %arg16[%get3A_4298, %get3A_4299] {strides = array<i32>} : memref<32x128xf32, #tpu.memory_space<vmem>>, vector<16xf32>,
      %add3A_4301 = arith.addf %get3A_4289, %get3A_4300 : vector<16xf32>
      %sub3A_4302 = arith.subf %add3A_4301, %get3A_4294 : vector<16xf32>
      %mul3A_4303 = arith.mulf %sub3A_4302, %sub3A_4302 : vector<16xf32>
      %add3A_4304 = arith.addf %add3A_4284, %mul3A_4303 : vector<16xf32>
      %get3A_4305 = arith.constant 12 : i32
      %get3A_4306 = arith.index_cast %get3A_4305 : i32 to index
      %get3A_4307 = arith.index_cast %squeeze3A_4260 : i32 to index
      %get3A_4308 = arith.constant 32 : index
      %get3A_4309 = tpu.vector_load %arg14[%get3A_4306, %get3A_4307, %get3A_4308] {strides = array<i32>} : memref<16x8x64xf32, #tpu.memory_space<vmem>>, vector<16xf32>,
      %get3A_4310 = arith.constant 12 : i32
      %get3A_4311 = arith.index_cast %get3A_4310 : i32 to index
      %get3A_4312 = arith.index_cast %squeeze3A_4262 : i32 to index
      %get3A_4313 = arith.constant 32 : index
      %get3A_4314 = tpu.vector_load %arg15[%get3A_4311, %get3A_4312, %get3A_4313] {strides = array<i32>} : memref<16x8x64xf32, #tpu.memory_space<vmem>>, vector<16xf32>,
      %add3A_4315 = arith.constant 32 : i32
      %add3A_4316 = arith.addi %squeeze3A_4264, %add3A_4315 : i32
      %get3A_4317 = arith.constant 28 : i32
      %get3A_4318 = arith.index_cast %get3A_4317 : i32 to index
      %get3A_4319 = arith.index_cast %add3A_4316 : i32 to index
      %get3A_4320 = tpu.vector_load %arg16[%get3A_4318, %get3A_4319] {strides = array<i32>} : memref<32x128xf32, #tpu.memory_space<vmem>>, vector<16xf32>,
      %add3A_4321 = arith.addf %get3A_4309, %get3A_4320 : vector<16xf32>
      %sub3A_4322 = arith.subf %add3A_4321, %get3A_4314 : vector<16xf32>
      %mul3A_4323 = arith.mulf %sub3A_4322, %sub3A_4322 : vector<16xf32>
      %add3A_4324 = arith.addf %add3A_4304, %mul3A_4323 : vector<16xf32>
      %get3A_4325 = arith.constant 12 : i32
      %get3A_4326 = arith.index_cast %get3A_4325 : i32 to index
      %get3A_4327 = arith.index_cast %squeeze3A_4260 : i32 to index
      %get3A_4328 = arith.constant 48 : index
      %get3A_4329 = tpu.vector_load %arg14[%get3A_4326, %get3A_4327, %get3A_4328] {strides = array<i32>} : memref<16x8x64xf32, #tpu.memory_space<vmem>>, vector<16xf32>,
      %get3A_4330 = arith.constant 12 : i32
      %get3A_4331 = arith.index_cast %get3A_4330 : i32 to index
      %get3A_4332 = arith.index_cast %squeeze3A_4262 : i32 to index
      %get3A_4333 = arith.constant 48 : index
      %get3A_4334 = tpu.vector_load %arg15[%get3A_4331, %get3A_4332, %get3A_4333] {strides = array<i32>} : memref<16x8x64xf32, #tpu.memory_space<vmem>>, vector<16xf32>,
      %add3A_4335 = arith.constant 48 : i32
      %add3A_4336 = arith.addi %squeeze3A_4264, %add3A_4335 : i32
      %get3A_4337 = arith.constant 28 : i32
      %get3A_4338 = arith.index_cast %get3A_4337 : i32 to index
      %get3A_4339 = arith.index_cast %add3A_4336 : i32 to index
      %get3A_4340 = tpu.vector_load %arg16[%get3A_4338, %get3A_4339] {strides = array<i32>} : memref<32x128xf32, #tpu.memory_space<vmem>>, vector<16xf32>,
      %add3A_4341 = arith.addf %get3A_4329, %get3A_4340 : vector<16xf32>
      %sub3A_4342 = arith.subf %add3A_4341, %get3A_4334 : vector<16xf32>
      %mul3A_4343 = arith.mulf %sub3A_4342, %sub3A_4342 : vector<16xf32>
      %add3A_4344 = arith.addf %add3A_4324, %mul3A_4343 : vector<16xf32>
      %reduce_sum3A_4345 = arith.constant true
      %reduce_sum3A_4346 = vector.broadcast %reduce_sum3A_4345 : i1 to vector<16xi1>
      %reduce_sum3A_4347 = tpu.scan <sum>, %add3A_4344 masked %reduce_sum3A_4346 : vector<16xf32>, vector<16xi1> -> vector<16xf32>
      %reduce_sum3A_4348 = vector.extract %reduce_sum3A_4347[15] : f32 from vector<16xf32>
      %eq3A_4349 = arith.constant 12 : i32
      %eq3A_4350 = vector.broadcast %eq3A_4349 : i32 to vector<16xi32>
      %eq3A_4351 = arith.cmpi eq, %iota3A, %eq3A_4350 : vector<16xi32>
      %broadcast_in_dim3A_4352 = vector.broadcast %reduce_sum3A_4348 : f32 to vector<16xf32>
      %select_n3A_4353 = arith.select %eq3A_4351, %broadcast_in_dim3A_4352, %select_n3A_4258 : vector<16xi1>, vector<16xf32>
      %slice3A_4354 = vector.extract_strided_slice %and3A_3109 {offsets = [13], sizes = [1], strides = [1]} : vector<16xi32> to vector<1xi32>
      %squeeze3A_4355 = vector.extract %slice3A_4354[0] : i32 from vector<1xi32>
      %slice3A_4356 = vector.extract_strided_slice %and3A_3112 {offsets = [13], sizes = [1], strides = [1]} : vector<16xi32> to vector<1xi32>
      %squeeze3A_4357 = vector.extract %slice3A_4356[0] : i32 from vector<1xi32>
      %slice3A_4358 = vector.extract_strided_slice %mul3A_3118 {offsets = [13], sizes = [1], strides = [1]} : vector<16xi32> to vector<1xi32>
      %squeeze3A_4359 = vector.extract %slice3A_4358[0] : i32 from vector<1xi32>
      %get3A_4360 = arith.constant 13 : i32
      %get3A_4361 = arith.index_cast %get3A_4360 : i32 to index
      %get3A_4362 = arith.index_cast %squeeze3A_4355 : i32 to index
      %get3A_4363 = arith.constant 0 : index
      %get3A_4364 = tpu.vector_load %arg14[%get3A_4361, %get3A_4362, %get3A_4363] {strides = array<i32>} : memref<16x8x64xf32, #tpu.memory_space<vmem>>, vector<16xf32>,
      %get3A_4365 = arith.constant 13 : i32
      %get3A_4366 = arith.index_cast %get3A_4365 : i32 to index
      %get3A_4367 = arith.index_cast %squeeze3A_4357 : i32 to index
      %get3A_4368 = arith.constant 0 : index
      %get3A_4369 = tpu.vector_load %arg15[%get3A_4366, %get3A_4367, %get3A_4368] {strides = array<i32>} : memref<16x8x64xf32, #tpu.memory_space<vmem>>, vector<16xf32>,
      %add3A_4370 = arith.constant 0 : i32
      %add3A_4371 = arith.addi %squeeze3A_4359, %add3A_4370 : i32
      %get3A_4372 = arith.constant 29 : i32
      %get3A_4373 = arith.index_cast %get3A_4372 : i32 to index
      %get3A_4374 = arith.index_cast %add3A_4371 : i32 to index
      %get3A_4375 = tpu.vector_load %arg16[%get3A_4373, %get3A_4374] {strides = array<i32>} : memref<32x128xf32, #tpu.memory_space<vmem>>, vector<16xf32>,
      %add3A_4376 = arith.addf %get3A_4364, %get3A_4375 : vector<16xf32>
      %sub3A_4377 = arith.subf %add3A_4376, %get3A_4369 : vector<16xf32>
      %mul3A_4378 = arith.mulf %sub3A_4377, %sub3A_4377 : vector<16xf32>
      %add3A_4379 = arith.addf %broadcast_in_dim3A_3, %mul3A_4378 : vector<16xf32>
      %get3A_4380 = arith.constant 13 : i32
      %get3A_4381 = arith.index_cast %get3A_4380 : i32 to index
      %get3A_4382 = arith.index_cast %squeeze3A_4355 : i32 to index
      %get3A_4383 = arith.constant 16 : index
      %get3A_4384 = tpu.vector_load %arg14[%get3A_4381, %get3A_4382, %get3A_4383] {strides = array<i32>} : memref<16x8x64xf32, #tpu.memory_space<vmem>>, vector<16xf32>,
      %get3A_4385 = arith.constant 13 : i32
      %get3A_4386 = arith.index_cast %get3A_4385 : i32 to index
      %get3A_4387 = arith.index_cast %squeeze3A_4357 : i32 to index
      %get3A_4388 = arith.constant 16 : index
      %get3A_4389 = tpu.vector_load %arg15[%get3A_4386, %get3A_4387, %get3A_4388] {strides = array<i32>} : memref<16x8x64xf32, #tpu.memory_space<vmem>>, vector<16xf32>,
      %add3A_4390 = arith.constant 16 : i32
      %add3A_4391 = arith.addi %squeeze3A_4359, %add3A_4390 : i32
      %get3A_4392 = arith.constant 29 : i32
      %get3A_4393 = arith.index_cast %get3A_4392 : i32 to index
      %get3A_4394 = arith.index_cast %add3A_4391 : i32 to index
      %get3A_4395 = tpu.vector_load %arg16[%get3A_4393, %get3A_4394] {strides = array<i32>} : memref<32x128xf32, #tpu.memory_space<vmem>>, vector<16xf32>,
      %add3A_4396 = arith.addf %get3A_4384, %get3A_4395 : vector<16xf32>
      %sub3A_4397 = arith.subf %add3A_4396, %get3A_4389 : vector<16xf32>
      %mul3A_4398 = arith.mulf %sub3A_4397, %sub3A_4397 : vector<16xf32>
      %add3A_4399 = arith.addf %add3A_4379, %mul3A_4398 : vector<16xf32>
      %get3A_4400 = arith.constant 13 : i32
      %get3A_4401 = arith.index_cast %get3A_4400 : i32 to index
      %get3A_4402 = arith.index_cast %squeeze3A_4355 : i32 to index
      %get3A_4403 = arith.constant 32 : index
      %get3A_4404 = tpu.vector_load %arg14[%get3A_4401, %get3A_4402, %get3A_4403] {strides = array<i32>} : memref<16x8x64xf32, #tpu.memory_space<vmem>>, vector<16xf32>,
      %get3A_4405 = arith.constant 13 : i32
      %get3A_4406 = arith.index_cast %get3A_4405 : i32 to index
      %get3A_4407 = arith.index_cast %squeeze3A_4357 : i32 to index
      %get3A_4408 = arith.constant 32 : index
      %get3A_4409 = tpu.vector_load %arg15[%get3A_4406, %get3A_4407, %get3A_4408] {strides = array<i32>} : memref<16x8x64xf32, #tpu.memory_space<vmem>>, vector<16xf32>,
      %add3A_4410 = arith.constant 32 : i32
      %add3A_4411 = arith.addi %squeeze3A_4359, %add3A_4410 : i32
      %get3A_4412 = arith.constant 29 : i32
      %get3A_4413 = arith.index_cast %get3A_4412 : i32 to index
      %get3A_4414 = arith.index_cast %add3A_4411 : i32 to index
      %get3A_4415 = tpu.vector_load %arg16[%get3A_4413, %get3A_4414] {strides = array<i32>} : memref<32x128xf32, #tpu.memory_space<vmem>>, vector<16xf32>,
      %add3A_4416 = arith.addf %get3A_4404, %get3A_4415 : vector<16xf32>
      %sub3A_4417 = arith.subf %add3A_4416, %get3A_4409 : vector<16xf32>
      %mul3A_4418 = arith.mulf %sub3A_4417, %sub3A_4417 : vector<16xf32>
      %add3A_4419 = arith.addf %add3A_4399, %mul3A_4418 : vector<16xf32>
      %get3A_4420 = arith.constant 13 : i32
      %get3A_4421 = arith.index_cast %get3A_4420 : i32 to index
      %get3A_4422 = arith.index_cast %squeeze3A_4355 : i32 to index
      %get3A_4423 = arith.constant 48 : index
      %get3A_4424 = tpu.vector_load %arg14[%get3A_4421, %get3A_4422, %get3A_4423] {strides = array<i32>} : memref<16x8x64xf32, #tpu.memory_space<vmem>>, vector<16xf32>,
      %get3A_4425 = arith.constant 13 : i32
      %get3A_4426 = arith.index_cast %get3A_4425 : i32 to index
      %get3A_4427 = arith.index_cast %squeeze3A_4357 : i32 to index
      %get3A_4428 = arith.constant 48 : index
      %get3A_4429 = tpu.vector_load %arg15[%get3A_4426, %get3A_4427, %get3A_4428] {strides = array<i32>} : memref<16x8x64xf32, #tpu.memory_space<vmem>>, vector<16xf32>,
      %add3A_4430 = arith.constant 48 : i32
      %add3A_4431 = arith.addi %squeeze3A_4359, %add3A_4430 : i32
      %get3A_4432 = arith.constant 29 : i32
      %get3A_4433 = arith.index_cast %get3A_4432 : i32 to index
      %get3A_4434 = arith.index_cast %add3A_4431 : i32 to index
      %get3A_4435 = tpu.vector_load %arg16[%get3A_4433, %get3A_4434] {strides = array<i32>} : memref<32x128xf32, #tpu.memory_space<vmem>>, vector<16xf32>,
      %add3A_4436 = arith.addf %get3A_4424, %get3A_4435 : vector<16xf32>
      %sub3A_4437 = arith.subf %add3A_4436, %get3A_4429 : vector<16xf32>
      %mul3A_4438 = arith.mulf %sub3A_4437, %sub3A_4437 : vector<16xf32>
      %add3A_4439 = arith.addf %add3A_4419, %mul3A_4438 : vector<16xf32>
      %reduce_sum3A_4440 = arith.constant true
      %reduce_sum3A_4441 = vector.broadcast %reduce_sum3A_4440 : i1 to vector<16xi1>
      %reduce_sum3A_4442 = tpu.scan <sum>, %add3A_4439 masked %reduce_sum3A_4441 : vector<16xf32>, vector<16xi1> -> vector<16xf32>
      %reduce_sum3A_4443 = vector.extract %reduce_sum3A_4442[15] : f32 from vector<16xf32>
      %eq3A_4444 = arith.constant 13 : i32
      %eq3A_4445 = vector.broadcast %eq3A_4444 : i32 to vector<16xi32>
      %eq3A_4446 = arith.cmpi eq, %iota3A, %eq3A_4445 : vector<16xi32>
      %broadcast_in_dim3A_4447 = vector.broadcast %reduce_sum3A_4443 : f32 to vector<16xf32>
      %select_n3A_4448 = arith.select %eq3A_4446, %broadcast_in_dim3A_4447, %select_n3A_4353 : vector<16xi1>, vector<16xf32>
      %slice3A_4449 = vector.extract_strided_slice %and3A_3109 {offsets = [14], sizes = [1], strides = [1]} : vector<16xi32> to vector<1xi32>
      %squeeze3A_4450 = vector.extract %slice3A_4449[0] : i32 from vector<1xi32>
      %slice3A_4451 = vector.extract_strided_slice %and3A_3112 {offsets = [14], sizes = [1], strides = [1]} : vector<16xi32> to vector<1xi32>
      %squeeze3A_4452 = vector.extract %slice3A_4451[0] : i32 from vector<1xi32>
      %slice3A_4453 = vector.extract_strided_slice %mul3A_3118 {offsets = [14], sizes = [1], strides = [1]} : vector<16xi32> to vector<1xi32>
      %squeeze3A_4454 = vector.extract %slice3A_4453[0] : i32 from vector<1xi32>
      %get3A_4455 = arith.constant 14 : i32
      %get3A_4456 = arith.index_cast %get3A_4455 : i32 to index
      %get3A_4457 = arith.index_cast %squeeze3A_4450 : i32 to index
      %get3A_4458 = arith.constant 0 : index
      %get3A_4459 = tpu.vector_load %arg14[%get3A_4456, %get3A_4457, %get3A_4458] {strides = array<i32>} : memref<16x8x64xf32, #tpu.memory_space<vmem>>, vector<16xf32>,
      %get3A_4460 = arith.constant 14 : i32
      %get3A_4461 = arith.index_cast %get3A_4460 : i32 to index
      %get3A_4462 = arith.index_cast %squeeze3A_4452 : i32 to index
      %get3A_4463 = arith.constant 0 : index
      %get3A_4464 = tpu.vector_load %arg15[%get3A_4461, %get3A_4462, %get3A_4463] {strides = array<i32>} : memref<16x8x64xf32, #tpu.memory_space<vmem>>, vector<16xf32>,
      %add3A_4465 = arith.constant 0 : i32
      %add3A_4466 = arith.addi %squeeze3A_4454, %add3A_4465 : i32
      %get3A_4467 = arith.constant 30 : i32
      %get3A_4468 = arith.index_cast %get3A_4467 : i32 to index
      %get3A_4469 = arith.index_cast %add3A_4466 : i32 to index
      %get3A_4470 = tpu.vector_load %arg16[%get3A_4468, %get3A_4469] {strides = array<i32>} : memref<32x128xf32, #tpu.memory_space<vmem>>, vector<16xf32>,
      %add3A_4471 = arith.addf %get3A_4459, %get3A_4470 : vector<16xf32>
      %sub3A_4472 = arith.subf %add3A_4471, %get3A_4464 : vector<16xf32>
      %mul3A_4473 = arith.mulf %sub3A_4472, %sub3A_4472 : vector<16xf32>
      %add3A_4474 = arith.addf %broadcast_in_dim3A_3, %mul3A_4473 : vector<16xf32>
      %get3A_4475 = arith.constant 14 : i32
      %get3A_4476 = arith.index_cast %get3A_4475 : i32 to index
      %get3A_4477 = arith.index_cast %squeeze3A_4450 : i32 to index
      %get3A_4478 = arith.constant 16 : index
      %get3A_4479 = tpu.vector_load %arg14[%get3A_4476, %get3A_4477, %get3A_4478] {strides = array<i32>} : memref<16x8x64xf32, #tpu.memory_space<vmem>>, vector<16xf32>,
      %get3A_4480 = arith.constant 14 : i32
      %get3A_4481 = arith.index_cast %get3A_4480 : i32 to index
      %get3A_4482 = arith.index_cast %squeeze3A_4452 : i32 to index
      %get3A_4483 = arith.constant 16 : index
      %get3A_4484 = tpu.vector_load %arg15[%get3A_4481, %get3A_4482, %get3A_4483] {strides = array<i32>} : memref<16x8x64xf32, #tpu.memory_space<vmem>>, vector<16xf32>,
      %add3A_4485 = arith.constant 16 : i32
      %add3A_4486 = arith.addi %squeeze3A_4454, %add3A_4485 : i32
      %get3A_4487 = arith.constant 30 : i32
      %get3A_4488 = arith.index_cast %get3A_4487 : i32 to index
      %get3A_4489 = arith.index_cast %add3A_4486 : i32 to index
      %get3A_4490 = tpu.vector_load %arg16[%get3A_4488, %get3A_4489] {strides = array<i32>} : memref<32x128xf32, #tpu.memory_space<vmem>>, vector<16xf32>,
      %add3A_4491 = arith.addf %get3A_4479, %get3A_4490 : vector<16xf32>
      %sub3A_4492 = arith.subf %add3A_4491, %get3A_4484 : vector<16xf32>
      %mul3A_4493 = arith.mulf %sub3A_4492, %sub3A_4492 : vector<16xf32>
      %add3A_4494 = arith.addf %add3A_4474, %mul3A_4493 : vector<16xf32>
      %get3A_4495 = arith.constant 14 : i32
      %get3A_4496 = arith.index_cast %get3A_4495 : i32 to index
      %get3A_4497 = arith.index_cast %squeeze3A_4450 : i32 to index
      %get3A_4498 = arith.constant 32 : index
      %get3A_4499 = tpu.vector_load %arg14[%get3A_4496, %get3A_4497, %get3A_4498] {strides = array<i32>} : memref<16x8x64xf32, #tpu.memory_space<vmem>>, vector<16xf32>,
      %get3A_4500 = arith.constant 14 : i32
      %get3A_4501 = arith.index_cast %get3A_4500 : i32 to index
      %get3A_4502 = arith.index_cast %squeeze3A_4452 : i32 to index
      %get3A_4503 = arith.constant 32 : index
      %get3A_4504 = tpu.vector_load %arg15[%get3A_4501, %get3A_4502, %get3A_4503] {strides = array<i32>} : memref<16x8x64xf32, #tpu.memory_space<vmem>>, vector<16xf32>,
      %add3A_4505 = arith.constant 32 : i32
      %add3A_4506 = arith.addi %squeeze3A_4454, %add3A_4505 : i32
      %get3A_4507 = arith.constant 30 : i32
      %get3A_4508 = arith.index_cast %get3A_4507 : i32 to index
      %get3A_4509 = arith.index_cast %add3A_4506 : i32 to index
      %get3A_4510 = tpu.vector_load %arg16[%get3A_4508, %get3A_4509] {strides = array<i32>} : memref<32x128xf32, #tpu.memory_space<vmem>>, vector<16xf32>,
      %add3A_4511 = arith.addf %get3A_4499, %get3A_4510 : vector<16xf32>
      %sub3A_4512 = arith.subf %add3A_4511, %get3A_4504 : vector<16xf32>
      %mul3A_4513 = arith.mulf %sub3A_4512, %sub3A_4512 : vector<16xf32>
      %add3A_4514 = arith.addf %add3A_4494, %mul3A_4513 : vector<16xf32>
      %get3A_4515 = arith.constant 14 : i32
      %get3A_4516 = arith.index_cast %get3A_4515 : i32 to index
      %get3A_4517 = arith.index_cast %squeeze3A_4450 : i32 to index
      %get3A_4518 = arith.constant 48 : index
      %get3A_4519 = tpu.vector_load %arg14[%get3A_4516, %get3A_4517, %get3A_4518] {strides = array<i32>} : memref<16x8x64xf32, #tpu.memory_space<vmem>>, vector<16xf32>,
      %get3A_4520 = arith.constant 14 : i32
      %get3A_4521 = arith.index_cast %get3A_4520 : i32 to index
      %get3A_4522 = arith.index_cast %squeeze3A_4452 : i32 to index
      %get3A_4523 = arith.constant 48 : index
      %get3A_4524 = tpu.vector_load %arg15[%get3A_4521, %get3A_4522, %get3A_4523] {strides = array<i32>} : memref<16x8x64xf32, #tpu.memory_space<vmem>>, vector<16xf32>,
      %add3A_4525 = arith.constant 48 : i32
      %add3A_4526 = arith.addi %squeeze3A_4454, %add3A_4525 : i32
      %get3A_4527 = arith.constant 30 : i32
      %get3A_4528 = arith.index_cast %get3A_4527 : i32 to index
      %get3A_4529 = arith.index_cast %add3A_4526 : i32 to index
      %get3A_4530 = tpu.vector_load %arg16[%get3A_4528, %get3A_4529] {strides = array<i32>} : memref<32x128xf32, #tpu.memory_space<vmem>>, vector<16xf32>,
      %add3A_4531 = arith.addf %get3A_4519, %get3A_4530 : vector<16xf32>
      %sub3A_4532 = arith.subf %add3A_4531, %get3A_4524 : vector<16xf32>
      %mul3A_4533 = arith.mulf %sub3A_4532, %sub3A_4532 : vector<16xf32>
      %add3A_4534 = arith.addf %add3A_4514, %mul3A_4533 : vector<16xf32>
      %reduce_sum3A_4535 = arith.constant true
      %reduce_sum3A_4536 = vector.broadcast %reduce_sum3A_4535 : i1 to vector<16xi1>
      %reduce_sum3A_4537 = tpu.scan <sum>, %add3A_4534 masked %reduce_sum3A_4536 : vector<16xf32>, vector<16xi1> -> vector<16xf32>
      %reduce_sum3A_4538 = vector.extract %reduce_sum3A_4537[15] : f32 from vector<16xf32>
      %eq3A_4539 = arith.constant 14 : i32
      %eq3A_4540 = vector.broadcast %eq3A_4539 : i32 to vector<16xi32>
      %eq3A_4541 = arith.cmpi eq, %iota3A, %eq3A_4540 : vector<16xi32>
      %broadcast_in_dim3A_4542 = vector.broadcast %reduce_sum3A_4538 : f32 to vector<16xf32>
      %select_n3A_4543 = arith.select %eq3A_4541, %broadcast_in_dim3A_4542, %select_n3A_4448 : vector<16xi1>, vector<16xf32>
      %slice3A_4544 = vector.extract_strided_slice %and3A_3109 {offsets = [15], sizes = [1], strides = [1]} : vector<16xi32> to vector<1xi32>
      %squeeze3A_4545 = vector.extract %slice3A_4544[0] : i32 from vector<1xi32>
      %slice3A_4546 = vector.extract_strided_slice %and3A_3112 {offsets = [15], sizes = [1], strides = [1]} : vector<16xi32> to vector<1xi32>
      %squeeze3A_4547 = vector.extract %slice3A_4546[0] : i32 from vector<1xi32>
      %slice3A_4548 = vector.extract_strided_slice %mul3A_3118 {offsets = [15], sizes = [1], strides = [1]} : vector<16xi32> to vector<1xi32>
      %squeeze3A_4549 = vector.extract %slice3A_4548[0] : i32 from vector<1xi32>
      %get3A_4550 = arith.constant 15 : i32
      %get3A_4551 = arith.index_cast %get3A_4550 : i32 to index
      %get3A_4552 = arith.index_cast %squeeze3A_4545 : i32 to index
      %get3A_4553 = arith.constant 0 : index
      %get3A_4554 = tpu.vector_load %arg14[%get3A_4551, %get3A_4552, %get3A_4553] {strides = array<i32>} : memref<16x8x64xf32, #tpu.memory_space<vmem>>, vector<16xf32>,
      %get3A_4555 = arith.constant 15 : i32
      %get3A_4556 = arith.index_cast %get3A_4555 : i32 to index
      %get3A_4557 = arith.index_cast %squeeze3A_4547 : i32 to index
      %get3A_4558 = arith.constant 0 : index
      %get3A_4559 = tpu.vector_load %arg15[%get3A_4556, %get3A_4557, %get3A_4558] {strides = array<i32>} : memref<16x8x64xf32, #tpu.memory_space<vmem>>, vector<16xf32>,
      %add3A_4560 = arith.constant 0 : i32
      %add3A_4561 = arith.addi %squeeze3A_4549, %add3A_4560 : i32
      %get3A_4562 = arith.constant 31 : i32
      %get3A_4563 = arith.index_cast %get3A_4562 : i32 to index
      %get3A_4564 = arith.index_cast %add3A_4561 : i32 to index
      %get3A_4565 = tpu.vector_load %arg16[%get3A_4563, %get3A_4564] {strides = array<i32>} : memref<32x128xf32, #tpu.memory_space<vmem>>, vector<16xf32>,
      %add3A_4566 = arith.addf %get3A_4554, %get3A_4565 : vector<16xf32>
      %sub3A_4567 = arith.subf %add3A_4566, %get3A_4559 : vector<16xf32>
      %mul3A_4568 = arith.mulf %sub3A_4567, %sub3A_4567 : vector<16xf32>
      %add3A_4569 = arith.addf %broadcast_in_dim3A_3, %mul3A_4568 : vector<16xf32>
      %get3A_4570 = arith.constant 15 : i32
      %get3A_4571 = arith.index_cast %get3A_4570 : i32 to index
      %get3A_4572 = arith.index_cast %squeeze3A_4545 : i32 to index
      %get3A_4573 = arith.constant 16 : index
      %get3A_4574 = tpu.vector_load %arg14[%get3A_4571, %get3A_4572, %get3A_4573] {strides = array<i32>} : memref<16x8x64xf32, #tpu.memory_space<vmem>>, vector<16xf32>,
      %get3A_4575 = arith.constant 15 : i32
      %get3A_4576 = arith.index_cast %get3A_4575 : i32 to index
      %get3A_4577 = arith.index_cast %squeeze3A_4547 : i32 to index
      %get3A_4578 = arith.constant 16 : index
      %get3A_4579 = tpu.vector_load %arg15[%get3A_4576, %get3A_4577, %get3A_4578] {strides = array<i32>} : memref<16x8x64xf32, #tpu.memory_space<vmem>>, vector<16xf32>,
      %add3A_4580 = arith.constant 16 : i32
      %add3A_4581 = arith.addi %squeeze3A_4549, %add3A_4580 : i32
      %get3A_4582 = arith.constant 31 : i32
      %get3A_4583 = arith.index_cast %get3A_4582 : i32 to index
      %get3A_4584 = arith.index_cast %add3A_4581 : i32 to index
      %get3A_4585 = tpu.vector_load %arg16[%get3A_4583, %get3A_4584] {strides = array<i32>} : memref<32x128xf32, #tpu.memory_space<vmem>>, vector<16xf32>,
      %add3A_4586 = arith.addf %get3A_4574, %get3A_4585 : vector<16xf32>
      %sub3A_4587 = arith.subf %add3A_4586, %get3A_4579 : vector<16xf32>
      %mul3A_4588 = arith.mulf %sub3A_4587, %sub3A_4587 : vector<16xf32>
      %add3A_4589 = arith.addf %add3A_4569, %mul3A_4588 : vector<16xf32>
      %get3A_4590 = arith.constant 15 : i32
      %get3A_4591 = arith.index_cast %get3A_4590 : i32 to index
      %get3A_4592 = arith.index_cast %squeeze3A_4545 : i32 to index
      %get3A_4593 = arith.constant 32 : index
      %get3A_4594 = tpu.vector_load %arg14[%get3A_4591, %get3A_4592, %get3A_4593] {strides = array<i32>} : memref<16x8x64xf32, #tpu.memory_space<vmem>>, vector<16xf32>,
      %get3A_4595 = arith.constant 15 : i32
      %get3A_4596 = arith.index_cast %get3A_4595 : i32 to index
      %get3A_4597 = arith.index_cast %squeeze3A_4547 : i32 to index
      %get3A_4598 = arith.constant 32 : index
      %get3A_4599 = tpu.vector_load %arg15[%get3A_4596, %get3A_4597, %get3A_4598] {strides = array<i32>} : memref<16x8x64xf32, #tpu.memory_space<vmem>>, vector<16xf32>,
      %add3A_4600 = arith.constant 32 : i32
      %add3A_4601 = arith.addi %squeeze3A_4549, %add3A_4600 : i32
      %get3A_4602 = arith.constant 31 : i32
      %get3A_4603 = arith.index_cast %get3A_4602 : i32 to index
      %get3A_4604 = arith.index_cast %add3A_4601 : i32 to index
      %get3A_4605 = tpu.vector_load %arg16[%get3A_4603, %get3A_4604] {strides = array<i32>} : memref<32x128xf32, #tpu.memory_space<vmem>>, vector<16xf32>,
      %add3A_4606 = arith.addf %get3A_4594, %get3A_4605 : vector<16xf32>
      %sub3A_4607 = arith.subf %add3A_4606, %get3A_4599 : vector<16xf32>
      %mul3A_4608 = arith.mulf %sub3A_4607, %sub3A_4607 : vector<16xf32>
      %add3A_4609 = arith.addf %add3A_4589, %mul3A_4608 : vector<16xf32>
      %get3A_4610 = arith.constant 15 : i32
      %get3A_4611 = arith.index_cast %get3A_4610 : i32 to index
      %get3A_4612 = arith.index_cast %squeeze3A_4545 : i32 to index
      %get3A_4613 = arith.constant 48 : index
      %get3A_4614 = tpu.vector_load %arg14[%get3A_4611, %get3A_4612, %get3A_4613] {strides = array<i32>} : memref<16x8x64xf32, #tpu.memory_space<vmem>>, vector<16xf32>,
      %get3A_4615 = arith.constant 15 : i32
      %get3A_4616 = arith.index_cast %get3A_4615 : i32 to index
      %get3A_4617 = arith.index_cast %squeeze3A_4547 : i32 to index
      %get3A_4618 = arith.constant 48 : index
      %get3A_4619 = tpu.vector_load %arg15[%get3A_4616, %get3A_4617, %get3A_4618] {strides = array<i32>} : memref<16x8x64xf32, #tpu.memory_space<vmem>>, vector<16xf32>,
      %add3A_4620 = arith.constant 48 : i32
      %add3A_4621 = arith.addi %squeeze3A_4549, %add3A_4620 : i32
      %get3A_4622 = arith.constant 31 : i32
      %get3A_4623 = arith.index_cast %get3A_4622 : i32 to index
      %get3A_4624 = arith.index_cast %add3A_4621 : i32 to index
      %get3A_4625 = tpu.vector_load %arg16[%get3A_4623, %get3A_4624] {strides = array<i32>} : memref<32x128xf32, #tpu.memory_space<vmem>>, vector<16xf32>,
      %add3A_4626 = arith.addf %get3A_4614, %get3A_4625 : vector<16xf32>
      %sub3A_4627 = arith.subf %add3A_4626, %get3A_4619 : vector<16xf32>
      %mul3A_4628 = arith.mulf %sub3A_4627, %sub3A_4627 : vector<16xf32>
      %add3A_4629 = arith.addf %add3A_4609, %mul3A_4628 : vector<16xf32>
      %reduce_sum3A_4630 = arith.constant true
      %reduce_sum3A_4631 = vector.broadcast %reduce_sum3A_4630 : i1 to vector<16xi1>
      %reduce_sum3A_4632 = tpu.scan <sum>, %add3A_4629 masked %reduce_sum3A_4631 : vector<16xf32>, vector<16xi1> -> vector<16xf32>
      %reduce_sum3A_4633 = vector.extract %reduce_sum3A_4632[15] : f32 from vector<16xf32>
      %eq3A_4634 = arith.constant 15 : i32
      %eq3A_4635 = vector.broadcast %eq3A_4634 : i32 to vector<16xi32>
      %eq3A_4636 = arith.cmpi eq, %iota3A, %eq3A_4635 : vector<16xi32>
      %broadcast_in_dim3A_4637 = vector.broadcast %reduce_sum3A_4633 : f32 to vector<16xf32>
      %select_n3A_4638 = arith.select %eq3A_4636, %broadcast_in_dim3A_4637, %select_n3A_4543 : vector<16xi1>, vector<16xf32>
      %max3A_4639 = arith.constant 1.000000e-35 : f32
      %max3A_4640 = vector.broadcast %max3A_4639 : f32 to vector<16xf32>
      %max3A_4641 = arith.maximumf %select_n3A_4638, %max3A_4640 : vector<16xf32>
      %bitcast3A_4642 = vector.bitcast %max3A_4641 : vector<16xf32> to vector<16xi32>
      %shift_right_arithmetic3A_4643 = arith.constant 1 : i32
      %shift_right_arithmetic3A_4644 = vector.broadcast %shift_right_arithmetic3A_4643 : i32 to vector<16xi32>
      %shift_right_arithmetic3A_4645 = arith.shrsi %bitcast3A_4642, %shift_right_arithmetic3A_4644 : vector<16xi32>
      %sub3A_4646 = arith.constant 1597463007 : i32
      %sub3A_4647 = vector.broadcast %sub3A_4646 : i32 to vector<16xi32>
      %sub3A_4648 = arith.subi %sub3A_4647, %shift_right_arithmetic3A_4645 : vector<16xi32>
      %bitcast3A_4649 = vector.bitcast %sub3A_4648 : vector<16xi32> to vector<16xf32>
      %mul3A_4650 = arith.constant 5.000000e-01 : f32
      %mul3A_4651 = vector.broadcast %mul3A_4650 : f32 to vector<16xf32>
      %mul3A_4652 = arith.mulf %mul3A_4651, %max3A_4641 : vector<16xf32>
      %mul3A_4653 = arith.mulf %mul3A_4652, %bitcast3A_4649 : vector<16xf32>
      %mul3A_4654 = arith.mulf %mul3A_4653, %bitcast3A_4649 : vector<16xf32>
      %sub3A_4655 = arith.constant 1.500000e+00 : f32
      %sub3A_4656 = vector.broadcast %sub3A_4655 : f32 to vector<16xf32>
      %sub3A_4657 = arith.subf %sub3A_4656, %mul3A_4654 : vector<16xf32>
      %mul3A_4658 = arith.mulf %bitcast3A_4649, %sub3A_4657 : vector<16xf32>
      %mul3A_4659 = arith.mulf %mul3A_4652, %mul3A_4658 : vector<16xf32>
      %mul3A_4660 = arith.mulf %mul3A_4659, %mul3A_4658 : vector<16xf32>
      %sub3A_4661 = arith.constant 1.500000e+00 : f32
      %sub3A_4662 = vector.broadcast %sub3A_4661 : f32 to vector<16xf32>
      %sub3A_4663 = arith.subf %sub3A_4662, %mul3A_4660 : vector<16xf32>
      %mul3A_4664 = arith.mulf %mul3A_4658, %sub3A_4663 : vector<16xf32>
      %mul3A_4665 = arith.mulf %mul3A_4652, %mul3A_4664 : vector<16xf32>
      %mul3A_4666 = arith.mulf %mul3A_4665, %mul3A_4664 : vector<16xf32>
      %sub3A_4667 = arith.constant 1.500000e+00 : f32
      %sub3A_4668 = vector.broadcast %sub3A_4667 : f32 to vector<16xf32>
      %sub3A_4669 = arith.subf %sub3A_4668, %mul3A_4666 : vector<16xf32>
      %mul3A_4670 = arith.mulf %mul3A_4664, %sub3A_4669 : vector<16xf32>
      %mul3A_4671 = arith.mulf %mul3A_4652, %mul3A_4670 : vector<16xf32>
      %mul3A_4672 = arith.mulf %mul3A_4671, %mul3A_4670 : vector<16xf32>
      %sub3A_4673 = arith.constant 1.500000e+00 : f32
      %sub3A_4674 = vector.broadcast %sub3A_4673 : f32 to vector<16xf32>
      %sub3A_4675 = arith.subf %sub3A_4674, %mul3A_4672 : vector<16xf32>
      %mul3A_4676 = arith.mulf %mul3A_4670, %sub3A_4675 : vector<16xf32>
      %mul3A_4677 = arith.mulf %select_n3A_4638, %mul3A_4676 : vector<16xf32>
      %swap3A_4678 = arith.index_cast %add3A_3100 : i32 to index
      %swap3A_4679 = tpu.vector_load %arg17[%swap3A_4678] {strides = array<i32>} : memref<512xf32, #tpu.memory_space<vmem>>, vector<16xf32>,
      tpu.vector_store %arg17[%swap3A_4678], %mul3A_4677 {strides = array<i32>} : memref<512xf32, #tpu.memory_space<vmem>>, vector<16xf32>,
      %scan3A_4680 = arith.constant 0 : i32
      scf.yield %scan3A_4680 : i32
    }
    %scan3A_230 = arith.constant 16 : i32
    "tpu.region"() ({
      %run_scoped3A = tpu.sem_alloc : memref<!tpu.dma_semaphore, #tpu.memory_space<semaphore_mem>>
      %dma_start3A = tpu.memref_slice %arg7[%mul3A_2] : memref<16384xf32, #tpu.memory_space<hbm>> -> memref<512xf32, #tpu.memory_space<hbm>>
      %dma_start3A_231 = tpu.memref_slice %arg7[%mul3A_2] : memref<16384xf32, #tpu.memory_space<hbm>> -> memref<512xf32, #tpu.memory_space<hbm>>
      tpu.enqueue_dma source(%arg17 : memref<512xf32, #tpu.memory_space<vmem>>) target(%dma_start3A_231 : memref<512xf32, #tpu.memory_space<hbm>>) target_semaphore(%run_scoped3A : memref<!tpu.dma_semaphore, #tpu.memory_space<semaphore_mem>>)
      %dma_wait3A = tpu.memref_slice %arg7[%mul3A_2] : memref<16384xf32, #tpu.memory_space<hbm>> -> memref<512xf32, #tpu.memory_space<hbm>>
      %dma_wait3A_232 = tpu.memref_slice %arg7[%mul3A_2] : memref<16384xf32, #tpu.memory_space<hbm>> -> memref<512xf32, #tpu.memory_space<hbm>>
      tpu.wait_dma2 semaphore(%run_scoped3A : memref<!tpu.dma_semaphore, #tpu.memory_space<semaphore_mem>>) src(%arg17 : memref<512xf32, #tpu.memory_space<vmem>>) dst(%dma_wait3A_232 : memref<512xf32, #tpu.memory_space<hbm>>)
      tpu.yield
    }) : () -> ()
    return
  }
}

</mosaic_0001>

<sc_bundles>
// kernel: kernel.3.cloned.1.call-start
scs
__scs_entry_jumppad:
0x0: {  	(pc) =	sbr.rel $0x88, $3  }
0x1: {  	(tag) =	ssettag $0x0;
	lr =	simm.s32 $0x1  }
0x2: {  	[smem:$0x3F9C] =	sst lr;
	_ =	strace $0xD0000000  }
0x3: {  	_ = 	snop  }
0x4: {  	_ = 	snop  }
0x5: {  	_ = 	snop  }
0x6: {  	_ = 	snop  }
0x7: {  	_ = 	snop  }
__scs_overlays_trampoline_lowered:
0x8: {  	[smem:$0x3FAB] =	sst s0  }
0x9: {  	[smem:$0x3FAC] =	sst s1  }
0xa: {  	[smem:$0x3FAD] =	sst s2  }
0xb: {  	[smem:$0x3FAE] =	sst s3  }
0xc: {  	[smem:$0x3FAF] =	sst s4  }
0xd: {  	[smem:$0x3FB0] =	sst s5  }
0xe: {  	[smem:$0x3FB1] =	sst s6  }
0xf: {  	[smem:$0x3FB2] =	sst s7  }
0x10: {  	[smem:$0x3FB3] =	sst s8  }
0x11: {  	[smem:$0x3FB4] =	sst s9;
	s0 =	simm.s32 @!p0 $0x0  }
0x12: {  	s1 =	sld [smem:$0x3F9A];
	s0 =	simm.s32 @p0 $0x1  }
0x13: {  	[smem:$0x3FB5] =	sst s0;
	s0 =	simm.s32 @!p1 $0x0  }
0x14: {  	s2 =	sld [smem:$0x3F99];
	s0 =	simm.s32 @p1 $0x1  }
0x15: {  	[smem:$0x3FB6] =	sst s0;
	s0 =	simm.s32 @!p2 $0x0  }
0x16: {  	s3 =	sld [smem:$0x3FDB];
	s0 =	simm.s32 @p2 $0x1  }
0x17: {  	s4 =	simm.s32 $0x1BF5;
	[smem:$0x3FB8] =	sst s0  }
0x18: {  	s0 =	sld [smem:$0x3F9B];
	_ =	swait.ge [sflag:s4], $0x0  }
0x19: {  	s7 =	sld [smem:$0x3F9C]  }
0x1a: {  	s8 =	sadd.s32 $0xFFFFE003, lr  }
0x1b: {  	s9 =	sadd.s32 $0xFFFFFEF7, lr;
	s5 =	simm.s32 $0xFFFFFFFF;
	p2 =	slt.u32 s8, $0xFFFFF086  }
0x1c: {  	p1 =	slt.u32 s9, $0xF7A;
	s5 =	simm.s32 @!p2 $0x0  }
0x1d: {  	s5 =	simm.s32 @p1 $0x1;
	p0 =	seq.s32 s7, s2  }
0x1e: {  	s7 =	smul.u32 @!p0 $0xF7A, s2;
	p2 =	seq.s32 @!p0 s5, $0x0  }
0x1f: {  	s9 =	smul.u32 $0xF7A, s1;
	s8 =	simm.s32 @!p0 $0x1BF5;
	p2 =	por !p2, p0  }
0x20: {  	[sflag:s8] =	ssyncset.s32 @!p0 $0xFFFFF086;
	s6 =	sadd.s32 @!p0 s3, s7;
	s7 =	simm.s32 @!p0 $0x108  }
0x21: {  	s3 =	sadd.s32 s3, s9;
	s6 =	sadd.s32 @!p0 $0x88, s6;
	s7 =	simm.s32 @p2 $0x1082  }
0x22: {  	[simem:s7], [sflag:s8] =	dma.local @!p0 [hbm:s6], $0xF7A  }
0x23: {  	s9 =	sor.u32 $0xD0000000, s2;
	s6 =	simm.s32 $0x108;
	_ =	swait.ge @!p0 [sflag:s8], $0x0  }
0x24: {  	s3 =	sadd.s32 $0x88, s3;
	s6 =	simm.s32 @!p1 $0x1082;
	[sflag:s4] =	ssyncset.s32 $0xFFFFF086  }
0x25: {  	[simem:s6], [sflag:s4] =	dma.local [hbm:s3], $0xF7A  }
0x26: {  	[smem:$0x3F9C] =	sst s1;
	(tag) =	ssettag s2;
	_ =	strace s9  }
0x27: {  	s1 =	sld [smem:$0x3FAC]  }
0x28: {  	s2 =	sld [smem:$0x3FAD]  }
0x29: {  	s4 =	sld [smem:$0x3FAF]  }
0x2a: {  	p0 =	seq.s32 s5, $0x0;
	s5 =	sld [smem:$0x3FB0]  }
0x2b: {  	s6 =	sld [smem:$0x3FB1]  }
0x2c: {  	s7 =	sld [smem:$0x3FB2]  }
0x2d: {  	s3 =	simm.s32 $0x108;
	s8 =	sld [smem:$0x3FB3]  }
0x2e: {  	s3 =	simm.s32 @!p0 $0x1082;
	s9 =	sld [smem:$0x3FB4]  }
0x2f: {  	lr =	sadd.s32 s0, s3;
	s0 =	sld [smem:$0x3FAB]  }
0x30: {  	s3 =	sld [smem:$0x3FAE]  }
0x31: {  	[smem:$0x3FB7] =	sst s10  }
0x32: {  	s10 =	sld [smem:$0x3FB5];
	_ =	sdelay $0x3  }
0x33: {  	p0 =	seq.s32 s10, $0x1;
	s10 =	sld [smem:$0x3FB7];
	_ =	sdelay $0x3  }
0x34: {  	[smem:$0x3FB7] =	sst s10  }
0x35: {  	s10 =	sld [smem:$0x3FB6];
	_ =	sdelay $0x3  }
0x36: {  	p1 =	seq.s32 s10, $0x1;
	s10 =	sld [smem:$0x3FB7];
	_ =	sdelay $0x3  }
0x37: {  	[smem:$0x3FB7] =	sst s10  }
0x38: {  	s10 =	sld [smem:$0x3FB8]  }
0x39: {  	_ = 	snop;
	(pc) =	sbr.ind lr, $3  }
0x3a: {  	_ = 	snop  }
0x3b: {  	_ = 	snop  }
0x3c: {  	p2 =	seq.s32 s10, $0x1;
	s10 =	sld [smem:$0x3FB7]  }
0x3d: {  	_ =	shalt  }
0x3e: {  	_ =	shalt  }
0x3f: {  	_ =	shalt  }
0x40: {  	_ =	shalt  }
0x41: {  	_ =	shalt  }
0x42: {  	_ =	shalt  }
0x43: {  	_ =	shalt  }
0x44: {  	_ =	shalt  }
0x45: {  	_ =	shalt  }
0x46: {  	_ =	shalt  }
0x47: {  	_ =	shalt  }
0x48: {  	_ =	shalt  }
0x49: {  	_ =	shalt  }
0x4a: {  	_ =	shalt  }
0x4b: {  	_ =	shalt  }
0x4c: {  	_ =	shalt  }
0x4d: {  	_ =	shalt  }
0x4e: {  	_ =	shalt  }
0x4f: {  	_ =	shalt  }
0x50: {  	_ =	shalt  }
0x51: {  	_ =	shalt  }
0x52: {  	_ =	shalt  }
0x53: {  	_ =	shalt  }
0x54: {  	_ =	shalt  }
0x55: {  	_ =	shalt  }
0x56: {  	_ =	shalt  }
0x57: {  	_ =	shalt  }
0x58: {  	_ =	shalt  }
0x59: {  	_ =	shalt  }
0x5a: {  	_ =	shalt  }
0x5b: {  	_ =	shalt  }
0x5c: {  	_ =	shalt  }
0x5d: {  	_ =	shalt  }
0x5e: {  	_ =	shalt  }
0x5f: {  	_ =	shalt  }
0x60: {  	_ =	shalt  }
0x61: {  	_ =	shalt  }
0x62: {  	_ =	shalt  }
0x63: {  	_ =	shalt  }
0x64: {  	_ =	shalt  }
0x65: {  	_ =	shalt  }
0x66: {  	_ =	shalt  }
0x67: {  	_ =	shalt  }
0x68: {  	_ =	shalt  }
0x69: {  	_ =	shalt  }
0x6a: {  	_ =	shalt  }
0x6b: {  	_ =	shalt  }
0x6c: {  	_ =	shalt  }
0x6d: {  	_ =	shalt  }
0x6e: {  	_ =	shalt  }
0x6f: {  	_ =	shalt  }
0x70: {  	_ =	shalt  }
0x71: {  	_ =	shalt  }
0x72: {  	_ =	shalt  }
0x73: {  	_ =	shalt  }
0x74: {  	_ =	shalt  }
0x75: {  	_ =	shalt  }
0x76: {  	_ =	shalt  }
0x77: {  	_ =	shalt  }
0x78: {  	_ =	shalt  }
0x79: {  	_ =	shalt  }
0x7a: {  	_ =	shalt  }
0x7b: {  	_ =	shalt  }
0x7c: {  	_ =	shalt  }
0x7d: {  	_ =	shalt  }
0x7e: {  	_ =	shalt  }
0x7f: {  	_ =	shalt  }
0x80: {  	_ =	shalt  }
0x81: {  	_ =	shalt  }
0x82: {  	_ =	shalt  }
0x83: {  	_ =	shalt  }
0x84: {  	_ =	shalt  }
0x85: {  	_ =	shalt  }
0x86: {  	_ =	shalt  }
0x87: {  	_ =	shalt  }
.Lfunc_end0:
.L_simem_size_0:
called_computation_lowered:
.L_overlay_start_0:
0x88: {  	s2 =	sld [smem:$0x3FD9]  }
0x89: {  	s3 =	sld [smem:$0x3FFE];
	_ =	sdelay $0x1  }
0x8a: {  	s1 =	srdreg.scid  }
0x8b: {  	s0 =	sand.u32 $0x1, s1  }
0x8c: {  	s17 =	sshll.u32 s0, $0xA;
	s2 =	sadd.s32 s3, s2  }
0x8d: {  	s2 =	sadd.s32 s2, s17  }
0x8e: {  	[smem:$0x3FC3] =	sst s2  }
0x8f: {  	_ = 	snop  }
0x90: {  	s2 =	sld [smem:$0x3FC9]  }
0x91: {  	s18 =	sld [smem:$0x3FC8]  }
0x92: {  	s4 =	sld [smem:$0x3FC7]  }
0x93: {  	s5 =	sld [smem:$0x3FD0];
	(tm) =	ssettm $0x1  }
0x94: {  	s6 =	sld [smem:$0x3FFB];
	_ =	sdelay $0x3  }
0x95: {  	_ =	strace s6  }
0x96: {  	s6 =	sld [smem:$0x3FFC];
	_ =	sdelay $0x3  }
0x97: {  	_ =	strace s6  }
0x98: {  	s6 =	sld [smem:$0x3FFD];
	_ =	sdelay $0x3  }
0x99: {  	_ =	strace s6  }
0x9a: {  	_ =	strace $0x8FFFFFFF  }
0x9b: {  	s19 =	sld [smem:$0x3FDB];
	_ =	sdelay $0x1  }
0x9c: {  	s7 =	simm.s32 $_scs_section_size  }
0x9d: {  	s8 =	simm.s32 $_size__tile_overlayer_lowered;
	s9 =	simm.s32 $_tile_overlayer_lowered  }
0x9e: {  	s22 =	simm.s32 $0x1BFF;
	s21 =	sshll.u32 s9, $0x1;
	s6 =	sadd.s32 s7, s19  }
0x9f: {  	s10 =	simm.s32 $0x0;
	s20 =	sshll.u32 s8, $0x1;
	s8 =	sadd.s32 s21, s6  }
0xa0: {  	[timem:s10], [sflag:s22] =	dma.local [hbm:s8], s20  }
0xa1: {  	_ =	swait.ge [sflag:s22], s20  }
0xa2: {  	s7 =	ssub.s32 $0x0, s20;
	[sflag:s22] =	ssyncset.done $0x0  }
0xa3: {  	[sflag:s22] =	ssyncadd.s32 s7;
	_ =	sdelay $0x1  }
0xa4: {  	s23 =	simm.s32 $0x1B8B  }
0xa5: {  	_ =	swait.ge [sflag:s23], $0x1  }
0xa6: {  	[sflag:s23] =	ssyncset.done $0x0  }
0xa7: {  	s25 =	simm.s32 $0x1B8E;
	s24 =	sld [smem:$0x3FFE];
	[sflag:s23] =	ssyncadd.s32 $0xFFFFFFFF  }
0xa8: {  	s26 =	simm.s32 $execute0_lowered;
	[smem:$0x3FD2] =	sst s25  }
0xa9: {  	s8 =	sshll.u32 s26, $0x1;
	_ =	strace $0x80000046;
	[dreg:$0x1] =	wrdreg $0xFFFFFFFF  }
0xaa: {  	s28 =	simm.s32 $_size_execute0_lowered;
	s6 =	sadd.s32 s6, s8;
	[dreg:$0x0] =	wrdreg $0x0  }
0xab: {  	s8 =	sshll.u32 s28, $0x1;
	[dreg:$0x2] =	wrdreg s6  }
0xac: {  	[dreg:$0x3] =	wrdreg s8  }
0xad: {  	[dreg:$0x4] =	wrdreg $0xC0  }
0xae: {  	_ =	task [dreg:s10], $0x5FFFF  }
0xaf: {  	[dreg:$0x1] =	wrdreg $0xFFFFFFFF  }
0xb0: {  	[dreg:$0x0] =	wrdreg $0x60  }
0xb1: {  	[dreg:$0x2] =	wrdreg s2  }
0xb2: {  	[dreg:$0x3] =	wrdreg s18  }
0xb3: {  	[dreg:$0x4] =	wrdreg s4  }
0xb4: {  	[dreg:$0x5] =	wrdreg s24  }
0xb5: {  	[dreg:$0x6] =	wrdreg s5  }
0xb6: {  	[dreg:$0x7] =	wrdreg $0x9  }
0xb7: {  	_ =	task.clear_ibuf [dreg:s10], $0x8FFFF;
	_ =	strace $0x90000046  }
0xb8: {  	s29 =	simm.s32 $0x9;
	_ =	strace $0x80000048  }
0xb9: {  	_ =	swait.ge [sflag:s29], $0x1  }
0xba: {  	[sflag:s29] =	ssyncadd.s32 $0xFFFFFFFF  }
0xbb: {  	_ =	strace $0x90000048  }
0xbc: {  	_ =	sfence  }
0xbd: {  	s30 =	sld [smem:$0x0];
	_ =	sdelay $0x2  }
0xbe: {  	s31 =	sshll.u32 s1, $0xD;
	s1 =	sshrl.u32 s1, $0x2  }
0xbf: {  	s3 =	sand.u32 $0x4000, s31;
	s1 =	sadd.s32 s1, s30  }
0xc0: {  	s0 =	sor.u32 s3, s0;
	s1 =	sshll.u32 s1, $0x11  }
0xc1: {  	s0 =	sor.u32 s1, s0  }
0xc2: {  	s0 =	sadd.s32 $0x8F2B, s0  }
0xc3: {  	[sflag:s0] =	ssyncadd.remote.s32 $0x1  }
0xc4: {  	_ =	sfence.sel $0xFFFF  }
0xc5: {  	[dreg:$0x0] =	wrdreg $0xFFFFFFFF;
	(pc) =	sbr.abs _section_cstart, $3  }
0xc6: {  	[dreg:$0x1] =	wrdreg $0xFFFFFFFF  }
0xc7: {  	_ =	task.clear_ibuf [dreg:s10], $0x2FFFF;
	_ =	strace $0x9FFFFFFF  }
0xc8: {  	(tm) =	ssettm $0x7FFFFFFF  }
0xc9: {  	_ =	shalt  }
tec
execute0_lowered:
.L_overlay_start_1:
0x0: {  	(tag) =	ssettag $0x1  }
0x1: {  	s4 =	rddreg [dreg:$0x0]  }
0x2: {  	s5 =	rddreg [dreg:$0x1]  }
0x3: {  	s6 =	rddreg [dreg:$0x2]  }
0x4: {  	s2 =	rddreg [dreg:$0x3]  }
0x5: {  	s7 =	rddreg [dreg:$0x4]  }
0x6: {  	s0 =	rddreg [dreg:$0x5];
	s1 =	simm.s32 $0x0  }
0x7: {  	[smem:$0x7FF] =	sst s1;
	s3 =	sadd.s32 $0x400, s2  }
0x8: {  	s12 =	simm.s32 $0x20;
	_ =	strace $0x80000047;
	[dreg:$0x6] =	wrdreg s3  }
0x9: {  	s13 =	simm.s32 $0x10800;
	[dreg:$0x7] =	wrdreg s12  }
0xa: {  	s14 =	simm.s32 $0x800;
	[dreg:$0x8] =	wrdreg s13  }
0xb: {  	s15 =	simm.s32 $0x4800;
	[dreg:$0x9] =	wrdreg s14  }
0xc: {  	s16 =	simm.s32 $0x8800;
	[dreg:$0xa] =	wrdreg s15  }
0xd: {  	s17 =	simm.s32 $0xC800;
	[dreg:$0xb] =	wrdreg s16  }
0xe: {  	s18 =	simm.s32 $0xC00;
	[dreg:$0xc] =	wrdreg s17  }
0xf: {  	s19 =	simm.s32 $0x4C00;
	[dreg:$0xd] =	wrdreg s18  }
0x10: {  	s20 =	simm.s32 $0x8C00;
	[dreg:$0xe] =	wrdreg s19  }
0x11: {  	s21 =	simm.s32 $0xCC00;
	[dreg:$0xf] =	wrdreg s20  }
0x12: {  	s22 =	simm.s32 $0x1000;
	[dreg:$0x10] =	wrdreg s21  }
0x13: {  	s23 =	simm.s32 $0x5000;
	[dreg:$0x11] =	wrdreg s22  }
0x14: {  	s24 =	simm.s32 $0x9000;
	[dreg:$0x12] =	wrdreg s23  }
0x15: {  	s25 =	simm.s32 $0xD000;
	[dreg:$0x13] =	wrdreg s24  }
0x16: {  	s26 =	simm.s32 $0x1400;
	[dreg:$0x14] =	wrdreg s25  }
0x17: {  	s28 =	simm.s32 $0x5400;
	[dreg:$0x15] =	wrdreg s26  }
0x18: {  	s29 =	simm.s32 $0x9400;
	[dreg:$0x16] =	wrdreg s28  }
0x19: {  	s30 =	simm.s32 $0xD400;
	[dreg:$0x17] =	wrdreg s29  }
0x1a: {  	s31 =	simm.s32 $0x1800;
	[dreg:$0x18] =	wrdreg s30  }
0x1b: {  	s8 =	simm.s32 $0x5800;
	[dreg:$0x19] =	wrdreg s31  }
0x1c: {  	s9 =	simm.s32 $0x9800;
	[dreg:$0x1a] =	wrdreg s8  }
0x1d: {  	s10 =	simm.s32 $0xD800;
	[dreg:$0x1b] =	wrdreg s9  }
0x1e: {  	s11 =	simm.s32 $0x1C00;
	[dreg:$0x1c] =	wrdreg s10  }
0x1f: {  	[dreg:$0x1d] =	wrdreg s11;
	s12 =	simm.s32 $0x5C00  }
0x20: {  	s13 =	simm.s32 $0x9C00;
	[dreg:$0x1e] =	wrdreg s12  }
0x21: {  	s14 =	simm.s32 $0xDC00;
	[dreg:$0x1f] =	wrdreg s13  }
0x22: {  	s15 =	simm.s32 $0x2000;
	[smem:$0x7D5] =	sst s14  }
0x23: {  	s16 =	simm.s32 $0x6000;
	[smem:$0x7D6] =	sst s15  }
0x24: {  	s17 =	simm.s32 $0xA000;
	[smem:$0x7D7] =	sst s16  }
0x25: {  	s18 =	simm.s32 $0xE000;
	[smem:$0x7D8] =	sst s17  }
0x26: {  	s19 =	simm.s32 $0x2400;
	[smem:$0x7D9] =	sst s18  }
0x27: {  	s20 =	simm.s32 $0x6400;
	[smem:$0x7DA] =	sst s19  }
0x28: {  	s21 =	simm.s32 $0xA400;
	[smem:$0x7DB] =	sst s20  }
0x29: {  	s22 =	simm.s32 $0xE400;
	[smem:$0x7DC] =	sst s21  }
0x2a: {  	s23 =	simm.s32 $0x2800;
	[smem:$0x7DD] =	sst s22  }
0x2b: {  	s24 =	simm.s32 $0x6800;
	[smem:$0x7DE] =	sst s23  }
0x2c: {  	s25 =	simm.s32 $0xA800;
	[smem:$0x7DF] =	sst s24  }
0x2d: {  	s26 =	simm.s32 $0xE800;
	[smem:$0x7E0] =	sst s25  }
0x2e: {  	s28 =	simm.s32 $0x2C00;
	[smem:$0x7E1] =	sst s26  }
0x2f: {  	s29 =	simm.s32 $0x6C00;
	[smem:$0x7E2] =	sst s28  }
0x30: {  	s30 =	simm.s32 $0xAC00;
	[smem:$0x7E3] =	sst s29  }
0x31: {  	s31 =	simm.s32 $0xEC00;
	[smem:$0x7E4] =	sst s30  }
0x32: {  	s8 =	simm.s32 $0x3000;
	[smem:$0x7E5] =	sst s31  }
0x33: {  	s9 =	simm.s32 $0x7000;
	[smem:$0x7E6] =	sst s8  }
0x34: {  	s10 =	simm.s32 $0xB000;
	[smem:$0x7E7] =	sst s9  }
0x35: {  	s11 =	simm.s32 $0xF000;
	[smem:$0x7E8] =	sst s10  }
0x36: {  	[smem:$0x7E9] =	sst s11;
	s12 =	simm.s32 $0x3400  }
0x37: {  	s13 =	simm.s32 $0x7400;
	[smem:$0x7EA] =	sst s12  }
0x38: {  	s14 =	simm.s32 $0xB400;
	[smem:$0x7EB] =	sst s13  }
0x39: {  	s15 =	simm.s32 $0xF400;
	[smem:$0x7EC] =	sst s14  }
0x3a: {  	s16 =	simm.s32 $0x3800;
	[smem:$0x7ED] =	sst s15  }
0x3b: {  	s9 =	simm.s32 $0x7800;
	[smem:$0x7EE] =	sst s16  }
0x3c: {  	s17 =	simm.s32 $0xB800;
	[smem:$0x7EF] =	sst s9  }
0x3d: {  	s18 =	simm.s32 $0xF800;
	[smem:$0x7F0] =	sst s17  }
0x3e: {  	s19 =	simm.s32 $0x3C00;
	[smem:$0x7F1] =	sst s18  }
0x3f: {  	s20 =	simm.s32 $0x7C00;
	[smem:$0x7F2] =	sst s19  }
0x40: {  	s21 =	simm.s32 $0xBC00;
	[smem:$0x7F3] =	sst s20  }
0x41: {  	s23 =	simm.s32 $0xFC00;
	[smem:$0x7F4] =	sst s21  }
0x42: {  	s24 =	simm.s32 $0x4000;
	[smem:$0x7F5] =	sst s23  }
0x43: {  	s2 =	sadd.s32 $0x2400, s2;
	s25 =	simm.s32 $0x8000;
	[smem:$0x7F6] =	sst s24  }
0x44: {  	s3 =	stileid.u32;
	s26 =	simm.s32 $0xC000;
	[smem:$0x7F7] =	sst s25  }
0x45: {  	s8 =	srdreg.scid;
	s28 =	simm.s32 $0x10000;
	[smem:$0x7F8] =	sst s26  }
0x46: {  	s22 =	sshll.u32 s3, $0x7;
	s29 =	simm.s32 $0x4400;
	[smem:$0x7F9] =	sst s28  }
0x47: {  	s30 =	simm.s32 $0x8400;
	s31 =	simm.s32 $0xC400;
	[smem:$0x7FA] =	sst s29  }
0x48: {  	s8 =	sand.u32 $0x1, s8;
	[smem:$0x7FB] =	sst s30;
	s9 =	simm.s32 $0x2  }
0x49: {  	[smem:$0x7FC] =	sst s31;
	s12 =	simm.s32 $0x10400;
	s13 =	simm.s32 $0x11800  }
0x4a: {  	vm0 =	vmmov $0x1;
	vm1 =	vmmov $0x3;
	vm2 =	vmmov $0x7;
	s14 =	simm.s32 $0x0;
	s10 =	ssub.s32 $0x2, s8;
	s8 =	sshll.u32 s8, $0x6  }
0x4b: {  	vm3 =	vmmov $0xf;
	vm4 =	vmmov $0x1f;
	vm5 =	vmmov $0x3f;
	[smem:$0x7FD] =	sst s12;
	s11 =	sshrl.u32 s10, $0x1;
	s8 =	sor.u32 s8, s22  }
0x4c: {  	vm6 =	vmmov $0x7f;
	vm7 =	vmmov $0xff;
	vm8 =	vmmov $0x1ff;
	s12 =	simm.s32 $0x1;
	s10 =	ssub.s32 s10, s11;
	s4 =	sadd.s32 s4, s8  }
0x4d: {  	vm9 =	vmmov $0x3ff;
	vm10 =	vmmov $0x7ff;
	vm11 =	vmmov $0xfff;
	s5 =	sadd.s32 s5, s8;
	s6 =	sadd.s32 s6, s8;
	s7 =	sadd.s32 s7, s8  }
0x4e: {  	vm12 =	vmmov $0x1fff;
	vm13 =	vmmov $0x3fff;
	vm14 =	vmmov $0x7fff;
	s11 =	simm.s32 $0x400;
	s8 =	smax.u32 s10, $0x1;
	s10 =	simm.s32 $0x200  }
.LBB2_1:
0x4f: {  	[tilespmem:s1], [sflag:$0x2] =	stream.linear.gather [hbm4b:s4+s1], $0x200, $0x38;
	[tilespmem:$0x11A00] =	vst v63  }
0x50: {  	_ =	swait.ge [sflag:s9], $0x200  }
0x51: {  	[sflag:s9] =	ssyncset.done $0x0  }
0x52: {  	[sflag:s9] =	ssyncadd.s32 $0xFFFFFE00  }
0x53: {  	[tilespmem:s10], [sflag:$0x2] =	stream.linear.gather [hbm4b:s5+s1], $0x200, $0x38;
	[tilespmem:$0x11A00] =	vst v63  }
0x54: {  	_ =	swait.ge [sflag:s9], $0x200  }
0x55: {  	[sflag:s9] =	ssyncset.done $0x0  }
0x56: {  	[sflag:s9] =	ssyncadd.s32 $0xFFFFFE00  }
0x57: {  	[tilespmem:s11], [sflag:$0x2] =	stream.linear.gather [hbm4b:s6+s1], $0x200, $0x38;
	[tilespmem:$0x11A00] =	vst v63  }
0x58: {  	_ =	swait.ge [sflag:s9], $0x200  }
0x59: {  	[sflag:s9] =	ssyncset.done $0x0  }
0x5a: {  	[sflag:s9] =	ssyncadd.s32 $0xFFFFFE00  }
0x5b: {  	v0 =	vld [tilespmem:$0x200]  }
0x5c: {  	v1 =	vld [tilespmem:$0x210]  }
0x5d: {  	v2 =	vld [tilespmem:$0x220]  }
0x5e: {  	v3 =	vld [tilespmem:$0x230]  }
0x5f: {  	v4 =	vld [tilespmem:$0x240]  }
0x60: {  	v5 =	vld [tilespmem:$0x250];
	v0 =	vshra.s32 v0, $0x1  }
0x61: {  	v8 =	vld [tilespmem:$0x260];
	v7 =	vshra.s32 v1, $0x1;
	[tilespmem:$0x600] =	vst v0  }
0x62: {  	v10 =	vld [tilespmem:$0x270];
	v9 =	vshra.s32 v2, $0x1;
	[tilespmem:$0x610] =	vst v7  }
0x63: {  	v12 =	vld [tilespmem:$0x280];
	v11 =	vshra.s32 v3, $0x1;
	[tilespmem:$0x620] =	vst v9  }
0x64: {  	v14 =	vld [tilespmem:$0x290];
	v13 =	vshra.s32 v4, $0x1;
	[tilespmem:$0x630] =	vst v11  }
0x65: {  	v16 =	vld [tilespmem:$0x2A0];
	v15 =	vshra.s32 v5, $0x1;
	[tilespmem:$0x640] =	vst v13  }
0x66: {  	v18 =	vld [tilespmem:$0x2B0];
	v17 =	vshra.s32 v8, $0x1;
	[tilespmem:$0x650] =	vst v15  }
0x67: {  	v20 =	vld [tilespmem:$0x2C0];
	v19 =	vshra.s32 v10, $0x1;
	[tilespmem:$0x660] =	vst v17  }
0x68: {  	v22 =	vld [tilespmem:$0x2D0];
	v21 =	vshra.s32 v12, $0x1;
	[tilespmem:$0x670] =	vst v19  }
0x69: {  	v24 =	vld [tilespmem:$0x2E0];
	v23 =	vshra.s32 v14, $0x1;
	[tilespmem:$0x680] =	vst v21  }
0x6a: {  	v26 =	vld [tilespmem:$0x2F0];
	v25 =	vshra.s32 v16, $0x1;
	[tilespmem:$0x690] =	vst v23  }
0x6b: {  	v28 =	vld [tilespmem:$0x300];
	v27 =	vshra.s32 v18, $0x1;
	[tilespmem:$0x6A0] =	vst v25  }
0x6c: {  	v30 =	vld [tilespmem:$0x310];
	v29 =	vshra.s32 v20, $0x1;
	[tilespmem:$0x6B0] =	vst v27  }
0x6d: {  	v32 =	vld [tilespmem:$0x320];
	v31 =	vshra.s32 v22, $0x1;
	[tilespmem:$0x6C0] =	vst v29  }
0x6e: {  	v34 =	vld [tilespmem:$0x330];
	v33 =	vshra.s32 v24, $0x1;
	[tilespmem:$0x6D0] =	vst v31  }
0x6f: {  	v36 =	vld [tilespmem:$0x340];
	v35 =	vshra.s32 v26, $0x1;
	[tilespmem:$0x6E0] =	vst v33  }
0x70: {  	v38 =	vld [tilespmem:$0x350];
	v37 =	vshra.s32 v28, $0x1;
	[tilespmem:$0x6F0] =	vst v35  }
0x71: {  	v40 =	vld [tilespmem:$0x360];
	v39 =	vshra.s32 v30, $0x1;
	[tilespmem:$0x700] =	vst v37  }
0x72: {  	v42 =	vld [tilespmem:$0x370];
	v41 =	vshra.s32 v32, $0x1;
	[tilespmem:$0x710] =	vst v39  }
0x73: {  	v44 =	vld [tilespmem:$0x380];
	v43 =	vshra.s32 v34, $0x1;
	[tilespmem:$0x720] =	vst v41  }
0x74: {  	v46 =	vld [tilespmem:$0x390];
	v45 =	vshra.s32 v36, $0x1;
	[tilespmem:$0x730] =	vst v43  }
0x75: {  	v48 =	vld [tilespmem:$0x3A0];
	v47 =	vshra.s32 v38, $0x1;
	[tilespmem:$0x740] =	vst v45  }
0x76: {  	v50 =	vld [tilespmem:$0x3B0];
	v49 =	vshra.s32 v40, $0x1;
	[tilespmem:$0x750] =	vst v47  }
0x77: {  	v52 =	vld [tilespmem:$0x3C0];
	v51 =	vshra.s32 v42, $0x1;
	[tilespmem:$0x760] =	vst v49  }
0x78: {  	v54 =	vld [tilespmem:$0x3D0];
	v53 =	vshra.s32 v44, $0x1;
	[tilespmem:$0x770] =	vst v51  }
0x79: {  	v56 =	vld [tilespmem:$0x3E0];
	v55 =	vshra.s32 v46, $0x1;
	[tilespmem:$0x780] =	vst v53  }
0x7a: {  	v58 =	vld [tilespmem:$0x3F0];
	v57 =	vshra.s32 v48, $0x1;
	[tilespmem:$0x790] =	vst v55  }
0x7b: {  	v59 =	vshra.s32 v50, $0x1;
	[tilespmem:$0x7A0] =	vst v57  }
0x7c: {  	v60 =	vshra.s32 v52, $0x1;
	[tilespmem:$0x7B0] =	vst v59  }
0x7d: {  	v61 =	vshra.s32 v54, $0x1;
	[tilespmem:$0x7C0] =	vst v60  }
0x7e: {  	v62 =	vshra.s32 v56, $0x1;
	[tilespmem:$0x7D0] =	vst v61  }
0x7f: {  	v63 =	vshra.s32 v58, $0x1;
	[tilespmem:$0x7E0] =	vst v62  }
0x80: {  	s15 =	simm.s32 $0x0;
	[tilespmem:$0x7F0] =	vst v63  }
.LBB2_2:
0x81: {  	s16 =	sshra.s32 s15, $0x2  }
0x82: {  	v0 =	vld [tilespmem:s16+$0x0];
	_ =	sdelay $0x1  }
0x83: {  	v1 =	vld [tilespmem:s16+$0x400];
	_ =	sdelay $0x2  }
0x84: {  	v0 =	vshrl.u32 v0, $0x3  }
0x85: {  	v3 =	vshll.u32 v0, $0x7  }
0x86: {  	v1 =	vshrl.u32 v1, $0x3;
	(v2sf) =	vpush v3, $0x0  }
0x87: {  	v2 =	vshll.u32 v1, $0x7  }
0x88: {  	(v2sf) =	vpush v2, $0x0;
	_ =	sdelay $0x3  }
0x89: {  	v49 =	vld [tilespmem:s16+$0x10]  }
0x8a: {  	v50 =	vld [tilespmem:s16+$0x410];
	_ =	sdelay $0x3  }
0x8b: {  	v0 =	vshrl.u32 v49, $0x3  }
0x8c: {  	v1 =	vshrl.u32 v50, $0x3;
	v0 =	vshll.u32 v0, $0x7  }
0x8d: {  	s17 =	rddreg [dreg:$0x6];
	v1 =	vshll.u32 v1, $0x7;
	(v2sf) =	vpush v0, $0x0  }
0x8e: {  	s18 =	rddreg [dreg:$0x7];
	(v2sf) =	vpush v1, $0x0  }
0x8f: {  	s25 =	spop (v2sf);
	(v2sf) =	vpush v3, $0x1;
	_ =	sdelay $0x1  }
0x90: {  	s28 =	spop (v2sf);
	(v2sf) =	vpush v2, $0x1;
	_ =	sdelay $0x1  }
0x91: {  	(v2sf) =	vpush v0, $0x1;
	_ =	sdelay $0x2  }
0x92: {  	(v2sf) =	vpush v1, $0x1;
	_ =	sdelay $0x3  }
0x93: {  	s20 =	sadd.s32 $0x600, s16;
	s19 =	rddreg [dreg:$0x8]  }
0x94: {  	[tilespmem:s19], [sflag:$0x1] =	stream.indirect.gather [hbm4b:s17+s18], $0x80, s20, s18, $0xb8;
	[tilespmem:$0x11A00] =	vst v63  }
0x95: {  	s30 =	spop (v2sf)  }
0x96: {  	s19 =	spop (v2sf)  }
0x97: {  	s21 =	spop (v2sf);
	(v2sf) =	vpush v3, $0x2;
	_ =	sdelay $0x1  }
0x98: {  	s23 =	spop (v2sf);
	(v2sf) =	vpush v2, $0x2;
	_ =	sdelay $0x1  }
0x99: {  	s17 =	sand.u32 $0x1FFFFF80, s25;
	s25 =	spop (v2sf);
	(v2sf) =	vpush v0, $0x2  }
0x9a: {  	s26 =	rddreg [dreg:$0x9];
	s17 =	sadd.s32 s2, s17  }
0x9b: {  	[tilespmem:s26], [sflag:$0x1] =	stream.linear.gather [hbm4b:s17+s1], $0x400, $0x38;
	[tilespmem:$0x11A00] =	vst v63  }
0x9c: {  	s17 =	sand.u32 $0x1FFFFF80, s28;
	s28 =	spop (v2sf);
	(v2sf) =	vpush v1, $0x2;
	_ =	sdelay $0x2  }
0x9d: {  	s29 =	rddreg [dreg:$0xa];
	s17 =	sadd.s32 s2, s17  }
0x9e: {  	[tilespmem:s29], [sflag:$0x1] =	stream.linear.gather [hbm4b:s17+s1], $0x400, $0x38;
	[tilespmem:$0x11A00] =	vst v63  }
0x9f: {  	s17 =	sand.u32 $0x1FFFFF80, s30  }
0xa0: {  	s31 =	rddreg [dreg:$0xb];
	s17 =	sadd.s32 s2, s17  }
0xa1: {  	[tilespmem:s31], [sflag:$0x1] =	stream.linear.gather [hbm4b:s17+s1], $0x400, $0x38;
	[tilespmem:$0x11A00] =	vst v63  }
0xa2: {  	s30 =	spop (v2sf);
	(v2sf) =	vpush v3, $0x3  }
0xa3: {  	s17 =	sand.u32 $0x1FFFFF80, s19  }
0xa4: {  	s20 =	rddreg [dreg:$0xc];
	s17 =	sadd.s32 s2, s17;
	s19 =	spop (v2sf);
	(v2sf) =	vpush v2, $0x3  }
0xa5: {  	[tilespmem:s20], [sflag:$0x1] =	stream.linear.gather [hbm4b:s17+s1], $0x400, $0x38;
	[tilespmem:$0x11A00] =	vst v63  }
0xa6: {  	s17 =	sand.u32 $0x1FFFFF80, s21;
	s21 =	spop (v2sf);
	(v2sf) =	vpush v0, $0x3  }
0xa7: {  	s22 =	rddreg [dreg:$0xd];
	s17 =	sadd.s32 s2, s17  }
0xa8: {  	[tilespmem:s22], [sflag:$0x1] =	stream.linear.gather [hbm4b:s17+s1], $0x400, $0x38;
	[tilespmem:$0x11A00] =	vst v63  }
0xa9: {  	s17 =	sand.u32 $0x1FFFFF80, s23;
	s23 =	spop (v2sf);
	(v2sf) =	vpush v1, $0x3;
	_ =	sdelay $0x2  }
0xaa: {  	s24 =	rddreg [dreg:$0xe];
	s17 =	sadd.s32 s2, s17  }
0xab: {  	[tilespmem:s24], [sflag:$0x1] =	stream.linear.gather [hbm4b:s17+s1], $0x400, $0x38;
	[tilespmem:$0x11A00] =	vst v63  }
0xac: {  	s17 =	sand.u32 $0x1FFFFF80, s25  }
0xad: {  	s26 =	rddreg [dreg:$0xf];
	s17 =	sadd.s32 s2, s17  }
0xae: {  	[tilespmem:s26], [sflag:$0x1] =	stream.linear.gather [hbm4b:s17+s1], $0x400, $0x38;
	[tilespmem:$0x11A00] =	vst v63  }
0xaf: {  	s25 =	spop (v2sf);
	(v2sf) =	vpush v3, $0x4  }
0xb0: {  	s17 =	sand.u32 $0x1FFFFF80, s28  }
0xb1: {  	s29 =	rddreg [dreg:$0x10];
	s17 =	sadd.s32 s2, s17;
	s28 =	spop (v2sf);
	(v2sf) =	vpush v2, $0x4  }
0xb2: {  	[tilespmem:s29], [sflag:$0x1] =	stream.linear.gather [hbm4b:s17+s1], $0x400, $0x38;
	[tilespmem:$0x11A00] =	vst v63  }
0xb3: {  	s17 =	sand.u32 $0x1FFFFF80, s30;
	s30 =	spop (v2sf);
	(v2sf) =	vpush v0, $0x4  }
0xb4: {  	s31 =	rddreg [dreg:$0x11];
	s17 =	sadd.s32 s2, s17  }
0xb5: {  	[tilespmem:s31], [sflag:$0x1] =	stream.linear.gather [hbm4b:s17+s1], $0x400, $0x38;
	[tilespmem:$0x11A00] =	vst v63  }
0xb6: {  	s17 =	sand.u32 $0x1FFFFF80, s19;
	s19 =	spop (v2sf);
	(v2sf) =	vpush v1, $0x4;
	_ =	sdelay $0x2  }
0xb7: {  	s20 =	rddreg [dreg:$0x12];
	s17 =	sadd.s32 s2, s17  }
0xb8: {  	[tilespmem:s20], [sflag:$0x1] =	stream.linear.gather [hbm4b:s17+s1], $0x400, $0x38;
	[tilespmem:$0x11A00] =	vst v63  }
0xb9: {  	s17 =	sand.u32 $0x1FFFFF80, s21  }
0xba: {  	s22 =	rddreg [dreg:$0x13];
	s17 =	sadd.s32 s2, s17  }
0xbb: {  	[tilespmem:s22], [sflag:$0x1] =	stream.linear.gather [hbm4b:s17+s1], $0x400, $0x38;
	[tilespmem:$0x11A00] =	vst v63  }
0xbc: {  	s21 =	spop (v2sf);
	(v2sf) =	vpush v3, $0x5  }
0xbd: {  	s17 =	sand.u32 $0x1FFFFF80, s23  }
0xbe: {  	s24 =	rddreg [dreg:$0x14];
	s17 =	sadd.s32 s2, s17;
	s23 =	spop (v2sf);
	(v2sf) =	vpush v2, $0x5  }
0xbf: {  	[tilespmem:s24], [sflag:$0x1] =	stream.linear.gather [hbm4b:s17+s1], $0x400, $0x38;
	[tilespmem:$0x11A00] =	vst v63  }
0xc0: {  	s17 =	sand.u32 $0x1FFFFF80, s25;
	s25 =	spop (v2sf);
	(v2sf) =	vpush v0, $0x5  }
0xc1: {  	s26 =	rddreg [dreg:$0x15];
	s17 =	sadd.s32 s2, s17  }
0xc2: {  	[tilespmem:s26], [sflag:$0x1] =	stream.linear.gather [hbm4b:s17+s1], $0x400, $0x38;
	[tilespmem:$0x11A00] =	vst v63  }
0xc3: {  	s17 =	sand.u32 $0x1FFFFF80, s28;
	s28 =	spop (v2sf);
	(v2sf) =	vpush v1, $0x5;
	_ =	sdelay $0x2  }
0xc4: {  	s29 =	rddreg [dreg:$0x16];
	s17 =	sadd.s32 s2, s17  }
0xc5: {  	[tilespmem:s29], [sflag:$0x1] =	stream.linear.gather [hbm4b:s17+s1], $0x400, $0x38;
	[tilespmem:$0x11A00] =	vst v63  }
0xc6: {  	s17 =	sand.u32 $0x1FFFFF80, s30  }
0xc7: {  	s31 =	rddreg [dreg:$0x17];
	s17 =	sadd.s32 s2, s17  }
0xc8: {  	[tilespmem:s31], [sflag:$0x1] =	stream.linear.gather [hbm4b:s17+s1], $0x400, $0x38;
	[tilespmem:$0x11A00] =	vst v63  }
0xc9: {  	s30 =	spop (v2sf);
	(v2sf) =	vpush v3, $0x6  }
0xca: {  	s17 =	sand.u32 $0x1FFFFF80, s19  }
0xcb: {  	s20 =	rddreg [dreg:$0x18];
	s17 =	sadd.s32 s2, s17;
	s19 =	spop (v2sf);
	(v2sf) =	vpush v2, $0x6  }
0xcc: {  	[tilespmem:s20], [sflag:$0x1] =	stream.linear.gather [hbm4b:s17+s1], $0x400, $0x38;
	[tilespmem:$0x11A00] =	vst v63  }
0xcd: {  	s17 =	sand.u32 $0x1FFFFF80, s21;
	s21 =	spop (v2sf);
	(v2sf) =	vpush v0, $0x6  }
0xce: {  	s22 =	rddreg [dreg:$0x19];
	s17 =	sadd.s32 s2, s17  }
0xcf: {  	[tilespmem:s22], [sflag:$0x1] =	stream.linear.gather [hbm4b:s17+s1], $0x400, $0x38;
	[tilespmem:$0x11A00] =	vst v63  }
0xd0: {  	s17 =	sand.u32 $0x1FFFFF80, s23;
	s23 =	spop (v2sf);
	(v2sf) =	vpush v1, $0x6;
	_ =	sdelay $0x1  }
0xd1: {  	s24 =	rddreg [dreg:$0x1a];
	s17 =	sadd.s32 s2, s17  }
0xd2: {  	[tilespmem:s24], [sflag:$0x1] =	stream.linear.gather [hbm4b:s17+s1], $0x400, $0x38;
	[tilespmem:$0x11A00] =	vst v63  }
0xd3: {  	s17 =	sand.u32 $0x1FFFFF80, s25  }
0xd4: {  	s26 =	rddreg [dreg:$0x1b];
	s17 =	sadd.s32 s2, s17  }
0xd5: {  	[tilespmem:s26], [sflag:$0x1] =	stream.linear.gather [hbm4b:s17+s1], $0x400, $0x38;
	[tilespmem:$0x11A00] =	vst v63  }
0xd6: {  	s17 =	sand.u32 $0x1FFFFF80, s28  }
0xd7: {  	s29 =	rddreg [dreg:$0x1c];
	s17 =	sadd.s32 s2, s17;
	s25 =	spop (v2sf);
	(v2sf) =	vpush v3, $0x7  }
0xd8: {  	[tilespmem:s29], [sflag:$0x1] =	stream.linear.gather [hbm4b:s17+s1], $0x400, $0x38;
	[tilespmem:$0x11A00] =	vst v63  }
0xd9: {  	s28 =	spop (v2sf);
	(v2sf) =	vpush v2, $0x7  }
0xda: {  	s17 =	sand.u32 $0x1FFFFF80, s30  }
0xdb: {  	s31 =	rddreg [dreg:$0x1d];
	s17 =	sadd.s32 s2, s17;
	s30 =	spop (v2sf);
	(v2sf) =	vpush v0, $0x7  }
0xdc: {  	[tilespmem:s31], [sflag:$0x1] =	stream.linear.gather [hbm4b:s17+s1], $0x400, $0x38;
	[tilespmem:$0x11A00] =	vst v63  }
0xdd: {  	s17 =	sand.u32 $0x1FFFFF80, s19  }
0xde: {  	s20 =	rddreg [dreg:$0x1e];
	s17 =	sadd.s32 s2, s17;
	s19 =	spop (v2sf);
	(v2sf) =	vpush v1, $0x7  }
0xdf: {  	[tilespmem:s20], [sflag:$0x1] =	stream.linear.gather [hbm4b:s17+s1], $0x400, $0x38;
	[tilespmem:$0x11A00] =	vst v63  }
0xe0: {  	s22 =	rddreg [dreg:$0x1f];
	s17 =	sand.u32 $0x1FFFFF80, s21  }
0xe1: {  	s24 =	sld [smem:$0x7D5];
	s17 =	sadd.s32 s2, s17  }
0xe2: {  	[tilespmem:s22], [sflag:$0x1] =	stream.linear.gather [hbm4b:s17+s1], $0x400, $0x38;
	[tilespmem:$0x11A00] =	vst v63  }
0xe3: {  	s17 =	sand.u32 $0x1FFFFF80, s23  }
0xe4: {  	s17 =	sadd.s32 s2, s17  }
0xe5: {  	[tilespmem:s24], [sflag:$0x1] =	stream.linear.gather [hbm4b:s17+s1], $0x400, $0x38;
	[tilespmem:$0x11A00] =	vst v63  }
0xe6: {  	s26 =	sld [smem:$0x7D6];
	s21 =	spop (v2sf);
	(v2sf) =	vpush v3, $0x8  }
0xe7: {  	s17 =	sand.u32 $0x1FFFFF80, s25  }
0xe8: {  	s29 =	sld [smem:$0x7D7];
	s17 =	sadd.s32 s2, s17;
	s23 =	spop (v2sf);
	(v2sf) =	vpush v2, $0x8  }
0xe9: {  	[tilespmem:s26], [sflag:$0x1] =	stream.linear.gather [hbm4b:s17+s1], $0x400, $0x38;
	[tilespmem:$0x11A00] =	vst v63  }
0xea: {  	s17 =	sand.u32 $0x1FFFFF80, s28;
	s25 =	spop (v2sf);
	(v2sf) =	vpush v0, $0x8  }
0xeb: {  	s17 =	sadd.s32 s2, s17  }
0xec: {  	[tilespmem:s29], [sflag:$0x1] =	stream.linear.gather [hbm4b:s17+s1], $0x400, $0x38;
	[tilespmem:$0x11A00] =	vst v63  }
0xed: {  	s31 =	sld [smem:$0x7D8];
	s28 =	spop (v2sf);
	(v2sf) =	vpush v1, $0x8  }
0xee: {  	s17 =	sand.u32 $0x1FFFFF80, s30  }
0xef: {  	s20 =	sld [smem:$0x7D9];
	s17 =	sadd.s32 s2, s17  }
0xf0: {  	[tilespmem:s31], [sflag:$0x1] =	stream.linear.gather [hbm4b:s17+s1], $0x400, $0x38;
	[tilespmem:$0x11A00] =	vst v63  }
0xf1: {  	s17 =	sand.u32 $0x1FFFFF80, s19  }
0xf2: {  	s22 =	sld [smem:$0x7DA];
	s17 =	sadd.s32 s2, s17  }
0xf3: {  	[tilespmem:s20], [sflag:$0x1] =	stream.linear.gather [hbm4b:s17+s1], $0x400, $0x38;
	[tilespmem:$0x11A00] =	vst v63  }
0xf4: {  	s17 =	sand.u32 $0x1FFFFF80, s21  }
0xf5: {  	s17 =	sadd.s32 s2, s17;
	s30 =	spop (v2sf);
	(v2sf) =	vpush v3, $0x9  }
0xf6: {  	[tilespmem:s22], [sflag:$0x1] =	stream.linear.gather [hbm4b:s17+s1], $0x400, $0x38;
	[tilespmem:$0x11A00] =	vst v63  }
0xf7: {  	s24 =	sld [smem:$0x7DB];
	s19 =	spop (v2sf);
	(v2sf) =	vpush v2, $0x9  }
0xf8: {  	s17 =	sand.u32 $0x1FFFFF80, s23  }
0xf9: {  	s26 =	sld [smem:$0x7DC];
	s17 =	sadd.s32 s2, s17;
	s21 =	spop (v2sf);
	(v2sf) =	vpush v0, $0x9  }
0xfa: {  	[tilespmem:s24], [sflag:$0x1] =	stream.linear.gather [hbm4b:s17+s1], $0x400, $0x38;
	[tilespmem:$0x11A00] =	vst v63  }
0xfb: {  	s17 =	sand.u32 $0x1FFFFF80, s25  }
0xfc: {  	s29 =	sld [smem:$0x7DD];
	s17 =	sadd.s32 s2, s17;
	s23 =	spop (v2sf);
	(v2sf) =	vpush v1, $0x9  }
0xfd: {  	[tilespmem:s26], [sflag:$0x1] =	stream.linear.gather [hbm4b:s17+s1], $0x400, $0x38;
	[tilespmem:$0x11A00] =	vst v63  }
0xfe: {  	s17 =	sand.u32 $0x1FFFFF80, s28  }
0xff: {  	s31 =	sld [smem:$0x7DE];
	s17 =	sadd.s32 s2, s17  }
0x100: {  	[tilespmem:s29], [sflag:$0x1] =	stream.linear.gather [hbm4b:s17+s1], $0x400, $0x38;
	[tilespmem:$0x11A00] =	vst v63  }
0x101: {  	s17 =	sand.u32 $0x1FFFFF80, s30  }
0x102: {  	s17 =	sadd.s32 s2, s17  }
0x103: {  	[tilespmem:s31], [sflag:$0x1] =	stream.linear.gather [hbm4b:s17+s1], $0x400, $0x38;
	[tilespmem:$0x11A00] =	vst v63  }
0x104: {  	s20 =	sld [smem:$0x7DF];
	s25 =	spop (v2sf);
	(v2sf) =	vpush v3, $0xA  }
0x105: {  	s17 =	sand.u32 $0x1FFFFF80, s19  }
0x106: {  	s22 =	sld [smem:$0x7E0];
	s17 =	sadd.s32 s2, s17;
	s28 =	spop (v2sf);
	(v2sf) =	vpush v2, $0xA  }
0x107: {  	[tilespmem:s20], [sflag:$0x1] =	stream.linear.gather [hbm4b:s17+s1], $0x400, $0x38;
	[tilespmem:$0x11A00] =	vst v63  }
0x108: {  	s17 =	sand.u32 $0x1FFFFF80, s21;
	s30 =	spop (v2sf);
	(v2sf) =	vpush v0, $0xA  }
0x109: {  	s17 =	sadd.s32 s2, s17  }
0x10a: {  	[tilespmem:s22], [sflag:$0x1] =	stream.linear.gather [hbm4b:s17+s1], $0x400, $0x38;
	[tilespmem:$0x11A00] =	vst v63  }
0x10b: {  	s24 =	sld [smem:$0x7E1];
	s19 =	spop (v2sf);
	(v2sf) =	vpush v1, $0xA  }
0x10c: {  	s17 =	sand.u32 $0x1FFFFF80, s23  }
0x10d: {  	s26 =	sld [smem:$0x7E2];
	s17 =	sadd.s32 s2, s17  }
0x10e: {  	[tilespmem:s24], [sflag:$0x1] =	stream.linear.gather [hbm4b:s17+s1], $0x400, $0x38;
	[tilespmem:$0x11A00] =	vst v63  }
0x10f: {  	s17 =	sand.u32 $0x1FFFFF80, s25  }
0x110: {  	s29 =	sld [smem:$0x7E3];
	s17 =	sadd.s32 s2, s17  }
0x111: {  	[tilespmem:s26], [sflag:$0x1] =	stream.linear.gather [hbm4b:s17+s1], $0x400, $0x38;
	[tilespmem:$0x11A00] =	vst v63  }
0x112: {  	s17 =	sand.u32 $0x1FFFFF80, s28  }
0x113: {  	s17 =	sadd.s32 s2, s17;
	s21 =	spop (v2sf);
	(v2sf) =	vpush v3, $0xB  }
0x114: {  	[tilespmem:s29], [sflag:$0x1] =	stream.linear.gather [hbm4b:s17+s1], $0x400, $0x38;
	[tilespmem:$0x11A00] =	vst v63  }
0x115: {  	s31 =	sld [smem:$0x7E4];
	s23 =	spop (v2sf);
	(v2sf) =	vpush v2, $0xB  }
0x116: {  	s17 =	sand.u32 $0x1FFFFF80, s30  }
0x117: {  	s20 =	sld [smem:$0x7E5];
	s17 =	sadd.s32 s2, s17;
	s25 =	spop (v2sf);
	(v2sf) =	vpush v0, $0xB  }
0x118: {  	[tilespmem:s31], [sflag:$0x1] =	stream.linear.gather [hbm4b:s17+s1], $0x400, $0x38;
	[tilespmem:$0x11A00] =	vst v63  }
0x119: {  	s17 =	sand.u32 $0x1FFFFF80, s19  }
0x11a: {  	s22 =	sld [smem:$0x7E6];
	s17 =	sadd.s32 s2, s17;
	s28 =	spop (v2sf);
	(v2sf) =	vpush v1, $0xB  }
0x11b: {  	[tilespmem:s20], [sflag:$0x1] =	stream.linear.gather [hbm4b:s17+s1], $0x400, $0x38;
	[tilespmem:$0x11A00] =	vst v63  }
0x11c: {  	s17 =	sand.u32 $0x1FFFFF80, s21  }
0x11d: {  	s24 =	sld [smem:$0x7E7];
	s17 =	sadd.s32 s2, s17  }
0x11e: {  	[tilespmem:s22], [sflag:$0x1] =	stream.linear.gather [hbm4b:s17+s1], $0x400, $0x38;
	[tilespmem:$0x11A00] =	vst v63  }
0x11f: {  	s17 =	sand.u32 $0x1FFFFF80, s23  }
0x120: {  	s17 =	sadd.s32 s2, s17  }
0x121: {  	[tilespmem:s24], [sflag:$0x1] =	stream.linear.gather [hbm4b:s17+s1], $0x400, $0x38;
	[tilespmem:$0x11A00] =	vst v63  }
0x122: {  	s26 =	sld [smem:$0x7E8];
	s30 =	spop (v2sf);
	(v2sf) =	vpush v3, $0xC  }
0x123: {  	s17 =	sand.u32 $0x1FFFFF80, s25  }
0x124: {  	s29 =	sld [smem:$0x7E9];
	s17 =	sadd.s32 s2, s17;
	s19 =	spop (v2sf);
	(v2sf) =	vpush v2, $0xC  }
0x125: {  	[tilespmem:s26], [sflag:$0x1] =	stream.linear.gather [hbm4b:s17+s1], $0x400, $0x38;
	[tilespmem:$0x11A00] =	vst v63  }
0x126: {  	s17 =	sand.u32 $0x1FFFFF80, s28;
	s21 =	spop (v2sf);
	(v2sf) =	vpush v0, $0xC  }
0x127: {  	s17 =	sadd.s32 s2, s17  }
0x128: {  	[tilespmem:s29], [sflag:$0x1] =	stream.linear.gather [hbm4b:s17+s1], $0x400, $0x38;
	[tilespmem:$0x11A00] =	vst v63  }
0x129: {  	s31 =	sld [smem:$0x7EA];
	s23 =	spop (v2sf);
	(v2sf) =	vpush v1, $0xC  }
0x12a: {  	s17 =	sand.u32 $0x1FFFFF80, s30  }
0x12b: {  	s20 =	sld [smem:$0x7EB];
	s17 =	sadd.s32 s2, s17  }
0x12c: {  	[tilespmem:s31], [sflag:$0x1] =	stream.linear.gather [hbm4b:s17+s1], $0x400, $0x38;
	[tilespmem:$0x11A00] =	vst v63  }
0x12d: {  	s17 =	sand.u32 $0x1FFFFF80, s19  }
0x12e: {  	s22 =	sld [smem:$0x7EC];
	s17 =	sadd.s32 s2, s17  }
0x12f: {  	[tilespmem:s20], [sflag:$0x1] =	stream.linear.gather [hbm4b:s17+s1], $0x400, $0x38;
	[tilespmem:$0x11A00] =	vst v63  }
0x130: {  	s17 =	sand.u32 $0x1FFFFF80, s21  }
0x131: {  	s17 =	sadd.s32 s2, s17;
	s25 =	spop (v2sf);
	(v2sf) =	vpush v3, $0xD  }
0x132: {  	[tilespmem:s22], [sflag:$0x1] =	stream.linear.gather [hbm4b:s17+s1], $0x400, $0x38;
	[tilespmem:$0x11A00] =	vst v63  }
0x133: {  	s24 =	sld [smem:$0x7ED];
	s28 =	spop (v2sf);
	(v2sf) =	vpush v2, $0xD  }
0x134: {  	s17 =	sand.u32 $0x1FFFFF80, s23  }
0x135: {  	s26 =	sld [smem:$0x7EE];
	s17 =	sadd.s32 s2, s17;
	s30 =	spop (v2sf);
	(v2sf) =	vpush v0, $0xD  }
0x136: {  	[tilespmem:s24], [sflag:$0x1] =	stream.linear.gather [hbm4b:s17+s1], $0x400, $0x38;
	[tilespmem:$0x11A00] =	vst v63  }
0x137: {  	s17 =	sand.u32 $0x1FFFFF80, s25  }
0x138: {  	s29 =	sld [smem:$0x7EF];
	s17 =	sadd.s32 s2, s17;
	s19 =	spop (v2sf);
	(v2sf) =	vpush v1, $0xD  }
0x139: {  	[tilespmem:s26], [sflag:$0x1] =	stream.linear.gather [hbm4b:s17+s1], $0x400, $0x38;
	[tilespmem:$0x11A00] =	vst v63  }
0x13a: {  	s17 =	sand.u32 $0x1FFFFF80, s28  }
0x13b: {  	s31 =	sld [smem:$0x7F0];
	s17 =	sadd.s32 s2, s17  }
0x13c: {  	[tilespmem:s29], [sflag:$0x1] =	stream.linear.gather [hbm4b:s17+s1], $0x400, $0x38;
	[tilespmem:$0x11A00] =	vst v63  }
0x13d: {  	s17 =	sand.u32 $0x1FFFFF80, s30  }
0x13e: {  	s17 =	sadd.s32 s2, s17  }
0x13f: {  	[tilespmem:s31], [sflag:$0x1] =	stream.linear.gather [hbm4b:s17+s1], $0x400, $0x38;
	[tilespmem:$0x11A00] =	vst v63  }
0x140: {  	s20 =	sld [smem:$0x7F1];
	s21 =	spop (v2sf);
	(v2sf) =	vpush v3, $0xE  }
0x141: {  	s17 =	sand.u32 $0x1FFFFF80, s19  }
0x142: {  	s22 =	sld [smem:$0x7F2];
	s17 =	sadd.s32 s2, s17;
	s23 =	spop (v2sf);
	(v2sf) =	vpush v2, $0xE  }
0x143: {  	[tilespmem:s20], [sflag:$0x1] =	stream.linear.gather [hbm4b:s17+s1], $0x400, $0x38;
	[tilespmem:$0x11A00] =	vst v63  }
0x144: {  	s17 =	sand.u32 $0x1FFFFF80, s21;
	s25 =	spop (v2sf);
	(v2sf) =	vpush v0, $0xE  }
0x145: {  	s17 =	sadd.s32 s2, s17  }
0x146: {  	[tilespmem:s22], [sflag:$0x1] =	stream.linear.gather [hbm4b:s17+s1], $0x400, $0x38;
	[tilespmem:$0x11A00] =	vst v63  }
0x147: {  	s24 =	sld [smem:$0x7F3];
	s28 =	spop (v2sf);
	(v2sf) =	vpush v1, $0xE  }
0x148: {  	s17 =	sand.u32 $0x1FFFFF80, s23  }
0x149: {  	s26 =	sld [smem:$0x7F4];
	s17 =	sadd.s32 s2, s17  }
0x14a: {  	[tilespmem:s24], [sflag:$0x1] =	stream.linear.gather [hbm4b:s17+s1], $0x400, $0x38;
	[tilespmem:$0x11A00] =	vst v63  }
0x14b: {  	s17 =	sand.u32 $0x1FFFFF80, s25  }
0x14c: {  	s29 =	sld [smem:$0x7F5];
	s17 =	sadd.s32 s2, s17  }
0x14d: {  	[tilespmem:s26], [sflag:$0x1] =	stream.linear.gather [hbm4b:s17+s1], $0x400, $0x38;
	[tilespmem:$0x11A00] =	vst v63  }
0x14e: {  	s17 =	sand.u32 $0x1FFFFF80, s28  }
0x14f: {  	s17 =	sadd.s32 s2, s17;
	s30 =	spop (v2sf);
	(v2sf) =	vpush v3, $0xF  }
0x150: {  	[tilespmem:s29], [sflag:$0x1] =	stream.linear.gather [hbm4b:s17+s1], $0x400, $0x38;
	[tilespmem:$0x11A00] =	vst v63  }
0x151: {  	s31 =	sld [smem:$0x7F6];
	s19 =	spop (v2sf);
	(v2sf) =	vpush v2, $0xF  }
0x152: {  	s17 =	sand.u32 $0x1FFFFF80, s30  }
0x153: {  	s20 =	sld [smem:$0x7F7];
	s17 =	sadd.s32 s2, s17;
	s21 =	spop (v2sf)  }
0x154: {  	(v2sf) =	vpush v0, $0xF;
	[tilespmem:s31], [sflag:$0x1] =	stream.linear.gather [hbm4b:s17+s1], $0x400, $0x38;
	[tilespmem:$0x11A00] =	vst v63  }
0x155: {  	s17 =	sand.u32 $0x1FFFFF80, s19  }
0x156: {  	s22 =	sld [smem:$0x7F8];
	s23 =	spop (v2sf);
	s17 =	sadd.s32 s2, s17  }
0x157: {  	(v2sf) =	vpush v1, $0xF;
	[tilespmem:s20], [sflag:$0x1] =	stream.linear.gather [hbm4b:s17+s1], $0x400, $0x38;
	[tilespmem:$0x11A00] =	vst v63  }
0x158: {  	s17 =	sand.u32 $0x1FFFFF80, s21  }
0x159: {  	s24 =	sld [smem:$0x7F9];
	s17 =	sadd.s32 s2, s17  }
0x15a: {  	[tilespmem:s22], [sflag:$0x1] =	stream.linear.gather [hbm4b:s17+s1], $0x400, $0x38;
	[tilespmem:$0x11A00] =	vst v63  }
0x15b: {  	s17 =	sand.u32 $0x1FFFFF80, s23  }
0x15c: {  	s17 =	sadd.s32 s2, s17  }
0x15d: {  	[tilespmem:s24], [sflag:$0x1] =	stream.linear.gather [hbm4b:s17+s1], $0x400, $0x38;
	[tilespmem:$0x11A00] =	vst v63  }
0x15e: {  	s26 =	sld [smem:$0x7FA];
	s25 =	spop (v2sf)  }
0x15f: {  	s17 =	sand.u32 $0x1FFFFF80, s25  }
0x160: {  	s29 =	sld [smem:$0x7FB];
	s28 =	spop (v2sf);
	s17 =	sadd.s32 s2, s17  }
0x161: {  	[tilespmem:s26], [sflag:$0x1] =	stream.linear.gather [hbm4b:s17+s1], $0x400, $0x38;
	[tilespmem:$0x11A00] =	vst v63  }
0x162: {  	s17 =	sand.u32 $0x1FFFFF80, s28  }
0x163: {  	s31 =	sld [smem:$0x7FC];
	s30 =	spop (v2sf);
	s17 =	sadd.s32 s2, s17  }
0x164: {  	[tilespmem:s29], [sflag:$0x1] =	stream.linear.gather [hbm4b:s17+s1], $0x400, $0x38;
	[tilespmem:$0x11A00] =	vst v63  }
0x165: {  	s17 =	sand.u32 $0x1FFFFF80, s30  }
0x166: {  	s19 =	sld [smem:$0x7FD];
	s18 =	spop (v2sf);
	s17 =	sadd.s32 s2, s17  }
0x167: {  	[tilespmem:s31], [sflag:$0x1] =	stream.linear.gather [hbm4b:s17+s1], $0x400, $0x38;
	[tilespmem:$0x11A00] =	vst v63  }
0x168: {  	s17 =	sand.u32 $0x1FFFFF80, s18  }
0x169: {  	s17 =	sadd.s32 s2, s17  }
0x16a: {  	[tilespmem:s19], [sflag:$0x1] =	stream.linear.gather [hbm4b:s17+s1], $0x400, $0x38;
	[tilespmem:$0x11A00] =	vst v63  }
0x16b: {  	_ =	swait.ge [sflag:s12], $0x1000  }
0x16c: {  	[sflag:s12] =	ssyncset.done $0x0  }
0x16d: {  	[sflag:s12] =	ssyncadd.s32 $0xFFFFF000  }
0x16e: {  	_ =	swait.ge [sflag:s12], $0x4000  }
0x16f: {  	[sflag:s12] =	ssyncset.done $0x0  }
0x170: {  	[sflag:s12] =	ssyncadd.s32 $0xFFFFC000  }
0x171: {  	_ =	swait.ge [sflag:s12], $0x4000  }
0x172: {  	[sflag:s12] =	ssyncset.done $0x0  }
0x173: {  	[sflag:s12] =	ssyncadd.s32 $0xFFFFC000  }
0x174: {  	_ =	swait.ge [sflag:s12], $0x4000  }
0x175: {  	[sflag:s12] =	ssyncset.done $0x0  }
0x176: {  	[sflag:s12] =	ssyncadd.s32 $0xFFFFC000  }
0x177: {  	_ =	swait.ge [sflag:s12], $0x4000  }
0x178: {  	[sflag:s12] =	ssyncset.done $0x0  }
0x179: {  	[sflag:s12] =	ssyncadd.s32 $0xFFFFC000  }
0x17a: {  	v51 =	vld [tilespmem:s16+$0x200];
	_ =	sdelay $0x3  }
0x17b: {  	v52 =	vld [tilespmem:s16+$0x0]  }
0x17c: {  	v0 =	vshll.u32 v51, $0x6  }
0x17d: {  	v0 =	vand.u32 $0x40, v0  }
0x17e: {  	(v2sf) =	vpush v0, $0x0;
	_ =	sdelay $0x1  }
0x17f: {  	v1 =	vand.u32 $0x7, v52  }
0x180: {  	v2 =	vshll.u32 v1, $0x7  }
0x181: {  	(v2sf) =	vpush v2, $0x1  }
0x182: {  	v53 =	vld [tilespmem:s16+$0x400];
	_ =	sdelay $0x2  }
0x183: {  	(v2sf) =	vpush v2, $0x0;
	_ =	sdelay $0x1  }
0x184: {  	v54 =	vand.u32 $0x7, v53  }
0x185: {  	v1 =	vshll.u32 v54, $0x7  }
0x186: {  	(v2sf) =	vpush v1, $0x1;
	_ =	sdelay $0x2  }
0x187: {  	s20 =	spop (v2sf)  }
0x188: {  	(v2sf) =	vpush v1, $0x0;
	v5 =	vld [tilespmem:s20+$0x10800]  }
0x189: {  	v8 =	vld [tilespmem:s20+$0x10810]  }
0x18a: {  	v11 =	vld [tilespmem:s20+$0x10820]  }
0x18b: {  	s22 =	spop (v2sf);
	v14 =	vld [tilespmem:s20+$0x10830]  }
0x18c: {  	(v2sf) =	vpush v0, $0x1;
	v15 =	vld [tilespmem:s22+$0xC00]  }
0x18d: {  	v18 =	vld [tilespmem:s22+$0xC10]  }
0x18e: {  	v21 =	vld [tilespmem:s22+$0xC20]  }
0x18f: {  	s23 =	spop (v2sf);
	v24 =	vld [tilespmem:s22+$0xC30]  }
0x190: {  	(v2sf) =	vpush v0, $0x2;
	v55 =	vld [tilespmem:s23+$0x800]  }
0x191: {  	v6 =	vld [tilespmem:s23+$0x810]  }
0x192: {  	v9 =	vld [tilespmem:s23+$0x820]  }
0x193: {  	s24 =	spop (v2sf);
	v12 =	vld [tilespmem:s23+$0x830]  }
0x194: {  	(v2sf) =	vpush v2, $0x3;
	v16 =	vld [tilespmem:s24+$0x4C00]  }
0x195: {  	v19 =	vld [tilespmem:s24+$0x4C10]  }
0x196: {  	v22 =	vld [tilespmem:s24+$0x4C20]  }
0x197: {  	s21 =	spop (v2sf);
	v25 =	vld [tilespmem:s24+$0x4C30]  }
0x198: {  	(v2sf) =	vpush v2, $0x2;
	v4 =	vld [tilespmem:s21+$0x4800]  }
0x199: {  	v7 =	vld [tilespmem:s21+$0x4810]  }
0x19a: {  	v10 =	vld [tilespmem:s21+$0x4820]  }
0x19b: {  	v13 =	vld [tilespmem:s21+$0x4830];
	s25 =	spop (v2sf)  }
0x19c: {  	(v2sf) =	vpush v1, $0x3;
	v17 =	vld [tilespmem:s25+$0x10880]  }
0x19d: {  	v20 =	vld [tilespmem:s25+$0x10890]  }
0x19e: {  	v23 =	vld [tilespmem:s25+$0x108A0]  }
0x19f: {  	v26 =	vld [tilespmem:s25+$0x108B0];
	s26 =	spop (v2sf)  }
0x1a0: {  	(v2sf) =	vpush v1, $0x2;
	v29 =	vld [tilespmem:s26+$0x10900]  }
0x1a1: {  	v32 =	vld [tilespmem:s26+$0x10910]  }
0x1a2: {  	v35 =	vld [tilespmem:s26+$0x10920]  }
0x1a3: {  	s28 =	spop (v2sf);
	v38 =	vld [tilespmem:s26+$0x10930]  }
0x1a4: {  	(v2sf) =	vpush v0, $0x3;
	v39 =	vld [tilespmem:s28+$0x1400]  }
0x1a5: {  	v42 =	vld [tilespmem:s28+$0x1410]  }
0x1a6: {  	v45 =	vld [tilespmem:s28+$0x1420]  }
0x1a7: {  	v3 =	vadd.f32 v5, v55;
	s29 =	spop (v2sf);
	v5 =	vld [tilespmem:s28+$0x1430]  }
0x1a8: {  	(v2sf) =	vpush v0, $0x4;
	v27 =	vld [tilespmem:s29+$0x1000]  }
0x1a9: {  	v30 =	vld [tilespmem:s29+$0x1010]  }
0x1aa: {  	v33 =	vld [tilespmem:s29+$0x1020]  }
0x1ab: {  	v36 =	vld [tilespmem:s29+$0x1030];
	s30 =	spop (v2sf)  }
0x1ac: {  	(v2sf) =	vpush v2, $0x5;
	v40 =	vld [tilespmem:s30+$0x5400]  }
0x1ad: {  	v43 =	vld [tilespmem:s30+$0x5410]  }
0x1ae: {  	v56 =	vadd.f32 v8, v6;
	v6 =	vld [tilespmem:s30+$0x5420]  }
0x1af: {  	v58 =	vadd.f32 v11, v9;
	s31 =	spop (v2sf);
	v9 =	vld [tilespmem:s30+$0x5430]  }
0x1b0: {  	(v2sf) =	vpush v2, $0x4;
	v28 =	vld [tilespmem:s31+$0x5000]  }
0x1b1: {  	v31 =	vld [tilespmem:s31+$0x5010]  }
0x1b2: {  	v34 =	vld [tilespmem:s31+$0x5020]  }
0x1b3: {  	v37 =	vld [tilespmem:s31+$0x5030];
	s22 =	spop (v2sf)  }
0x1b4: {  	(v2sf) =	vpush v1, $0x5;
	v41 =	vld [tilespmem:s22+$0x10980]  }
0x1b5: {  	v57 =	vsub.f32 v56, v7;
	v44 =	vld [tilespmem:s22+$0x10990]  }
0x1b6: {  	v7 =	vsub.f32 v58, v10;
	(v2sf) =	vpush v1, $0x4;
	v8 =	vld [tilespmem:s22+$0x109A0]  }
0x1b7: {  	v11 =	vld [tilespmem:s22+$0x109B0];
	s23 =	spop (v2sf)  }
0x1b8: {  	v15 =	vadd.f32 v17, v15;
	v59 =	vmul.f32 v7, v7;
	v7 =	vld [tilespmem:s23+$0x10A00]  }
0x1b9: {  	v12 =	vadd.f32 v14, v12;
	v18 =	vadd.f32 v20, v18;
	v14 =	vld [tilespmem:s23+$0x10A10]  }
0x1ba: {  	v62 =	vadd.f32 v23, v21;
	v60 =	vsub.f32 v15, v16;
	v15 =	vld [tilespmem:s23+$0x10A20]  }
0x1bb: {  	(v2sf) =	vpush v0, $0x5;
	v63 =	vadd.f32 v29, v27;
	s24 =	spop (v2sf);
	v29 =	vld [tilespmem:s23+$0x10A30]  }
0x1bc: {  	v61 =	vsub.f32 v18, v19;
	v18 =	vsub.f32 v62, v22;
	v22 =	vld [tilespmem:s24+$0x1C00]  }
0x1bd: {  	v49 =	vld [tilespmem:s24+$0x1C10]  }
0x1be: {  	v3 =	vsub.f32 v3, v4;
	v12 =	vsub.f32 v12, v13;
	v55 =	vld [tilespmem:s24+$0x1C20]  }
0x1bf: {  	v50 =	vadd.f32 v26, v24;
	v13 =	vmul.f32 v60, v60;
	v32 =	vadd.f32 v32, v30;
	s25 =	spop (v2sf);
	v60 =	vld [tilespmem:s24+$0x1C30]  }
0x1c0: {  	v33 =	vadd.f32 v35, v33;
	(v2sf) =	vpush v0, $0x6;
	v10 =	vld [tilespmem:s25+$0x1800]  }
0x1c1: {  	v21 =	vsub.f32 v63, v28;
	v27 =	vsub.f32 v32, v31;
	v47 =	vld [tilespmem:s25+$0x1810]  }
0x1c2: {  	v3 =	vmul.f32 v3, v3;
	v28 =	vsub.f32 v33, v34;
	(v2sf) =	vpush v2, $0x7;
	v17 =	vld [tilespmem:s25+$0x1820]  }
0x1c3: {  	v21 =	vmul.f32 v21, v21;
	v27 =	vmul.f32 v27, v27;
	(v2sf) =	vpush v2, $0x6;
	v19 =	vld [tilespmem:s25+$0x1830];
	s26 =	spop (v2sf)  }
0x1c4: {  	v4 =	vmul.f32 v57, v57;
	v16 =	vmul.f32 v61, v61;
	(v2sf) =	vpush v1, $0x7;
	v30 =	vld [tilespmem:s26+$0x5C00]  }
0x1c5: {  	v52 =	vmul.f32 v28, v28;
	v51 =	vadd.f32 v27, v21;
	s28 =	spop (v2sf);
	(v2sf) =	vpush v1, $0x6;
	v24 =	vld [tilespmem:s26+$0x5C10]  }
0x1c6: {  	v3 =	vadd.f32 v4, v3;
	v57 =	vld [tilespmem:s26+$0x5C20]  }
0x1c7: {  	v13 =	vadd.f32 v16, v13;
	v16 =	vadd.f32 v52, v51;
	v52 =	vld [tilespmem:s26+$0x5C30]  }
0x1c8: {  	v12 =	vmul.f32 v12, v12;
	v3 =	vadd.f32 v59, v3;
	v46 =	vld [tilespmem:s28+$0x5800]  }
0x1c9: {  	v4 =	vld [tilespmem:s28+$0x5810]  }
0x1ca: {  	v3 =	vadd.f32 v12, v3;
	v20 =	vld [tilespmem:s28+$0x5820];
	s29 =	spop (v2sf)  }
0x1cb: {  	v12 =	vsub.f32 v50, v25;
	v35 =	vmul.f32 v18, v18;
	v54 =	vadd.f32 v38, v36;
	v61 =	vld [tilespmem:s29+$0x10AB0]  }
0x1cc: {  	v23 =	vld [tilespmem:s28+$0x5830]  }
0x1cd: {  	v12 =	vmul.f32 v12, v12;
	v13 =	vadd.f32 v35, v13;
	v25 =	vsub.f32 v54, v37;
	v48 =	vld [tilespmem:s29+$0x10A80]  }
0x1ce: {  	v56 =	vadd.f32 v41, v39;
	v53 =	vld [tilespmem:s29+$0x10A90]  }
0x1cf: {  	v58 =	vadd.f32 v44, v42;
	v12 =	vadd.f32 v12, v13;
	v25 =	vmul.f32 v25, v25;
	v59 =	vld [tilespmem:s29+$0x10AA0];
	s30 =	spop (v2sf)  }
0x1d0: {  	v7 =	vadd.f32 v7, v10;
	v10 =	vadd.f32 v61, v60;
	v42 =	vld [tilespmem:s30+$0x10B00]  }
0x1d1: {  	v16 =	vadd.f32 v25, v16;
	v62 =	vadd.f32 v14, v47;
	s31 =	spop (v2sf);
	v44 =	vld [tilespmem:s30+$0x10B10]  }
0x1d2: {  	v47 =	vadd.f32 v48, v22;
	v10 =	vsub.f32 v10, v52;
	v48 =	vld [tilespmem:s30+$0x10B20];
	s22 =	spop (v2sf)  }
0x1d3: {  	(xrf2) =	vadd.scan.msk.f32 $0xffff, v3;
	v7 =	vsub.f32 v7, v46;
	v4 =	vsub.f32 v62, v4;
	v51 =	vld [tilespmem:s30+$0x10B30];
	s23 =	spop (v2sf)  }
0x1d4: {  	v32 =	vsub.f32 v58, v43;
	(xrf2) =	vadd.scan.msk.f32 $0xffff, v12;
	v58 =	vmul.f32 v10, v10;
	v10 =	vld [tilespmem:s31+$0x2400];
	s24 =	spop (v2sf);
	(v2sf) =	vpush v0, $0x7  }
0x1d5: {  	(xrf2) =	vadd.scan.msk.f32 $0xffff, v16;
	v49 =	vadd.f32 v53, v49;
	v7 =	vmul.f32 v7, v7;
	v4 =	vmul.f32 v4, v4;
	v16 =	vld [tilespmem:s31+$0x2420]  }
0x1d6: {  	v8 =	vadd.f32 v8, v45;
	v45 =	vadd.f32 v29, v19;
	v63 =	vld [tilespmem:s22+$0x2000]  }
0x1d7: {  	v19 =	vsub.f32 v49, v24;
	v4 =	vadd.f32 v4, v7;
	v36 =	vld [tilespmem:s22+$0x2010]  }
0x1d8: {  	v7 =	vsub.f32 v47, v30;
	v38 =	vld [tilespmem:s22+$0x2020];
	(v2sf) =	vpush v0, $0x8  }
0x1d9: {  	v6 =	vsub.f32 v8, v6;
	v37 =	vadd.f32 v15, v17;
	v41 =	vld [tilespmem:s24+$0x6000]  }
0x1da: {  	v21 =	vsub.f32 v56, v40;
	v19 =	vmul.f32 v19, v19;
	v7 =	vmul.f32 v7, v7;
	v46 =	vld [tilespmem:s24+$0x6010]  }
0x1db: {  	v8 =	vsub.f32 v37, v20;
	v53 =	vadd.f32 v59, v55;
	v40 =	vld [tilespmem:s22+$0x2030]  }
0x1dc: {  	v7 =	vadd.f32 v19, v7;
	v19 =	vld [tilespmem:s31+$0x2430];
	(v2sf) =	vpush v2, $0x9  }
0x1dd: {  	v43 =	vmul.f32 v8, v8;
	v14 =	vld [tilespmem:s23+$0x6410];
	v13 =	vadd.f32 v42, v63;
	v8 =	vadd.f32 v44, v36  }
0x1de: {  	v5 =	vadd.f32 v11, v5;
	v11 =	vsub.f32 v53, v57;
	v50 =	vld [tilespmem:s24+$0x6020]  }
0x1df: {  	v17 =	vld [tilespmem:s23+$0x6420];
	v13 =	vsub.f32 v13, v41;
	v8 =	vsub.f32 v8, v46  }
0x1e0: {  	v11 =	vmul.f32 v11, v11;
	v20 =	vld [tilespmem:s23+$0x6430];
	(v2sf) =	vpush v2, $0x8  }
0x1e1: {  	v54 =	vld [tilespmem:s24+$0x6030];
	v15 =	vadd.f32 v48, v38;
	v13 =	vmul.f32 v13, v13;
	v8 =	vmul.f32 v8, v8  }
0x1e2: {  	v57 =	vadd.f32 v11, v7;
	v11 =	vld [tilespmem:s23+$0x6400]  }
0x1e3: {  	v15 =	vsub.f32 v15, v50;
	v55 =	vadd.f32 v8, v13;
	v13 =	vld [tilespmem:s31+$0x2410];
	s25 =	spop (v2sf)  }
0x1e4: {  	v32 =	vmul.f32 v32, v32;
	(v2sf) =	vpush v1, $0x9;
	v12 =	vld [tilespmem:s25+$0x10B80]  }
0x1e5: {  	v21 =	vmul.f32 v21, v21;
	v56 =	vmul.f32 v15, v15;
	v15 =	vld [tilespmem:s25+$0x10B90]  }
0x1e6: {  	v18 =	vld [tilespmem:s25+$0x10BA0]  }
0x1e7: {  	v39 =	vadd.f32 v32, v21;
	s26 =	spop (v2sf);
	v21 =	vld [tilespmem:s25+$0x10BB0]  }
0x1e8: {  	(v2sf) =	vpush v1, $0x8;
	v24 =	vld [tilespmem:s26+$0x10C00]  }
0x1e9: {  	v27 =	vld [tilespmem:s26+$0x10C10]  }
0x1ea: {  	v30 =	vld [tilespmem:s26+$0x10C20]  }
0x1eb: {  	s28 =	spop (v2sf);
	v33 =	vld [tilespmem:s26+$0x10C30]  }
0x1ec: {  	(v2sf) =	vpush v0, $0x9;
	v34 =	vld [tilespmem:s28+$0x2C00]  }
0x1ed: {  	v37 =	vld [tilespmem:s28+$0x2C10]  }
0x1ee: {  	v5 =	vsub.f32 v5, v9;
	v9 =	vadd.f32 v51, v40;
	v40 =	vld [tilespmem:s28+$0x2C20]  }
0x1ef: {  	v6 =	vmul.f32 v6, v6;
	v4 =	vadd.f32 v43, v4;
	s29 =	spop (v2sf);
	v43 =	vld [tilespmem:s28+$0x2C30]  }
0x1f0: {  	(v2sf) =	vpush v0, $0xA;
	v22 =	vld [tilespmem:s29+$0x2800]  }
0x1f1: {  	v5 =	vmul.f32 v5, v5;
	v6 =	vadd.f32 v6, v39;
	v25 =	vld [tilespmem:s29+$0x2810]  }
0x1f2: {  	v28 =	vld [tilespmem:s29+$0x2820]  }
0x1f3: {  	v5 =	vadd.f32 v5, v6;
	s30 =	spop (v2sf);
	v31 =	vld [tilespmem:s29+$0x2830]  }
0x1f4: {  	v6 =	vsub.f32 v45, v23;
	(v2sf) =	vpush v2, $0xB;
	v35 =	vld [tilespmem:s30+$0x6C00]  }
0x1f5: {  	v38 =	vld [tilespmem:s30+$0x6C10]  }
0x1f6: {  	v6 =	vmul.f32 v6, v6;
	(v2sf) =	vpush v2, $0xA;
	v41 =	vld [tilespmem:s30+$0x6C20]  }
0x1f7: {  	v44 =	vld [tilespmem:s30+$0x6C30];
	s31 =	spop (v2sf)  }
0x1f8: {  	v4 =	vadd.f32 v6, v4;
	v23 =	vld [tilespmem:s31+$0x6800]  }
0x1f9: {  	(xrf2) =	vadd.scan.msk.f32 $0xffff, v5;
	v26 =	vld [tilespmem:s31+$0x6810]  }
0x1fa: {  	(xrf2) =	vadd.scan.msk.f32 $0xffff, v4;
	(v2sf) =	vpush v1, $0xB;
	v29 =	vld [tilespmem:s31+$0x6820]  }
0x1fb: {  	v32 =	vld [tilespmem:s31+$0x6830];
	s22 =	spop (v2sf)  }
0x1fc: {  	(v2sf) =	vpush v1, $0xA;
	v36 =	vld [tilespmem:s22+$0x10C80]  }
0x1fd: {  	v9 =	vsub.f32 v9, v54;
	v39 =	vld [tilespmem:s22+$0x10C90]  }
0x1fe: {  	v60 =	vadd.f32 v58, v57;
	v42 =	vld [tilespmem:s22+$0x10CA0]  }
0x1ff: {  	s23 =	spop (v2sf);
	v45 =	vld [tilespmem:s22+$0x10CB0]  }
0x200: {  	(xrf2) =	vadd.scan.msk.f32 $0xffff, v60;
	v8, _, _ =	vpop (xrf2);
	(v2sf) =	vpush v0, $0xB;
	v48 =	vld [tilespmem:s23+$0x10D00]  }
0x201: {  	v59 =	vmul.f32 v9, v9;
	v3 =	vadd.f32 v56, v55;
	v9, _, _ =	vpop (xrf2);
	v51 =	vld [tilespmem:s23+$0x10D10]  }
0x202: {  	v7, _, _ =	vpop (xrf2);
	v54 =	vld [tilespmem:s23+$0x10D20]  }
0x203: {  	v3 =	vadd.f32 v59, v3;
	v6, _, _ =	vpop (xrf2);
	s24 =	spop (v2sf);
	v57 =	vld [tilespmem:s23+$0x10D30]  }
0x204: {  	v61, _, _ =	vpop (xrf2);
	v58 =	vld [tilespmem:s24+$0x3400]  }
0x205: {  	(xrf2) =	vadd.scan.msk.f32 $0xffff, v3;
	[tilespmem:$0x1FD50] =	vst v61;
	s25 =	spop (v2sf);
	v61 =	vld [tilespmem:s24+$0x3410]  }
0x206: {  	v46 =	vld [tilespmem:s25+$0x3000]  }
0x207: {  	v49 =	vld [tilespmem:s25+$0x3010]  }
0x208: {  	(v2sf) =	vpush v0, $0xC;
	v52 =	vld [tilespmem:s25+$0x3020]  }
0x209: {  	s26 =	spop (v2sf);
	v55 =	vld [tilespmem:s25+$0x3030]  }
0x20a: {  	v62, _, _ =	vpop (xrf2);
	v59 =	vld [tilespmem:s26+$0x7400]  }
0x20b: {  	[tilespmem:$0x1FD60] =	vst v62;
	v62 =	vld [tilespmem:s26+$0x7410];
	s28 =	spop (v2sf)  }
0x20c: {  	(v2sf) =	vpush v2, $0xD;
	v47 =	vld [tilespmem:s28+$0x7000]  }
0x20d: {  	v50 =	vld [tilespmem:s28+$0x7010]  }
0x20e: {  	(v2sf) =	vpush v2, $0xC;
	v53 =	vld [tilespmem:s28+$0x7020]  }
0x20f: {  	v63, _, _ =	vpop (xrf2);
	(v2sf) =	vpush v1, $0xD;
	v56 =	vld [tilespmem:s28+$0x7030];
	s29 =	spop (v2sf)  }
0x210: {  	[tilespmem:$0x1FD70] =	vst v63;
	(v2sf) =	vpush v1, $0xC;
	v60 =	vld [tilespmem:s29+$0x10D80]  }
0x211: {  	v10 =	vadd.f32 v12, v10;
	v63 =	vld [tilespmem:s29+$0x10D90]  }
0x212: {  	v5 =	vadd.f32 v15, v13;
	v3 =	vld [tilespmem:s24+$0x3420]  }
0x213: {  	v10 =	vsub.f32 v10, v11;
	v13 =	vld [tilespmem:s26+$0x7420]  }
0x214: {  	v4 =	vsub.f32 v5, v14;
	v5 =	vadd.f32 v18, v16;
	v15 =	vld [tilespmem:s29+$0x10DA0]  }
0x215: {  	v12 =	vld [tilespmem:s24+$0x3430]  }
0x216: {  	v14 =	vsub.f32 v5, v17;
	v10 =	vmul.f32 v10, v10;
	v11 =	vmul.f32 v4, v4;
	v16 =	vld [tilespmem:s26+$0x7430]  }
0x217: {  	v22 =	vadd.f32 v24, v22;
	v25 =	vadd.f32 v27, v25;
	s30 =	spop (v2sf);
	v18 =	vld [tilespmem:s29+$0x10DB0]  }
0x218: {  	v19 =	vadd.f32 v21, v19;
	v10 =	vadd.f32 v11, v10;
	v11 =	vmul.f32 v14, v14;
	v14 =	vld [tilespmem:s30+$0x10E00]  }
0x219: {  	v22 =	vsub.f32 v22, v23;
	v25 =	vsub.f32 v25, v26;
	v21 =	vld [tilespmem:s30+$0x10E10]  }
0x21a: {  	v26 =	vadd.f32 v30, v28;
	v34 =	vadd.f32 v36, v34;
	v23 =	vld [tilespmem:s30+$0x10E20]  }
0x21b: {  	v36 =	vadd.f32 v39, v37;
	v37 =	vadd.f32 v42, v40;
	s31 =	spop (v2sf);
	v30 =	vld [tilespmem:s30+$0x10E30]  }
0x21c: {  	v26 =	vsub.f32 v26, v29;
	(v2sf) =	vpush v0, $0xD;
	v29 =	vld [tilespmem:s31+$0x3C00]  }
0x21d: {  	v27 =	vsub.f32 v34, v35;
	v40 =	vsub.f32 v37, v41;
	v34 =	vld [tilespmem:s31+$0x3C10]  }
0x21e: {  	v19 =	vsub.f32 v19, v20;
	v20 =	vmul.f32 v22, v22;
	v22 =	vsub.f32 v36, v38;
	v36 =	vld [tilespmem:s31+$0x3C20]  }
0x21f: {  	v25 =	vmul.f32 v25, v25;
	v42 =	vmul.f32 v40, v40;
	s18 =	spop (v2sf);
	v40 =	vld [tilespmem:s31+$0x3C30]  }
0x220: {  	v19 =	vmul.f32 v19, v19;
	v10 =	vadd.f32 v11, v10;
	(v2sf) =	vpush v0, $0xE;
	v17 =	vld [tilespmem:s18+$0x3800]  }
0x221: {  	v20 =	vadd.f32 v25, v20;
	v38 =	vmul.f32 v26, v26;
	(v2sf) =	vpush v2, $0xF;
	v4 =	vld [tilespmem:s18+$0x3810]  }
0x222: {  	v27 =	vmul.f32 v27, v27;
	v22 =	vmul.f32 v22, v22;
	s22 =	spop (v2sf);
	v24 =	vld [tilespmem:s18+$0x3820];
	(v2sf) =	vpush v2, $0xE  }
0x223: {  	v10 =	vadd.f32 v19, v10;
	v35 =	vld [tilespmem:s22+$0x7C00]  }
0x224: {  	v19 =	vadd.f32 v38, v20;
	v22 =	vadd.f32 v22, v27;
	v20 =	vld [tilespmem:s22+$0x7C10]  }
0x225: {  	v37 =	vld [tilespmem:s22+$0x7C20]  }
0x226: {  	v22 =	vadd.f32 v42, v22;
	(v2sf) =	vpush v1, $0xF;
	v42 =	vld [tilespmem:s22+$0x7C30]  }
0x227: {  	s23 =	spop (v2sf);
	(v2sf) =	vpush v1, $0xE;
	v1 =	vld [tilespmem:s18+$0x3830]  }
0x228: {  	v39 =	vadd.f32 v33, v31;
	v45 =	vadd.f32 v45, v43;
	v5 =	vld [tilespmem:s23+$0x7800]  }
0x229: {  	v48 =	vadd.f32 v48, v46;
	v11 =	vld [tilespmem:s23+$0x7810]  }
0x22a: {  	v41 =	vsub.f32 v39, v32;
	v32 =	vsub.f32 v45, v44;
	v2 =	vld [tilespmem:s23+$0x7820]  }
0x22b: {  	v49 =	vadd.f32 v51, v49;
	v33 =	vsub.f32 v48, v47;
	v28 =	vld [tilespmem:s23+$0x7830];
	s24 =	spop (v2sf)  }
0x22c: {  	v51 =	vadd.f32 v60, v58;
	v58 =	vadd.f32 v63, v61;
	v31 =	vld [tilespmem:s24+$0x10E80]  }
0x22d: {  	v61 =	vadd.f32 v54, v52;
	v3 =	vadd.f32 v15, v3;
	v27 =	vld [tilespmem:s24+$0x10E90]  }
0x22e: {  	v63 =	vadd.f32 v57, v55;
	v12 =	vadd.f32 v18, v12;
	v38 =	vld [tilespmem:s24+$0x10EA0]  }
0x22f: {  	v25 =	vmul.f32 v41, v41;
	v39 =	vsub.f32 v51, v59;
	v41 =	vsub.f32 v58, v62;
	s25 =	spop (v2sf);
	v43 =	vld [tilespmem:s24+$0x10EB0]  }
0x230: {  	v60 =	vmul.f32 v33, v33;
	v33 =	vsub.f32 v61, v53;
	v3 =	vsub.f32 v3, v13;
	s26 =	spop (v2sf);
	v47 =	vld [tilespmem:s25+$0x10F00]  }
0x231: {  	v39 =	vmul.f32 v39, v39;
	v41 =	vmul.f32 v41, v41;
	v53 =	vld [tilespmem:s25+$0x10F10];
	s28 =	spop (v2sf);
	(v2sf) =	vpush v0, $0xF  }
0x232: {  	v32 =	vmul.f32 v32, v32;
	v26 =	vsub.f32 v49, v50;
	v49 =	vsub.f32 v63, v56;
	v56 =	vld [tilespmem:s25+$0x10F20]  }
0x233: {  	v12 =	vsub.f32 v12, v16;
	v3 =	vmul.f32 v3, v3;
	v39 =	vadd.f32 v41, v39;
	v62 =	vld [tilespmem:s25+$0x10F30]  }
0x234: {  	v19 =	vadd.f32 v25, v19;
	v22 =	vadd.f32 v32, v22;
	v26 =	vmul.f32 v26, v26;
	v63 =	vld [tilespmem:s26+$0x4400]  }
0x235: {  	v14 =	vadd.f32 v14, v17;
	v12 =	vmul.f32 v12, v12;
	v3 =	vadd.f32 v3, v39;
	v46 =	vld [tilespmem:s26+$0x4420]  }
0x236: {  	v4 =	vadd.f32 v21, v4;
	v57 =	vadd.f32 v23, v24;
	v15 =	vld [tilespmem:s28+$0x4000]  }
0x237: {  	v3 =	vadd.f32 v12, v3;
	v0 =	vadd.f32 v26, v60;
	v50 =	vld [tilespmem:s28+$0x4010]  }
0x238: {  	v48 =	vmul.f32 v33, v33;
	v1 =	vadd.f32 v30, v1;
	v54 =	vld [tilespmem:s28+$0x4020];
	v5 =	vsub.f32 v14, v5  }
0x239: {  	s29 =	spop (v2sf);
	v58 =	vld [tilespmem:s28+$0x4030];
	v4 =	vsub.f32 v4, v11;
	v2 =	vsub.f32 v57, v2  }
0x23a: {  	v0 =	vadd.f32 v48, v0;
	v61 =	vadd.f32 v27, v34;
	v34 =	vld [tilespmem:s29+$0x8400]  }
0x23b: {  	v52 =	vmul.f32 v49, v49;
	v59 =	vadd.f32 v31, v29;
	v32 =	vadd.f32 v38, v36;
	v36 =	vld [tilespmem:s26+$0x4410]  }
0x23c: {  	v1 =	vsub.f32 v1, v28;
	v5 =	vmul.f32 v5, v5;
	v4 =	vmul.f32 v4, v4;
	v38 =	vld [tilespmem:s29+$0x8410];
	s30 =	spop (v2sf)  }
0x23d: {  	v0 =	vadd.f32 v52, v0;
	v11 =	vsub.f32 v59, v35;
	v45 =	vld [tilespmem:s30+$0x8000]  }
0x23e: {  	v14 =	vsub.f32 v61, v20;
	v4 =	vadd.f32 v4, v5;
	v51 =	vld [tilespmem:s30+$0x8010]  }
0x23f: {  	v2 =	vmul.f32 v2, v2;
	v20 =	vsub.f32 v32, v37;
	v13 =	vadd.f32 v47, v15;
	v55 =	vld [tilespmem:s30+$0x8020]  }
0x240: {  	v1 =	vmul.f32 v1, v1;
	v37 =	vadd.f32 v53, v50;
	v47 =	vadd.f32 v43, v40;
	v60 =	vld [tilespmem:s30+$0x8030];
	s31 =	spop (v2sf)  }
0x241: {  	v11 =	vmul.f32 v11, v11;
	v14 =	vmul.f32 v14, v14;
	v2 =	vadd.f32 v2, v4;
	v35 =	vld [tilespmem:s31+$0x10F80]  }
0x242: {  	v12 =	vadd.f32 v56, v54;
	v53 =	vadd.f32 v62, v58;
	v41 =	vld [tilespmem:s31+$0x10F90]  }
0x243: {  	v44 =	vmul.f32 v20, v20;
	v39 =	vadd.f32 v14, v11;
	v1 =	vadd.f32 v1, v2;
	v50 =	vld [tilespmem:s31+$0x10FA0]  }
0x244: {  	v2 =	vsub.f32 v47, v42;
	v15 =	vsub.f32 v37, v51;
	v51 =	vld [tilespmem:s26+$0x4430]  }
0x245: {  	v4 =	vadd.f32 v44, v39;
	v13 =	vsub.f32 v13, v45;
	v52 =	vld [tilespmem:s31+$0x10FB0]  }
0x246: {  	v48 =	vld [tilespmem:s29+$0x8420];
	v12 =	vsub.f32 v12, v55;
	v57 =	vsub.f32 v53, v60  }
0x247: {  	v5 =	vadd.f32 v35, v63;
	v11 =	vadd.f32 v41, v36  }
0x248: {  	v54 =	vld [tilespmem:s29+$0x8430];
	v13 =	vmul.f32 v13, v13;
	v49 =	vmul.f32 v15, v15;
	v56 =	vadd.f32 v50, v46  }
0x249: {  	(xrf2) =	vadd.scan.msk.f32 $0xffff, v10;
	v2 =	vmul.f32 v2, v2;
	v5 =	vsub.f32 v5, v34;
	v55 =	vsub.f32 v11, v38  }
0x24a: {  	(xrf2) =	vadd.scan.msk.f32 $0xffff, v19;
	v12 =	vmul.f32 v12, v12;
	v13 =	vadd.f32 v49, v13;
	v14 =	vadd.f32 v52, v51  }
0x24b: {  	(xrf2) =	vadd.scan.msk.f32 $0xffff, v22;
	v11 =	vsub.f32 v56, v48;
	v5 =	vmul.f32 v5, v5;
	v10 =	vmul.f32 v55, v55  }
0x24c: {  	v18 =	vld [tilespmem:$0x1FD50];
	(xrf2) =	vadd.scan.msk.f32 $0xffff, v0;
	v58 =	vadd.f32 v2, v4;
	v60 =	vmul.f32 v57, v57;
	v59 =	vadd.f32 v12, v13  }
0x24d: {  	v19 =	vld [tilespmem:$0x1FD60];
	(xrf2) =	vadd.scan.msk.f32 $0xffff, v3;
	v63 =	vsub.f32 v14, v54;
	v62 =	vmul.f32 v11, v11;
	v61 =	vadd.f32 v10, v5  }
0x24e: {  	v8 =	vbroadcast v8, $0xF;
	v9 =	vbroadcast v9, $0xF;
	v20 =	vld [tilespmem:$0x1FD70];
	(xrf2) =	vadd.scan.msk.f32 $0xffff, v1;
	v11 =	vadd.f32 v60, v59  }
0x24f: {  	(xrf2) =	vadd.scan.msk.f32 $0xffff, v58;
	v12 =	vbroadcast v7, $0xF;
	v14 =	vmul.f32 v63, v63;
	v13 =	vadd.f32 v62, v61  }
0x250: {  	v16 =	vbroadcast v6, $0xF;
	v15 =	vsel vm0, v8, v9;
	(xrf2) =	vadd.scan.msk.f32 $0xffff, v11  }
0x251: {  	v2 =	vbroadcast v18, $0xF;
	v17 =	vsel vm1, v15, v12;
	v0 =	vadd.f32 v14, v13  }
0x252: {  	v3 =	vbroadcast v19, $0xF;
	v1 =	vsel vm2, v17, v16  }
0x253: {  	v21, _, _ =	vpop (xrf2);
	v1 =	vsel vm3, v1, v2;
	v2 =	vbroadcast v20, $0xF;
	(xrf2) =	vadd.scan.msk.f32 $0xffff, v0  }
0x254: {  	v23 =	vbroadcast v21, $0xF;
	v24, _, _ =	vpop (xrf2);
	v22 =	vsel vm4, v1, v3  }
0x255: {  	v25 =	vbroadcast v24, $0xF;
	v26, _, _ =	vpop (xrf2);
	v0 =	vsel vm5, v22, v2  }
0x256: {  	v27 =	vbroadcast v26, $0xF;
	v28, _, _ =	vpop (xrf2);
	v0 =	vsel vm6, v0, v23  }
0x257: {  	v29 =	vbroadcast v28, $0xF;
	v30, _, _ =	vpop (xrf2);
	v0 =	vsel vm7, v0, v25  }
0x258: {  	v31 =	vbroadcast v30, $0xF;
	v32, _, _ =	vpop (xrf2);
	v0 =	vsel vm8, v0, v27  }
0x259: {  	v33 =	vbroadcast v32, $0xF;
	v34, _, _ =	vpop (xrf2);
	v0 =	vsel vm9, v0, v29  }
0x25a: {  	v35 =	vbroadcast v34, $0xF;
	v36, _, _ =	vpop (xrf2);
	v0 =	vsel vm10, v0, v31  }
0x25b: {  	v37 =	vbroadcast v36, $0xF;
	v0 =	vsel vm11, v0, v33  }
0x25c: {  	v0 =	vsel vm12, v0, v35  }
0x25d: {  	v0 =	vsel vm13, v0, v37;
	v38, _, _ =	vpop (xrf2)  }
0x25e: {  	v39 =	vsel vm14, v0, v38  }
0x25f: {  	v0 =	vmax.f32 v39, $1.000000020e-35  }
0x260: {  	v40 =	vshra.s32 v0, $0x1;
	v41 =	vmul.f32 $5.000000000e-01, v0  }
0x261: {  	v42 =	vsub.s32 $0x5F3759DF, v40  }
0x262: {  	v1 =	vmul.f32 v42, v41;
	_ =	sdelay $0x1  }
0x263: {  	v1 =	vmul.f32 v42, v1;
	_ =	sdelay $0x1  }
0x264: {  	v1 =	vsub.f32 $1.500000000e+00, v1;
	_ =	sdelay $0x1  }
0x265: {  	v0 =	vmul.f32 v42, v1;
	_ =	sdelay $0x1  }
0x266: {  	v1 =	vmul.f32 v0, v41  }
0x267: {  	v43 =	vld [tilespmem:s16+$0x210]  }
0x268: {  	v44 =	vld [tilespmem:s16+$0x10];
	v1 =	vmul.f32 v1, v0;
	_ =	sdelay $0x1  }
0x269: {  	v45 =	vld [tilespmem:s16+$0x410];
	v1 =	vsub.f32 $1.500000000e+00, v1;
	_ =	sdelay $0x1  }
0x26a: {  	v47 =	vshll.u32 v43, $0x6;
	v46 =	vmul.f32 v1, v0  }
0x26b: {  	v48 =	vand.u32 $0x7, v44;
	v0 =	vand.u32 $0x40, v47  }
0x26c: {  	v2 =	vshll.u32 v48, $0x7;
	(v2sf) =	vpush v0, $0x0;
	v49 =	vmul.f32 v46, v41  }
0x26d: {  	v50 =	vand.u32 $0x7, v45;
	(v2sf) =	vpush v2, $0x1  }
0x26e: {  	v1 =	vshll.u32 v50, $0x7;
	(v2sf) =	vpush v2, $0x0;
	v5 =	vmul.f32 v49, v46  }
0x26f: {  	(v2sf) =	vpush v1, $0x1  }
0x270: {  	(v2sf) =	vpush v1, $0x0;
	v5 =	vsub.f32 $1.500000000e+00, v5;
	_ =	sdelay $0x1  }
0x271: {  	v5 =	vmul.f32 v5, v46;
	_ =	sdelay $0x1  }
0x272: {  	v4 =	vmul.f32 v5, v41;
	_ =	sdelay $0x1  }
0x273: {  	v4 =	vmul.f32 v4, v5;
	_ =	sdelay $0x1  }
0x274: {  	v4 =	vsub.f32 $1.500000000e+00, v4;
	_ =	sdelay $0x1  }
0x275: {  	v4 =	vmul.f32 v4, v5  }
0x276: {  	(v2sf) =	vpush v0, $0x1;
	s18 =	spop (v2sf)  }
0x277: {  	s20 =	spop (v2sf);
	v3 =	vmul.f32 v4, v39  }
0x278: {  	s22 =	spop (v2sf)  }
0x279: {  	(v2sf) =	vpush v0, $0x2;
	s23 =	spop (v2sf);
	[tilespmem:s16+$0x11800] =	vst v3  }
0x27a: {  	(v2sf) =	vpush v2, $0x3;
	s24 =	spop (v2sf);
	v36 =	vld [tilespmem:s22+$0x8800]  }
0x27b: {  	(v2sf) =	vpush v2, $0x2;
	v52 =	vld [tilespmem:s24+$0xC800]  }
0x27c: {  	v11 =	vld [tilespmem:s22+$0x8810]  }
0x27d: {  	v48 =	vld [tilespmem:s24+$0xC810]  }
0x27e: {  	v8 =	vld [tilespmem:s22+$0x8820]  }
0x27f: {  	(v2sf) =	vpush v1, $0x3;
	v12 =	vld [tilespmem:s24+$0xC820]  }
0x280: {  	(v2sf) =	vpush v1, $0x2;
	v54 =	vld [tilespmem:s22+$0x8830]  }
0x281: {  	v29 =	vld [tilespmem:s24+$0xC830]  }
0x282: {  	v15 =	vld [tilespmem:s23+$0xCC00]  }
0x283: {  	v55 =	vld [tilespmem:s23+$0xCC10]  }
0x284: {  	v37 =	vld [tilespmem:s23+$0xCC20]  }
0x285: {  	s25 =	spop (v2sf);
	v51 =	vld [tilespmem:s23+$0xCC30]  }
0x286: {  	v4 =	vld [tilespmem:s25+$0x11080]  }
0x287: {  	(v2sf) =	vpush v0, $0x3;
	v5 =	vld [tilespmem:s25+$0x11090]  }
0x288: {  	v14 =	vld [tilespmem:s25+$0x110A0];
	s26 =	spop (v2sf);
	(v2sf) =	vpush v0, $0x4  }
0x289: {  	v42 =	vld [tilespmem:s25+$0x110B0];
	s28 =	spop (v2sf);
	(v2sf) =	vpush v2, $0x5  }
0x28a: {  	v22 =	vld [tilespmem:s26+$0x11100];
	s29 =	spop (v2sf);
	(v2sf) =	vpush v2, $0x4  }
0x28b: {  	v21 =	vld [tilespmem:s26+$0x11110]  }
0x28c: {  	v24 =	vld [tilespmem:s26+$0x11120]  }
0x28d: {  	v41 =	vld [tilespmem:s26+$0x11130]  }
0x28e: {  	v19 =	vld [tilespmem:s28+$0x9400];
	s30 =	spop (v2sf);
	(v2sf) =	vpush v1, $0x5  }
0x28f: {  	v18 =	vld [tilespmem:s28+$0x9410];
	s31 =	spop (v2sf);
	(v2sf) =	vpush v1, $0x4  }
0x290: {  	v60 =	vld [tilespmem:s28+$0x9420]  }
0x291: {  	v59 =	vld [tilespmem:s28+$0x9430]  }
0x292: {  	v30 =	vld [tilespmem:s29+$0x9000]  }
0x293: {  	v27 =	vld [tilespmem:s29+$0x9010]  }
0x294: {  	v33 =	vld [tilespmem:s29+$0x9020]  }
0x295: {  	v44 =	vld [tilespmem:s29+$0x9030]  }
0x296: {  	v31 =	vld [tilespmem:s30+$0xD400];
	s22 =	spop (v2sf);
	(v2sf) =	vpush v0, $0x5  }
0x297: {  	v25 =	vld [tilespmem:s30+$0xD410];
	s23 =	spop (v2sf);
	(v2sf) =	vpush v0, $0x6  }
0x298: {  	v56 =	vld [tilespmem:s30+$0xD420];
	s24 =	spop (v2sf);
	(v2sf) =	vpush v2, $0x7  }
0x299: {  	v53 =	vld [tilespmem:s30+$0xD430];
	s25 =	spop (v2sf);
	(v2sf) =	vpush v2, $0x6  }
0x29a: {  	v63 =	vld [tilespmem:s24+$0x9C00]  }
0x29b: {  	v45 =	vld [tilespmem:s31+$0xD000]  }
0x29c: {  	v49 =	vld [tilespmem:s31+$0xD010]  }
0x29d: {  	v62 =	vld [tilespmem:s31+$0xD020];
	s26 =	spop (v2sf);
	(v2sf) =	vpush v1, $0x7  }
0x29e: {  	v50 =	vld [tilespmem:s31+$0xD030];
	s28 =	spop (v2sf);
	(v2sf) =	vpush v1, $0x6  }
0x29f: {  	[tilespmem:$0x1FDC0] =	vst v63;
	v63 =	vld [tilespmem:s26+$0xDC10]  }
0x2a0: {  	v17 =	vld [tilespmem:s22+$0x11180]  }
0x2a1: {  	v16 =	vld [tilespmem:s22+$0x11190]  }
0x2a2: {  	v43 =	vld [tilespmem:s22+$0x111A0]  }
0x2a3: {  	v57 =	vld [tilespmem:s25+$0x9830]  }
0x2a4: {  	[tilespmem:$0x1FE00] =	vst v63;
	v63 =	vld [tilespmem:s24+$0x9C30]  }
0x2a5: {  	v40 =	vld [tilespmem:s22+$0x111B0];
	s29 =	spop (v2sf)  }
0x2a6: {  	v26 =	vld [tilespmem:s23+$0x11200];
	s30 =	spop (v2sf)  }
0x2a7: {  	v61 =	vld [tilespmem:s23+$0x11230];
	s31 =	spop (v2sf)  }
0x2a8: {  	[tilespmem:$0x1FDA0] =	vst v57;
	v57 =	vld [tilespmem:s26+$0xDC00];
	s22 =	spop (v2sf)  }
0x2a9: {  	[tilespmem:$0x1FE70] =	vst v63;
	v63 =	vld [tilespmem:s22+$0xA020]  }
0x2aa: {  	v20 =	vld [tilespmem:s23+$0x11210]  }
0x2ab: {  	v28 =	vld [tilespmem:s23+$0x11220]  }
0x2ac: {  	[tilespmem:$0x1FDB0] =	vst v61;
	v61 =	vld [tilespmem:s24+$0x9C10];
	s23 =	spop (v2sf)  }
0x2ad: {  	[tilespmem:$0x1FDF0] =	vst v57;
	v57 =	vld [tilespmem:s24+$0x9C20];
	s24 =	spop (v2sf)  }
0x2ae: {  	[tilespmem:$0x1FE90] =	vst v63;
	v63 =	vld [tilespmem:s24+$0xE020];
	_ =	sdelay $0x4  }
0x2af: {  	[tilespmem:$0x1FEC0] =	vst v63;
	v63 =	vld [tilespmem:s30+$0x11320];
	_ =	sdelay $0x4  }
0x2b0: {  	[tilespmem:$0x1FEA0] =	vst v63;
	v63 =	vld [tilespmem:s22+$0xA030];
	_ =	sdelay $0x2  }
0x2b1: {  	v10 =	vld [tilespmem:s18+$0x11000]  }
0x2b2: {  	v9 =	vld [tilespmem:s18+$0x11010]  }
0x2b3: {  	[tilespmem:$0x1FED0] =	vst v63;
	v63 =	vld [tilespmem:s24+$0xE030]  }
0x2b4: {  	v3 =	vld [tilespmem:s18+$0x11020]  }
0x2b5: {  	v13 =	vld [tilespmem:s18+$0x11030]  }
0x2b6: {  	v6 =	vld [tilespmem:s20+$0x8C00]  }
0x2b7: {  	v7 =	vld [tilespmem:s20+$0x8C10];
	(v2sf) =	vpush v0, $0x7  }
0x2b8: {  	[tilespmem:$0x1FF30] =	vst v63;
	v63 =	vld [tilespmem:s30+$0x11330]  }
0x2b9: {  	v35 =	vld [tilespmem:s20+$0x8C20]  }
0x2ba: {  	v47 =	vld [tilespmem:s20+$0x8C30]  }
0x2bb: {  	v32 =	vld [tilespmem:s25+$0x9800]  }
0x2bc: {  	v23 =	vld [tilespmem:s25+$0x9810]  }
0x2bd: {  	[tilespmem:$0x1FEE0] =	vst v63;
	v63 =	vld [tilespmem:s31+$0xA400]  }
0x2be: {  	v34 =	vld [tilespmem:s25+$0x9820]  }
0x2bf: {  	v39 =	vld [tilespmem:s28+$0xD800]  }
0x2c0: {  	v58 =	vld [tilespmem:s28+$0xD830]  }
0x2c1: {  	v38 =	vld [tilespmem:s28+$0xD810]  }
0x2c2: {  	[tilespmem:$0x1FEF0] =	vst v63;
	v63 =	vld [tilespmem:s23+$0xE400]  }
0x2c3: {  	v46 =	vld [tilespmem:s28+$0xD820]  }
0x2c4: {  	[tilespmem:$0x1FD80] =	vst v51;
	v44 =	vadd.f32 v41, v44;
	v51 =	vld [tilespmem:s29+$0x11290]  }
0x2c5: {  	[tilespmem:$0x1FE60] =	vst v58;
	v58 =	vld [tilespmem:s29+$0x11280]  }
0x2c6: {  	v50 =	vsub.f32 v44, v50;
	v44 =	vld [tilespmem:$0x1FDC0];
	(v2sf) =	vpush v0, $0x8;
	s25 =	spop (v2sf)  }
0x2c7: {  	(v2sf) =	vpush v2, $0x9;
	[tilespmem:$0x1FF40] =	vst v63;
	v63 =	vld [tilespmem:s25+$0x11380]  }
0x2c8: {  	v41 =	vld [tilespmem:$0x1FDA0];
	(v2sf) =	vpush v2, $0x8  }
0x2c9: {  	[tilespmem:$0x1FDE0] =	vst v61;
	v61 =	vld [tilespmem:s29+$0x112A0];
	(v2sf) =	vpush v1, $0x9  }
0x2ca: {  	[tilespmem:$0x1FDD0] =	vst v58;
	v58 =	vld [tilespmem:s26+$0xDC20];
	(v2sf) =	vpush v1, $0x8  }
0x2cb: {  	v10 =	vadd.f32 v10, v36;
	v3 =	vadd.f32 v3, v8;
	v36 =	vld [tilespmem:s31+$0xA420]  }
0x2cc: {  	[tilespmem:$0x1FF00] =	vst v63;
	v63 =	vld [tilespmem:s31+$0xA410]  }
0x2cd: {  	v3 =	vsub.f32 v3, v12;
	v12 =	vld [tilespmem:s31+$0xA430]  }
0x2ce: {  	[tilespmem:$0x1FE20] =	vst v61;
	v61 =	vld [tilespmem:s24+$0xE000]  }
0x2cf: {  	[tilespmem:$0x1FE10] =	vst v57;
	v57 =	vld [tilespmem:s26+$0xDC30]  }
0x2d0: {  	v9 =	vadd.f32 v9, v11;
	[tilespmem:$0x1FD90] =	vst v53;
	v53 =	vld [tilespmem:s22+$0xA000]  }
0x2d1: {  	[tilespmem:$0x1FF10] =	vst v63;
	v63 =	vld [tilespmem:s23+$0xE410]  }
0x2d2: {  	v9 =	vsub.f32 v9, v48;
	v48 =	vld [tilespmem:s23+$0xE430]  }
0x2d3: {  	[tilespmem:$0x1FE40] =	vst v61;
	v61 =	vld [tilespmem:s24+$0xE010]  }
0x2d4: {  	[tilespmem:$0x1FE30] =	vst v58;
	v58 =	vld [tilespmem:s29+$0x112B0]  }
0x2d5: {  	v8 =	vsub.f32 v10, v52;
	v52 =	vld [tilespmem:s25+$0x113A0];
	s26 =	spop (v2sf)  }
0x2d6: {  	s28 =	spop (v2sf);
	[tilespmem:$0x1FF50] =	vst v63;
	v63 =	vld [tilespmem:s25+$0x11390]  }
0x2d7: {  	[tilespmem:$0x1FEB0] =	vst v57;
	v57 =	vld [tilespmem:s30+$0x11300];
	s29 =	spop (v2sf)  }
0x2d8: {  	v5 =	vadd.f32 v5, v7;
	[tilespmem:$0x1FE50] =	vst v61;
	v61 =	vld [tilespmem:s30+$0x11310];
	s30 =	spop (v2sf)  }
0x2d9: {  	[tilespmem:$0x1FFA0] =	vst v48;
	v48 =	vld [tilespmem:s29+$0xA800];
	s31 =	spop (v2sf)  }
0x2da: {  	v5 =	vsub.f32 v5, v55;
	v55 =	vld [tilespmem:s31+$0xE800]  }
0x2db: {  	(v2sf) =	vpush v0, $0x9;
	[tilespmem:$0x1FF20] =	vst v63;
	v63 =	vld [tilespmem:s23+$0xE420]  }
0x2dc: {  	[tilespmem:$0x1FF70] =	vst v12;
	v12 =	vld [tilespmem:s25+$0x113B0]  }
0x2dd: {  	[tilespmem:$0x1FE80] =	vst v58;
	v58 =	vld [tilespmem:s22+$0xA010];
	(v2sf) =	vpush v0, $0xA  }
0x2de: {  	(v2sf) =	vpush v2, $0xB;
	[tilespmem:$0x1FF90] =	vst v48;
	v48 =	vld [tilespmem:s31+$0xE820]  }
0x2df: {  	(v2sf) =	vpush v2, $0xA;
	[tilespmem:$0x1FFB0] =	vst v55;
	v55 =	vld [tilespmem:s29+$0xA820]  }
0x2e0: {  	[tilespmem:$0x1FF60] =	vst v63;
	v63 =	vadd.f32 v13, v54;
	v54 =	vadd.f32 v14, v35;
	v35 =	vld [tilespmem:s26+$0x11400]  }
0x2e1: {  	v4 =	vadd.f32 v4, v6;
	v14 =	vadd.f32 v21, v27;
	v21 =	vld [tilespmem:s31+$0xE830]  }
0x2e2: {  	v27 =	vadd.f32 v24, v33;
	v33 =	vadd.f32 v16, v18;
	v18 =	vld [tilespmem:s28+$0xAC10]  }
0x2e3: {  	v24 =	vadd.f32 v43, v60;
	v60 =	vld [tilespmem:s30+$0xEC20]  }
0x2e4: {  	v4 =	vsub.f32 v4, v15;
	v43 =	vld [tilespmem:$0x1FDB0]  }
0x2e5: {  	v6 =	vsub.f32 v63, v29;
	v63 =	vsub.f32 v54, v37;
	v37 =	vld [tilespmem:s29+$0xA810]  }
0x2e6: {  	v15 =	vmul.f32 v9, v9;
	v13 =	vmul.f32 v8, v8;
	v29 =	vld [tilespmem:s31+$0xE810]  }
0x2e7: {  	v4 =	vmul.f32 v4, v4;
	v54 =	vld [tilespmem:s26+$0x11410]  }
0x2e8: {  	v5 =	vmul.f32 v5, v5;
	v7 =	vadd.f32 v15, v13;
	v13 =	vadd.f32 v22, v30;
	v22 =	vld [tilespmem:s29+$0xA830]  }
0x2e9: {  	(v2sf) =	vpush v1, $0xB;
	v15 =	vadd.f32 v42, v47;
	v42 =	vld [tilespmem:s26+$0x11430]  }
0x2ea: {  	v4 =	vadd.f32 v5, v4;
	s22 =	spop (v2sf);
	v5 =	vsub.f32 v14, v49;
	v49 =	vld [tilespmem:s28+$0xAC00]  }
0x2eb: {  	(v2sf) =	vpush v1, $0xA;
	v8 =	vsub.f32 v27, v62;
	v62 =	vld [tilespmem:s22+$0x11480]  }
0x2ec: {  	v47 =	vld [tilespmem:$0x1FD80]  }
0x2ed: {  	s23 =	spop (v2sf);
	v30 =	vadd.f32 v17, v19;
	v17 =	vld [tilespmem:s22+$0x11490]  }
0x2ee: {  	s24 =	spop (v2sf);
	v27 =	vadd.f32 v40, v59;
	v59 =	vld [tilespmem:s28+$0xAC30]  }
0x2ef: {  	s25 =	spop (v2sf);
	v10 =	vsub.f32 v33, v25;
	v19 =	vld [tilespmem:s23+$0x11500]  }
0x2f0: {  	v3 =	vmul.f32 v3, v3;
	v25 =	vadd.f32 v26, v32;
	v26 =	vadd.f32 v20, v23;
	v20 =	vld [tilespmem:s25+$0xB010]  }
0x2f1: {  	[tilespmem:$0x1FF80] =	vst v12;
	v12 =	vmul.f32 v63, v63;
	v63 =	vld [tilespmem:s30+$0xEC10]  }
0x2f2: {  	v3 =	vadd.f32 v3, v7;
	v6 =	vmul.f32 v6, v6;
	v9 =	vsub.f32 v30, v31;
	v31 =	vld [tilespmem:$0x1FD90]  }
0x2f3: {  	v11 =	vsub.f32 v26, v38;
	[tilespmem:$0x1FFC0] =	vst v21;
	v21 =	vld [tilespmem:s28+$0xAC20]  }
0x2f4: {  	v30 =	vadd.f32 v28, v34;
	v3 =	vadd.f32 v6, v3;
	v6 =	vld [tilespmem:s26+$0x11420]  }
0x2f5: {  	v34 =	vmul.f32 v11, v11;
	v11 =	vld [tilespmem:s25+$0xB000]  }
0x2f6: {  	v33 =	vsub.f32 v30, v46;
	v46 =	vld [tilespmem:$0x1FDD0]  }
0x2f7: {  	v4 =	vadd.f32 v12, v4;
	v12 =	vmul.f32 v50, v50;
	v50 =	vld [tilespmem:$0x1FDF0]  }
0x2f8: {  	s26 =	spop (v2sf);
	v7 =	vsub.f32 v15, v47;
	v47 =	vld [tilespmem:$0x1FDE0]  }
0x2f9: {  	v30 =	vld [tilespmem:s26+$0xF400]  }
0x2fa: {  	(v2sf) =	vpush v0, $0xB;
	s28 =	spop (v2sf);
	[tilespmem:$0x1FFD0] =	vst v3;
	v3 =	vsub.f32 v13, v45;
	v45 =	vld [tilespmem:s30+$0xEC00]  }
0x2fb: {  	(v2sf) =	vpush v0, $0xC;
	v15 =	vld [tilespmem:s28+$0xF000]  }
0x2fc: {  	v10 =	vmul.f32 v10, v10;
	v9 =	vmul.f32 v9, v9;
	v23 =	vld [tilespmem:s28+$0xF010]  }
0x2fd: {  	v16 =	vld [tilespmem:s28+$0xF020]  }
0x2fe: {  	v9 =	vadd.f32 v10, v9;
	v10 =	vsub.f32 v25, v39;
	v25 =	vld [tilespmem:s23+$0x11520]  }
0x2ff: {  	(v2sf) =	vpush v2, $0xD;
	v39 =	vmul.f32 v33, v33;
	v33 =	vld [tilespmem:$0x1FE20];
	v7 =	vmul.f32 v7, v7  }
0x300: {  	(v2sf) =	vpush v2, $0xC;
	v5 =	vmul.f32 v5, v5;
	v13 =	vsub.f32 v27, v31;
	v31 =	vld [tilespmem:$0x1FE00]  }
0x301: {  	v3 =	vmul.f32 v3, v3;
	v14 =	vadd.f32 v7, v4;
	v7 =	vadd.f32 v43, v41;
	v43 =	vld [tilespmem:$0x1FE40]  }
0x302: {  	v10 =	vmul.f32 v10, v10;
	v6 =	vadd.f32 v6, v55;
	v55 =	vld [tilespmem:$0x1FFC0]  }
0x303: {  	v8 =	vmul.f32 v8, v8;
	v3 =	vadd.f32 v5, v3;
	v5 =	vld [tilespmem:s22+$0x114A0]  }
0x304: {  	v38 =	vadd.f32 v34, v10;
	v10 =	vld [tilespmem:s25+$0xB030]  }
0x305: {  	v8 =	vadd.f32 v8, v3;
	v3 =	vsub.f32 v24, v56;
	v56 =	vld [tilespmem:s30+$0xEC30]  }
0x306: {  	v24 =	vld [tilespmem:s23+$0x11510]  }
0x307: {  	v4 =	vadd.f32 v39, v38;
	v38 =	vadd.f32 v57, v53;
	v53 =	vld [tilespmem:$0x1FEA0]  }
0x308: {  	v57 =	vld [tilespmem:$0x1FEB0]  }
0x309: {  	v37 =	vadd.f32 v54, v37;
	s29 =	spop (v2sf);
	v39 =	vadd.f32 v61, v58;
	v58 =	vld [tilespmem:$0x1FEC0]  }
0x30a: {  	v61 =	vld [tilespmem:$0x1FED0];
	s30 =	spop (v2sf)  }
0x30b: {  	v29 =	vsub.f32 v37, v29;
	v37 =	vld [tilespmem:s30+$0x11610]  }
0x30c: {  	v17 =	vadd.f32 v17, v18;
	v18 =	vld [tilespmem:s30+$0x11630]  }
0x30d: {  	v32 =	vmul.f32 v3, v3;
	v3 =	vld [tilespmem:s22+$0x114B0]  }
0x30e: {  	(v2sf) =	vpush v1, $0xD;
	s31 =	spop (v2sf);
	v8 =	vadd.f32 v12, v8;
	v12 =	vld [tilespmem:s23+$0x11530]  }
0x30f: {  	v27 =	vsub.f32 v38, v43;
	v43 =	vld [tilespmem:$0x1FEE0];
	s22 =	spop (v2sf)  }
0x310: {  	v6 =	vsub.f32 v6, v48;
	v48 =	vld [tilespmem:s22+$0xB820]  }
0x311: {  	v9 =	vadd.f32 v32, v9;
	v32 =	vld [tilespmem:$0x1FE10]  }
0x312: {  	[tilespmem:$0x1FFE0] =	vst v8;
	v8 =	vadd.f32 v46, v44;
	v44 =	vld [tilespmem:$0x1FE50]  }
0x313: {  	v13 =	vmul.f32 v13, v13;
	v46 =	vld [tilespmem:$0x1FE60]  }
0x314: {  	v20 =	vadd.f32 v24, v20;
	v24 =	vld [tilespmem:s31+$0xBC30]  }
0x315: {  	v40 =	vadd.f32 v13, v9;
	v13 =	vld [tilespmem:s25+$0xB020]  }
0x316: {  	v9 =	vadd.f32 v51, v47;
	v51 =	vsub.f32 v8, v50;
	v8 =	vld [tilespmem:s28+$0xF030]  }
0x317: {  	v47 =	vld [tilespmem:$0x1FE70]  }
0x318: {  	v50 =	vld [tilespmem:$0x1FE80]  }
0x319: {  	v38 =	vadd.f32 v43, v61;
	v43 =	vld [tilespmem:s24+$0xB420]  }
0x31a: {  	v54 =	vadd.f32 v62, v49;
	v62 =	vsub.f32 v20, v23;
	v23 =	vld [tilespmem:s31+$0xBC20]  }
0x31b: {  	[tilespmem:$0x1FFF0] =	vst v40;
	v40 =	vld [tilespmem:$0x1FE30]  }
0x31c: {  	v9 =	vsub.f32 v9, v31;
	v31 =	vld [tilespmem:s24+$0xB400]  }
0x31d: {  	(v2sf) =	vpush v1, $0xC;
	s23 =	spop (v2sf);
	v41 =	vmul.f32 v51, v51;
	v51 =	vld [tilespmem:$0x1FE90]  }
0x31e: {  	v5 =	vadd.f32 v5, v21;
	v21 =	vld [tilespmem:s23+$0xFC00]  }
0x31f: {  	v20 =	vld [tilespmem:s23+$0xFC10]  }
0x320: {  	(v2sf) =	vpush v0, $0xD;
	v34 =	vadd.f32 v33, v32;
	v33 =	vld [tilespmem:s29+$0x11580]  }
0x321: {  	v28 =	vsub.f32 v39, v44;
	v39 =	vld [tilespmem:s29+$0x11590]  }
0x322: {  	v44 =	vld [tilespmem:$0x1FEF0]  }
0x323: {  	v7 =	vsub.f32 v7, v46;
	v46 =	vld [tilespmem:$0x1FF00]  }
0x324: {  	v32 =	vadd.f32 v50, v47;
	v47 =	vld [tilespmem:$0x1FF10]  }
0x325: {  	v27 =	vmul.f32 v27, v27;
	v28 =	vmul.f32 v28, v28;
	v50 =	vld [tilespmem:$0x1FF20]  }
0x326: {  	(v2sf) =	vpush v0, $0xE;
	v26 =	vsub.f32 v34, v40;
	v34 =	vld [tilespmem:s24+$0xB410]  }
0x327: {  	v27 =	vadd.f32 v28, v27;
	v28 =	vld [tilespmem:s26+$0xF410]  }
0x328: {  	(v2sf) =	vpush v2, $0xF;
	v32 =	vsub.f32 v32, v57;
	v57 =	vld [tilespmem:$0x1FF50]  }
0x329: {  	(v2sf) =	vpush v2, $0xE;
	v9 =	vmul.f32 v9, v9;
	v40 =	vadd.f32 v46, v44;
	v44 =	vld [tilespmem:s26+$0xF420]  }
0x32a: {  	v11 =	vadd.f32 v19, v11;
	(v2sf) =	vpush v1, $0xF;
	v46 =	vld [tilespmem:s29+$0x115A0]  }
0x32b: {  	v9 =	vadd.f32 v9, v41;
	v26 =	vmul.f32 v26, v26;
	v41 =	vadd.f32 v50, v47;
	v50 =	vld [tilespmem:s24+$0xB430]  }
0x32c: {  	v11 =	vsub.f32 v11, v15;
	s24 =	spop (v2sf);
	(v2sf) =	vpush v1, $0xE;
	v1 =	vld [tilespmem:s22+$0xB830]  }
0x32d: {  	v26 =	vadd.f32 v26, v9;
	v9 =	vadd.f32 v53, v51;
	v51 =	vld [tilespmem:$0x1FF30]  }
0x32e: {  	v53 =	vld [tilespmem:$0x1FF40]  }
0x32f: {  	v11 =	vmul.f32 v11, v11;
	v15 =	vmul.f32 v62, v62;
	s25 =	spop (v2sf);
	(v2sf) =	vpush v0, $0xF;
	v0 =	vld [tilespmem:s23+$0xFC30]  }
0x330: {  	v13 =	vadd.f32 v25, v13;
	v19 =	vld [tilespmem:s25+$0x11690]  }
0x331: {  	v11 =	vadd.f32 v15, v11;
	v15 =	vld [tilespmem:s25+$0x116A0];
	v9 =	vsub.f32 v9, v58  }
0x332: {  	v13 =	vsub.f32 v13, v16;
	v16 =	vld [tilespmem:s25+$0x116B0]  }
0x333: {  	v17 =	vsub.f32 v17, v63;
	v58 =	vld [tilespmem:$0x1FF60];
	v61 =	vmul.f32 v9, v9  }
0x334: {  	v3 =	vadd.f32 v3, v59;
	v38 =	vsub.f32 v38, v51;
	v51 =	vld [tilespmem:s26+$0xF430]  }
0x335: {  	v63 =	vadd.f32 v33, v31;
	s26 =	spop (v2sf);
	v47 =	vadd.f32 v61, v27;
	v61 =	vld [tilespmem:$0x1FF80]  }
0x336: {  	v31 =	vadd.f32 v39, v34;
	v39 =	vadd.f32 v46, v43;
	v46 =	vld [tilespmem:s26+$0x11700]  }
0x337: {  	v3 =	vsub.f32 v3, v56;
	v56 =	vld [tilespmem:s26+$0x11710]  }
0x338: {  	v36 =	vadd.f32 v52, v36;
	v41 =	vsub.f32 v41, v57;
	v59 =	vld [tilespmem:s26+$0x11720]  }
0x339: {  	v34 =	vsub.f32 v63, v30;
	v40 =	vsub.f32 v40, v53;
	v63 =	vld [tilespmem:s26+$0x11730]  }
0x33a: {  	v36 =	vsub.f32 v36, v58;
	v52 =	vmul.f32 v38, v38;
	v38 =	vld [tilespmem:s29+$0x115B0]  }
0x33b: {  	v41 =	vmul.f32 v41, v41;
	v40 =	vmul.f32 v40, v40;
	v58 =	vld [tilespmem:$0x1FF70]  }
0x33c: {  	v22 =	vadd.f32 v42, v22;
	v57 =	vmul.f32 v36, v36;
	v36 =	vld [tilespmem:s22+$0xB800]  }
0x33d: {  	v7 =	vmul.f32 v7, v7;
	v53 =	vadd.f32 v41, v40;
	v40 =	vld [tilespmem:s24+$0xF800]  }
0x33e: {  	v22 =	vsub.f32 v22, v55;
	v32 =	vmul.f32 v32, v32;
	v41 =	vld [tilespmem:$0x1FF90]  }
0x33f: {  	v9 =	vadd.f32 v7, v4;
	v7 =	vadd.f32 v52, v47;
	v47 =	vld [tilespmem:$0x1FFA0]  }
0x340: {  	v4 =	vadd.f32 v32, v26;
	s28 =	spop (v2sf);
	v52 =	vld [tilespmem:$0x1FFB0];
	v26 =	vadd.f32 v57, v53  }
0x341: {  	v57 =	vsub.f32 v54, v45;
	v45 =	vsub.f32 v39, v44;
	v39 =	vld [tilespmem:s28+$0xC400]  }
0x342: {  	v44 =	vld [tilespmem:s28+$0xC410]  }
0x343: {  	v27 =	vadd.f32 v61, v58;
	v58 =	vmul.f32 v22, v22;
	v22 =	vld [tilespmem:s25+$0x11680]  }
0x344: {  	v32 =	vadd.f32 v35, v41;
	v35 =	vld [tilespmem:s30+$0x11600]  }
0x345: {  	v49 =	vadd.f32 v38, v50;
	v41 =	vld [tilespmem:s22+$0xB810]  }
0x346: {  	v17 =	vmul.f32 v17, v17;
	v5 =	vsub.f32 v5, v60;
	v27 =	vsub.f32 v27, v47;
	v47 =	vld [tilespmem:s24+$0xF810]  }
0x347: {  	v25 =	vsub.f32 v31, v28;
	v61 =	vmul.f32 v57, v57;
	s22 =	spop (v2sf);
	v31 =	vsub.f32 v49, v51;
	v51 =	vld [tilespmem:s28+$0xC420]  }
0x348: {  	v10 =	vadd.f32 v12, v10;
	v30 =	vld [tilespmem:s22+$0xC000]  }
0x349: {  	v5 =	vmul.f32 v5, v5;
	v17 =	vadd.f32 v17, v61;
	v57 =	vld [tilespmem:s22+$0xC020]  }
0x34a: {  	v8 =	vsub.f32 v10, v8;
	v32 =	vsub.f32 v32, v52;
	v27 =	vmul.f32 v27, v27;
	v52 =	vld [tilespmem:s24+$0xF820]  }
0x34b: {  	v29 =	vmul.f32 v29, v29;
	v3 =	vmul.f32 v3, v3;
	v5 =	vadd.f32 v5, v17;
	v17 =	vld [tilespmem:s23+$0xFC20]  }
0x34c: {  	v8 =	vmul.f32 v8, v8;
	v33 =	vmul.f32 v13, v13;
	s29 =	spop (v2sf);
	v2 =	vadd.f32 v27, v26;
	v26 =	vld [tilespmem:s30+$0x11620]  }
0x34d: {  	v42 =	vmul.f32 v34, v34;
	v43 =	vmul.f32 v25, v25;
	v27 =	vld [tilespmem:s31+$0xBC10];
	s30 =	spop (v2sf)  }
0x34e: {  	v11 =	vadd.f32 v33, v11;
	v1 =	vadd.f32 v18, v1;
	v32 =	vmul.f32 v32, v32;
	v10 =	vld [tilespmem:s30+$0x10000]  }
0x34f: {  	v12 =	vadd.f32 v43, v42;
	v25 =	vmul.f32 v45, v45;
	v55 =	vld [tilespmem:s30+$0x10010];
	v3 =	vadd.f32 v3, v5  }
0x350: {  	v6 =	vmul.f32 v6, v6;
	v5 =	vadd.f32 v8, v11;
	v8 =	vld [tilespmem:s22+$0xC030];
	v53 =	vadd.f32 v29, v32  }
0x351: {  	v12 =	vadd.f32 v25, v12;
	v50 =	vadd.f32 v35, v36;
	v25 =	vld [tilespmem:s30+$0x10030]  }
0x352: {  	v54 =	vadd.f32 v37, v41;
	v6 =	vadd.f32 v6, v53;
	v53 =	vld [tilespmem:s22+$0xC010]  }
0x353: {  	v15 =	vadd.f32 v15, v23;
	v32 =	vld [tilespmem:s24+$0xF830];
	v33 =	vsub.f32 v50, v40  }
0x354: {  	v29 =	vld [tilespmem:s31+$0xBC00];
	s31 =	spop (v2sf);
	v42 =	vadd.f32 v46, v30;
	v13 =	vsub.f32 v54, v47  }
0x355: {  	v41 =	vld [tilespmem:s31+$0x11780];
	v15 =	vsub.f32 v15, v17;
	v26 =	vadd.f32 v26, v48;
	v33 =	vmul.f32 v33, v33  }
0x356: {  	v47 =	vld [tilespmem:s31+$0x11790];
	v13 =	vmul.f32 v13, v13;
	v6 =	vadd.f32 v58, v6;
	v10 =	vsub.f32 v42, v10  }
0x357: {  	v48 =	vld [tilespmem:$0x1FFD0];
	v8 =	vadd.f32 v63, v8;
	v43 =	vadd.f32 v56, v53  }
0x358: {  	v54 =	vld [tilespmem:s31+$0x117A0];
	v58 =	vmul.f32 v31, v31;
	v26 =	vsub.f32 v26, v52;
	v60 =	vadd.f32 v13, v33  }
0x359: {  	v62 =	vadd.f32 v22, v29;
	v46 =	vsub.f32 v43, v55;
	v55 =	vld [tilespmem:$0x1FFE0]  }
0x35a: {  	v33 =	vadd.f32 v19, v27;
	v11 =	vadd.f32 v58, v12;
	v58 =	vld [tilespmem:$0x1FFF0]  }
0x35b: {  	v45 =	vld [tilespmem:s29+$0x10410];
	v1 =	vsub.f32 v1, v32;
	v52 =	vadd.f32 v16, v24  }
0x35c: {  	v31 =	vld [tilespmem:s30+$0x10020];
	v63 =	vadd.f32 v47, v44;
	v19 =	vsub.f32 v8, v25;
	(xrf2) =	vadd.scan.msk.f32 $0xffff, v48  }
0x35d: {  	v40 =	vld [tilespmem:s29+$0x10400];
	v50 =	vmul.f32 v15, v15;
	v18 =	vsub.f32 v62, v21;
	v13 =	vsub.f32 v33, v20;
	(xrf2) =	vadd.scan.msk.f32 $0xffff, v14  }
0x35e: {  	v61 =	vmul.f32 v26, v26;
	v56 =	vadd.f32 v59, v57;
	v57 =	vld [tilespmem:s29+$0x10420];
	v0 =	vsub.f32 v52, v0;
	(xrf2) =	vadd.scan.msk.f32 $0xffff, v55  }
0x35f: {  	v10 =	vmul.f32 v10, v10;
	v59 =	vld [tilespmem:s28+$0xC430];
	v62 =	vadd.f32 v41, v39;
	v20 =	vadd.f32 v54, v51;
	(xrf2) =	vadd.scan.msk.f32 $0xffff, v58  }
0x360: {  	v12 =	vadd.f32 v61, v60;
	v18 =	vmul.f32 v18, v18;
	v13 =	vmul.f32 v13, v13;
	v61 =	vld [tilespmem:s31+$0x117B0];
	(xrf2) =	vadd.scan.msk.f32 $0xffff, v9  }
0x361: {  	v1 =	vmul.f32 v1, v1;
	v25 =	vsub.f32 v63, v45;
	v60 =	vsub.f32 v56, v31;
	(xrf2) =	vadd.scan.msk.f32 $0xffff, v4  }
0x362: {  	v22 =	vld [tilespmem:s29+$0x10430];
	v24 =	vsub.f32 v62, v40;
	v49 =	vadd.f32 v13, v18;
	v53 =	vmul.f32 v46, v46;
	(xrf2) =	vadd.scan.msk.f32 $0xffff, v7  }
0x363: {  	v0 =	vmul.f32 v0, v0;
	v28 =	vmul.f32 v25, v25;
	v1 =	vadd.f32 v1, v12;
	(xrf2) =	vadd.scan.msk.f32 $0xffff, v2  }
0x364: {  	v27 =	vmul.f32 v60, v60;
	v12 =	vadd.f32 v50, v49;
	v10 =	vadd.f32 v53, v10;
	(xrf2) =	vadd.scan.msk.f32 $0xffff, v6  }
0x365: {  	v26 =	vsub.f32 v20, v57;
	v29 =	vadd.f32 v61, v59;
	v2 =	vmul.f32 v24, v24;
	(xrf2) =	vadd.scan.msk.f32 $0xffff, v3  }
0x366: {  	v0 =	vadd.f32 v0, v12;
	v31 =	vadd.f32 v27, v10;
	v30, _, _ =	vpop (xrf2);
	v7 =	vmul.f32 v19, v19;
	(xrf2) =	vadd.scan.msk.f32 $0xffff, v5  }
0x367: {  	v33 =	vmul.f32 v26, v26;
	v4 =	vsub.f32 v29, v22;
	v32, _, _ =	vpop (xrf2);
	v2 =	vadd.f32 v28, v2;
	(xrf2) =	vadd.scan.msk.f32 $0xffff, v11  }
0x368: {  	v35 =	vbroadcast v30, $0xF;
	v8 =	vbroadcast v32, $0xF;
	v5 =	vadd.f32 v7, v31;
	v34, _, _ =	vpop (xrf2);
	(xrf2) =	vadd.scan.msk.f32 $0xffff, v1  }
0x369: {  	v38 =	vmul.f32 v4, v4;
	v2 =	vadd.f32 v33, v2;
	v36, _, _ =	vpop (xrf2);
	(xrf2) =	vadd.scan.msk.f32 $0xffff, v0;
	v37 =	vbroadcast v34, $0xF  }
0x36a: {  	v1 =	vsel vm0, v35, v8;
	v39 =	vbroadcast v36, $0xF;
	v40, _, _ =	vpop (xrf2);
	(xrf2) =	vadd.scan.msk.f32 $0xffff, v5  }
0x36b: {  	v2 =	vadd.f32 v38, v2;
	v41, _, _ =	vpop (xrf2);
	v0 =	vsel vm1, v1, v37;
	v42 =	vbroadcast v40, $0xF  }
0x36c: {  	v43, _, _ =	vpop (xrf2);
	v0 =	vsel vm2, v0, v39;
	v44 =	vbroadcast v41, $0xF  }
0x36d: {  	(xrf2) =	vadd.scan.msk.f32 $0xffff, v2;
	v0 =	vsel vm3, v0, v42;
	v45 =	vbroadcast v43, $0xF;
	v46, _, _ =	vpop (xrf2)  }
0x36e: {  	v47, _, _ =	vpop (xrf2);
	v0 =	vsel vm4, v0, v44;
	v3 =	vbroadcast v46, $0xF  }
0x36f: {  	v48, _, _ =	vpop (xrf2);
	v0 =	vsel vm5, v0, v45;
	v49 =	vbroadcast v47, $0xF  }
0x370: {  	v50, _, _ =	vpop (xrf2);
	v0 =	vsel vm6, v0, v3;
	v51 =	vbroadcast v48, $0xF  }
0x371: {  	v52, _, _ =	vpop (xrf2);
	v0 =	vsel vm7, v0, v49;
	v53 =	vbroadcast v50, $0xF  }
0x372: {  	v54, _, _ =	vpop (xrf2);
	v0 =	vsel vm8, v0, v51;
	v55 =	vbroadcast v52, $0xF  }
0x373: {  	v56, _, _ =	vpop (xrf2);
	v0 =	vsel vm9, v0, v53;
	v57 =	vbroadcast v54, $0xF  }
0x374: {  	v58, _, _ =	vpop (xrf2);
	v0 =	vsel vm10, v0, v55;
	v59 =	vbroadcast v56, $0xF  }
0x375: {  	v0 =	vsel vm11, v0, v57;
	v60 =	vbroadcast v58, $0xF  }
0x376: {  	v0 =	vsel vm12, v0, v59  }
0x377: {  	v61, _, _ =	vpop (xrf2);
	v0 =	vsel vm13, v0, v60  }
0x378: {  	v0 =	vsel vm14, v0, v61  }
0x379: {  	v1 =	vmax.f32 v0, $1.000000020e-35  }
0x37a: {  	v62 =	vshra.s32 v1, $0x1;
	v1 =	vmul.f32 $5.000000000e-01, v1  }
0x37b: {  	v2 =	vsub.s32 $0x5F3759DF, v62  }
0x37c: {  	v63 =	vmul.f32 v2, v1;
	_ =	sdelay $0x1  }
0x37d: {  	v3 =	vmul.f32 v2, v63;
	_ =	sdelay $0x1  }
0x37e: {  	v3 =	vsub.f32 $1.500000000e+00, v3;
	_ =	sdelay $0x1  }
0x37f: {  	v2 =	vmul.f32 v2, v3;
	_ =	sdelay $0x1  }
0x380: {  	v3 =	vmul.f32 v2, v1;
	_ =	sdelay $0x1  }
0x381: {  	v3 =	vmul.f32 v3, v2;
	_ =	sdelay $0x1  }
0x382: {  	v3 =	vsub.f32 $1.500000000e+00, v3;
	_ =	sdelay $0x1  }
0x383: {  	v2 =	vmul.f32 v3, v2;
	_ =	sdelay $0x1  }
0x384: {  	v3 =	vmul.f32 v2, v1;
	_ =	sdelay $0x1  }
0x385: {  	v3 =	vmul.f32 v3, v2;
	_ =	sdelay $0x1  }
0x386: {  	v3 =	vsub.f32 $1.500000000e+00, v3;
	_ =	sdelay $0x1  }
0x387: {  	v2 =	vmul.f32 v3, v2;
	_ =	sdelay $0x1  }
0x388: {  	v1 =	vmul.f32 v2, v1;
	_ =	sdelay $0x1  }
0x389: {  	v1 =	vmul.f32 v1, v2;
	_ =	sdelay $0x1  }
0x38a: {  	v1 =	vsub.f32 $1.500000000e+00, v1  }
0x38b: {  	p0 =	sne.s32 s15, $0x780  }
.Ltmp0:
0x38c: {  	v1 =	vmul.f32 v1, v2;
	(pc) =	sbr.rel @p0 .LBB2_2-.Ltmp0, $3  }
0x38d: {  	_ = 	snop  }
0x38e: {  	v0 =	vmul.f32 v1, v0;
	_ =	sdelay $0x1  }
0x38f: {  	s15 =	sadd.s32 $0x80, s15;
	[tilespmem:s16+$0x11810] =	vst v0  }
0x390: {  	s14 =	sadd.s32 $0x1, s14  }
0x391: {  	p0 =	sne.s32 s14, s8  }
.Ltmp1:
0x392: {  	_ = 	snop;
	(pc) =	sbr.rel @p0 .LBB2_1-.Ltmp1, $4  }
0x393: {  	[hbm4b:s7+s1] =	stream.linear.scatter [tilespmem:s13], [sflag:$0x2], $0x200, $0x38;
	[tilespmem:$0x11A00] =	vst v63  }
0x394: {  	_ =	swait.ge [sflag:s9], $0x200  }
0x395: {  	[sflag:s9] =	ssyncset.done $0x0  }
0x396: {  	[sflag:s9] =	ssyncadd.s32 $0xFFFFFE00  }
0x397: {  	_ =	sfence.sel $0x180000  }
0x398: {  	[bflag:$0x0] =	sbarrier.arrive $0xFFFF  }
0x399: {  	p0 =	sne.s32 s3, $0x0;
	_ =	strace $0x90000047  }
0x39a: {  	s0 =	sadd.s32 @!p0 $0x100000, s0;
	[bflag:$0x2] =	sbarrier.arrive $0xFFFF  }
0x39b: {  	[sflag:s0] =	ssyncadd.tile.s32 @!p0 $0x1;
	_ =	shalt  }
.Lfunc_end2:
_tile_overlayer_lowered:
.L_overlay_start_2:
0x39c: {  	(tag) =	ssettag $0x2  }
0x39d: {  	s0 =	rddreg [dreg:$0x0];
	s2 =	stileid.u32  }
0x39e: {  	s1 =	rddreg [dreg:$0x1];
	p0 =	sne.s32 s2, $0x0  }
0x39f: {  	s3 =	rddreg [dreg:$0x2];
	[bflag:$0x3] =	sbarrier.arrive $0xFFFF;
	s2 =	simm.s32 @!p0 $0x1C02  }
0x3a0: {  	[timem:s3], [sflag:s2] =	dma.local @!p0 [hbm:s0], s1  }
0x3a1: {  	s0 =	simm.s32 @!p0 $0x2  }
0x3a2: {  	_ =	swait.ge @!p0 [sflag:s0], s1  }
0x3a3: {  	s1 =	ssub.s32 @!p0 $0x0, s1;
	[sflag:s0] =	ssyncset.done @!p0 $0x0  }
0x3a4: {  	[sflag:s0] =	ssyncadd.s32 @!p0 s1  }
0x3a5: {  	[bflag:$0x3] =	sbarrier.arrive $0xFFFF  }
0x3a6: {  	_ =	shalt  }

</sc_bundles>
